<compile_context>
chip_gen: v7x
topology: tpu7x:2x2x1
jax: 0.10.2.dev20260603
libtpu: 0.0.44.dev20260713+nightly
codegen_flags: <defaults>
</compile_context>

<pallas_src>
import functools

import jax
import jax.numpy as jnp
from jax import lax
from jax.experimental import pallas as pl
from jax.experimental.pallas import tpu as pltpu
from jax.experimental.pallas import tpu_sc as plsc

NC = 2
NS = 16
NW = NC * NS

N = 10000
E = 320000
D = 128

NP = 10240
RPT = NP // NS
C = 80
NCHUNK = 128
EPT = NCHUNK * C
EPAD = NW * EPT


def _sc_degree_body(dst_hbm, zerosn_hbm, ones_hbm, hist_hbm,
                    dst_v, ones_v, hist_sh, sem):
    cid = lax.axis_index("c")
    sid = lax.axis_index("s")
    wid = cid * NS + sid
    pltpu.sync_copy(zerosn_hbm.at[pl.ds(sid * RPT, RPT)],
                    hist_sh.at[pl.ds(sid * RPT, RPT)])
    pltpu.sync_copy(ones_hbm, ones_v)
    pltpu.sync_copy(dst_hbm.at[pl.ds(wid * NCHUNK, NCHUNK)], dst_v)
    plsc.subcore_barrier()

    def body(j, carry):
        pltpu.sync_copy(ones_v, hist_sh.at[dst_v.at[j]], add=True)
        return carry

    lax.fori_loop(0, NCHUNK, body, 0)
    plsc.subcore_barrier()
    pltpu.sync_copy(hist_sh.at[pl.ds(sid * RPT, RPT)],
                    hist_hbm.at[cid].at[pl.ds(sid * RPT, RPT)])


@functools.lru_cache(maxsize=None)
def _sc_degree():
    mesh = plsc.VectorSubcoreMesh(core_axis_name="c", subcore_axis_name="s",
                                  num_cores=NC, num_subcores=NS)
    return pl.kernel(
        _sc_degree_body,
        out_type=jax.ShapeDtypeStruct((NC, NP), jnp.float32),
        mesh=mesh,
        scratch_types=[
            pltpu.VMEM((NCHUNK, C), jnp.int32),
            pltpu.VMEM((C,), jnp.float32),
            pltpu.VMEM_SHARED((NP,), jnp.float32),
            pltpu.SemaphoreType.DMA,
        ],
    )


NBUF = 4
LOOK = 2
BS = 8
SB = 3
DB = 4
Q0 = NCHUNK
Q1 = 2 * NCHUNK - Q0


def _sc_agg_body(x_hbm, src_hbm, dst_hbm, zeros_hbm, out_hbm,
                 srcb_v, dstb_v, rows_v, acc_sh, *sems):
    gsem = sems[:NBUF]
    ssem = sems[NBUF:]
    cid = lax.axis_index("c")
    sid = lax.axis_index("s")
    qc = lax.select(cid == 0, Q0, Q1)
    base = lax.select(cid == 0, sid * Q0, NS * Q0 + sid * Q1)
    pltpu.sync_copy(zeros_hbm.at[pl.ds(sid * RPT, RPT)],
                    acc_sh.at[pl.ds(sid * RPT, RPT)])
    for b in range(2):
        pltpu.sync_copy(src_hbm.at[pl.ds(base + b * BS, BS)],
                        srcb_v.at[b])
        pltpu.sync_copy(dst_hbm.at[pl.ds(base + b * BS, BS)],
                        dstb_v.at[b])
    plsc.subcore_barrier()

    for k in range(LOOK):
        pltpu.async_copy(x_hbm.at[srcb_v.at[0].at[k]], rows_v.at[k], gsem[k])

    def body(g, carry):
        for b in range(NBUF):
            j = g * NBUF + b
            blk = lax.div(j, BS)
            row = lax.rem(j, BS)
            pltpu.make_async_copy(
                x_hbm.at[srcb_v.at[lax.rem(blk, SB)].at[row]],
                rows_v.at[b], gsem[b]).wait()
            pltpu.async_copy(rows_v.at[b],
                             acc_sh.at[dstb_v.at[lax.rem(blk, DB)].at[row]],
                             ssem[b], add=True)

            @pl.when((row == 0) & ((blk + 2) * BS < qc))
            def _():
                pltpu.sync_copy(
                    src_hbm.at[pl.ds(base + (blk + 2) * BS, BS)],
                    srcb_v.at[lax.rem(blk + 2, SB)])
                pltpu.sync_copy(
                    dst_hbm.at[pl.ds(base + (blk + 2) * BS, BS)],
                    dstb_v.at[lax.rem(blk + 2, DB)])

            bn = (b + LOOK) % NBUF
            jn = j + LOOK

            @pl.when(jn < qc)
            def _():
                @pl.when(jn >= NBUF)
                def _():
                    pltpu.make_async_copy(rows_v.at[bn],
                                          acc_sh.at[dstb_v.at[0].at[0]],
                                          ssem[bn]).wait()

                pltpu.async_copy(
                    x_hbm.at[srcb_v.at[lax.rem(lax.div(jn, BS), SB)]
                             .at[lax.rem(jn, BS)]],
                    rows_v.at[bn], gsem[bn])

        return carry

    lax.fori_loop(0, lax.div(qc, NBUF), body, 0)
    for b in range(NBUF):
        pltpu.make_async_copy(rows_v.at[b], acc_sh.at[dstb_v.at[0].at[0]],
                              ssem[b]).wait()
    plsc.subcore_barrier()
    pltpu.sync_copy(acc_sh.at[pl.ds(sid * RPT, RPT)],
                    out_hbm.at[cid].at[pl.ds(sid * RPT, RPT)])


@functools.lru_cache(maxsize=None)
def _sc_agg():
    mesh = plsc.VectorSubcoreMesh(core_axis_name="c", subcore_axis_name="s",
                                  num_cores=NC, num_subcores=NS)
    return pl.kernel(
        _sc_agg_body,
        out_type=jax.ShapeDtypeStruct((NC, NP, D), jnp.float32),
        mesh=mesh,
        scratch_types=[
            pltpu.VMEM((SB, BS, C), jnp.int32),
            pltpu.VMEM((DB, BS, C), jnp.int32),
            pltpu.VMEM((NBUF, C, D), jnp.float32),
            pltpu.VMEM_SHARED((NP, D), jnp.float32),
        ] + [pltpu.SemaphoreType.DMA] * (2 * NBUF),
    )


def _norm_from_hist(hist):
    deg = hist[0] + hist[1]
    return lax.rsqrt(jnp.maximum(deg, 1.0))


def _tc_prep_body(hist_ref, x_ref, x1_ref):
    norm = _norm_from_hist(hist_ref[...])
    x1_ref[...] = x_ref[...] * norm[:, None]


def _tc_mid_body(hist_ref, agg_ref, x2_ref):
    norm = _norm_from_hist(hist_ref[...])
    agg = agg_ref[0] + agg_ref[1]
    x2_ref[...] = agg * (norm * norm)[:, None]


def _tc_final_body(hist_ref, agg_ref, w_ref, b_ref, out_ref):
    norm = _norm_from_hist(hist_ref[...])
    feat = (agg_ref[0] + agg_ref[1]) * norm[:, None]
    out_ref[...] = jnp.dot(feat, w_ref[...],
                           preferred_element_type=jnp.float32) + b_ref[...]


def kernel(in_feat, edge_index, W, b):
    npad = EPAD - E
    padsrc = jnp.arange(npad, dtype=jnp.int32) % N
    src = jnp.concatenate(
        [edge_index[0], padsrc]).reshape(NW * NCHUNK, C)
    trash = N + (jnp.arange(npad, dtype=jnp.int32) % (NP - N))
    dst = jnp.concatenate([edge_index[1], trash]).reshape(NW * NCHUNK, C)

    x = jnp.pad(in_feat, ((0, NP - N), (0, 0)))
    zerosn = jnp.zeros((NP,), jnp.float32)
    ones = jnp.ones((C,), jnp.float32)
    zeros = jnp.zeros((NP, D), jnp.float32)

    hist = _sc_degree()(dst, zerosn, ones)

    x1 = pl.pallas_call(
        _tc_prep_body,
        out_shape=jax.ShapeDtypeStruct((NP, D), jnp.float32),
    )(hist, x)

    agg1 = _sc_agg()(x1, src, dst, zeros)

    x2 = pl.pallas_call(
        _tc_mid_body,
        out_shape=jax.ShapeDtypeStruct((NP, D), jnp.float32),
    )(hist, agg1)

    agg2 = _sc_agg()(x2, src, dst, zeros)

    out = pl.pallas_call(
        _tc_final_body,
        out_shape=jax.ShapeDtypeStruct((NP, D), jnp.float32),
    )(hist, agg2, W, b.reshape(1, D))

    return out[:N]

# --- scband reference (transcript-rebuilt; emitter-appended) ---
"""Pipeline reference for scband-sgc-84121229459792 (READ-ONLY COPY).

The authoritative reference and input builder live on the scoring server;
editing this copy changes nothing except your own understanding.
"""

import jax, jax.numpy as jnp
import numpy as np

N = 10000
E = 320000
D_IN = 128
D_OUT = 128
K = 2


def setup_inputs(seed: int = 0) -> dict:
    key = jax.random.key(seed)
    k1, k2, k3 = jax.random.split(key, 3)
    in_feat = jax.random.normal(k1, (N, D_IN), dtype=jnp.float32)
    edge_index = jax.random.randint(k2, (2, E), 0, N, dtype=jnp.int32)
    # Linear layer params of SGConv (fc: in_feats -> out_feats)
    W = jax.random.normal(k3, (D_IN, D_OUT), dtype=jnp.float32) * (1.0 / np.sqrt(D_IN))
    b = jnp.zeros((D_OUT,), dtype=jnp.float32)
    return {"in_feat": in_feat, "edge_index": edge_index, "W": W, "b": b}


def reference(in_feat, edge_index, W, b):
    # Faithful to DGL SGConv(k=2, norm='both'):
    #   for _ in range(k): feat = D^{-1/2} A D^{-1/2} feat
    #   out = feat @ W + b
    src = edge_index[0]
    dst = edge_index[1]
    # in-degrees (DGL uses in_degrees for symmetric norm, clamped to min 1)
    deg = jnp.zeros((N,), dtype=jnp.float32).at[dst].add(1.0)
    norm = jnp.power(jnp.maximum(deg, 1.0), -0.5)  # [N]
    feat = in_feat
    for _ in range(K):
        feat = feat * norm[:, None]
        # message passing: copy src feature, sum at dst (scatter-add)
        agg = jnp.zeros_like(feat).at[dst].add(feat[src])
        feat = agg * norm[:, None]
    out = feat @ W + b
    return out

if __name__ == "__main__":
    import jax
    _d = setup_inputs()
    print(jax.jit(kernel)(*tuple(_d.values())))

</pallas_src>

<mosaic_0001>
#map = affine_map<(d0, d1) -> (0, 0)>
#map1 = affine_map<(d0, d1) -> (0)>
module attributes {stable_mosaic.version = 14 : i64} {
  func.func @_sc_degree_body(%arg0: i32, %arg1: i32, %arg2: memref<4096x80xi32, #tpu.memory_space<hbm>>, %arg3: memref<10240xf32, #tpu.memory_space<hbm>>, %arg4: memref<80xf32, #tpu.memory_space<hbm>>, %arg5: memref<2x10240xf32, #tpu.memory_space<hbm>>, %arg6: memref<128x80xi32, #tpu.memory_space<vmem>>, %arg7: memref<80xf32, #tpu.memory_space<vmem>>, %arg8: memref<10240xf32, #tpu.memory_space<vmem_shared>>, %arg9: memref<!tpu.dma_semaphore, #tpu.memory_space<semaphore_mem>>) attributes {dimension_semantics = [#tpu.dimension_semantics<core_parallel>, #tpu.dimension_semantics<subcore_parallel>], iteration_bounds = array<i64: 2, 16>, scalar_prefetch = 0 : i64, scratch_operands = 4 : i64, tpu.core_type = #tpu.core_type<sc_vector_subcore>, window_params = [{transform_indices = #map}, {transform_indices = #map1}, {transform_indices = #map1}, {transform_indices = #map}]} {
    %mul3A = arith.constant 16 : i32
    %mul3A_0 = arith.muli %arg0, %mul3A : i32
    %add3A = arith.addi %mul3A_0, %arg1 : i32
    %mul3A_1 = arith.constant 640 : i32
    %mul3A_2 = arith.muli %arg1, %mul3A_1 : i32
    %mul3A_3 = arith.constant 640 : i32
    %mul3A_4 = arith.muli %arg1, %mul3A_3 : i32
    "tpu.region"() ({
      %run_scoped3A = tpu.sem_alloc : memref<!tpu.dma_semaphore, #tpu.memory_space<semaphore_mem>>
      %dma_start3A = tpu.memref_slice %arg8[%mul3A_4] : memref<10240xf32, #tpu.memory_space<vmem_shared>> -> memref<640xf32, #tpu.memory_space<vmem_shared>>
      %dma_start3A_17 = tpu.memref_slice %arg3[%mul3A_2] : memref<10240xf32, #tpu.memory_space<hbm>> -> memref<640xf32, #tpu.memory_space<hbm>>
      tpu.enqueue_dma source(%dma_start3A_17 : memref<640xf32, #tpu.memory_space<hbm>>) target(%dma_start3A : memref<640xf32, #tpu.memory_space<vmem_shared>>) target_semaphore(%run_scoped3A : memref<!tpu.dma_semaphore, #tpu.memory_space<semaphore_mem>>)
      %dma_wait3A = tpu.memref_slice %arg8[%mul3A_4] : memref<10240xf32, #tpu.memory_space<vmem_shared>> -> memref<640xf32, #tpu.memory_space<vmem_shared>>
      %dma_wait3A_18 = tpu.memref_slice %arg3[%mul3A_2] : memref<10240xf32, #tpu.memory_space<hbm>> -> memref<640xf32, #tpu.memory_space<hbm>>
      tpu.wait_dma2 semaphore(%run_scoped3A : memref<!tpu.dma_semaphore, #tpu.memory_space<semaphore_mem>>) src(%dma_wait3A_18 : memref<640xf32, #tpu.memory_space<hbm>>) dst(%dma_wait3A : memref<640xf32, #tpu.memory_space<vmem_shared>>)
      tpu.yield
    }) : () -> ()
    "tpu.region"() ({
      %run_scoped3A = tpu.sem_alloc : memref<!tpu.dma_semaphore, #tpu.memory_space<semaphore_mem>>
      tpu.enqueue_dma source(%arg4 : memref<80xf32, #tpu.memory_space<hbm>>) target(%arg7 : memref<80xf32, #tpu.memory_space<vmem>>) target_semaphore(%run_scoped3A : memref<!tpu.dma_semaphore, #tpu.memory_space<semaphore_mem>>)
      tpu.wait_dma2 semaphore(%run_scoped3A : memref<!tpu.dma_semaphore, #tpu.memory_space<semaphore_mem>>) src(%arg4 : memref<80xf32, #tpu.memory_space<hbm>>) dst(%arg7 : memref<80xf32, #tpu.memory_space<vmem>>)
      tpu.yield
    }) : () -> ()
    %mul3A_5 = arith.constant 128 : i32
    %mul3A_6 = arith.muli %add3A, %mul3A_5 : i32
    "tpu.region"() ({
      %run_scoped3A = tpu.sem_alloc : memref<!tpu.dma_semaphore, #tpu.memory_space<semaphore_mem>>
      %dma_start3A = arith.constant 0 : i32
      %dma_start3A_17 = tpu.memref_slice %arg2[%mul3A_6, %dma_start3A] : memref<4096x80xi32, #tpu.memory_space<hbm>> -> memref<128x80xi32, #tpu.memory_space<hbm>>
      %dma_start3A_18 = arith.constant 0 : i32
      %dma_start3A_19 = tpu.memref_slice %arg2[%mul3A_6, %dma_start3A_18] : memref<4096x80xi32, #tpu.memory_space<hbm>> -> memref<128x80xi32, #tpu.memory_space<hbm>>
      tpu.enqueue_dma source(%dma_start3A_19 : memref<128x80xi32, #tpu.memory_space<hbm>>) target(%arg6 : memref<128x80xi32, #tpu.memory_space<vmem>>) target_semaphore(%run_scoped3A : memref<!tpu.dma_semaphore, #tpu.memory_space<semaphore_mem>>)
      %dma_wait3A = arith.constant 0 : i32
      %dma_wait3A_20 = tpu.memref_slice %arg2[%mul3A_6, %dma_wait3A] : memref<4096x80xi32, #tpu.memory_space<hbm>> -> memref<128x80xi32, #tpu.memory_space<hbm>>
      %dma_wait3A_21 = arith.constant 0 : i32
      %dma_wait3A_22 = tpu.memref_slice %arg2[%mul3A_6, %dma_wait3A_21] : memref<4096x80xi32, #tpu.memory_space<hbm>> -> memref<128x80xi32, #tpu.memory_space<hbm>>
      tpu.wait_dma2 semaphore(%run_scoped3A : memref<!tpu.dma_semaphore, #tpu.memory_space<semaphore_mem>>) src(%dma_wait3A_22 : memref<128x80xi32, #tpu.memory_space<hbm>>) dst(%arg6 : memref<128x80xi32, #tpu.memory_space<vmem>>)
      tpu.yield
    }) : () -> ()
    %barrier3A = arith.constant 0 : index
    tpu.barrier barrier_id(%barrier3A)
    %scan3A = arith.constant 0 : i32
    %scan3A_7 = arith.constant 0 : i32
    %scan3A_8 = arith.constant 128 : i32
    %scan3A_9 = arith.addi %scan3A_7, %scan3A_8 : i32
    %scan3A_10 = arith.constant 1 : i32
    scf.for %scan3A_17 = %scan3A_7 to %scan3A_9 step %scan3A_10  : i32 {
      "tpu.region"() ({
        %run_scoped3A = tpu.sem_alloc : memref<!tpu.dma_semaphore, #tpu.memory_space<semaphore_mem>>
        %dma_start3A = arith.constant 0 : i32
        %dma_start3A_18 = tpu.memref_slice %arg6[%scan3A_17, %dma_start3A] : memref<128x80xi32, #tpu.memory_space<vmem>> -> memref<1x80xi32, #tpu.memory_space<vmem>>
        %dma_start3A_19 = tpu.memref_squeeze %dma_start3A_18 : memref<1x80xi32, #tpu.memory_space<vmem>> -> memref<80xi32, #tpu.memory_space<vmem>>
        %dma_start3A_20 = arith.constant 0 : i32
        %dma_start3A_21 = tpu.memref_slice %arg8[%dma_start3A_20] : memref<10240xf32, #tpu.memory_space<vmem_shared>> -> memref<10240xf32, #tpu.memory_space<vmem_shared>>
        tpu.enqueue_indirect_dma source(%arg7 : memref<80xf32, #tpu.memory_space<vmem>>) target(%dma_start3A_21 : memref<10240xf32, #tpu.memory_space<vmem_shared>>) offsets(%dma_start3A_19 : memref<80xi32, #tpu.memory_space<vmem>>) semaphore(%run_scoped3A : memref<!tpu.dma_semaphore, #tpu.memory_space<semaphore_mem>>) {add = true}
        %dma_wait3A = arith.constant 0 : i32
        %dma_wait3A_22 = tpu.memref_slice %arg6[%scan3A_17, %dma_wait3A] : memref<128x80xi32, #tpu.memory_space<vmem>> -> memref<1x80xi32, #tpu.memory_space<vmem>>
        %dma_wait3A_23 = tpu.memref_squeeze %dma_wait3A_22 : memref<1x80xi32, #tpu.memory_space<vmem>> -> memref<80xi32, #tpu.memory_space<vmem>>
        %dma_wait3A_24 = arith.constant 0 : i32
        %dma_wait3A_25 = tpu.memref_slice %arg8[%dma_wait3A_24] : memref<10240xf32, #tpu.memory_space<vmem_shared>> -> memref<10240xf32, #tpu.memory_space<vmem_shared>>
        tpu.wait_indirect_dma semaphore(%run_scoped3A : memref<!tpu.dma_semaphore, #tpu.memory_space<semaphore_mem>>) src(%arg7 : memref<80xf32, #tpu.memory_space<vmem>>) dst(%dma_wait3A_25 : memref<10240xf32, #tpu.memory_space<vmem_shared>>)
        tpu.yield
      }) : () -> ()
    }
    %scan3A_11 = arith.constant 128 : i32
    %barrier3A_12 = arith.constant 0 : index
    tpu.barrier barrier_id(%barrier3A_12)
    %mul3A_13 = arith.constant 640 : i32
    %mul3A_14 = arith.muli %arg1, %mul3A_13 : i32
    %mul3A_15 = arith.constant 640 : i32
    %mul3A_16 = arith.muli %arg1, %mul3A_15 : i32
    "tpu.region"() ({
      %run_scoped3A = tpu.sem_alloc : memref<!tpu.dma_semaphore, #tpu.memory_space<semaphore_mem>>
      %dma_start3A = arith.constant 0 : i32
      %dma_start3A_17 = tpu.memref_slice %arg5[%arg0, %dma_start3A] : memref<2x10240xf32, #tpu.memory_space<hbm>> -> memref<1x10240xf32, #tpu.memory_space<hbm>>
      %dma_start3A_18 = tpu.memref_squeeze %dma_start3A_17 : memref<1x10240xf32, #tpu.memory_space<hbm>> -> memref<10240xf32, #tpu.memory_space<hbm>>
      %dma_start3A_19 = tpu.memref_slice %dma_start3A_18[%mul3A_16] : memref<10240xf32, #tpu.memory_space<hbm>> -> memref<640xf32, #tpu.memory_space<hbm>>
      %dma_start3A_20 = tpu.memref_slice %arg8[%mul3A_14] : memref<10240xf32, #tpu.memory_space<vmem_shared>> -> memref<640xf32, #tpu.memory_space<vmem_shared>>
      tpu.enqueue_dma source(%dma_start3A_20 : memref<640xf32, #tpu.memory_space<vmem_shared>>) target(%dma_start3A_19 : memref<640xf32, #tpu.memory_space<hbm>>) target_semaphore(%run_scoped3A : memref<!tpu.dma_semaphore, #tpu.memory_space<semaphore_mem>>)
      %dma_wait3A = arith.constant 0 : i32
      %dma_wait3A_21 = tpu.memref_slice %arg5[%arg0, %dma_wait3A] : memref<2x10240xf32, #tpu.memory_space<hbm>> -> memref<1x10240xf32, #tpu.memory_space<hbm>>
      %dma_wait3A_22 = tpu.memref_squeeze %dma_wait3A_21 : memref<1x10240xf32, #tpu.memory_space<hbm>> -> memref<10240xf32, #tpu.memory_space<hbm>>
      %dma_wait3A_23 = tpu.memref_slice %dma_wait3A_22[%mul3A_16] : memref<10240xf32, #tpu.memory_space<hbm>> -> memref<640xf32, #tpu.memory_space<hbm>>
      %dma_wait3A_24 = tpu.memref_slice %arg8[%mul3A_14] : memref<10240xf32, #tpu.memory_space<vmem_shared>> -> memref<640xf32, #tpu.memory_space<vmem_shared>>
      tpu.wait_dma2 semaphore(%run_scoped3A : memref<!tpu.dma_semaphore, #tpu.memory_space<semaphore_mem>>) src(%dma_wait3A_24 : memref<640xf32, #tpu.memory_space<vmem_shared>>) dst(%dma_wait3A_23 : memref<640xf32, #tpu.memory_space<hbm>>)
      tpu.yield
    }) : () -> ()
    return
  }
}

#map = affine_map<(d0, d1) -> (0, 0)>
#map1 = affine_map<(d0, d1) -> (0, 0, 0)>
module attributes {stable_mosaic.version = 14 : i64} {
  func.func @_sc_agg_body(%arg0: i32, %arg1: i32, %arg2: memref<10240x128xf32, #tpu.memory_space<hbm>>, %arg3: memref<4096x80xi32, #tpu.memory_space<hbm>>, %arg4: memref<4096x80xi32, #tpu.memory_space<hbm>>, %arg5: memref<10240x128xf32, #tpu.memory_space<hbm>>, %arg6: memref<2x10240x128xf32, #tpu.memory_space<hbm>>, %arg7: memref<3x8x80xi32, #tpu.memory_space<vmem>>, %arg8: memref<4x8x80xi32, #tpu.memory_space<vmem>>, %arg9: memref<4x80x128xf32, #tpu.memory_space<vmem>>, %arg10: memref<10240x128xf32, #tpu.memory_space<vmem_shared>>, %arg11: memref<!tpu.dma_semaphore, #tpu.memory_space<semaphore_mem>>, %arg12: memref<!tpu.dma_semaphore, #tpu.memory_space<semaphore_mem>>, %arg13: memref<!tpu.dma_semaphore, #tpu.memory_space<semaphore_mem>>, %arg14: memref<!tpu.dma_semaphore, #tpu.memory_space<semaphore_mem>>, %arg15: memref<!tpu.dma_semaphore, #tpu.memory_space<semaphore_mem>>, %arg16: memref<!tpu.dma_semaphore, #tpu.memory_space<semaphore_mem>>, %arg17: memref<!tpu.dma_semaphore, #tpu.memory_space<semaphore_mem>>, %arg18: memref<!tpu.dma_semaphore, #tpu.memory_space<semaphore_mem>>) attributes {dimension_semantics = [#tpu.dimension_semantics<core_parallel>, #tpu.dimension_semantics<subcore_parallel>], iteration_bounds = array<i64: 2, 16>, scalar_prefetch = 0 : i64, scratch_operands = 12 : i64, tpu.core_type = #tpu.core_type<sc_vector_subcore>, window_params = [{transform_indices = #map}, {transform_indices = #map}, {transform_indices = #map}, {transform_indices = #map}, {transform_indices = #map1}]} {
    %eq3A = arith.constant 0 : i32
    %eq3A_0 = arith.cmpi eq, %arg0, %eq3A : i32
    %select_n3A = arith.constant 128 : i32
    %select_n3A_1 = arith.constant 128 : i32
    %select_n3A_2 = arith.select %eq3A_0, %select_n3A_1, %select_n3A : i32
    %eq3A_3 = arith.constant 0 : i32
    %eq3A_4 = arith.cmpi eq, %arg0, %eq3A_3 : i32
    %mul3A = arith.constant 128 : i32
    %mul3A_5 = arith.muli %arg1, %mul3A : i32
    %mul3A_6 = arith.constant 128 : i32
    %mul3A_7 = arith.muli %arg1, %mul3A_6 : i32
    %add3A = arith.constant 2048 : i32
    %add3A_8 = arith.addi %add3A, %mul3A_7 : i32
    %select_n3A_9 = arith.select %eq3A_4, %mul3A_5, %add3A_8 : i32
    %mul3A_10 = arith.constant 640 : i32
    %mul3A_11 = arith.muli %arg1, %mul3A_10 : i32
    %mul3A_12 = arith.constant 640 : i32
    %mul3A_13 = arith.muli %arg1, %mul3A_12 : i32
    "tpu.region"() ({
      %run_scoped3A_140 = tpu.sem_alloc : memref<!tpu.dma_semaphore, #tpu.memory_space<semaphore_mem>>
      %dma_start3A_141 = arith.constant 0 : i32
      %dma_start3A_142 = tpu.memref_slice %arg10[%mul3A_13, %dma_start3A_141] : memref<10240x128xf32, #tpu.memory_space<vmem_shared>> -> memref<640x128xf32, #tpu.memory_space<vmem_shared>>
      %dma_start3A_143 = arith.constant 0 : i32
      %dma_start3A_144 = tpu.memref_slice %arg5[%mul3A_11, %dma_start3A_143] : memref<10240x128xf32, #tpu.memory_space<hbm>> -> memref<640x128xf32, #tpu.memory_space<hbm>>
      tpu.enqueue_dma source(%dma_start3A_144 : memref<640x128xf32, #tpu.memory_space<hbm>>) target(%dma_start3A_142 : memref<640x128xf32, #tpu.memory_space<vmem_shared>>) target_semaphore(%run_scoped3A_140 : memref<!tpu.dma_semaphore, #tpu.memory_space<semaphore_mem>>)
      %dma_wait3A_145 = arith.constant 0 : i32
      %dma_wait3A_146 = tpu.memref_slice %arg10[%mul3A_13, %dma_wait3A_145] : memref<10240x128xf32, #tpu.memory_space<vmem_shared>> -> memref<640x128xf32, #tpu.memory_space<vmem_shared>>
      %dma_wait3A_147 = arith.constant 0 : i32
      %dma_wait3A_148 = tpu.memref_slice %arg5[%mul3A_11, %dma_wait3A_147] : memref<10240x128xf32, #tpu.memory_space<hbm>> -> memref<640x128xf32, #tpu.memory_space<hbm>>
      tpu.wait_dma2 semaphore(%run_scoped3A_140 : memref<!tpu.dma_semaphore, #tpu.memory_space<semaphore_mem>>) src(%dma_wait3A_148 : memref<640x128xf32, #tpu.memory_space<hbm>>) dst(%dma_wait3A_146 : memref<640x128xf32, #tpu.memory_space<vmem_shared>>)
      tpu.yield
    }) : () -> ()
    %add3A_14 = arith.constant 0 : i32
    %add3A_15 = arith.addi %select_n3A_9, %add3A_14 : i32
    %run_scoped3A = arith.constant 0 : i32
    "tpu.region"() ({
      %run_scoped3A_140 = tpu.sem_alloc : memref<!tpu.dma_semaphore, #tpu.memory_space<semaphore_mem>>
      %dma_start3A_141 = arith.constant 0 : i32
      %dma_start3A_142 = arith.constant 0 : i32
      %dma_start3A_143 = tpu.memref_slice %arg7[%run_scoped3A, %dma_start3A_141, %dma_start3A_142] : memref<3x8x80xi32, #tpu.memory_space<vmem>> -> memref<1x8x80xi32, #tpu.memory_space<vmem>>
      %dma_start3A_144 = tpu.memref_squeeze %dma_start3A_143 : memref<1x8x80xi32, #tpu.memory_space<vmem>> -> memref<8x80xi32, #tpu.memory_space<vmem>>
      %dma_start3A_145 = arith.constant 0 : i32
      %dma_start3A_146 = tpu.memref_slice %arg3[%add3A_15, %dma_start3A_145] : memref<4096x80xi32, #tpu.memory_space<hbm>> -> memref<8x80xi32, #tpu.memory_space<hbm>>
      %dma_start3A_147 = arith.constant 0 : i32
      %dma_start3A_148 = arith.constant 0 : i32
      %dma_start3A_149 = tpu.memref_slice %arg7[%run_scoped3A, %dma_start3A_147, %dma_start3A_148] : memref<3x8x80xi32, #tpu.memory_space<vmem>> -> memref<1x8x80xi32, #tpu.memory_space<vmem>>
      %dma_start3A_150 = tpu.memref_squeeze %dma_start3A_149 : memref<1x8x80xi32, #tpu.memory_space<vmem>> -> memref<8x80xi32, #tpu.memory_space<vmem>>
      %dma_start3A_151 = arith.constant 0 : i32
      %dma_start3A_152 = tpu.memref_slice %arg3[%add3A_15, %dma_start3A_151] : memref<4096x80xi32, #tpu.memory_space<hbm>> -> memref<8x80xi32, #tpu.memory_space<hbm>>
      tpu.enqueue_dma source(%dma_start3A_152 : memref<8x80xi32, #tpu.memory_space<hbm>>) target(%dma_start3A_150 : memref<8x80xi32, #tpu.memory_space<vmem>>) target_semaphore(%run_scoped3A_140 : memref<!tpu.dma_semaphore, #tpu.memory_space<semaphore_mem>>)
      %dma_wait3A_153 = arith.constant 0 : i32
      %dma_wait3A_154 = arith.constant 0 : i32
      %dma_wait3A_155 = tpu.memref_slice %arg7[%run_scoped3A, %dma_wait3A_153, %dma_wait3A_154] : memref<3x8x80xi32, #tpu.memory_space<vmem>> -> memref<1x8x80xi32, #tpu.memory_space<vmem>>
      %dma_wait3A_156 = tpu.memref_squeeze %dma_wait3A_155 : memref<1x8x80xi32, #tpu.memory_space<vmem>> -> memref<8x80xi32, #tpu.memory_space<vmem>>
      %dma_wait3A_157 = arith.constant 0 : i32
      %dma_wait3A_158 = tpu.memref_slice %arg3[%add3A_15, %dma_wait3A_157] : memref<4096x80xi32, #tpu.memory_space<hbm>> -> memref<8x80xi32, #tpu.memory_space<hbm>>
      %dma_wait3A_159 = arith.constant 0 : i32
      %dma_wait3A_160 = arith.constant 0 : i32
      %dma_wait3A_161 = tpu.memref_slice %arg7[%run_scoped3A, %dma_wait3A_159, %dma_wait3A_160] : memref<3x8x80xi32, #tpu.memory_space<vmem>> -> memref<1x8x80xi32, #tpu.memory_space<vmem>>
      %dma_wait3A_162 = tpu.memref_squeeze %dma_wait3A_161 : memref<1x8x80xi32, #tpu.memory_space<vmem>> -> memref<8x80xi32, #tpu.memory_space<vmem>>
      %dma_wait3A_163 = arith.constant 0 : i32
      %dma_wait3A_164 = tpu.memref_slice %arg3[%add3A_15, %dma_wait3A_163] : memref<4096x80xi32, #tpu.memory_space<hbm>> -> memref<8x80xi32, #tpu.memory_space<hbm>>
      tpu.wait_dma2 semaphore(%run_scoped3A_140 : memref<!tpu.dma_semaphore, #tpu.memory_space<semaphore_mem>>) src(%dma_wait3A_164 : memref<8x80xi32, #tpu.memory_space<hbm>>) dst(%dma_wait3A_162 : memref<8x80xi32, #tpu.memory_space<vmem>>)
      tpu.yield
    }) : () -> ()
    %add3A_16 = arith.constant 0 : i32
    %add3A_17 = arith.addi %select_n3A_9, %add3A_16 : i32
    %run_scoped3A_18 = arith.constant 0 : i32
    "tpu.region"() ({
      %run_scoped3A_140 = tpu.sem_alloc : memref<!tpu.dma_semaphore, #tpu.memory_space<semaphore_mem>>
      %dma_start3A_141 = arith.constant 0 : i32
      %dma_start3A_142 = arith.constant 0 : i32
      %dma_start3A_143 = tpu.memref_slice %arg8[%run_scoped3A_18, %dma_start3A_141, %dma_start3A_142] : memref<4x8x80xi32, #tpu.memory_space<vmem>> -> memref<1x8x80xi32, #tpu.memory_space<vmem>>
      %dma_start3A_144 = tpu.memref_squeeze %dma_start3A_143 : memref<1x8x80xi32, #tpu.memory_space<vmem>> -> memref<8x80xi32, #tpu.memory_space<vmem>>
      %dma_start3A_145 = arith.constant 0 : i32
      %dma_start3A_146 = tpu.memref_slice %arg4[%add3A_17, %dma_start3A_145] : memref<4096x80xi32, #tpu.memory_space<hbm>> -> memref<8x80xi32, #tpu.memory_space<hbm>>
      %dma_start3A_147 = arith.constant 0 : i32
      %dma_start3A_148 = arith.constant 0 : i32
      %dma_start3A_149 = tpu.memref_slice %arg8[%run_scoped3A_18, %dma_start3A_147, %dma_start3A_148] : memref<4x8x80xi32, #tpu.memory_space<vmem>> -> memref<1x8x80xi32, #tpu.memory_space<vmem>>
      %dma_start3A_150 = tpu.memref_squeeze %dma_start3A_149 : memref<1x8x80xi32, #tpu.memory_space<vmem>> -> memref<8x80xi32, #tpu.memory_space<vmem>>
      %dma_start3A_151 = arith.constant 0 : i32
      %dma_start3A_152 = tpu.memref_slice %arg4[%add3A_17, %dma_start3A_151] : memref<4096x80xi32, #tpu.memory_space<hbm>> -> memref<8x80xi32, #tpu.memory_space<hbm>>
      tpu.enqueue_dma source(%dma_start3A_152 : memref<8x80xi32, #tpu.memory_space<hbm>>) target(%dma_start3A_150 : memref<8x80xi32, #tpu.memory_space<vmem>>) target_semaphore(%run_scoped3A_140 : memref<!tpu.dma_semaphore, #tpu.memory_space<semaphore_mem>>)
      %dma_wait3A_153 = arith.constant 0 : i32
      %dma_wait3A_154 = arith.constant 0 : i32
      %dma_wait3A_155 = tpu.memref_slice %arg8[%run_scoped3A_18, %dma_wait3A_153, %dma_wait3A_154] : memref<4x8x80xi32, #tpu.memory_space<vmem>> -> memref<1x8x80xi32, #tpu.memory_space<vmem>>
      %dma_wait3A_156 = tpu.memref_squeeze %dma_wait3A_155 : memref<1x8x80xi32, #tpu.memory_space<vmem>> -> memref<8x80xi32, #tpu.memory_space<vmem>>
      %dma_wait3A_157 = arith.constant 0 : i32
      %dma_wait3A_158 = tpu.memref_slice %arg4[%add3A_17, %dma_wait3A_157] : memref<4096x80xi32, #tpu.memory_space<hbm>> -> memref<8x80xi32, #tpu.memory_space<hbm>>
      %dma_wait3A_159 = arith.constant 0 : i32
      %dma_wait3A_160 = arith.constant 0 : i32
      %dma_wait3A_161 = tpu.memref_slice %arg8[%run_scoped3A_18, %dma_wait3A_159, %dma_wait3A_160] : memref<4x8x80xi32, #tpu.memory_space<vmem>> -> memref<1x8x80xi32, #tpu.memory_space<vmem>>
      %dma_wait3A_162 = tpu.memref_squeeze %dma_wait3A_161 : memref<1x8x80xi32, #tpu.memory_space<vmem>> -> memref<8x80xi32, #tpu.memory_space<vmem>>
      %dma_wait3A_163 = arith.constant 0 : i32
      %dma_wait3A_164 = tpu.memref_slice %arg4[%add3A_17, %dma_wait3A_163] : memref<4096x80xi32, #tpu.memory_space<hbm>> -> memref<8x80xi32, #tpu.memory_space<hbm>>
      tpu.wait_dma2 semaphore(%run_scoped3A_140 : memref<!tpu.dma_semaphore, #tpu.memory_space<semaphore_mem>>) src(%dma_wait3A_164 : memref<8x80xi32, #tpu.memory_space<hbm>>) dst(%dma_wait3A_162 : memref<8x80xi32, #tpu.memory_space<vmem>>)
      tpu.yield
    }) : () -> ()
    %add3A_19 = arith.constant 8 : i32
    %add3A_20 = arith.addi %select_n3A_9, %add3A_19 : i32
    %run_scoped3A_21 = arith.constant 1 : i32
    "tpu.region"() ({
      %run_scoped3A_140 = tpu.sem_alloc : memref<!tpu.dma_semaphore, #tpu.memory_space<semaphore_mem>>
      %dma_start3A_141 = arith.constant 0 : i32
      %dma_start3A_142 = arith.constant 0 : i32
      %dma_start3A_143 = tpu.memref_slice %arg7[%run_scoped3A_21, %dma_start3A_141, %dma_start3A_142] : memref<3x8x80xi32, #tpu.memory_space<vmem>> -> memref<1x8x80xi32, #tpu.memory_space<vmem>>
      %dma_start3A_144 = tpu.memref_squeeze %dma_start3A_143 : memref<1x8x80xi32, #tpu.memory_space<vmem>> -> memref<8x80xi32, #tpu.memory_space<vmem>>
      %dma_start3A_145 = arith.constant 0 : i32
      %dma_start3A_146 = tpu.memref_slice %arg3[%add3A_20, %dma_start3A_145] : memref<4096x80xi32, #tpu.memory_space<hbm>> -> memref<8x80xi32, #tpu.memory_space<hbm>>
      %dma_start3A_147 = arith.constant 0 : i32
      %dma_start3A_148 = arith.constant 0 : i32
      %dma_start3A_149 = tpu.memref_slice %arg7[%run_scoped3A_21, %dma_start3A_147, %dma_start3A_148] : memref<3x8x80xi32, #tpu.memory_space<vmem>> -> memref<1x8x80xi32, #tpu.memory_space<vmem>>
      %dma_start3A_150 = tpu.memref_squeeze %dma_start3A_149 : memref<1x8x80xi32, #tpu.memory_space<vmem>> -> memref<8x80xi32, #tpu.memory_space<vmem>>
      %dma_start3A_151 = arith.constant 0 : i32
      %dma_start3A_152 = tpu.memref_slice %arg3[%add3A_20, %dma_start3A_151] : memref<4096x80xi32, #tpu.memory_space<hbm>> -> memref<8x80xi32, #tpu.memory_space<hbm>>
      tpu.enqueue_dma source(%dma_start3A_152 : memref<8x80xi32, #tpu.memory_space<hbm>>) target(%dma_start3A_150 : memref<8x80xi32, #tpu.memory_space<vmem>>) target_semaphore(%run_scoped3A_140 : memref<!tpu.dma_semaphore, #tpu.memory_space<semaphore_mem>>)
      %dma_wait3A_153 = arith.constant 0 : i32
      %dma_wait3A_154 = arith.constant 0 : i32
      %dma_wait3A_155 = tpu.memref_slice %arg7[%run_scoped3A_21, %dma_wait3A_153, %dma_wait3A_154] : memref<3x8x80xi32, #tpu.memory_space<vmem>> -> memref<1x8x80xi32, #tpu.memory_space<vmem>>
      %dma_wait3A_156 = tpu.memref_squeeze %dma_wait3A_155 : memref<1x8x80xi32, #tpu.memory_space<vmem>> -> memref<8x80xi32, #tpu.memory_space<vmem>>
      %dma_wait3A_157 = arith.constant 0 : i32
      %dma_wait3A_158 = tpu.memref_slice %arg3[%add3A_20, %dma_wait3A_157] : memref<4096x80xi32, #tpu.memory_space<hbm>> -> memref<8x80xi32, #tpu.memory_space<hbm>>
      %dma_wait3A_159 = arith.constant 0 : i32
      %dma_wait3A_160 = arith.constant 0 : i32
      %dma_wait3A_161 = tpu.memref_slice %arg7[%run_scoped3A_21, %dma_wait3A_159, %dma_wait3A_160] : memref<3x8x80xi32, #tpu.memory_space<vmem>> -> memref<1x8x80xi32, #tpu.memory_space<vmem>>
      %dma_wait3A_162 = tpu.memref_squeeze %dma_wait3A_161 : memref<1x8x80xi32, #tpu.memory_space<vmem>> -> memref<8x80xi32, #tpu.memory_space<vmem>>
      %dma_wait3A_163 = arith.constant 0 : i32
      %dma_wait3A_164 = tpu.memref_slice %arg3[%add3A_20, %dma_wait3A_163] : memref<4096x80xi32, #tpu.memory_space<hbm>> -> memref<8x80xi32, #tpu.memory_space<hbm>>
      tpu.wait_dma2 semaphore(%run_scoped3A_140 : memref<!tpu.dma_semaphore, #tpu.memory_space<semaphore_mem>>) src(%dma_wait3A_164 : memref<8x80xi32, #tpu.memory_space<hbm>>) dst(%dma_wait3A_162 : memref<8x80xi32, #tpu.memory_space<vmem>>)
      tpu.yield
    }) : () -> ()
    %add3A_22 = arith.constant 8 : i32
    %add3A_23 = arith.addi %select_n3A_9, %add3A_22 : i32
    %run_scoped3A_24 = arith.constant 1 : i32
    "tpu.region"() ({
      %run_scoped3A_140 = tpu.sem_alloc : memref<!tpu.dma_semaphore, #tpu.memory_space<semaphore_mem>>
      %dma_start3A_141 = arith.constant 0 : i32
      %dma_start3A_142 = arith.constant 0 : i32
      %dma_start3A_143 = tpu.memref_slice %arg8[%run_scoped3A_24, %dma_start3A_141, %dma_start3A_142] : memref<4x8x80xi32, #tpu.memory_space<vmem>> -> memref<1x8x80xi32, #tpu.memory_space<vmem>>
      %dma_start3A_144 = tpu.memref_squeeze %dma_start3A_143 : memref<1x8x80xi32, #tpu.memory_space<vmem>> -> memref<8x80xi32, #tpu.memory_space<vmem>>
      %dma_start3A_145 = arith.constant 0 : i32
      %dma_start3A_146 = tpu.memref_slice %arg4[%add3A_23, %dma_start3A_145] : memref<4096x80xi32, #tpu.memory_space<hbm>> -> memref<8x80xi32, #tpu.memory_space<hbm>>
      %dma_start3A_147 = arith.constant 0 : i32
      %dma_start3A_148 = arith.constant 0 : i32
      %dma_start3A_149 = tpu.memref_slice %arg8[%run_scoped3A_24, %dma_start3A_147, %dma_start3A_148] : memref<4x8x80xi32, #tpu.memory_space<vmem>> -> memref<1x8x80xi32, #tpu.memory_space<vmem>>
      %dma_start3A_150 = tpu.memref_squeeze %dma_start3A_149 : memref<1x8x80xi32, #tpu.memory_space<vmem>> -> memref<8x80xi32, #tpu.memory_space<vmem>>
      %dma_start3A_151 = arith.constant 0 : i32
      %dma_start3A_152 = tpu.memref_slice %arg4[%add3A_23, %dma_start3A_151] : memref<4096x80xi32, #tpu.memory_space<hbm>> -> memref<8x80xi32, #tpu.memory_space<hbm>>
      tpu.enqueue_dma source(%dma_start3A_152 : memref<8x80xi32, #tpu.memory_space<hbm>>) target(%dma_start3A_150 : memref<8x80xi32, #tpu.memory_space<vmem>>) target_semaphore(%run_scoped3A_140 : memref<!tpu.dma_semaphore, #tpu.memory_space<semaphore_mem>>)
      %dma_wait3A_153 = arith.constant 0 : i32
      %dma_wait3A_154 = arith.constant 0 : i32
      %dma_wait3A_155 = tpu.memref_slice %arg8[%run_scoped3A_24, %dma_wait3A_153, %dma_wait3A_154] : memref<4x8x80xi32, #tpu.memory_space<vmem>> -> memref<1x8x80xi32, #tpu.memory_space<vmem>>
      %dma_wait3A_156 = tpu.memref_squeeze %dma_wait3A_155 : memref<1x8x80xi32, #tpu.memory_space<vmem>> -> memref<8x80xi32, #tpu.memory_space<vmem>>
      %dma_wait3A_157 = arith.constant 0 : i32
      %dma_wait3A_158 = tpu.memref_slice %arg4[%add3A_23, %dma_wait3A_157] : memref<4096x80xi32, #tpu.memory_space<hbm>> -> memref<8x80xi32, #tpu.memory_space<hbm>>
      %dma_wait3A_159 = arith.constant 0 : i32
      %dma_wait3A_160 = arith.constant 0 : i32
      %dma_wait3A_161 = tpu.memref_slice %arg8[%run_scoped3A_24, %dma_wait3A_159, %dma_wait3A_160] : memref<4x8x80xi32, #tpu.memory_space<vmem>> -> memref<1x8x80xi32, #tpu.memory_space<vmem>>
      %dma_wait3A_162 = tpu.memref_squeeze %dma_wait3A_161 : memref<1x8x80xi32, #tpu.memory_space<vmem>> -> memref<8x80xi32, #tpu.memory_space<vmem>>
      %dma_wait3A_163 = arith.constant 0 : i32
      %dma_wait3A_164 = tpu.memref_slice %arg4[%add3A_23, %dma_wait3A_163] : memref<4096x80xi32, #tpu.memory_space<hbm>> -> memref<8x80xi32, #tpu.memory_space<hbm>>
      tpu.wait_dma2 semaphore(%run_scoped3A_140 : memref<!tpu.dma_semaphore, #tpu.memory_space<semaphore_mem>>) src(%dma_wait3A_164 : memref<8x80xi32, #tpu.memory_space<hbm>>) dst(%dma_wait3A_162 : memref<8x80xi32, #tpu.memory_space<vmem>>)
      tpu.yield
    }) : () -> ()
    %barrier3A = arith.constant 0 : index
    tpu.barrier barrier_id(%barrier3A)
    %dma_start3A = arith.constant 0 : i32
    %dma_start3A_25 = arith.constant 0 : i32
    %dma_start3A_26 = arith.constant 0 : i32
    %dma_start3A_27 = arith.constant 0 : i32
    %dma_start3A_28 = arith.constant 0 : i32
    %dma_start3A_29 = tpu.memref_slice %arg9[%dma_start3A_26, %dma_start3A_27, %dma_start3A_28] : memref<4x80x128xf32, #tpu.memory_space<vmem>> -> memref<1x80x128xf32, #tpu.memory_space<vmem>>
    %dma_start3A_30 = tpu.memref_squeeze %dma_start3A_29 : memref<1x80x128xf32, #tpu.memory_space<vmem>> -> memref<80x128xf32, #tpu.memory_space<vmem>>
    %dma_start3A_31 = arith.constant 0 : i32
    %dma_start3A_32 = arith.constant 0 : i32
    %dma_start3A_33 = tpu.memref_slice %arg7[%dma_start3A, %dma_start3A_31, %dma_start3A_32] : memref<3x8x80xi32, #tpu.memory_space<vmem>> -> memref<1x8x80xi32, #tpu.memory_space<vmem>>
    %dma_start3A_34 = tpu.memref_squeeze %dma_start3A_33 : memref<1x8x80xi32, #tpu.memory_space<vmem>> -> memref<8x80xi32, #tpu.memory_space<vmem>>
    %dma_start3A_35 = arith.constant 0 : i32
    %dma_start3A_36 = tpu.memref_slice %dma_start3A_34[%dma_start3A_25, %dma_start3A_35] : memref<8x80xi32, #tpu.memory_space<vmem>> -> memref<1x80xi32, #tpu.memory_space<vmem>>
    %dma_start3A_37 = tpu.memref_squeeze %dma_start3A_36 : memref<1x80xi32, #tpu.memory_space<vmem>> -> memref<80xi32, #tpu.memory_space<vmem>>
    %dma_start3A_38 = arith.constant 0 : i32
    %dma_start3A_39 = arith.constant 0 : i32
    %dma_start3A_40 = tpu.memref_slice %arg2[%dma_start3A_38, %dma_start3A_39] : memref<10240x128xf32, #tpu.memory_space<hbm>> -> memref<10240x128xf32, #tpu.memory_space<hbm>>
    tpu.enqueue_indirect_dma source(%dma_start3A_40 : memref<10240x128xf32, #tpu.memory_space<hbm>>) target(%dma_start3A_30 : memref<80x128xf32, #tpu.memory_space<vmem>>) offsets(%dma_start3A_37 : memref<80xi32, #tpu.memory_space<vmem>>) semaphore(%arg11 : memref<!tpu.dma_semaphore, #tpu.memory_space<semaphore_mem>>)
    %dma_start3A_41 = arith.constant 0 : i32
    %dma_start3A_42 = arith.constant 1 : i32
    %dma_start3A_43 = arith.constant 1 : i32
    %dma_start3A_44 = arith.constant 0 : i32
    %dma_start3A_45 = arith.constant 0 : i32
    %dma_start3A_46 = tpu.memref_slice %arg9[%dma_start3A_43, %dma_start3A_44, %dma_start3A_45] : memref<4x80x128xf32, #tpu.memory_space<vmem>> -> memref<1x80x128xf32, #tpu.memory_space<vmem>>
    %dma_start3A_47 = tpu.memref_squeeze %dma_start3A_46 : memref<1x80x128xf32, #tpu.memory_space<vmem>> -> memref<80x128xf32, #tpu.memory_space<vmem>>
    %dma_start3A_48 = arith.constant 0 : i32
    %dma_start3A_49 = arith.constant 0 : i32
    %dma_start3A_50 = tpu.memref_slice %arg7[%dma_start3A_41, %dma_start3A_48, %dma_start3A_49] : memref<3x8x80xi32, #tpu.memory_space<vmem>> -> memref<1x8x80xi32, #tpu.memory_space<vmem>>
    %dma_start3A_51 = tpu.memref_squeeze %dma_start3A_50 : memref<1x8x80xi32, #tpu.memory_space<vmem>> -> memref<8x80xi32, #tpu.memory_space<vmem>>
    %dma_start3A_52 = arith.constant 0 : i32
    %dma_start3A_53 = tpu.memref_slice %dma_start3A_51[%dma_start3A_42, %dma_start3A_52] : memref<8x80xi32, #tpu.memory_space<vmem>> -> memref<1x80xi32, #tpu.memory_space<vmem>>
    %dma_start3A_54 = tpu.memref_squeeze %dma_start3A_53 : memref<1x80xi32, #tpu.memory_space<vmem>> -> memref<80xi32, #tpu.memory_space<vmem>>
    %dma_start3A_55 = arith.constant 0 : i32
    %dma_start3A_56 = arith.constant 0 : i32
    %dma_start3A_57 = tpu.memref_slice %arg2[%dma_start3A_55, %dma_start3A_56] : memref<10240x128xf32, #tpu.memory_space<hbm>> -> memref<10240x128xf32, #tpu.memory_space<hbm>>
    tpu.enqueue_indirect_dma source(%dma_start3A_57 : memref<10240x128xf32, #tpu.memory_space<hbm>>) target(%dma_start3A_47 : memref<80x128xf32, #tpu.memory_space<vmem>>) offsets(%dma_start3A_54 : memref<80xi32, #tpu.memory_space<vmem>>) semaphore(%arg12 : memref<!tpu.dma_semaphore, #tpu.memory_space<semaphore_mem>>)
    %div3A = arith.constant 4 : i32
    %div3A_58 = arith.divsi %select_n3A_2, %div3A : i32
    %while3A = arith.constant 0 : i32
    %while3A_59 = arith.constant 0 : i32
    %while3A_60 = arith.subi %div3A_58, %while3A_59 : i32
    %while3A_61 = arith.addi %while3A_59, %while3A_60 : i32
    %while3A_62 = arith.constant 1 : i32
    %while3A_63 = arith.divsi %while3A_60, %while3A_62 : i32
    %while3A_64 = arith.muli %while3A_63, %while3A_62 : i32
    %while3A_65 = arith.addi %while3A_59, %while3A_64 : i32
    %while3A_66 = arith.constant 1 : i32
    scf.for %while3A_140 = %while3A_59 to %while3A_65 step %while3A_66  : i32 {
      %mul3A_141 = arith.constant 4 : i32
      %mul3A_142 = arith.muli %while3A_140, %mul3A_141 : i32
      %add3A_143 = arith.constant 0 : i32
      %add3A_144 = arith.addi %mul3A_142, %add3A_143 : i32
      %div3A_145 = arith.constant 8 : i32
      %div3A_146 = arith.divsi %add3A_144, %div3A_145 : i32
      %rem3A = arith.constant 8 : i32
      %rem3A_147 = arith.remsi %add3A_144, %rem3A : i32
      %rem3A_148 = arith.constant 3 : i32
      %rem3A_149 = arith.remsi %div3A_146, %rem3A_148 : i32
      %dma_wait3A_150 = arith.constant 0 : i32
      %dma_wait3A_151 = arith.constant 0 : i32
      %dma_wait3A_152 = arith.constant 0 : i32
      %dma_wait3A_153 = tpu.memref_slice %arg9[%dma_wait3A_150, %dma_wait3A_151, %dma_wait3A_152] : memref<4x80x128xf32, #tpu.memory_space<vmem>> -> memref<1x80x128xf32, #tpu.memory_space<vmem>>
      %dma_wait3A_154 = tpu.memref_squeeze %dma_wait3A_153 : memref<1x80x128xf32, #tpu.memory_space<vmem>> -> memref<80x128xf32, #tpu.memory_space<vmem>>
      %dma_wait3A_155 = arith.constant 0 : i32
      %dma_wait3A_156 = arith.constant 0 : i32
      %dma_wait3A_157 = tpu.memref_slice %arg7[%rem3A_149, %dma_wait3A_155, %dma_wait3A_156] : memref<3x8x80xi32, #tpu.memory_space<vmem>> -> memref<1x8x80xi32, #tpu.memory_space<vmem>>
      %dma_wait3A_158 = tpu.memref_squeeze %dma_wait3A_157 : memref<1x8x80xi32, #tpu.memory_space<vmem>> -> memref<8x80xi32, #tpu.memory_space<vmem>>
      %dma_wait3A_159 = arith.constant 0 : i32
      %dma_wait3A_160 = tpu.memref_slice %dma_wait3A_158[%rem3A_147, %dma_wait3A_159] : memref<8x80xi32, #tpu.memory_space<vmem>> -> memref<1x80xi32, #tpu.memory_space<vmem>>
      %dma_wait3A_161 = tpu.memref_squeeze %dma_wait3A_160 : memref<1x80xi32, #tpu.memory_space<vmem>> -> memref<80xi32, #tpu.memory_space<vmem>>
      %dma_wait3A_162 = arith.constant 0 : i32
      %dma_wait3A_163 = arith.constant 0 : i32
      %dma_wait3A_164 = tpu.memref_slice %arg2[%dma_wait3A_162, %dma_wait3A_163] : memref<10240x128xf32, #tpu.memory_space<hbm>> -> memref<10240x128xf32, #tpu.memory_space<hbm>>
      tpu.wait_indirect_dma semaphore(%arg11 : memref<!tpu.dma_semaphore, #tpu.memory_space<semaphore_mem>>) src(%dma_wait3A_164 : memref<10240x128xf32, #tpu.memory_space<hbm>>) dst(%dma_wait3A_154 : memref<80x128xf32, #tpu.memory_space<vmem>>)
      %rem3A_165 = arith.constant 4 : i32
      %rem3A_166 = arith.remsi %div3A_146, %rem3A_165 : i32
      %dma_start3A_167 = arith.constant 0 : i32
      %dma_start3A_168 = arith.constant 0 : i32
      %dma_start3A_169 = arith.constant 0 : i32
      %dma_start3A_170 = tpu.memref_slice %arg9[%dma_start3A_167, %dma_start3A_168, %dma_start3A_169] : memref<4x80x128xf32, #tpu.memory_space<vmem>> -> memref<1x80x128xf32, #tpu.memory_space<vmem>>
      %dma_start3A_171 = tpu.memref_squeeze %dma_start3A_170 : memref<1x80x128xf32, #tpu.memory_space<vmem>> -> memref<80x128xf32, #tpu.memory_space<vmem>>
      %dma_start3A_172 = arith.constant 0 : i32
      %dma_start3A_173 = arith.constant 0 : i32
      %dma_start3A_174 = tpu.memref_slice %arg8[%rem3A_166, %dma_start3A_172, %dma_start3A_173] : memref<4x8x80xi32, #tpu.memory_space<vmem>> -> memref<1x8x80xi32, #tpu.memory_space<vmem>>
      %dma_start3A_175 = tpu.memref_squeeze %dma_start3A_174 : memref<1x8x80xi32, #tpu.memory_space<vmem>> -> memref<8x80xi32, #tpu.memory_space<vmem>>
      %dma_start3A_176 = arith.constant 0 : i32
      %dma_start3A_177 = tpu.memref_slice %dma_start3A_175[%rem3A_147, %dma_start3A_176] : memref<8x80xi32, #tpu.memory_space<vmem>> -> memref<1x80xi32, #tpu.memory_space<vmem>>
      %dma_start3A_178 = tpu.memref_squeeze %dma_start3A_177 : memref<1x80xi32, #tpu.memory_space<vmem>> -> memref<80xi32, #tpu.memory_space<vmem>>
      %dma_start3A_179 = arith.constant 0 : i32
      %dma_start3A_180 = arith.constant 0 : i32
      %dma_start3A_181 = tpu.memref_slice %arg10[%dma_start3A_179, %dma_start3A_180] : memref<10240x128xf32, #tpu.memory_space<vmem_shared>> -> memref<10240x128xf32, #tpu.memory_space<vmem_shared>>
      tpu.enqueue_indirect_dma source(%dma_start3A_171 : memref<80x128xf32, #tpu.memory_space<vmem>>) target(%dma_start3A_181 : memref<10240x128xf32, #tpu.memory_space<vmem_shared>>) offsets(%dma_start3A_178 : memref<80xi32, #tpu.memory_space<vmem>>) semaphore(%arg15 : memref<!tpu.dma_semaphore, #tpu.memory_space<semaphore_mem>>) {add = true}
      %eq3A_182 = arith.constant 0 : i32
      %eq3A_183 = arith.cmpi eq, %rem3A_147, %eq3A_182 : i32
      %add3A_184 = arith.constant 2 : i32
      %add3A_185 = arith.addi %div3A_146, %add3A_184 : i32
      %mul3A_186 = arith.constant 8 : i32
      %mul3A_187 = arith.muli %add3A_185, %mul3A_186 : i32
      %lt3A = arith.cmpi slt, %mul3A_187, %select_n3A_2 : i32
      %and3A = arith.andi %eq3A_183, %lt3A : i1
      %convert_element_type3A = arith.extui %and3A : i1 to i32
      %cond3A = arith.constant 0 : i32
      %cond3A_188 = arith.cmpi ne, %convert_element_type3A, %cond3A : i32
      scf.if %cond3A_188 {
        %add3A_372 = arith.constant 2 : i32
        %add3A_373 = arith.addi %div3A_146, %add3A_372 : i32
        %mul3A_374 = arith.constant 8 : i32
        %mul3A_375 = arith.muli %add3A_373, %mul3A_374 : i32
        %add3A_376 = arith.addi %select_n3A_9, %mul3A_375 : i32
        %add3A_377 = arith.constant 2 : i32
        %add3A_378 = arith.addi %div3A_146, %add3A_377 : i32
        %rem3A_379 = arith.constant 3 : i32
        %rem3A_380 = arith.remsi %add3A_378, %rem3A_379 : i32
        "tpu.region"() ({
          %run_scoped3A_390 = tpu.sem_alloc : memref<!tpu.dma_semaphore, #tpu.memory_space<semaphore_mem>>
          %dma_start3A_391 = arith.constant 0 : i32
          %dma_start3A_392 = arith.constant 0 : i32
          %dma_start3A_393 = tpu.memref_slice %arg7[%rem3A_380, %dma_start3A_391, %dma_start3A_392] : memref<3x8x80xi32, #tpu.memory_space<vmem>> -> memref<1x8x80xi32, #tpu.memory_space<vmem>>
          %dma_start3A_394 = tpu.memref_squeeze %dma_start3A_393 : memref<1x8x80xi32, #tpu.memory_space<vmem>> -> memref<8x80xi32, #tpu.memory_space<vmem>>
          %dma_start3A_395 = arith.constant 0 : i32
          %dma_start3A_396 = tpu.memref_slice %arg3[%add3A_376, %dma_start3A_395] : memref<4096x80xi32, #tpu.memory_space<hbm>> -> memref<8x80xi32, #tpu.memory_space<hbm>>
          %dma_start3A_397 = arith.constant 0 : i32
          %dma_start3A_398 = arith.constant 0 : i32
          %dma_start3A_399 = tpu.memref_slice %arg7[%rem3A_380, %dma_start3A_397, %dma_start3A_398] : memref<3x8x80xi32, #tpu.memory_space<vmem>> -> memref<1x8x80xi32, #tpu.memory_space<vmem>>
          %dma_start3A_400 = tpu.memref_squeeze %dma_start3A_399 : memref<1x8x80xi32, #tpu.memory_space<vmem>> -> memref<8x80xi32, #tpu.memory_space<vmem>>
          %dma_start3A_401 = arith.constant 0 : i32
          %dma_start3A_402 = tpu.memref_slice %arg3[%add3A_376, %dma_start3A_401] : memref<4096x80xi32, #tpu.memory_space<hbm>> -> memref<8x80xi32, #tpu.memory_space<hbm>>
          tpu.enqueue_dma source(%dma_start3A_402 : memref<8x80xi32, #tpu.memory_space<hbm>>) target(%dma_start3A_400 : memref<8x80xi32, #tpu.memory_space<vmem>>) target_semaphore(%run_scoped3A_390 : memref<!tpu.dma_semaphore, #tpu.memory_space<semaphore_mem>>)
          %dma_wait3A_403 = arith.constant 0 : i32
          %dma_wait3A_404 = arith.constant 0 : i32
          %dma_wait3A_405 = tpu.memref_slice %arg7[%rem3A_380, %dma_wait3A_403, %dma_wait3A_404] : memref<3x8x80xi32, #tpu.memory_space<vmem>> -> memref<1x8x80xi32, #tpu.memory_space<vmem>>
          %dma_wait3A_406 = tpu.memref_squeeze %dma_wait3A_405 : memref<1x8x80xi32, #tpu.memory_space<vmem>> -> memref<8x80xi32, #tpu.memory_space<vmem>>
          %dma_wait3A_407 = arith.constant 0 : i32
          %dma_wait3A_408 = tpu.memref_slice %arg3[%add3A_376, %dma_wait3A_407] : memref<4096x80xi32, #tpu.memory_space<hbm>> -> memref<8x80xi32, #tpu.memory_space<hbm>>
          %dma_wait3A_409 = arith.constant 0 : i32
          %dma_wait3A_410 = arith.constant 0 : i32
          %dma_wait3A_411 = tpu.memref_slice %arg7[%rem3A_380, %dma_wait3A_409, %dma_wait3A_410] : memref<3x8x80xi32, #tpu.memory_space<vmem>> -> memref<1x8x80xi32, #tpu.memory_space<vmem>>
          %dma_wait3A_412 = tpu.memref_squeeze %dma_wait3A_411 : memref<1x8x80xi32, #tpu.memory_space<vmem>> -> memref<8x80xi32, #tpu.memory_space<vmem>>
          %dma_wait3A_413 = arith.constant 0 : i32
          %dma_wait3A_414 = tpu.memref_slice %arg3[%add3A_376, %dma_wait3A_413] : memref<4096x80xi32, #tpu.memory_space<hbm>> -> memref<8x80xi32, #tpu.memory_space<hbm>>
          tpu.wait_dma2 semaphore(%run_scoped3A_390 : memref<!tpu.dma_semaphore, #tpu.memory_space<semaphore_mem>>) src(%dma_wait3A_414 : memref<8x80xi32, #tpu.memory_space<hbm>>) dst(%dma_wait3A_412 : memref<8x80xi32, #tpu.memory_space<vmem>>)
          tpu.yield
        }) : () -> ()
        %add3A_381 = arith.constant 2 : i32
        %add3A_382 = arith.addi %div3A_146, %add3A_381 : i32
        %mul3A_383 = arith.constant 8 : i32
        %mul3A_384 = arith.muli %add3A_382, %mul3A_383 : i32
        %add3A_385 = arith.addi %select_n3A_9, %mul3A_384 : i32
        %add3A_386 = arith.constant 2 : i32
        %add3A_387 = arith.addi %div3A_146, %add3A_386 : i32
        %rem3A_388 = arith.constant 4 : i32
        %rem3A_389 = arith.remsi %add3A_387, %rem3A_388 : i32
        "tpu.region"() ({
          %run_scoped3A_390 = tpu.sem_alloc : memref<!tpu.dma_semaphore, #tpu.memory_space<semaphore_mem>>
          %dma_start3A_391 = arith.constant 0 : i32
          %dma_start3A_392 = arith.constant 0 : i32
          %dma_start3A_393 = tpu.memref_slice %arg8[%rem3A_389, %dma_start3A_391, %dma_start3A_392] : memref<4x8x80xi32, #tpu.memory_space<vmem>> -> memref<1x8x80xi32, #tpu.memory_space<vmem>>
          %dma_start3A_394 = tpu.memref_squeeze %dma_start3A_393 : memref<1x8x80xi32, #tpu.memory_space<vmem>> -> memref<8x80xi32, #tpu.memory_space<vmem>>
          %dma_start3A_395 = arith.constant 0 : i32
          %dma_start3A_396 = tpu.memref_slice %arg4[%add3A_385, %dma_start3A_395] : memref<4096x80xi32, #tpu.memory_space<hbm>> -> memref<8x80xi32, #tpu.memory_space<hbm>>
          %dma_start3A_397 = arith.constant 0 : i32
          %dma_start3A_398 = arith.constant 0 : i32
          %dma_start3A_399 = tpu.memref_slice %arg8[%rem3A_389, %dma_start3A_397, %dma_start3A_398] : memref<4x8x80xi32, #tpu.memory_space<vmem>> -> memref<1x8x80xi32, #tpu.memory_space<vmem>>
          %dma_start3A_400 = tpu.memref_squeeze %dma_start3A_399 : memref<1x8x80xi32, #tpu.memory_space<vmem>> -> memref<8x80xi32, #tpu.memory_space<vmem>>
          %dma_start3A_401 = arith.constant 0 : i32
          %dma_start3A_402 = tpu.memref_slice %arg4[%add3A_385, %dma_start3A_401] : memref<4096x80xi32, #tpu.memory_space<hbm>> -> memref<8x80xi32, #tpu.memory_space<hbm>>
          tpu.enqueue_dma source(%dma_start3A_402 : memref<8x80xi32, #tpu.memory_space<hbm>>) target(%dma_start3A_400 : memref<8x80xi32, #tpu.memory_space<vmem>>) target_semaphore(%run_scoped3A_390 : memref<!tpu.dma_semaphore, #tpu.memory_space<semaphore_mem>>)
          %dma_wait3A_403 = arith.constant 0 : i32
          %dma_wait3A_404 = arith.constant 0 : i32
          %dma_wait3A_405 = tpu.memref_slice %arg8[%rem3A_389, %dma_wait3A_403, %dma_wait3A_404] : memref<4x8x80xi32, #tpu.memory_space<vmem>> -> memref<1x8x80xi32, #tpu.memory_space<vmem>>
          %dma_wait3A_406 = tpu.memref_squeeze %dma_wait3A_405 : memref<1x8x80xi32, #tpu.memory_space<vmem>> -> memref<8x80xi32, #tpu.memory_space<vmem>>
          %dma_wait3A_407 = arith.constant 0 : i32
          %dma_wait3A_408 = tpu.memref_slice %arg4[%add3A_385, %dma_wait3A_407] : memref<4096x80xi32, #tpu.memory_space<hbm>> -> memref<8x80xi32, #tpu.memory_space<hbm>>
          %dma_wait3A_409 = arith.constant 0 : i32
          %dma_wait3A_410 = arith.constant 0 : i32
          %dma_wait3A_411 = tpu.memref_slice %arg8[%rem3A_389, %dma_wait3A_409, %dma_wait3A_410] : memref<4x8x80xi32, #tpu.memory_space<vmem>> -> memref<1x8x80xi32, #tpu.memory_space<vmem>>
          %dma_wait3A_412 = tpu.memref_squeeze %dma_wait3A_411 : memref<1x8x80xi32, #tpu.memory_space<vmem>> -> memref<8x80xi32, #tpu.memory_space<vmem>>
          %dma_wait3A_413 = arith.constant 0 : i32
          %dma_wait3A_414 = tpu.memref_slice %arg4[%add3A_385, %dma_wait3A_413] : memref<4096x80xi32, #tpu.memory_space<hbm>> -> memref<8x80xi32, #tpu.memory_space<hbm>>
          tpu.wait_dma2 semaphore(%run_scoped3A_390 : memref<!tpu.dma_semaphore, #tpu.memory_space<semaphore_mem>>) src(%dma_wait3A_414 : memref<8x80xi32, #tpu.memory_space<hbm>>) dst(%dma_wait3A_412 : memref<8x80xi32, #tpu.memory_space<vmem>>)
          tpu.yield
        }) : () -> ()
      } else {
      }
      %add3A_189 = arith.constant 2 : i32
      %add3A_190 = arith.addi %add3A_144, %add3A_189 : i32
      %lt3A_191 = arith.cmpi slt, %add3A_190, %select_n3A_2 : i32
      %convert_element_type3A_192 = arith.extui %lt3A_191 : i1 to i32
      %cond3A_193 = arith.constant 0 : i32
      %cond3A_194 = arith.cmpi ne, %convert_element_type3A_192, %cond3A_193 : i32
      scf.if %cond3A_194 {
        %ge3A = arith.constant 4 : i32
        %ge3A_372 = arith.cmpi sge, %add3A_190, %ge3A : i32
        %convert_element_type3A_373 = arith.extui %ge3A_372 : i1 to i32
        %cond3A_374 = arith.constant 0 : i32
        %cond3A_375 = arith.cmpi ne, %convert_element_type3A_373, %cond3A_374 : i32
        scf.if %cond3A_375 {
          %dma_wait3A_397 = arith.constant 2 : i32
          %dma_wait3A_398 = arith.constant 0 : i32
          %dma_wait3A_399 = arith.constant 0 : i32
          %dma_wait3A_400 = arith.constant 0 : i32
          %dma_wait3A_401 = arith.constant 0 : i32
          %dma_wait3A_402 = tpu.memref_slice %arg9[%dma_wait3A_397, %dma_wait3A_400, %dma_wait3A_401] : memref<4x80x128xf32, #tpu.memory_space<vmem>> -> memref<1x80x128xf32, #tpu.memory_space<vmem>>
          %dma_wait3A_403 = tpu.memref_squeeze %dma_wait3A_402 : memref<1x80x128xf32, #tpu.memory_space<vmem>> -> memref<80x128xf32, #tpu.memory_space<vmem>>
          %dma_wait3A_404 = arith.constant 0 : i32
          %dma_wait3A_405 = arith.constant 0 : i32
          %dma_wait3A_406 = tpu.memref_slice %arg8[%dma_wait3A_398, %dma_wait3A_404, %dma_wait3A_405] : memref<4x8x80xi32, #tpu.memory_space<vmem>> -> memref<1x8x80xi32, #tpu.memory_space<vmem>>
          %dma_wait3A_407 = tpu.memref_squeeze %dma_wait3A_406 : memref<1x8x80xi32, #tpu.memory_space<vmem>> -> memref<8x80xi32, #tpu.memory_space<vmem>>
          %dma_wait3A_408 = arith.constant 0 : i32
          %dma_wait3A_409 = tpu.memref_slice %dma_wait3A_407[%dma_wait3A_399, %dma_wait3A_408] : memref<8x80xi32, #tpu.memory_space<vmem>> -> memref<1x80xi32, #tpu.memory_space<vmem>>
          %dma_wait3A_410 = tpu.memref_squeeze %dma_wait3A_409 : memref<1x80xi32, #tpu.memory_space<vmem>> -> memref<80xi32, #tpu.memory_space<vmem>>
          %dma_wait3A_411 = arith.constant 0 : i32
          %dma_wait3A_412 = arith.constant 0 : i32
          %dma_wait3A_413 = tpu.memref_slice %arg10[%dma_wait3A_411, %dma_wait3A_412] : memref<10240x128xf32, #tpu.memory_space<vmem_shared>> -> memref<10240x128xf32, #tpu.memory_space<vmem_shared>>
          tpu.wait_indirect_dma semaphore(%arg17 : memref<!tpu.dma_semaphore, #tpu.memory_space<semaphore_mem>>) src(%dma_wait3A_403 : memref<80x128xf32, #tpu.memory_space<vmem>>) dst(%dma_wait3A_413 : memref<10240x128xf32, #tpu.memory_space<vmem_shared>>)
        } else {
        }
        %div3A_376 = arith.constant 8 : i32
        %div3A_377 = arith.divsi %add3A_190, %div3A_376 : i32
        %rem3A_378 = arith.constant 3 : i32
        %rem3A_379 = arith.remsi %div3A_377, %rem3A_378 : i32
        %rem3A_380 = arith.constant 8 : i32
        %rem3A_381 = arith.remsi %add3A_190, %rem3A_380 : i32
        %dma_start3A_382 = arith.constant 2 : i32
        %dma_start3A_383 = arith.constant 0 : i32
        %dma_start3A_384 = arith.constant 0 : i32
        %dma_start3A_385 = tpu.memref_slice %arg9[%dma_start3A_382, %dma_start3A_383, %dma_start3A_384] : memref<4x80x128xf32, #tpu.memory_space<vmem>> -> memref<1x80x128xf32, #tpu.memory_space<vmem>>
        %dma_start3A_386 = tpu.memref_squeeze %dma_start3A_385 : memref<1x80x128xf32, #tpu.memory_space<vmem>> -> memref<80x128xf32, #tpu.memory_space<vmem>>
        %dma_start3A_387 = arith.constant 0 : i32
        %dma_start3A_388 = arith.constant 0 : i32
        %dma_start3A_389 = tpu.memref_slice %arg7[%rem3A_379, %dma_start3A_387, %dma_start3A_388] : memref<3x8x80xi32, #tpu.memory_space<vmem>> -> memref<1x8x80xi32, #tpu.memory_space<vmem>>
        %dma_start3A_390 = tpu.memref_squeeze %dma_start3A_389 : memref<1x8x80xi32, #tpu.memory_space<vmem>> -> memref<8x80xi32, #tpu.memory_space<vmem>>
        %dma_start3A_391 = arith.constant 0 : i32
        %dma_start3A_392 = tpu.memref_slice %dma_start3A_390[%rem3A_381, %dma_start3A_391] : memref<8x80xi32, #tpu.memory_space<vmem>> -> memref<1x80xi32, #tpu.memory_space<vmem>>
        %dma_start3A_393 = tpu.memref_squeeze %dma_start3A_392 : memref<1x80xi32, #tpu.memory_space<vmem>> -> memref<80xi32, #tpu.memory_space<vmem>>
        %dma_start3A_394 = arith.constant 0 : i32
        %dma_start3A_395 = arith.constant 0 : i32
        %dma_start3A_396 = tpu.memref_slice %arg2[%dma_start3A_394, %dma_start3A_395] : memref<10240x128xf32, #tpu.memory_space<hbm>> -> memref<10240x128xf32, #tpu.memory_space<hbm>>
        tpu.enqueue_indirect_dma source(%dma_start3A_396 : memref<10240x128xf32, #tpu.memory_space<hbm>>) target(%dma_start3A_386 : memref<80x128xf32, #tpu.memory_space<vmem>>) offsets(%dma_start3A_393 : memref<80xi32, #tpu.memory_space<vmem>>) semaphore(%arg13 : memref<!tpu.dma_semaphore, #tpu.memory_space<semaphore_mem>>)
      } else {
      }
      %mul3A_195 = arith.constant 4 : i32
      %mul3A_196 = arith.muli %while3A_140, %mul3A_195 : i32
      %add3A_197 = arith.constant 1 : i32
      %add3A_198 = arith.addi %mul3A_196, %add3A_197 : i32
      %div3A_199 = arith.constant 8 : i32
      %div3A_200 = arith.divsi %add3A_198, %div3A_199 : i32
      %rem3A_201 = arith.constant 8 : i32
      %rem3A_202 = arith.remsi %add3A_198, %rem3A_201 : i32
      %rem3A_203 = arith.constant 3 : i32
      %rem3A_204 = arith.remsi %div3A_200, %rem3A_203 : i32
      %dma_wait3A_205 = arith.constant 1 : i32
      %dma_wait3A_206 = arith.constant 0 : i32
      %dma_wait3A_207 = arith.constant 0 : i32
      %dma_wait3A_208 = tpu.memref_slice %arg9[%dma_wait3A_205, %dma_wait3A_206, %dma_wait3A_207] : memref<4x80x128xf32, #tpu.memory_space<vmem>> -> memref<1x80x128xf32, #tpu.memory_space<vmem>>
      %dma_wait3A_209 = tpu.memref_squeeze %dma_wait3A_208 : memref<1x80x128xf32, #tpu.memory_space<vmem>> -> memref<80x128xf32, #tpu.memory_space<vmem>>
      %dma_wait3A_210 = arith.constant 0 : i32
      %dma_wait3A_211 = arith.constant 0 : i32
      %dma_wait3A_212 = tpu.memref_slice %arg7[%rem3A_204, %dma_wait3A_210, %dma_wait3A_211] : memref<3x8x80xi32, #tpu.memory_space<vmem>> -> memref<1x8x80xi32, #tpu.memory_space<vmem>>
      %dma_wait3A_213 = tpu.memref_squeeze %dma_wait3A_212 : memref<1x8x80xi32, #tpu.memory_space<vmem>> -> memref<8x80xi32, #tpu.memory_space<vmem>>
      %dma_wait3A_214 = arith.constant 0 : i32
      %dma_wait3A_215 = tpu.memref_slice %dma_wait3A_213[%rem3A_202, %dma_wait3A_214] : memref<8x80xi32, #tpu.memory_space<vmem>> -> memref<1x80xi32, #tpu.memory_space<vmem>>
      %dma_wait3A_216 = tpu.memref_squeeze %dma_wait3A_215 : memref<1x80xi32, #tpu.memory_space<vmem>> -> memref<80xi32, #tpu.memory_space<vmem>>
      %dma_wait3A_217 = arith.constant 0 : i32
      %dma_wait3A_218 = arith.constant 0 : i32
      %dma_wait3A_219 = tpu.memref_slice %arg2[%dma_wait3A_217, %dma_wait3A_218] : memref<10240x128xf32, #tpu.memory_space<hbm>> -> memref<10240x128xf32, #tpu.memory_space<hbm>>
      tpu.wait_indirect_dma semaphore(%arg12 : memref<!tpu.dma_semaphore, #tpu.memory_space<semaphore_mem>>) src(%dma_wait3A_219 : memref<10240x128xf32, #tpu.memory_space<hbm>>) dst(%dma_wait3A_209 : memref<80x128xf32, #tpu.memory_space<vmem>>)
      %rem3A_220 = arith.constant 4 : i32
      %rem3A_221 = arith.remsi %div3A_200, %rem3A_220 : i32
      %dma_start3A_222 = arith.constant 1 : i32
      %dma_start3A_223 = arith.constant 0 : i32
      %dma_start3A_224 = arith.constant 0 : i32
      %dma_start3A_225 = tpu.memref_slice %arg9[%dma_start3A_222, %dma_start3A_223, %dma_start3A_224] : memref<4x80x128xf32, #tpu.memory_space<vmem>> -> memref<1x80x128xf32, #tpu.memory_space<vmem>>
      %dma_start3A_226 = tpu.memref_squeeze %dma_start3A_225 : memref<1x80x128xf32, #tpu.memory_space<vmem>> -> memref<80x128xf32, #tpu.memory_space<vmem>>
      %dma_start3A_227 = arith.constant 0 : i32
      %dma_start3A_228 = arith.constant 0 : i32
      %dma_start3A_229 = tpu.memref_slice %arg8[%rem3A_221, %dma_start3A_227, %dma_start3A_228] : memref<4x8x80xi32, #tpu.memory_space<vmem>> -> memref<1x8x80xi32, #tpu.memory_space<vmem>>
      %dma_start3A_230 = tpu.memref_squeeze %dma_start3A_229 : memref<1x8x80xi32, #tpu.memory_space<vmem>> -> memref<8x80xi32, #tpu.memory_space<vmem>>
      %dma_start3A_231 = arith.constant 0 : i32
      %dma_start3A_232 = tpu.memref_slice %dma_start3A_230[%rem3A_202, %dma_start3A_231] : memref<8x80xi32, #tpu.memory_space<vmem>> -> memref<1x80xi32, #tpu.memory_space<vmem>>
      %dma_start3A_233 = tpu.memref_squeeze %dma_start3A_232 : memref<1x80xi32, #tpu.memory_space<vmem>> -> memref<80xi32, #tpu.memory_space<vmem>>
      %dma_start3A_234 = arith.constant 0 : i32
      %dma_start3A_235 = arith.constant 0 : i32
      %dma_start3A_236 = tpu.memref_slice %arg10[%dma_start3A_234, %dma_start3A_235] : memref<10240x128xf32, #tpu.memory_space<vmem_shared>> -> memref<10240x128xf32, #tpu.memory_space<vmem_shared>>
      tpu.enqueue_indirect_dma source(%dma_start3A_226 : memref<80x128xf32, #tpu.memory_space<vmem>>) target(%dma_start3A_236 : memref<10240x128xf32, #tpu.memory_space<vmem_shared>>) offsets(%dma_start3A_233 : memref<80xi32, #tpu.memory_space<vmem>>) semaphore(%arg16 : memref<!tpu.dma_semaphore, #tpu.memory_space<semaphore_mem>>) {add = true}
      %eq3A_237 = arith.constant 0 : i32
      %eq3A_238 = arith.cmpi eq, %rem3A_202, %eq3A_237 : i32
      %add3A_239 = arith.constant 2 : i32
      %add3A_240 = arith.addi %div3A_200, %add3A_239 : i32
      %mul3A_241 = arith.constant 8 : i32
      %mul3A_242 = arith.muli %add3A_240, %mul3A_241 : i32
      %lt3A_243 = arith.cmpi slt, %mul3A_242, %select_n3A_2 : i32
      %and3A_244 = arith.andi %eq3A_238, %lt3A_243 : i1
      %convert_element_type3A_245 = arith.extui %and3A_244 : i1 to i32
      %cond3A_246 = arith.constant 0 : i32
      %cond3A_247 = arith.cmpi ne, %convert_element_type3A_245, %cond3A_246 : i32
      scf.if %cond3A_247 {
        %add3A_372 = arith.constant 2 : i32
        %add3A_373 = arith.addi %div3A_200, %add3A_372 : i32
        %mul3A_374 = arith.constant 8 : i32
        %mul3A_375 = arith.muli %add3A_373, %mul3A_374 : i32
        %add3A_376 = arith.addi %select_n3A_9, %mul3A_375 : i32
        %add3A_377 = arith.constant 2 : i32
        %add3A_378 = arith.addi %div3A_200, %add3A_377 : i32
        %rem3A_379 = arith.constant 3 : i32
        %rem3A_380 = arith.remsi %add3A_378, %rem3A_379 : i32
        "tpu.region"() ({
          %run_scoped3A_390 = tpu.sem_alloc : memref<!tpu.dma_semaphore, #tpu.memory_space<semaphore_mem>>
          %dma_start3A_391 = arith.constant 0 : i32
          %dma_start3A_392 = arith.constant 0 : i32
          %dma_start3A_393 = tpu.memref_slice %arg7[%rem3A_380, %dma_start3A_391, %dma_start3A_392] : memref<3x8x80xi32, #tpu.memory_space<vmem>> -> memref<1x8x80xi32, #tpu.memory_space<vmem>>
          %dma_start3A_394 = tpu.memref_squeeze %dma_start3A_393 : memref<1x8x80xi32, #tpu.memory_space<vmem>> -> memref<8x80xi32, #tpu.memory_space<vmem>>
          %dma_start3A_395 = arith.constant 0 : i32
          %dma_start3A_396 = tpu.memref_slice %arg3[%add3A_376, %dma_start3A_395] : memref<4096x80xi32, #tpu.memory_space<hbm>> -> memref<8x80xi32, #tpu.memory_space<hbm>>
          %dma_start3A_397 = arith.constant 0 : i32
          %dma_start3A_398 = arith.constant 0 : i32
          %dma_start3A_399 = tpu.memref_slice %arg7[%rem3A_380, %dma_start3A_397, %dma_start3A_398] : memref<3x8x80xi32, #tpu.memory_space<vmem>> -> memref<1x8x80xi32, #tpu.memory_space<vmem>>
          %dma_start3A_400 = tpu.memref_squeeze %dma_start3A_399 : memref<1x8x80xi32, #tpu.memory_space<vmem>> -> memref<8x80xi32, #tpu.memory_space<vmem>>
          %dma_start3A_401 = arith.constant 0 : i32
          %dma_start3A_402 = tpu.memref_slice %arg3[%add3A_376, %dma_start3A_401] : memref<4096x80xi32, #tpu.memory_space<hbm>> -> memref<8x80xi32, #tpu.memory_space<hbm>>
          tpu.enqueue_dma source(%dma_start3A_402 : memref<8x80xi32, #tpu.memory_space<hbm>>) target(%dma_start3A_400 : memref<8x80xi32, #tpu.memory_space<vmem>>) target_semaphore(%run_scoped3A_390 : memref<!tpu.dma_semaphore, #tpu.memory_space<semaphore_mem>>)
          %dma_wait3A_403 = arith.constant 0 : i32
          %dma_wait3A_404 = arith.constant 0 : i32
          %dma_wait3A_405 = tpu.memref_slice %arg7[%rem3A_380, %dma_wait3A_403, %dma_wait3A_404] : memref<3x8x80xi32, #tpu.memory_space<vmem>> -> memref<1x8x80xi32, #tpu.memory_space<vmem>>
          %dma_wait3A_406 = tpu.memref_squeeze %dma_wait3A_405 : memref<1x8x80xi32, #tpu.memory_space<vmem>> -> memref<8x80xi32, #tpu.memory_space<vmem>>
          %dma_wait3A_407 = arith.constant 0 : i32
          %dma_wait3A_408 = tpu.memref_slice %arg3[%add3A_376, %dma_wait3A_407] : memref<4096x80xi32, #tpu.memory_space<hbm>> -> memref<8x80xi32, #tpu.memory_space<hbm>>
          %dma_wait3A_409 = arith.constant 0 : i32
          %dma_wait3A_410 = arith.constant 0 : i32
          %dma_wait3A_411 = tpu.memref_slice %arg7[%rem3A_380, %dma_wait3A_409, %dma_wait3A_410] : memref<3x8x80xi32, #tpu.memory_space<vmem>> -> memref<1x8x80xi32, #tpu.memory_space<vmem>>
          %dma_wait3A_412 = tpu.memref_squeeze %dma_wait3A_411 : memref<1x8x80xi32, #tpu.memory_space<vmem>> -> memref<8x80xi32, #tpu.memory_space<vmem>>
          %dma_wait3A_413 = arith.constant 0 : i32
          %dma_wait3A_414 = tpu.memref_slice %arg3[%add3A_376, %dma_wait3A_413] : memref<4096x80xi32, #tpu.memory_space<hbm>> -> memref<8x80xi32, #tpu.memory_space<hbm>>
          tpu.wait_dma2 semaphore(%run_scoped3A_390 : memref<!tpu.dma_semaphore, #tpu.memory_space<semaphore_mem>>) src(%dma_wait3A_414 : memref<8x80xi32, #tpu.memory_space<hbm>>) dst(%dma_wait3A_412 : memref<8x80xi32, #tpu.memory_space<vmem>>)
          tpu.yield
        }) : () -> ()
        %add3A_381 = arith.constant 2 : i32
        %add3A_382 = arith.addi %div3A_200, %add3A_381 : i32
        %mul3A_383 = arith.constant 8 : i32
        %mul3A_384 = arith.muli %add3A_382, %mul3A_383 : i32
        %add3A_385 = arith.addi %select_n3A_9, %mul3A_384 : i32
        %add3A_386 = arith.constant 2 : i32
        %add3A_387 = arith.addi %div3A_200, %add3A_386 : i32
        %rem3A_388 = arith.constant 4 : i32
        %rem3A_389 = arith.remsi %add3A_387, %rem3A_388 : i32
        "tpu.region"() ({
          %run_scoped3A_390 = tpu.sem_alloc : memref<!tpu.dma_semaphore, #tpu.memory_space<semaphore_mem>>
          %dma_start3A_391 = arith.constant 0 : i32
          %dma_start3A_392 = arith.constant 0 : i32
          %dma_start3A_393 = tpu.memref_slice %arg8[%rem3A_389, %dma_start3A_391, %dma_start3A_392] : memref<4x8x80xi32, #tpu.memory_space<vmem>> -> memref<1x8x80xi32, #tpu.memory_space<vmem>>
          %dma_start3A_394 = tpu.memref_squeeze %dma_start3A_393 : memref<1x8x80xi32, #tpu.memory_space<vmem>> -> memref<8x80xi32, #tpu.memory_space<vmem>>
          %dma_start3A_395 = arith.constant 0 : i32
          %dma_start3A_396 = tpu.memref_slice %arg4[%add3A_385, %dma_start3A_395] : memref<4096x80xi32, #tpu.memory_space<hbm>> -> memref<8x80xi32, #tpu.memory_space<hbm>>
          %dma_start3A_397 = arith.constant 0 : i32
          %dma_start3A_398 = arith.constant 0 : i32
          %dma_start3A_399 = tpu.memref_slice %arg8[%rem3A_389, %dma_start3A_397, %dma_start3A_398] : memref<4x8x80xi32, #tpu.memory_space<vmem>> -> memref<1x8x80xi32, #tpu.memory_space<vmem>>
          %dma_start3A_400 = tpu.memref_squeeze %dma_start3A_399 : memref<1x8x80xi32, #tpu.memory_space<vmem>> -> memref<8x80xi32, #tpu.memory_space<vmem>>
          %dma_start3A_401 = arith.constant 0 : i32
          %dma_start3A_402 = tpu.memref_slice %arg4[%add3A_385, %dma_start3A_401] : memref<4096x80xi32, #tpu.memory_space<hbm>> -> memref<8x80xi32, #tpu.memory_space<hbm>>
          tpu.enqueue_dma source(%dma_start3A_402 : memref<8x80xi32, #tpu.memory_space<hbm>>) target(%dma_start3A_400 : memref<8x80xi32, #tpu.memory_space<vmem>>) target_semaphore(%run_scoped3A_390 : memref<!tpu.dma_semaphore, #tpu.memory_space<semaphore_mem>>)
          %dma_wait3A_403 = arith.constant 0 : i32
          %dma_wait3A_404 = arith.constant 0 : i32
          %dma_wait3A_405 = tpu.memref_slice %arg8[%rem3A_389, %dma_wait3A_403, %dma_wait3A_404] : memref<4x8x80xi32, #tpu.memory_space<vmem>> -> memref<1x8x80xi32, #tpu.memory_space<vmem>>
          %dma_wait3A_406 = tpu.memref_squeeze %dma_wait3A_405 : memref<1x8x80xi32, #tpu.memory_space<vmem>> -> memref<8x80xi32, #tpu.memory_space<vmem>>
          %dma_wait3A_407 = arith.constant 0 : i32
          %dma_wait3A_408 = tpu.memref_slice %arg4[%add3A_385, %dma_wait3A_407] : memref<4096x80xi32, #tpu.memory_space<hbm>> -> memref<8x80xi32, #tpu.memory_space<hbm>>
          %dma_wait3A_409 = arith.constant 0 : i32
          %dma_wait3A_410 = arith.constant 0 : i32
          %dma_wait3A_411 = tpu.memref_slice %arg8[%rem3A_389, %dma_wait3A_409, %dma_wait3A_410] : memref<4x8x80xi32, #tpu.memory_space<vmem>> -> memref<1x8x80xi32, #tpu.memory_space<vmem>>
          %dma_wait3A_412 = tpu.memref_squeeze %dma_wait3A_411 : memref<1x8x80xi32, #tpu.memory_space<vmem>> -> memref<8x80xi32, #tpu.memory_space<vmem>>
          %dma_wait3A_413 = arith.constant 0 : i32
          %dma_wait3A_414 = tpu.memref_slice %arg4[%add3A_385, %dma_wait3A_413] : memref<4096x80xi32, #tpu.memory_space<hbm>> -> memref<8x80xi32, #tpu.memory_space<hbm>>
          tpu.wait_dma2 semaphore(%run_scoped3A_390 : memref<!tpu.dma_semaphore, #tpu.memory_space<semaphore_mem>>) src(%dma_wait3A_414 : memref<8x80xi32, #tpu.memory_space<hbm>>) dst(%dma_wait3A_412 : memref<8x80xi32, #tpu.memory_space<vmem>>)
          tpu.yield
        }) : () -> ()
      } else {
      }
      %add3A_248 = arith.constant 2 : i32
      %add3A_249 = arith.addi %add3A_198, %add3A_248 : i32
      %lt3A_250 = arith.cmpi slt, %add3A_249, %select_n3A_2 : i32
      %convert_element_type3A_251 = arith.extui %lt3A_250 : i1 to i32
      %cond3A_252 = arith.constant 0 : i32
      %cond3A_253 = arith.cmpi ne, %convert_element_type3A_251, %cond3A_252 : i32
      scf.if %cond3A_253 {
        %ge3A = arith.constant 4 : i32
        %ge3A_372 = arith.cmpi sge, %add3A_249, %ge3A : i32
        %convert_element_type3A_373 = arith.extui %ge3A_372 : i1 to i32
        %cond3A_374 = arith.constant 0 : i32
        %cond3A_375 = arith.cmpi ne, %convert_element_type3A_373, %cond3A_374 : i32
        scf.if %cond3A_375 {
          %dma_wait3A_397 = arith.constant 3 : i32
          %dma_wait3A_398 = arith.constant 0 : i32
          %dma_wait3A_399 = arith.constant 0 : i32
          %dma_wait3A_400 = arith.constant 0 : i32
          %dma_wait3A_401 = arith.constant 0 : i32
          %dma_wait3A_402 = tpu.memref_slice %arg9[%dma_wait3A_397, %dma_wait3A_400, %dma_wait3A_401] : memref<4x80x128xf32, #tpu.memory_space<vmem>> -> memref<1x80x128xf32, #tpu.memory_space<vmem>>
          %dma_wait3A_403 = tpu.memref_squeeze %dma_wait3A_402 : memref<1x80x128xf32, #tpu.memory_space<vmem>> -> memref<80x128xf32, #tpu.memory_space<vmem>>
          %dma_wait3A_404 = arith.constant 0 : i32
          %dma_wait3A_405 = arith.constant 0 : i32
          %dma_wait3A_406 = tpu.memref_slice %arg8[%dma_wait3A_398, %dma_wait3A_404, %dma_wait3A_405] : memref<4x8x80xi32, #tpu.memory_space<vmem>> -> memref<1x8x80xi32, #tpu.memory_space<vmem>>
          %dma_wait3A_407 = tpu.memref_squeeze %dma_wait3A_406 : memref<1x8x80xi32, #tpu.memory_space<vmem>> -> memref<8x80xi32, #tpu.memory_space<vmem>>
          %dma_wait3A_408 = arith.constant 0 : i32
          %dma_wait3A_409 = tpu.memref_slice %dma_wait3A_407[%dma_wait3A_399, %dma_wait3A_408] : memref<8x80xi32, #tpu.memory_space<vmem>> -> memref<1x80xi32, #tpu.memory_space<vmem>>
          %dma_wait3A_410 = tpu.memref_squeeze %dma_wait3A_409 : memref<1x80xi32, #tpu.memory_space<vmem>> -> memref<80xi32, #tpu.memory_space<vmem>>
          %dma_wait3A_411 = arith.constant 0 : i32
          %dma_wait3A_412 = arith.constant 0 : i32
          %dma_wait3A_413 = tpu.memref_slice %arg10[%dma_wait3A_411, %dma_wait3A_412] : memref<10240x128xf32, #tpu.memory_space<vmem_shared>> -> memref<10240x128xf32, #tpu.memory_space<vmem_shared>>
          tpu.wait_indirect_dma semaphore(%arg18 : memref<!tpu.dma_semaphore, #tpu.memory_space<semaphore_mem>>) src(%dma_wait3A_403 : memref<80x128xf32, #tpu.memory_space<vmem>>) dst(%dma_wait3A_413 : memref<10240x128xf32, #tpu.memory_space<vmem_shared>>)
        } else {
        }
        %div3A_376 = arith.constant 8 : i32
        %div3A_377 = arith.divsi %add3A_249, %div3A_376 : i32
        %rem3A_378 = arith.constant 3 : i32
        %rem3A_379 = arith.remsi %div3A_377, %rem3A_378 : i32
        %rem3A_380 = arith.constant 8 : i32
        %rem3A_381 = arith.remsi %add3A_249, %rem3A_380 : i32
        %dma_start3A_382 = arith.constant 3 : i32
        %dma_start3A_383 = arith.constant 0 : i32
        %dma_start3A_384 = arith.constant 0 : i32
        %dma_start3A_385 = tpu.memref_slice %arg9[%dma_start3A_382, %dma_start3A_383, %dma_start3A_384] : memref<4x80x128xf32, #tpu.memory_space<vmem>> -> memref<1x80x128xf32, #tpu.memory_space<vmem>>
        %dma_start3A_386 = tpu.memref_squeeze %dma_start3A_385 : memref<1x80x128xf32, #tpu.memory_space<vmem>> -> memref<80x128xf32, #tpu.memory_space<vmem>>
        %dma_start3A_387 = arith.constant 0 : i32
        %dma_start3A_388 = arith.constant 0 : i32
        %dma_start3A_389 = tpu.memref_slice %arg7[%rem3A_379, %dma_start3A_387, %dma_start3A_388] : memref<3x8x80xi32, #tpu.memory_space<vmem>> -> memref<1x8x80xi32, #tpu.memory_space<vmem>>
        %dma_start3A_390 = tpu.memref_squeeze %dma_start3A_389 : memref<1x8x80xi32, #tpu.memory_space<vmem>> -> memref<8x80xi32, #tpu.memory_space<vmem>>
        %dma_start3A_391 = arith.constant 0 : i32
        %dma_start3A_392 = tpu.memref_slice %dma_start3A_390[%rem3A_381, %dma_start3A_391] : memref<8x80xi32, #tpu.memory_space<vmem>> -> memref<1x80xi32, #tpu.memory_space<vmem>>
        %dma_start3A_393 = tpu.memref_squeeze %dma_start3A_392 : memref<1x80xi32, #tpu.memory_space<vmem>> -> memref<80xi32, #tpu.memory_space<vmem>>
        %dma_start3A_394 = arith.constant 0 : i32
        %dma_start3A_395 = arith.constant 0 : i32
        %dma_start3A_396 = tpu.memref_slice %arg2[%dma_start3A_394, %dma_start3A_395] : memref<10240x128xf32, #tpu.memory_space<hbm>> -> memref<10240x128xf32, #tpu.memory_space<hbm>>
        tpu.enqueue_indirect_dma source(%dma_start3A_396 : memref<10240x128xf32, #tpu.memory_space<hbm>>) target(%dma_start3A_386 : memref<80x128xf32, #tpu.memory_space<vmem>>) offsets(%dma_start3A_393 : memref<80xi32, #tpu.memory_space<vmem>>) semaphore(%arg14 : memref<!tpu.dma_semaphore, #tpu.memory_space<semaphore_mem>>)
      } else {
      }
      %mul3A_254 = arith.constant 4 : i32
      %mul3A_255 = arith.muli %while3A_140, %mul3A_254 : i32
      %add3A_256 = arith.constant 2 : i32
      %add3A_257 = arith.addi %mul3A_255, %add3A_256 : i32
      %div3A_258 = arith.constant 8 : i32
      %div3A_259 = arith.divsi %add3A_257, %div3A_258 : i32
      %rem3A_260 = arith.constant 8 : i32
      %rem3A_261 = arith.remsi %add3A_257, %rem3A_260 : i32
      %rem3A_262 = arith.constant 3 : i32
      %rem3A_263 = arith.remsi %div3A_259, %rem3A_262 : i32
      %dma_wait3A_264 = arith.constant 2 : i32
      %dma_wait3A_265 = arith.constant 0 : i32
      %dma_wait3A_266 = arith.constant 0 : i32
      %dma_wait3A_267 = tpu.memref_slice %arg9[%dma_wait3A_264, %dma_wait3A_265, %dma_wait3A_266] : memref<4x80x128xf32, #tpu.memory_space<vmem>> -> memref<1x80x128xf32, #tpu.memory_space<vmem>>
      %dma_wait3A_268 = tpu.memref_squeeze %dma_wait3A_267 : memref<1x80x128xf32, #tpu.memory_space<vmem>> -> memref<80x128xf32, #tpu.memory_space<vmem>>
      %dma_wait3A_269 = arith.constant 0 : i32
      %dma_wait3A_270 = arith.constant 0 : i32
      %dma_wait3A_271 = tpu.memref_slice %arg7[%rem3A_263, %dma_wait3A_269, %dma_wait3A_270] : memref<3x8x80xi32, #tpu.memory_space<vmem>> -> memref<1x8x80xi32, #tpu.memory_space<vmem>>
      %dma_wait3A_272 = tpu.memref_squeeze %dma_wait3A_271 : memref<1x8x80xi32, #tpu.memory_space<vmem>> -> memref<8x80xi32, #tpu.memory_space<vmem>>
      %dma_wait3A_273 = arith.constant 0 : i32
      %dma_wait3A_274 = tpu.memref_slice %dma_wait3A_272[%rem3A_261, %dma_wait3A_273] : memref<8x80xi32, #tpu.memory_space<vmem>> -> memref<1x80xi32, #tpu.memory_space<vmem>>
      %dma_wait3A_275 = tpu.memref_squeeze %dma_wait3A_274 : memref<1x80xi32, #tpu.memory_space<vmem>> -> memref<80xi32, #tpu.memory_space<vmem>>
      %dma_wait3A_276 = arith.constant 0 : i32
      %dma_wait3A_277 = arith.constant 0 : i32
      %dma_wait3A_278 = tpu.memref_slice %arg2[%dma_wait3A_276, %dma_wait3A_277] : memref<10240x128xf32, #tpu.memory_space<hbm>> -> memref<10240x128xf32, #tpu.memory_space<hbm>>
      tpu.wait_indirect_dma semaphore(%arg13 : memref<!tpu.dma_semaphore, #tpu.memory_space<semaphore_mem>>) src(%dma_wait3A_278 : memref<10240x128xf32, #tpu.memory_space<hbm>>) dst(%dma_wait3A_268 : memref<80x128xf32, #tpu.memory_space<vmem>>)
      %rem3A_279 = arith.constant 4 : i32
      %rem3A_280 = arith.remsi %div3A_259, %rem3A_279 : i32
      %dma_start3A_281 = arith.constant 2 : i32
      %dma_start3A_282 = arith.constant 0 : i32
      %dma_start3A_283 = arith.constant 0 : i32
      %dma_start3A_284 = tpu.memref_slice %arg9[%dma_start3A_281, %dma_start3A_282, %dma_start3A_283] : memref<4x80x128xf32, #tpu.memory_space<vmem>> -> memref<1x80x128xf32, #tpu.memory_space<vmem>>
      %dma_start3A_285 = tpu.memref_squeeze %dma_start3A_284 : memref<1x80x128xf32, #tpu.memory_space<vmem>> -> memref<80x128xf32, #tpu.memory_space<vmem>>
      %dma_start3A_286 = arith.constant 0 : i32
      %dma_start3A_287 = arith.constant 0 : i32
      %dma_start3A_288 = tpu.memref_slice %arg8[%rem3A_280, %dma_start3A_286, %dma_start3A_287] : memref<4x8x80xi32, #tpu.memory_space<vmem>> -> memref<1x8x80xi32, #tpu.memory_space<vmem>>
      %dma_start3A_289 = tpu.memref_squeeze %dma_start3A_288 : memref<1x8x80xi32, #tpu.memory_space<vmem>> -> memref<8x80xi32, #tpu.memory_space<vmem>>
      %dma_start3A_290 = arith.constant 0 : i32
      %dma_start3A_291 = tpu.memref_slice %dma_start3A_289[%rem3A_261, %dma_start3A_290] : memref<8x80xi32, #tpu.memory_space<vmem>> -> memref<1x80xi32, #tpu.memory_space<vmem>>
      %dma_start3A_292 = tpu.memref_squeeze %dma_start3A_291 : memref<1x80xi32, #tpu.memory_space<vmem>> -> memref<80xi32, #tpu.memory_space<vmem>>
      %dma_start3A_293 = arith.constant 0 : i32
      %dma_start3A_294 = arith.constant 0 : i32
      %dma_start3A_295 = tpu.memref_slice %arg10[%dma_start3A_293, %dma_start3A_294] : memref<10240x128xf32, #tpu.memory_space<vmem_shared>> -> memref<10240x128xf32, #tpu.memory_space<vmem_shared>>
      tpu.enqueue_indirect_dma source(%dma_start3A_285 : memref<80x128xf32, #tpu.memory_space<vmem>>) target(%dma_start3A_295 : memref<10240x128xf32, #tpu.memory_space<vmem_shared>>) offsets(%dma_start3A_292 : memref<80xi32, #tpu.memory_space<vmem>>) semaphore(%arg17 : memref<!tpu.dma_semaphore, #tpu.memory_space<semaphore_mem>>) {add = true}
      %eq3A_296 = arith.constant 0 : i32
      %eq3A_297 = arith.cmpi eq, %rem3A_261, %eq3A_296 : i32
      %add3A_298 = arith.constant 2 : i32
      %add3A_299 = arith.addi %div3A_259, %add3A_298 : i32
      %mul3A_300 = arith.constant 8 : i32
      %mul3A_301 = arith.muli %add3A_299, %mul3A_300 : i32
      %lt3A_302 = arith.cmpi slt, %mul3A_301, %select_n3A_2 : i32
      %and3A_303 = arith.andi %eq3A_297, %lt3A_302 : i1
      %convert_element_type3A_304 = arith.extui %and3A_303 : i1 to i32
      %cond3A_305 = arith.constant 0 : i32
      %cond3A_306 = arith.cmpi ne, %convert_element_type3A_304, %cond3A_305 : i32
      scf.if %cond3A_306 {
        %add3A_372 = arith.constant 2 : i32
        %add3A_373 = arith.addi %div3A_259, %add3A_372 : i32
        %mul3A_374 = arith.constant 8 : i32
        %mul3A_375 = arith.muli %add3A_373, %mul3A_374 : i32
        %add3A_376 = arith.addi %select_n3A_9, %mul3A_375 : i32
        %add3A_377 = arith.constant 2 : i32
        %add3A_378 = arith.addi %div3A_259, %add3A_377 : i32
        %rem3A_379 = arith.constant 3 : i32
        %rem3A_380 = arith.remsi %add3A_378, %rem3A_379 : i32
        "tpu.region"() ({
          %run_scoped3A_390 = tpu.sem_alloc : memref<!tpu.dma_semaphore, #tpu.memory_space<semaphore_mem>>
          %dma_start3A_391 = arith.constant 0 : i32
          %dma_start3A_392 = arith.constant 0 : i32
          %dma_start3A_393 = tpu.memref_slice %arg7[%rem3A_380, %dma_start3A_391, %dma_start3A_392] : memref<3x8x80xi32, #tpu.memory_space<vmem>> -> memref<1x8x80xi32, #tpu.memory_space<vmem>>
          %dma_start3A_394 = tpu.memref_squeeze %dma_start3A_393 : memref<1x8x80xi32, #tpu.memory_space<vmem>> -> memref<8x80xi32, #tpu.memory_space<vmem>>
          %dma_start3A_395 = arith.constant 0 : i32
          %dma_start3A_396 = tpu.memref_slice %arg3[%add3A_376, %dma_start3A_395] : memref<4096x80xi32, #tpu.memory_space<hbm>> -> memref<8x80xi32, #tpu.memory_space<hbm>>
          %dma_start3A_397 = arith.constant 0 : i32
          %dma_start3A_398 = arith.constant 0 : i32
          %dma_start3A_399 = tpu.memref_slice %arg7[%rem3A_380, %dma_start3A_397, %dma_start3A_398] : memref<3x8x80xi32, #tpu.memory_space<vmem>> -> memref<1x8x80xi32, #tpu.memory_space<vmem>>
          %dma_start3A_400 = tpu.memref_squeeze %dma_start3A_399 : memref<1x8x80xi32, #tpu.memory_space<vmem>> -> memref<8x80xi32, #tpu.memory_space<vmem>>
          %dma_start3A_401 = arith.constant 0 : i32
          %dma_start3A_402 = tpu.memref_slice %arg3[%add3A_376, %dma_start3A_401] : memref<4096x80xi32, #tpu.memory_space<hbm>> -> memref<8x80xi32, #tpu.memory_space<hbm>>
          tpu.enqueue_dma source(%dma_start3A_402 : memref<8x80xi32, #tpu.memory_space<hbm>>) target(%dma_start3A_400 : memref<8x80xi32, #tpu.memory_space<vmem>>) target_semaphore(%run_scoped3A_390 : memref<!tpu.dma_semaphore, #tpu.memory_space<semaphore_mem>>)
          %dma_wait3A_403 = arith.constant 0 : i32
          %dma_wait3A_404 = arith.constant 0 : i32
          %dma_wait3A_405 = tpu.memref_slice %arg7[%rem3A_380, %dma_wait3A_403, %dma_wait3A_404] : memref<3x8x80xi32, #tpu.memory_space<vmem>> -> memref<1x8x80xi32, #tpu.memory_space<vmem>>
          %dma_wait3A_406 = tpu.memref_squeeze %dma_wait3A_405 : memref<1x8x80xi32, #tpu.memory_space<vmem>> -> memref<8x80xi32, #tpu.memory_space<vmem>>
          %dma_wait3A_407 = arith.constant 0 : i32
          %dma_wait3A_408 = tpu.memref_slice %arg3[%add3A_376, %dma_wait3A_407] : memref<4096x80xi32, #tpu.memory_space<hbm>> -> memref<8x80xi32, #tpu.memory_space<hbm>>
          %dma_wait3A_409 = arith.constant 0 : i32
          %dma_wait3A_410 = arith.constant 0 : i32
          %dma_wait3A_411 = tpu.memref_slice %arg7[%rem3A_380, %dma_wait3A_409, %dma_wait3A_410] : memref<3x8x80xi32, #tpu.memory_space<vmem>> -> memref<1x8x80xi32, #tpu.memory_space<vmem>>
          %dma_wait3A_412 = tpu.memref_squeeze %dma_wait3A_411 : memref<1x8x80xi32, #tpu.memory_space<vmem>> -> memref<8x80xi32, #tpu.memory_space<vmem>>
          %dma_wait3A_413 = arith.constant 0 : i32
          %dma_wait3A_414 = tpu.memref_slice %arg3[%add3A_376, %dma_wait3A_413] : memref<4096x80xi32, #tpu.memory_space<hbm>> -> memref<8x80xi32, #tpu.memory_space<hbm>>
          tpu.wait_dma2 semaphore(%run_scoped3A_390 : memref<!tpu.dma_semaphore, #tpu.memory_space<semaphore_mem>>) src(%dma_wait3A_414 : memref<8x80xi32, #tpu.memory_space<hbm>>) dst(%dma_wait3A_412 : memref<8x80xi32, #tpu.memory_space<vmem>>)
          tpu.yield
        }) : () -> ()
        %add3A_381 = arith.constant 2 : i32
        %add3A_382 = arith.addi %div3A_259, %add3A_381 : i32
        %mul3A_383 = arith.constant 8 : i32
        %mul3A_384 = arith.muli %add3A_382, %mul3A_383 : i32
        %add3A_385 = arith.addi %select_n3A_9, %mul3A_384 : i32
        %add3A_386 = arith.constant 2 : i32
        %add3A_387 = arith.addi %div3A_259, %add3A_386 : i32
        %rem3A_388 = arith.constant 4 : i32
        %rem3A_389 = arith.remsi %add3A_387, %rem3A_388 : i32
        "tpu.region"() ({
          %run_scoped3A_390 = tpu.sem_alloc : memref<!tpu.dma_semaphore, #tpu.memory_space<semaphore_mem>>
          %dma_start3A_391 = arith.constant 0 : i32
          %dma_start3A_392 = arith.constant 0 : i32
          %dma_start3A_393 = tpu.memref_slice %arg8[%rem3A_389, %dma_start3A_391, %dma_start3A_392] : memref<4x8x80xi32, #tpu.memory_space<vmem>> -> memref<1x8x80xi32, #tpu.memory_space<vmem>>
          %dma_start3A_394 = tpu.memref_squeeze %dma_start3A_393 : memref<1x8x80xi32, #tpu.memory_space<vmem>> -> memref<8x80xi32, #tpu.memory_space<vmem>>
          %dma_start3A_395 = arith.constant 0 : i32
          %dma_start3A_396 = tpu.memref_slice %arg4[%add3A_385, %dma_start3A_395] : memref<4096x80xi32, #tpu.memory_space<hbm>> -> memref<8x80xi32, #tpu.memory_space<hbm>>
          %dma_start3A_397 = arith.constant 0 : i32
          %dma_start3A_398 = arith.constant 0 : i32
          %dma_start3A_399 = tpu.memref_slice %arg8[%rem3A_389, %dma_start3A_397, %dma_start3A_398] : memref<4x8x80xi32, #tpu.memory_space<vmem>> -> memref<1x8x80xi32, #tpu.memory_space<vmem>>
          %dma_start3A_400 = tpu.memref_squeeze %dma_start3A_399 : memref<1x8x80xi32, #tpu.memory_space<vmem>> -> memref<8x80xi32, #tpu.memory_space<vmem>>
          %dma_start3A_401 = arith.constant 0 : i32
          %dma_start3A_402 = tpu.memref_slice %arg4[%add3A_385, %dma_start3A_401] : memref<4096x80xi32, #tpu.memory_space<hbm>> -> memref<8x80xi32, #tpu.memory_space<hbm>>
          tpu.enqueue_dma source(%dma_start3A_402 : memref<8x80xi32, #tpu.memory_space<hbm>>) target(%dma_start3A_400 : memref<8x80xi32, #tpu.memory_space<vmem>>) target_semaphore(%run_scoped3A_390 : memref<!tpu.dma_semaphore, #tpu.memory_space<semaphore_mem>>)
          %dma_wait3A_403 = arith.constant 0 : i32
          %dma_wait3A_404 = arith.constant 0 : i32
          %dma_wait3A_405 = tpu.memref_slice %arg8[%rem3A_389, %dma_wait3A_403, %dma_wait3A_404] : memref<4x8x80xi32, #tpu.memory_space<vmem>> -> memref<1x8x80xi32, #tpu.memory_space<vmem>>
          %dma_wait3A_406 = tpu.memref_squeeze %dma_wait3A_405 : memref<1x8x80xi32, #tpu.memory_space<vmem>> -> memref<8x80xi32, #tpu.memory_space<vmem>>
          %dma_wait3A_407 = arith.constant 0 : i32
          %dma_wait3A_408 = tpu.memref_slice %arg4[%add3A_385, %dma_wait3A_407] : memref<4096x80xi32, #tpu.memory_space<hbm>> -> memref<8x80xi32, #tpu.memory_space<hbm>>
          %dma_wait3A_409 = arith.constant 0 : i32
          %dma_wait3A_410 = arith.constant 0 : i32
          %dma_wait3A_411 = tpu.memref_slice %arg8[%rem3A_389, %dma_wait3A_409, %dma_wait3A_410] : memref<4x8x80xi32, #tpu.memory_space<vmem>> -> memref<1x8x80xi32, #tpu.memory_space<vmem>>
          %dma_wait3A_412 = tpu.memref_squeeze %dma_wait3A_411 : memref<1x8x80xi32, #tpu.memory_space<vmem>> -> memref<8x80xi32, #tpu.memory_space<vmem>>
          %dma_wait3A_413 = arith.constant 0 : i32
          %dma_wait3A_414 = tpu.memref_slice %arg4[%add3A_385, %dma_wait3A_413] : memref<4096x80xi32, #tpu.memory_space<hbm>> -> memref<8x80xi32, #tpu.memory_space<hbm>>
          tpu.wait_dma2 semaphore(%run_scoped3A_390 : memref<!tpu.dma_semaphore, #tpu.memory_space<semaphore_mem>>) src(%dma_wait3A_414 : memref<8x80xi32, #tpu.memory_space<hbm>>) dst(%dma_wait3A_412 : memref<8x80xi32, #tpu.memory_space<vmem>>)
          tpu.yield
        }) : () -> ()
      } else {
      }
      %add3A_307 = arith.constant 2 : i32
      %add3A_308 = arith.addi %add3A_257, %add3A_307 : i32
      %lt3A_309 = arith.cmpi slt, %add3A_308, %select_n3A_2 : i32
      %convert_element_type3A_310 = arith.extui %lt3A_309 : i1 to i32
      %cond3A_311 = arith.constant 0 : i32
      %cond3A_312 = arith.cmpi ne, %convert_element_type3A_310, %cond3A_311 : i32
      scf.if %cond3A_312 {
        %ge3A = arith.constant 4 : i32
        %ge3A_372 = arith.cmpi sge, %add3A_308, %ge3A : i32
        %convert_element_type3A_373 = arith.extui %ge3A_372 : i1 to i32
        %cond3A_374 = arith.constant 0 : i32
        %cond3A_375 = arith.cmpi ne, %convert_element_type3A_373, %cond3A_374 : i32
        scf.if %cond3A_375 {
          %dma_wait3A_397 = arith.constant 0 : i32
          %dma_wait3A_398 = arith.constant 0 : i32
          %dma_wait3A_399 = arith.constant 0 : i32
          %dma_wait3A_400 = arith.constant 0 : i32
          %dma_wait3A_401 = arith.constant 0 : i32
          %dma_wait3A_402 = tpu.memref_slice %arg9[%dma_wait3A_397, %dma_wait3A_400, %dma_wait3A_401] : memref<4x80x128xf32, #tpu.memory_space<vmem>> -> memref<1x80x128xf32, #tpu.memory_space<vmem>>
          %dma_wait3A_403 = tpu.memref_squeeze %dma_wait3A_402 : memref<1x80x128xf32, #tpu.memory_space<vmem>> -> memref<80x128xf32, #tpu.memory_space<vmem>>
          %dma_wait3A_404 = arith.constant 0 : i32
          %dma_wait3A_405 = arith.constant 0 : i32
          %dma_wait3A_406 = tpu.memref_slice %arg8[%dma_wait3A_398, %dma_wait3A_404, %dma_wait3A_405] : memref<4x8x80xi32, #tpu.memory_space<vmem>> -> memref<1x8x80xi32, #tpu.memory_space<vmem>>
          %dma_wait3A_407 = tpu.memref_squeeze %dma_wait3A_406 : memref<1x8x80xi32, #tpu.memory_space<vmem>> -> memref<8x80xi32, #tpu.memory_space<vmem>>
          %dma_wait3A_408 = arith.constant 0 : i32
          %dma_wait3A_409 = tpu.memref_slice %dma_wait3A_407[%dma_wait3A_399, %dma_wait3A_408] : memref<8x80xi32, #tpu.memory_space<vmem>> -> memref<1x80xi32, #tpu.memory_space<vmem>>
          %dma_wait3A_410 = tpu.memref_squeeze %dma_wait3A_409 : memref<1x80xi32, #tpu.memory_space<vmem>> -> memref<80xi32, #tpu.memory_space<vmem>>
          %dma_wait3A_411 = arith.constant 0 : i32
          %dma_wait3A_412 = arith.constant 0 : i32
          %dma_wait3A_413 = tpu.memref_slice %arg10[%dma_wait3A_411, %dma_wait3A_412] : memref<10240x128xf32, #tpu.memory_space<vmem_shared>> -> memref<10240x128xf32, #tpu.memory_space<vmem_shared>>
          tpu.wait_indirect_dma semaphore(%arg15 : memref<!tpu.dma_semaphore, #tpu.memory_space<semaphore_mem>>) src(%dma_wait3A_403 : memref<80x128xf32, #tpu.memory_space<vmem>>) dst(%dma_wait3A_413 : memref<10240x128xf32, #tpu.memory_space<vmem_shared>>)
        } else {
        }
        %div3A_376 = arith.constant 8 : i32
        %div3A_377 = arith.divsi %add3A_308, %div3A_376 : i32
        %rem3A_378 = arith.constant 3 : i32
        %rem3A_379 = arith.remsi %div3A_377, %rem3A_378 : i32
        %rem3A_380 = arith.constant 8 : i32
        %rem3A_381 = arith.remsi %add3A_308, %rem3A_380 : i32
        %dma_start3A_382 = arith.constant 0 : i32
        %dma_start3A_383 = arith.constant 0 : i32
        %dma_start3A_384 = arith.constant 0 : i32
        %dma_start3A_385 = tpu.memref_slice %arg9[%dma_start3A_382, %dma_start3A_383, %dma_start3A_384] : memref<4x80x128xf32, #tpu.memory_space<vmem>> -> memref<1x80x128xf32, #tpu.memory_space<vmem>>
        %dma_start3A_386 = tpu.memref_squeeze %dma_start3A_385 : memref<1x80x128xf32, #tpu.memory_space<vmem>> -> memref<80x128xf32, #tpu.memory_space<vmem>>
        %dma_start3A_387 = arith.constant 0 : i32
        %dma_start3A_388 = arith.constant 0 : i32
        %dma_start3A_389 = tpu.memref_slice %arg7[%rem3A_379, %dma_start3A_387, %dma_start3A_388] : memref<3x8x80xi32, #tpu.memory_space<vmem>> -> memref<1x8x80xi32, #tpu.memory_space<vmem>>
        %dma_start3A_390 = tpu.memref_squeeze %dma_start3A_389 : memref<1x8x80xi32, #tpu.memory_space<vmem>> -> memref<8x80xi32, #tpu.memory_space<vmem>>
        %dma_start3A_391 = arith.constant 0 : i32
        %dma_start3A_392 = tpu.memref_slice %dma_start3A_390[%rem3A_381, %dma_start3A_391] : memref<8x80xi32, #tpu.memory_space<vmem>> -> memref<1x80xi32, #tpu.memory_space<vmem>>
        %dma_start3A_393 = tpu.memref_squeeze %dma_start3A_392 : memref<1x80xi32, #tpu.memory_space<vmem>> -> memref<80xi32, #tpu.memory_space<vmem>>
        %dma_start3A_394 = arith.constant 0 : i32
        %dma_start3A_395 = arith.constant 0 : i32
        %dma_start3A_396 = tpu.memref_slice %arg2[%dma_start3A_394, %dma_start3A_395] : memref<10240x128xf32, #tpu.memory_space<hbm>> -> memref<10240x128xf32, #tpu.memory_space<hbm>>
        tpu.enqueue_indirect_dma source(%dma_start3A_396 : memref<10240x128xf32, #tpu.memory_space<hbm>>) target(%dma_start3A_386 : memref<80x128xf32, #tpu.memory_space<vmem>>) offsets(%dma_start3A_393 : memref<80xi32, #tpu.memory_space<vmem>>) semaphore(%arg11 : memref<!tpu.dma_semaphore, #tpu.memory_space<semaphore_mem>>)
      } else {
      }
      %mul3A_313 = arith.constant 4 : i32
      %mul3A_314 = arith.muli %while3A_140, %mul3A_313 : i32
      %add3A_315 = arith.constant 3 : i32
      %add3A_316 = arith.addi %mul3A_314, %add3A_315 : i32
      %div3A_317 = arith.constant 8 : i32
      %div3A_318 = arith.divsi %add3A_316, %div3A_317 : i32
      %rem3A_319 = arith.constant 8 : i32
      %rem3A_320 = arith.remsi %add3A_316, %rem3A_319 : i32
      %rem3A_321 = arith.constant 3 : i32
      %rem3A_322 = arith.remsi %div3A_318, %rem3A_321 : i32
      %dma_wait3A_323 = arith.constant 3 : i32
      %dma_wait3A_324 = arith.constant 0 : i32
      %dma_wait3A_325 = arith.constant 0 : i32
      %dma_wait3A_326 = tpu.memref_slice %arg9[%dma_wait3A_323, %dma_wait3A_324, %dma_wait3A_325] : memref<4x80x128xf32, #tpu.memory_space<vmem>> -> memref<1x80x128xf32, #tpu.memory_space<vmem>>
      %dma_wait3A_327 = tpu.memref_squeeze %dma_wait3A_326 : memref<1x80x128xf32, #tpu.memory_space<vmem>> -> memref<80x128xf32, #tpu.memory_space<vmem>>
      %dma_wait3A_328 = arith.constant 0 : i32
      %dma_wait3A_329 = arith.constant 0 : i32
      %dma_wait3A_330 = tpu.memref_slice %arg7[%rem3A_322, %dma_wait3A_328, %dma_wait3A_329] : memref<3x8x80xi32, #tpu.memory_space<vmem>> -> memref<1x8x80xi32, #tpu.memory_space<vmem>>
      %dma_wait3A_331 = tpu.memref_squeeze %dma_wait3A_330 : memref<1x8x80xi32, #tpu.memory_space<vmem>> -> memref<8x80xi32, #tpu.memory_space<vmem>>
      %dma_wait3A_332 = arith.constant 0 : i32
      %dma_wait3A_333 = tpu.memref_slice %dma_wait3A_331[%rem3A_320, %dma_wait3A_332] : memref<8x80xi32, #tpu.memory_space<vmem>> -> memref<1x80xi32, #tpu.memory_space<vmem>>
      %dma_wait3A_334 = tpu.memref_squeeze %dma_wait3A_333 : memref<1x80xi32, #tpu.memory_space<vmem>> -> memref<80xi32, #tpu.memory_space<vmem>>
      %dma_wait3A_335 = arith.constant 0 : i32
      %dma_wait3A_336 = arith.constant 0 : i32
      %dma_wait3A_337 = tpu.memref_slice %arg2[%dma_wait3A_335, %dma_wait3A_336] : memref<10240x128xf32, #tpu.memory_space<hbm>> -> memref<10240x128xf32, #tpu.memory_space<hbm>>
      tpu.wait_indirect_dma semaphore(%arg14 : memref<!tpu.dma_semaphore, #tpu.memory_space<semaphore_mem>>) src(%dma_wait3A_337 : memref<10240x128xf32, #tpu.memory_space<hbm>>) dst(%dma_wait3A_327 : memref<80x128xf32, #tpu.memory_space<vmem>>)
      %rem3A_338 = arith.constant 4 : i32
      %rem3A_339 = arith.remsi %div3A_318, %rem3A_338 : i32
      %dma_start3A_340 = arith.constant 3 : i32
      %dma_start3A_341 = arith.constant 0 : i32
      %dma_start3A_342 = arith.constant 0 : i32
      %dma_start3A_343 = tpu.memref_slice %arg9[%dma_start3A_340, %dma_start3A_341, %dma_start3A_342] : memref<4x80x128xf32, #tpu.memory_space<vmem>> -> memref<1x80x128xf32, #tpu.memory_space<vmem>>
      %dma_start3A_344 = tpu.memref_squeeze %dma_start3A_343 : memref<1x80x128xf32, #tpu.memory_space<vmem>> -> memref<80x128xf32, #tpu.memory_space<vmem>>
      %dma_start3A_345 = arith.constant 0 : i32
      %dma_start3A_346 = arith.constant 0 : i32
      %dma_start3A_347 = tpu.memref_slice %arg8[%rem3A_339, %dma_start3A_345, %dma_start3A_346] : memref<4x8x80xi32, #tpu.memory_space<vmem>> -> memref<1x8x80xi32, #tpu.memory_space<vmem>>
      %dma_start3A_348 = tpu.memref_squeeze %dma_start3A_347 : memref<1x8x80xi32, #tpu.memory_space<vmem>> -> memref<8x80xi32, #tpu.memory_space<vmem>>
      %dma_start3A_349 = arith.constant 0 : i32
      %dma_start3A_350 = tpu.memref_slice %dma_start3A_348[%rem3A_320, %dma_start3A_349] : memref<8x80xi32, #tpu.memory_space<vmem>> -> memref<1x80xi32, #tpu.memory_space<vmem>>
      %dma_start3A_351 = tpu.memref_squeeze %dma_start3A_350 : memref<1x80xi32, #tpu.memory_space<vmem>> -> memref<80xi32, #tpu.memory_space<vmem>>
      %dma_start3A_352 = arith.constant 0 : i32
      %dma_start3A_353 = arith.constant 0 : i32
      %dma_start3A_354 = tpu.memref_slice %arg10[%dma_start3A_352, %dma_start3A_353] : memref<10240x128xf32, #tpu.memory_space<vmem_shared>> -> memref<10240x128xf32, #tpu.memory_space<vmem_shared>>
      tpu.enqueue_indirect_dma source(%dma_start3A_344 : memref<80x128xf32, #tpu.memory_space<vmem>>) target(%dma_start3A_354 : memref<10240x128xf32, #tpu.memory_space<vmem_shared>>) offsets(%dma_start3A_351 : memref<80xi32, #tpu.memory_space<vmem>>) semaphore(%arg18 : memref<!tpu.dma_semaphore, #tpu.memory_space<semaphore_mem>>) {add = true}
      %eq3A_355 = arith.constant 0 : i32
      %eq3A_356 = arith.cmpi eq, %rem3A_320, %eq3A_355 : i32
      %add3A_357 = arith.constant 2 : i32
      %add3A_358 = arith.addi %div3A_318, %add3A_357 : i32
      %mul3A_359 = arith.constant 8 : i32
      %mul3A_360 = arith.muli %add3A_358, %mul3A_359 : i32
      %lt3A_361 = arith.cmpi slt, %mul3A_360, %select_n3A_2 : i32
      %and3A_362 = arith.andi %eq3A_356, %lt3A_361 : i1
      %convert_element_type3A_363 = arith.extui %and3A_362 : i1 to i32
      %cond3A_364 = arith.constant 0 : i32
      %cond3A_365 = arith.cmpi ne, %convert_element_type3A_363, %cond3A_364 : i32
      scf.if %cond3A_365 {
        %add3A_372 = arith.constant 2 : i32
        %add3A_373 = arith.addi %div3A_318, %add3A_372 : i32
        %mul3A_374 = arith.constant 8 : i32
        %mul3A_375 = arith.muli %add3A_373, %mul3A_374 : i32
        %add3A_376 = arith.addi %select_n3A_9, %mul3A_375 : i32
        %add3A_377 = arith.constant 2 : i32
        %add3A_378 = arith.addi %div3A_318, %add3A_377 : i32
        %rem3A_379 = arith.constant 3 : i32
        %rem3A_380 = arith.remsi %add3A_378, %rem3A_379 : i32
        "tpu.region"() ({
          %run_scoped3A_390 = tpu.sem_alloc : memref<!tpu.dma_semaphore, #tpu.memory_space<semaphore_mem>>
          %dma_start3A_391 = arith.constant 0 : i32
          %dma_start3A_392 = arith.constant 0 : i32
          %dma_start3A_393 = tpu.memref_slice %arg7[%rem3A_380, %dma_start3A_391, %dma_start3A_392] : memref<3x8x80xi32, #tpu.memory_space<vmem>> -> memref<1x8x80xi32, #tpu.memory_space<vmem>>
          %dma_start3A_394 = tpu.memref_squeeze %dma_start3A_393 : memref<1x8x80xi32, #tpu.memory_space<vmem>> -> memref<8x80xi32, #tpu.memory_space<vmem>>
          %dma_start3A_395 = arith.constant 0 : i32
          %dma_start3A_396 = tpu.memref_slice %arg3[%add3A_376, %dma_start3A_395] : memref<4096x80xi32, #tpu.memory_space<hbm>> -> memref<8x80xi32, #tpu.memory_space<hbm>>
          %dma_start3A_397 = arith.constant 0 : i32
          %dma_start3A_398 = arith.constant 0 : i32
          %dma_start3A_399 = tpu.memref_slice %arg7[%rem3A_380, %dma_start3A_397, %dma_start3A_398] : memref<3x8x80xi32, #tpu.memory_space<vmem>> -> memref<1x8x80xi32, #tpu.memory_space<vmem>>
          %dma_start3A_400 = tpu.memref_squeeze %dma_start3A_399 : memref<1x8x80xi32, #tpu.memory_space<vmem>> -> memref<8x80xi32, #tpu.memory_space<vmem>>
          %dma_start3A_401 = arith.constant 0 : i32
          %dma_start3A_402 = tpu.memref_slice %arg3[%add3A_376, %dma_start3A_401] : memref<4096x80xi32, #tpu.memory_space<hbm>> -> memref<8x80xi32, #tpu.memory_space<hbm>>
          tpu.enqueue_dma source(%dma_start3A_402 : memref<8x80xi32, #tpu.memory_space<hbm>>) target(%dma_start3A_400 : memref<8x80xi32, #tpu.memory_space<vmem>>) target_semaphore(%run_scoped3A_390 : memref<!tpu.dma_semaphore, #tpu.memory_space<semaphore_mem>>)
          %dma_wait3A_403 = arith.constant 0 : i32
          %dma_wait3A_404 = arith.constant 0 : i32
          %dma_wait3A_405 = tpu.memref_slice %arg7[%rem3A_380, %dma_wait3A_403, %dma_wait3A_404] : memref<3x8x80xi32, #tpu.memory_space<vmem>> -> memref<1x8x80xi32, #tpu.memory_space<vmem>>
          %dma_wait3A_406 = tpu.memref_squeeze %dma_wait3A_405 : memref<1x8x80xi32, #tpu.memory_space<vmem>> -> memref<8x80xi32, #tpu.memory_space<vmem>>
          %dma_wait3A_407 = arith.constant 0 : i32
          %dma_wait3A_408 = tpu.memref_slice %arg3[%add3A_376, %dma_wait3A_407] : memref<4096x80xi32, #tpu.memory_space<hbm>> -> memref<8x80xi32, #tpu.memory_space<hbm>>
          %dma_wait3A_409 = arith.constant 0 : i32
          %dma_wait3A_410 = arith.constant 0 : i32
          %dma_wait3A_411 = tpu.memref_slice %arg7[%rem3A_380, %dma_wait3A_409, %dma_wait3A_410] : memref<3x8x80xi32, #tpu.memory_space<vmem>> -> memref<1x8x80xi32, #tpu.memory_space<vmem>>
          %dma_wait3A_412 = tpu.memref_squeeze %dma_wait3A_411 : memref<1x8x80xi32, #tpu.memory_space<vmem>> -> memref<8x80xi32, #tpu.memory_space<vmem>>
          %dma_wait3A_413 = arith.constant 0 : i32
          %dma_wait3A_414 = tpu.memref_slice %arg3[%add3A_376, %dma_wait3A_413] : memref<4096x80xi32, #tpu.memory_space<hbm>> -> memref<8x80xi32, #tpu.memory_space<hbm>>
          tpu.wait_dma2 semaphore(%run_scoped3A_390 : memref<!tpu.dma_semaphore, #tpu.memory_space<semaphore_mem>>) src(%dma_wait3A_414 : memref<8x80xi32, #tpu.memory_space<hbm>>) dst(%dma_wait3A_412 : memref<8x80xi32, #tpu.memory_space<vmem>>)
          tpu.yield
        }) : () -> ()
        %add3A_381 = arith.constant 2 : i32
        %add3A_382 = arith.addi %div3A_318, %add3A_381 : i32
        %mul3A_383 = arith.constant 8 : i32
        %mul3A_384 = arith.muli %add3A_382, %mul3A_383 : i32
        %add3A_385 = arith.addi %select_n3A_9, %mul3A_384 : i32
        %add3A_386 = arith.constant 2 : i32
        %add3A_387 = arith.addi %div3A_318, %add3A_386 : i32
        %rem3A_388 = arith.constant 4 : i32
        %rem3A_389 = arith.remsi %add3A_387, %rem3A_388 : i32
        "tpu.region"() ({
          %run_scoped3A_390 = tpu.sem_alloc : memref<!tpu.dma_semaphore, #tpu.memory_space<semaphore_mem>>
          %dma_start3A_391 = arith.constant 0 : i32
          %dma_start3A_392 = arith.constant 0 : i32
          %dma_start3A_393 = tpu.memref_slice %arg8[%rem3A_389, %dma_start3A_391, %dma_start3A_392] : memref<4x8x80xi32, #tpu.memory_space<vmem>> -> memref<1x8x80xi32, #tpu.memory_space<vmem>>
          %dma_start3A_394 = tpu.memref_squeeze %dma_start3A_393 : memref<1x8x80xi32, #tpu.memory_space<vmem>> -> memref<8x80xi32, #tpu.memory_space<vmem>>
          %dma_start3A_395 = arith.constant 0 : i32
          %dma_start3A_396 = tpu.memref_slice %arg4[%add3A_385, %dma_start3A_395] : memref<4096x80xi32, #tpu.memory_space<hbm>> -> memref<8x80xi32, #tpu.memory_space<hbm>>
          %dma_start3A_397 = arith.constant 0 : i32
          %dma_start3A_398 = arith.constant 0 : i32
          %dma_start3A_399 = tpu.memref_slice %arg8[%rem3A_389, %dma_start3A_397, %dma_start3A_398] : memref<4x8x80xi32, #tpu.memory_space<vmem>> -> memref<1x8x80xi32, #tpu.memory_space<vmem>>
          %dma_start3A_400 = tpu.memref_squeeze %dma_start3A_399 : memref<1x8x80xi32, #tpu.memory_space<vmem>> -> memref<8x80xi32, #tpu.memory_space<vmem>>
          %dma_start3A_401 = arith.constant 0 : i32
          %dma_start3A_402 = tpu.memref_slice %arg4[%add3A_385, %dma_start3A_401] : memref<4096x80xi32, #tpu.memory_space<hbm>> -> memref<8x80xi32, #tpu.memory_space<hbm>>
          tpu.enqueue_dma source(%dma_start3A_402 : memref<8x80xi32, #tpu.memory_space<hbm>>) target(%dma_start3A_400 : memref<8x80xi32, #tpu.memory_space<vmem>>) target_semaphore(%run_scoped3A_390 : memref<!tpu.dma_semaphore, #tpu.memory_space<semaphore_mem>>)
          %dma_wait3A_403 = arith.constant 0 : i32
          %dma_wait3A_404 = arith.constant 0 : i32
          %dma_wait3A_405 = tpu.memref_slice %arg8[%rem3A_389, %dma_wait3A_403, %dma_wait3A_404] : memref<4x8x80xi32, #tpu.memory_space<vmem>> -> memref<1x8x80xi32, #tpu.memory_space<vmem>>
          %dma_wait3A_406 = tpu.memref_squeeze %dma_wait3A_405 : memref<1x8x80xi32, #tpu.memory_space<vmem>> -> memref<8x80xi32, #tpu.memory_space<vmem>>
          %dma_wait3A_407 = arith.constant 0 : i32
          %dma_wait3A_408 = tpu.memref_slice %arg4[%add3A_385, %dma_wait3A_407] : memref<4096x80xi32, #tpu.memory_space<hbm>> -> memref<8x80xi32, #tpu.memory_space<hbm>>
          %dma_wait3A_409 = arith.constant 0 : i32
          %dma_wait3A_410 = arith.constant 0 : i32
          %dma_wait3A_411 = tpu.memref_slice %arg8[%rem3A_389, %dma_wait3A_409, %dma_wait3A_410] : memref<4x8x80xi32, #tpu.memory_space<vmem>> -> memref<1x8x80xi32, #tpu.memory_space<vmem>>
          %dma_wait3A_412 = tpu.memref_squeeze %dma_wait3A_411 : memref<1x8x80xi32, #tpu.memory_space<vmem>> -> memref<8x80xi32, #tpu.memory_space<vmem>>
          %dma_wait3A_413 = arith.constant 0 : i32
          %dma_wait3A_414 = tpu.memref_slice %arg4[%add3A_385, %dma_wait3A_413] : memref<4096x80xi32, #tpu.memory_space<hbm>> -> memref<8x80xi32, #tpu.memory_space<hbm>>
          tpu.wait_dma2 semaphore(%run_scoped3A_390 : memref<!tpu.dma_semaphore, #tpu.memory_space<semaphore_mem>>) src(%dma_wait3A_414 : memref<8x80xi32, #tpu.memory_space<hbm>>) dst(%dma_wait3A_412 : memref<8x80xi32, #tpu.memory_space<vmem>>)
          tpu.yield
        }) : () -> ()
      } else {
      }
      %add3A_366 = arith.constant 2 : i32
      %add3A_367 = arith.addi %add3A_316, %add3A_366 : i32
      %lt3A_368 = arith.cmpi slt, %add3A_367, %select_n3A_2 : i32
      %convert_element_type3A_369 = arith.extui %lt3A_368 : i1 to i32
      %cond3A_370 = arith.constant 0 : i32
      %cond3A_371 = arith.cmpi ne, %convert_element_type3A_369, %cond3A_370 : i32
      scf.if %cond3A_371 {
        %ge3A = arith.constant 4 : i32
        %ge3A_372 = arith.cmpi sge, %add3A_367, %ge3A : i32
        %convert_element_type3A_373 = arith.extui %ge3A_372 : i1 to i32
        %cond3A_374 = arith.constant 0 : i32
        %cond3A_375 = arith.cmpi ne, %convert_element_type3A_373, %cond3A_374 : i32
        scf.if %cond3A_375 {
          %dma_wait3A_397 = arith.constant 1 : i32
          %dma_wait3A_398 = arith.constant 0 : i32
          %dma_wait3A_399 = arith.constant 0 : i32
          %dma_wait3A_400 = arith.constant 0 : i32
          %dma_wait3A_401 = arith.constant 0 : i32
          %dma_wait3A_402 = tpu.memref_slice %arg9[%dma_wait3A_397, %dma_wait3A_400, %dma_wait3A_401] : memref<4x80x128xf32, #tpu.memory_space<vmem>> -> memref<1x80x128xf32, #tpu.memory_space<vmem>>
          %dma_wait3A_403 = tpu.memref_squeeze %dma_wait3A_402 : memref<1x80x128xf32, #tpu.memory_space<vmem>> -> memref<80x128xf32, #tpu.memory_space<vmem>>
          %dma_wait3A_404 = arith.constant 0 : i32
          %dma_wait3A_405 = arith.constant 0 : i32
          %dma_wait3A_406 = tpu.memref_slice %arg8[%dma_wait3A_398, %dma_wait3A_404, %dma_wait3A_405] : memref<4x8x80xi32, #tpu.memory_space<vmem>> -> memref<1x8x80xi32, #tpu.memory_space<vmem>>
          %dma_wait3A_407 = tpu.memref_squeeze %dma_wait3A_406 : memref<1x8x80xi32, #tpu.memory_space<vmem>> -> memref<8x80xi32, #tpu.memory_space<vmem>>
          %dma_wait3A_408 = arith.constant 0 : i32
          %dma_wait3A_409 = tpu.memref_slice %dma_wait3A_407[%dma_wait3A_399, %dma_wait3A_408] : memref<8x80xi32, #tpu.memory_space<vmem>> -> memref<1x80xi32, #tpu.memory_space<vmem>>
          %dma_wait3A_410 = tpu.memref_squeeze %dma_wait3A_409 : memref<1x80xi32, #tpu.memory_space<vmem>> -> memref<80xi32, #tpu.memory_space<vmem>>
          %dma_wait3A_411 = arith.constant 0 : i32
          %dma_wait3A_412 = arith.constant 0 : i32
          %dma_wait3A_413 = tpu.memref_slice %arg10[%dma_wait3A_411, %dma_wait3A_412] : memref<10240x128xf32, #tpu.memory_space<vmem_shared>> -> memref<10240x128xf32, #tpu.memory_space<vmem_shared>>
          tpu.wait_indirect_dma semaphore(%arg16 : memref<!tpu.dma_semaphore, #tpu.memory_space<semaphore_mem>>) src(%dma_wait3A_403 : memref<80x128xf32, #tpu.memory_space<vmem>>) dst(%dma_wait3A_413 : memref<10240x128xf32, #tpu.memory_space<vmem_shared>>)
        } else {
        }
        %div3A_376 = arith.constant 8 : i32
        %div3A_377 = arith.divsi %add3A_367, %div3A_376 : i32
        %rem3A_378 = arith.constant 3 : i32
        %rem3A_379 = arith.remsi %div3A_377, %rem3A_378 : i32
        %rem3A_380 = arith.constant 8 : i32
        %rem3A_381 = arith.remsi %add3A_367, %rem3A_380 : i32
        %dma_start3A_382 = arith.constant 1 : i32
        %dma_start3A_383 = arith.constant 0 : i32
        %dma_start3A_384 = arith.constant 0 : i32
        %dma_start3A_385 = tpu.memref_slice %arg9[%dma_start3A_382, %dma_start3A_383, %dma_start3A_384] : memref<4x80x128xf32, #tpu.memory_space<vmem>> -> memref<1x80x128xf32, #tpu.memory_space<vmem>>
        %dma_start3A_386 = tpu.memref_squeeze %dma_start3A_385 : memref<1x80x128xf32, #tpu.memory_space<vmem>> -> memref<80x128xf32, #tpu.memory_space<vmem>>
        %dma_start3A_387 = arith.constant 0 : i32
        %dma_start3A_388 = arith.constant 0 : i32
        %dma_start3A_389 = tpu.memref_slice %arg7[%rem3A_379, %dma_start3A_387, %dma_start3A_388] : memref<3x8x80xi32, #tpu.memory_space<vmem>> -> memref<1x8x80xi32, #tpu.memory_space<vmem>>
        %dma_start3A_390 = tpu.memref_squeeze %dma_start3A_389 : memref<1x8x80xi32, #tpu.memory_space<vmem>> -> memref<8x80xi32, #tpu.memory_space<vmem>>
        %dma_start3A_391 = arith.constant 0 : i32
        %dma_start3A_392 = tpu.memref_slice %dma_start3A_390[%rem3A_381, %dma_start3A_391] : memref<8x80xi32, #tpu.memory_space<vmem>> -> memref<1x80xi32, #tpu.memory_space<vmem>>
        %dma_start3A_393 = tpu.memref_squeeze %dma_start3A_392 : memref<1x80xi32, #tpu.memory_space<vmem>> -> memref<80xi32, #tpu.memory_space<vmem>>
        %dma_start3A_394 = arith.constant 0 : i32
        %dma_start3A_395 = arith.constant 0 : i32
        %dma_start3A_396 = tpu.memref_slice %arg2[%dma_start3A_394, %dma_start3A_395] : memref<10240x128xf32, #tpu.memory_space<hbm>> -> memref<10240x128xf32, #tpu.memory_space<hbm>>
        tpu.enqueue_indirect_dma source(%dma_start3A_396 : memref<10240x128xf32, #tpu.memory_space<hbm>>) target(%dma_start3A_386 : memref<80x128xf32, #tpu.memory_space<vmem>>) offsets(%dma_start3A_393 : memref<80xi32, #tpu.memory_space<vmem>>) semaphore(%arg12 : memref<!tpu.dma_semaphore, #tpu.memory_space<semaphore_mem>>)
      } else {
      }
    }
    %while3A_67 = arith.constant 1 : i32
    scf.for %while3A_140 = %while3A_65 to %while3A_61 step %while3A_67  : i32 {
      %mul3A_141 = arith.constant 4 : i32
      %mul3A_142 = arith.muli %while3A_140, %mul3A_141 : i32
      %add3A_143 = arith.constant 0 : i32
      %add3A_144 = arith.addi %mul3A_142, %add3A_143 : i32
      %div3A_145 = arith.constant 8 : i32
      %div3A_146 = arith.divsi %add3A_144, %div3A_145 : i32
      %rem3A = arith.constant 8 : i32
      %rem3A_147 = arith.remsi %add3A_144, %rem3A : i32
      %rem3A_148 = arith.constant 3 : i32
      %rem3A_149 = arith.remsi %div3A_146, %rem3A_148 : i32
      %dma_wait3A_150 = arith.constant 0 : i32
      %dma_wait3A_151 = arith.constant 0 : i32
      %dma_wait3A_152 = arith.constant 0 : i32
      %dma_wait3A_153 = tpu.memref_slice %arg9[%dma_wait3A_150, %dma_wait3A_151, %dma_wait3A_152] : memref<4x80x128xf32, #tpu.memory_space<vmem>> -> memref<1x80x128xf32, #tpu.memory_space<vmem>>
      %dma_wait3A_154 = tpu.memref_squeeze %dma_wait3A_153 : memref<1x80x128xf32, #tpu.memory_space<vmem>> -> memref<80x128xf32, #tpu.memory_space<vmem>>
      %dma_wait3A_155 = arith.constant 0 : i32
      %dma_wait3A_156 = arith.constant 0 : i32
      %dma_wait3A_157 = tpu.memref_slice %arg7[%rem3A_149, %dma_wait3A_155, %dma_wait3A_156] : memref<3x8x80xi32, #tpu.memory_space<vmem>> -> memref<1x8x80xi32, #tpu.memory_space<vmem>>
      %dma_wait3A_158 = tpu.memref_squeeze %dma_wait3A_157 : memref<1x8x80xi32, #tpu.memory_space<vmem>> -> memref<8x80xi32, #tpu.memory_space<vmem>>
      %dma_wait3A_159 = arith.constant 0 : i32
      %dma_wait3A_160 = tpu.memref_slice %dma_wait3A_158[%rem3A_147, %dma_wait3A_159] : memref<8x80xi32, #tpu.memory_space<vmem>> -> memref<1x80xi32, #tpu.memory_space<vmem>>
      %dma_wait3A_161 = tpu.memref_squeeze %dma_wait3A_160 : memref<1x80xi32, #tpu.memory_space<vmem>> -> memref<80xi32, #tpu.memory_space<vmem>>
      %dma_wait3A_162 = arith.constant 0 : i32
      %dma_wait3A_163 = arith.constant 0 : i32
      %dma_wait3A_164 = tpu.memref_slice %arg2[%dma_wait3A_162, %dma_wait3A_163] : memref<10240x128xf32, #tpu.memory_space<hbm>> -> memref<10240x128xf32, #tpu.memory_space<hbm>>
      tpu.wait_indirect_dma semaphore(%arg11 : memref<!tpu.dma_semaphore, #tpu.memory_space<semaphore_mem>>) src(%dma_wait3A_164 : memref<10240x128xf32, #tpu.memory_space<hbm>>) dst(%dma_wait3A_154 : memref<80x128xf32, #tpu.memory_space<vmem>>)
      %rem3A_165 = arith.constant 4 : i32
      %rem3A_166 = arith.remsi %div3A_146, %rem3A_165 : i32
      %dma_start3A_167 = arith.constant 0 : i32
      %dma_start3A_168 = arith.constant 0 : i32
      %dma_start3A_169 = arith.constant 0 : i32
      %dma_start3A_170 = tpu.memref_slice %arg9[%dma_start3A_167, %dma_start3A_168, %dma_start3A_169] : memref<4x80x128xf32, #tpu.memory_space<vmem>> -> memref<1x80x128xf32, #tpu.memory_space<vmem>>
      %dma_start3A_171 = tpu.memref_squeeze %dma_start3A_170 : memref<1x80x128xf32, #tpu.memory_space<vmem>> -> memref<80x128xf32, #tpu.memory_space<vmem>>
      %dma_start3A_172 = arith.constant 0 : i32
      %dma_start3A_173 = arith.constant 0 : i32
      %dma_start3A_174 = tpu.memref_slice %arg8[%rem3A_166, %dma_start3A_172, %dma_start3A_173] : memref<4x8x80xi32, #tpu.memory_space<vmem>> -> memref<1x8x80xi32, #tpu.memory_space<vmem>>
      %dma_start3A_175 = tpu.memref_squeeze %dma_start3A_174 : memref<1x8x80xi32, #tpu.memory_space<vmem>> -> memref<8x80xi32, #tpu.memory_space<vmem>>
      %dma_start3A_176 = arith.constant 0 : i32
      %dma_start3A_177 = tpu.memref_slice %dma_start3A_175[%rem3A_147, %dma_start3A_176] : memref<8x80xi32, #tpu.memory_space<vmem>> -> memref<1x80xi32, #tpu.memory_space<vmem>>
      %dma_start3A_178 = tpu.memref_squeeze %dma_start3A_177 : memref<1x80xi32, #tpu.memory_space<vmem>> -> memref<80xi32, #tpu.memory_space<vmem>>
      %dma_start3A_179 = arith.constant 0 : i32
      %dma_start3A_180 = arith.constant 0 : i32
      %dma_start3A_181 = tpu.memref_slice %arg10[%dma_start3A_179, %dma_start3A_180] : memref<10240x128xf32, #tpu.memory_space<vmem_shared>> -> memref<10240x128xf32, #tpu.memory_space<vmem_shared>>
      tpu.enqueue_indirect_dma source(%dma_start3A_171 : memref<80x128xf32, #tpu.memory_space<vmem>>) target(%dma_start3A_181 : memref<10240x128xf32, #tpu.memory_space<vmem_shared>>) offsets(%dma_start3A_178 : memref<80xi32, #tpu.memory_space<vmem>>) semaphore(%arg15 : memref<!tpu.dma_semaphore, #tpu.memory_space<semaphore_mem>>) {add = true}
      %eq3A_182 = arith.constant 0 : i32
      %eq3A_183 = arith.cmpi eq, %rem3A_147, %eq3A_182 : i32
      %add3A_184 = arith.constant 2 : i32
      %add3A_185 = arith.addi %div3A_146, %add3A_184 : i32
      %mul3A_186 = arith.constant 8 : i32
      %mul3A_187 = arith.muli %add3A_185, %mul3A_186 : i32
      %lt3A = arith.cmpi slt, %mul3A_187, %select_n3A_2 : i32
      %and3A = arith.andi %eq3A_183, %lt3A : i1
      %convert_element_type3A = arith.extui %and3A : i1 to i32
      %cond3A = arith.constant 0 : i32
      %cond3A_188 = arith.cmpi ne, %convert_element_type3A, %cond3A : i32
      scf.if %cond3A_188 {
        %add3A_372 = arith.constant 2 : i32
        %add3A_373 = arith.addi %div3A_146, %add3A_372 : i32
        %mul3A_374 = arith.constant 8 : i32
        %mul3A_375 = arith.muli %add3A_373, %mul3A_374 : i32
        %add3A_376 = arith.addi %select_n3A_9, %mul3A_375 : i32
        %add3A_377 = arith.constant 2 : i32
        %add3A_378 = arith.addi %div3A_146, %add3A_377 : i32
        %rem3A_379 = arith.constant 3 : i32
        %rem3A_380 = arith.remsi %add3A_378, %rem3A_379 : i32
        "tpu.region"() ({
          %run_scoped3A_390 = tpu.sem_alloc : memref<!tpu.dma_semaphore, #tpu.memory_space<semaphore_mem>>
          %dma_start3A_391 = arith.constant 0 : i32
          %dma_start3A_392 = arith.constant 0 : i32
          %dma_start3A_393 = tpu.memref_slice %arg7[%rem3A_380, %dma_start3A_391, %dma_start3A_392] : memref<3x8x80xi32, #tpu.memory_space<vmem>> -> memref<1x8x80xi32, #tpu.memory_space<vmem>>
          %dma_start3A_394 = tpu.memref_squeeze %dma_start3A_393 : memref<1x8x80xi32, #tpu.memory_space<vmem>> -> memref<8x80xi32, #tpu.memory_space<vmem>>
          %dma_start3A_395 = arith.constant 0 : i32
          %dma_start3A_396 = tpu.memref_slice %arg3[%add3A_376, %dma_start3A_395] : memref<4096x80xi32, #tpu.memory_space<hbm>> -> memref<8x80xi32, #tpu.memory_space<hbm>>
          %dma_start3A_397 = arith.constant 0 : i32
          %dma_start3A_398 = arith.constant 0 : i32
          %dma_start3A_399 = tpu.memref_slice %arg7[%rem3A_380, %dma_start3A_397, %dma_start3A_398] : memref<3x8x80xi32, #tpu.memory_space<vmem>> -> memref<1x8x80xi32, #tpu.memory_space<vmem>>
          %dma_start3A_400 = tpu.memref_squeeze %dma_start3A_399 : memref<1x8x80xi32, #tpu.memory_space<vmem>> -> memref<8x80xi32, #tpu.memory_space<vmem>>
          %dma_start3A_401 = arith.constant 0 : i32
          %dma_start3A_402 = tpu.memref_slice %arg3[%add3A_376, %dma_start3A_401] : memref<4096x80xi32, #tpu.memory_space<hbm>> -> memref<8x80xi32, #tpu.memory_space<hbm>>
          tpu.enqueue_dma source(%dma_start3A_402 : memref<8x80xi32, #tpu.memory_space<hbm>>) target(%dma_start3A_400 : memref<8x80xi32, #tpu.memory_space<vmem>>) target_semaphore(%run_scoped3A_390 : memref<!tpu.dma_semaphore, #tpu.memory_space<semaphore_mem>>)
          %dma_wait3A_403 = arith.constant 0 : i32
          %dma_wait3A_404 = arith.constant 0 : i32
          %dma_wait3A_405 = tpu.memref_slice %arg7[%rem3A_380, %dma_wait3A_403, %dma_wait3A_404] : memref<3x8x80xi32, #tpu.memory_space<vmem>> -> memref<1x8x80xi32, #tpu.memory_space<vmem>>
          %dma_wait3A_406 = tpu.memref_squeeze %dma_wait3A_405 : memref<1x8x80xi32, #tpu.memory_space<vmem>> -> memref<8x80xi32, #tpu.memory_space<vmem>>
          %dma_wait3A_407 = arith.constant 0 : i32
          %dma_wait3A_408 = tpu.memref_slice %arg3[%add3A_376, %dma_wait3A_407] : memref<4096x80xi32, #tpu.memory_space<hbm>> -> memref<8x80xi32, #tpu.memory_space<hbm>>
          %dma_wait3A_409 = arith.constant 0 : i32
          %dma_wait3A_410 = arith.constant 0 : i32
          %dma_wait3A_411 = tpu.memref_slice %arg7[%rem3A_380, %dma_wait3A_409, %dma_wait3A_410] : memref<3x8x80xi32, #tpu.memory_space<vmem>> -> memref<1x8x80xi32, #tpu.memory_space<vmem>>
          %dma_wait3A_412 = tpu.memref_squeeze %dma_wait3A_411 : memref<1x8x80xi32, #tpu.memory_space<vmem>> -> memref<8x80xi32, #tpu.memory_space<vmem>>
          %dma_wait3A_413 = arith.constant 0 : i32
          %dma_wait3A_414 = tpu.memref_slice %arg3[%add3A_376, %dma_wait3A_413] : memref<4096x80xi32, #tpu.memory_space<hbm>> -> memref<8x80xi32, #tpu.memory_space<hbm>>
          tpu.wait_dma2 semaphore(%run_scoped3A_390 : memref<!tpu.dma_semaphore, #tpu.memory_space<semaphore_mem>>) src(%dma_wait3A_414 : memref<8x80xi32, #tpu.memory_space<hbm>>) dst(%dma_wait3A_412 : memref<8x80xi32, #tpu.memory_space<vmem>>)
          tpu.yield
        }) : () -> ()
        %add3A_381 = arith.constant 2 : i32
        %add3A_382 = arith.addi %div3A_146, %add3A_381 : i32
        %mul3A_383 = arith.constant 8 : i32
        %mul3A_384 = arith.muli %add3A_382, %mul3A_383 : i32
        %add3A_385 = arith.addi %select_n3A_9, %mul3A_384 : i32
        %add3A_386 = arith.constant 2 : i32
        %add3A_387 = arith.addi %div3A_146, %add3A_386 : i32
        %rem3A_388 = arith.constant 4 : i32
        %rem3A_389 = arith.remsi %add3A_387, %rem3A_388 : i32
        "tpu.region"() ({
          %run_scoped3A_390 = tpu.sem_alloc : memref<!tpu.dma_semaphore, #tpu.memory_space<semaphore_mem>>
          %dma_start3A_391 = arith.constant 0 : i32
          %dma_start3A_392 = arith.constant 0 : i32
          %dma_start3A_393 = tpu.memref_slice %arg8[%rem3A_389, %dma_start3A_391, %dma_start3A_392] : memref<4x8x80xi32, #tpu.memory_space<vmem>> -> memref<1x8x80xi32, #tpu.memory_space<vmem>>
          %dma_start3A_394 = tpu.memref_squeeze %dma_start3A_393 : memref<1x8x80xi32, #tpu.memory_space<vmem>> -> memref<8x80xi32, #tpu.memory_space<vmem>>
          %dma_start3A_395 = arith.constant 0 : i32
          %dma_start3A_396 = tpu.memref_slice %arg4[%add3A_385, %dma_start3A_395] : memref<4096x80xi32, #tpu.memory_space<hbm>> -> memref<8x80xi32, #tpu.memory_space<hbm>>
          %dma_start3A_397 = arith.constant 0 : i32
          %dma_start3A_398 = arith.constant 0 : i32
          %dma_start3A_399 = tpu.memref_slice %arg8[%rem3A_389, %dma_start3A_397, %dma_start3A_398] : memref<4x8x80xi32, #tpu.memory_space<vmem>> -> memref<1x8x80xi32, #tpu.memory_space<vmem>>
          %dma_start3A_400 = tpu.memref_squeeze %dma_start3A_399 : memref<1x8x80xi32, #tpu.memory_space<vmem>> -> memref<8x80xi32, #tpu.memory_space<vmem>>
          %dma_start3A_401 = arith.constant 0 : i32
          %dma_start3A_402 = tpu.memref_slice %arg4[%add3A_385, %dma_start3A_401] : memref<4096x80xi32, #tpu.memory_space<hbm>> -> memref<8x80xi32, #tpu.memory_space<hbm>>
          tpu.enqueue_dma source(%dma_start3A_402 : memref<8x80xi32, #tpu.memory_space<hbm>>) target(%dma_start3A_400 : memref<8x80xi32, #tpu.memory_space<vmem>>) target_semaphore(%run_scoped3A_390 : memref<!tpu.dma_semaphore, #tpu.memory_space<semaphore_mem>>)
          %dma_wait3A_403 = arith.constant 0 : i32
          %dma_wait3A_404 = arith.constant 0 : i32
          %dma_wait3A_405 = tpu.memref_slice %arg8[%rem3A_389, %dma_wait3A_403, %dma_wait3A_404] : memref<4x8x80xi32, #tpu.memory_space<vmem>> -> memref<1x8x80xi32, #tpu.memory_space<vmem>>
          %dma_wait3A_406 = tpu.memref_squeeze %dma_wait3A_405 : memref<1x8x80xi32, #tpu.memory_space<vmem>> -> memref<8x80xi32, #tpu.memory_space<vmem>>
          %dma_wait3A_407 = arith.constant 0 : i32
          %dma_wait3A_408 = tpu.memref_slice %arg4[%add3A_385, %dma_wait3A_407] : memref<4096x80xi32, #tpu.memory_space<hbm>> -> memref<8x80xi32, #tpu.memory_space<hbm>>
          %dma_wait3A_409 = arith.constant 0 : i32
          %dma_wait3A_410 = arith.constant 0 : i32
          %dma_wait3A_411 = tpu.memref_slice %arg8[%rem3A_389, %dma_wait3A_409, %dma_wait3A_410] : memref<4x8x80xi32, #tpu.memory_space<vmem>> -> memref<1x8x80xi32, #tpu.memory_space<vmem>>
          %dma_wait3A_412 = tpu.memref_squeeze %dma_wait3A_411 : memref<1x8x80xi32, #tpu.memory_space<vmem>> -> memref<8x80xi32, #tpu.memory_space<vmem>>
          %dma_wait3A_413 = arith.constant 0 : i32
          %dma_wait3A_414 = tpu.memref_slice %arg4[%add3A_385, %dma_wait3A_413] : memref<4096x80xi32, #tpu.memory_space<hbm>> -> memref<8x80xi32, #tpu.memory_space<hbm>>
          tpu.wait_dma2 semaphore(%run_scoped3A_390 : memref<!tpu.dma_semaphore, #tpu.memory_space<semaphore_mem>>) src(%dma_wait3A_414 : memref<8x80xi32, #tpu.memory_space<hbm>>) dst(%dma_wait3A_412 : memref<8x80xi32, #tpu.memory_space<vmem>>)
          tpu.yield
        }) : () -> ()
      } else {
      }
      %add3A_189 = arith.constant 2 : i32
      %add3A_190 = arith.addi %add3A_144, %add3A_189 : i32
      %lt3A_191 = arith.cmpi slt, %add3A_190, %select_n3A_2 : i32
      %convert_element_type3A_192 = arith.extui %lt3A_191 : i1 to i32
      %cond3A_193 = arith.constant 0 : i32
      %cond3A_194 = arith.cmpi ne, %convert_element_type3A_192, %cond3A_193 : i32
      scf.if %cond3A_194 {
        %ge3A = arith.constant 4 : i32
        %ge3A_372 = arith.cmpi sge, %add3A_190, %ge3A : i32
        %convert_element_type3A_373 = arith.extui %ge3A_372 : i1 to i32
        %cond3A_374 = arith.constant 0 : i32
        %cond3A_375 = arith.cmpi ne, %convert_element_type3A_373, %cond3A_374 : i32
        scf.if %cond3A_375 {
          %dma_wait3A_397 = arith.constant 2 : i32
          %dma_wait3A_398 = arith.constant 0 : i32
          %dma_wait3A_399 = arith.constant 0 : i32
          %dma_wait3A_400 = arith.constant 0 : i32
          %dma_wait3A_401 = arith.constant 0 : i32
          %dma_wait3A_402 = tpu.memref_slice %arg9[%dma_wait3A_397, %dma_wait3A_400, %dma_wait3A_401] : memref<4x80x128xf32, #tpu.memory_space<vmem>> -> memref<1x80x128xf32, #tpu.memory_space<vmem>>
          %dma_wait3A_403 = tpu.memref_squeeze %dma_wait3A_402 : memref<1x80x128xf32, #tpu.memory_space<vmem>> -> memref<80x128xf32, #tpu.memory_space<vmem>>
          %dma_wait3A_404 = arith.constant 0 : i32
          %dma_wait3A_405 = arith.constant 0 : i32
          %dma_wait3A_406 = tpu.memref_slice %arg8[%dma_wait3A_398, %dma_wait3A_404, %dma_wait3A_405] : memref<4x8x80xi32, #tpu.memory_space<vmem>> -> memref<1x8x80xi32, #tpu.memory_space<vmem>>
          %dma_wait3A_407 = tpu.memref_squeeze %dma_wait3A_406 : memref<1x8x80xi32, #tpu.memory_space<vmem>> -> memref<8x80xi32, #tpu.memory_space<vmem>>
          %dma_wait3A_408 = arith.constant 0 : i32
          %dma_wait3A_409 = tpu.memref_slice %dma_wait3A_407[%dma_wait3A_399, %dma_wait3A_408] : memref<8x80xi32, #tpu.memory_space<vmem>> -> memref<1x80xi32, #tpu.memory_space<vmem>>
          %dma_wait3A_410 = tpu.memref_squeeze %dma_wait3A_409 : memref<1x80xi32, #tpu.memory_space<vmem>> -> memref<80xi32, #tpu.memory_space<vmem>>
          %dma_wait3A_411 = arith.constant 0 : i32
          %dma_wait3A_412 = arith.constant 0 : i32
          %dma_wait3A_413 = tpu.memref_slice %arg10[%dma_wait3A_411, %dma_wait3A_412] : memref<10240x128xf32, #tpu.memory_space<vmem_shared>> -> memref<10240x128xf32, #tpu.memory_space<vmem_shared>>
          tpu.wait_indirect_dma semaphore(%arg17 : memref<!tpu.dma_semaphore, #tpu.memory_space<semaphore_mem>>) src(%dma_wait3A_403 : memref<80x128xf32, #tpu.memory_space<vmem>>) dst(%dma_wait3A_413 : memref<10240x128xf32, #tpu.memory_space<vmem_shared>>)
        } else {
        }
        %div3A_376 = arith.constant 8 : i32
        %div3A_377 = arith.divsi %add3A_190, %div3A_376 : i32
        %rem3A_378 = arith.constant 3 : i32
        %rem3A_379 = arith.remsi %div3A_377, %rem3A_378 : i32
        %rem3A_380 = arith.constant 8 : i32
        %rem3A_381 = arith.remsi %add3A_190, %rem3A_380 : i32
        %dma_start3A_382 = arith.constant 2 : i32
        %dma_start3A_383 = arith.constant 0 : i32
        %dma_start3A_384 = arith.constant 0 : i32
        %dma_start3A_385 = tpu.memref_slice %arg9[%dma_start3A_382, %dma_start3A_383, %dma_start3A_384] : memref<4x80x128xf32, #tpu.memory_space<vmem>> -> memref<1x80x128xf32, #tpu.memory_space<vmem>>
        %dma_start3A_386 = tpu.memref_squeeze %dma_start3A_385 : memref<1x80x128xf32, #tpu.memory_space<vmem>> -> memref<80x128xf32, #tpu.memory_space<vmem>>
        %dma_start3A_387 = arith.constant 0 : i32
        %dma_start3A_388 = arith.constant 0 : i32
        %dma_start3A_389 = tpu.memref_slice %arg7[%rem3A_379, %dma_start3A_387, %dma_start3A_388] : memref<3x8x80xi32, #tpu.memory_space<vmem>> -> memref<1x8x80xi32, #tpu.memory_space<vmem>>
        %dma_start3A_390 = tpu.memref_squeeze %dma_start3A_389 : memref<1x8x80xi32, #tpu.memory_space<vmem>> -> memref<8x80xi32, #tpu.memory_space<vmem>>
        %dma_start3A_391 = arith.constant 0 : i32
        %dma_start3A_392 = tpu.memref_slice %dma_start3A_390[%rem3A_381, %dma_start3A_391] : memref<8x80xi32, #tpu.memory_space<vmem>> -> memref<1x80xi32, #tpu.memory_space<vmem>>
        %dma_start3A_393 = tpu.memref_squeeze %dma_start3A_392 : memref<1x80xi32, #tpu.memory_space<vmem>> -> memref<80xi32, #tpu.memory_space<vmem>>
        %dma_start3A_394 = arith.constant 0 : i32
        %dma_start3A_395 = arith.constant 0 : i32
        %dma_start3A_396 = tpu.memref_slice %arg2[%dma_start3A_394, %dma_start3A_395] : memref<10240x128xf32, #tpu.memory_space<hbm>> -> memref<10240x128xf32, #tpu.memory_space<hbm>>
        tpu.enqueue_indirect_dma source(%dma_start3A_396 : memref<10240x128xf32, #tpu.memory_space<hbm>>) target(%dma_start3A_386 : memref<80x128xf32, #tpu.memory_space<vmem>>) offsets(%dma_start3A_393 : memref<80xi32, #tpu.memory_space<vmem>>) semaphore(%arg13 : memref<!tpu.dma_semaphore, #tpu.memory_space<semaphore_mem>>)
      } else {
      }
      %mul3A_195 = arith.constant 4 : i32
      %mul3A_196 = arith.muli %while3A_140, %mul3A_195 : i32
      %add3A_197 = arith.constant 1 : i32
      %add3A_198 = arith.addi %mul3A_196, %add3A_197 : i32
      %div3A_199 = arith.constant 8 : i32
      %div3A_200 = arith.divsi %add3A_198, %div3A_199 : i32
      %rem3A_201 = arith.constant 8 : i32
      %rem3A_202 = arith.remsi %add3A_198, %rem3A_201 : i32
      %rem3A_203 = arith.constant 3 : i32
      %rem3A_204 = arith.remsi %div3A_200, %rem3A_203 : i32
      %dma_wait3A_205 = arith.constant 1 : i32
      %dma_wait3A_206 = arith.constant 0 : i32
      %dma_wait3A_207 = arith.constant 0 : i32
      %dma_wait3A_208 = tpu.memref_slice %arg9[%dma_wait3A_205, %dma_wait3A_206, %dma_wait3A_207] : memref<4x80x128xf32, #tpu.memory_space<vmem>> -> memref<1x80x128xf32, #tpu.memory_space<vmem>>
      %dma_wait3A_209 = tpu.memref_squeeze %dma_wait3A_208 : memref<1x80x128xf32, #tpu.memory_space<vmem>> -> memref<80x128xf32, #tpu.memory_space<vmem>>
      %dma_wait3A_210 = arith.constant 0 : i32
      %dma_wait3A_211 = arith.constant 0 : i32
      %dma_wait3A_212 = tpu.memref_slice %arg7[%rem3A_204, %dma_wait3A_210, %dma_wait3A_211] : memref<3x8x80xi32, #tpu.memory_space<vmem>> -> memref<1x8x80xi32, #tpu.memory_space<vmem>>
      %dma_wait3A_213 = tpu.memref_squeeze %dma_wait3A_212 : memref<1x8x80xi32, #tpu.memory_space<vmem>> -> memref<8x80xi32, #tpu.memory_space<vmem>>
      %dma_wait3A_214 = arith.constant 0 : i32
      %dma_wait3A_215 = tpu.memref_slice %dma_wait3A_213[%rem3A_202, %dma_wait3A_214] : memref<8x80xi32, #tpu.memory_space<vmem>> -> memref<1x80xi32, #tpu.memory_space<vmem>>
      %dma_wait3A_216 = tpu.memref_squeeze %dma_wait3A_215 : memref<1x80xi32, #tpu.memory_space<vmem>> -> memref<80xi32, #tpu.memory_space<vmem>>
      %dma_wait3A_217 = arith.constant 0 : i32
      %dma_wait3A_218 = arith.constant 0 : i32
      %dma_wait3A_219 = tpu.memref_slice %arg2[%dma_wait3A_217, %dma_wait3A_218] : memref<10240x128xf32, #tpu.memory_space<hbm>> -> memref<10240x128xf32, #tpu.memory_space<hbm>>
      tpu.wait_indirect_dma semaphore(%arg12 : memref<!tpu.dma_semaphore, #tpu.memory_space<semaphore_mem>>) src(%dma_wait3A_219 : memref<10240x128xf32, #tpu.memory_space<hbm>>) dst(%dma_wait3A_209 : memref<80x128xf32, #tpu.memory_space<vmem>>)
      %rem3A_220 = arith.constant 4 : i32
      %rem3A_221 = arith.remsi %div3A_200, %rem3A_220 : i32
      %dma_start3A_222 = arith.constant 1 : i32
      %dma_start3A_223 = arith.constant 0 : i32
      %dma_start3A_224 = arith.constant 0 : i32
      %dma_start3A_225 = tpu.memref_slice %arg9[%dma_start3A_222, %dma_start3A_223, %dma_start3A_224] : memref<4x80x128xf32, #tpu.memory_space<vmem>> -> memref<1x80x128xf32, #tpu.memory_space<vmem>>
      %dma_start3A_226 = tpu.memref_squeeze %dma_start3A_225 : memref<1x80x128xf32, #tpu.memory_space<vmem>> -> memref<80x128xf32, #tpu.memory_space<vmem>>
      %dma_start3A_227 = arith.constant 0 : i32
      %dma_start3A_228 = arith.constant 0 : i32
      %dma_start3A_229 = tpu.memref_slice %arg8[%rem3A_221, %dma_start3A_227, %dma_start3A_228] : memref<4x8x80xi32, #tpu.memory_space<vmem>> -> memref<1x8x80xi32, #tpu.memory_space<vmem>>
      %dma_start3A_230 = tpu.memref_squeeze %dma_start3A_229 : memref<1x8x80xi32, #tpu.memory_space<vmem>> -> memref<8x80xi32, #tpu.memory_space<vmem>>
      %dma_start3A_231 = arith.constant 0 : i32
      %dma_start3A_232 = tpu.memref_slice %dma_start3A_230[%rem3A_202, %dma_start3A_231] : memref<8x80xi32, #tpu.memory_space<vmem>> -> memref<1x80xi32, #tpu.memory_space<vmem>>
      %dma_start3A_233 = tpu.memref_squeeze %dma_start3A_232 : memref<1x80xi32, #tpu.memory_space<vmem>> -> memref<80xi32, #tpu.memory_space<vmem>>
      %dma_start3A_234 = arith.constant 0 : i32
      %dma_start3A_235 = arith.constant 0 : i32
      %dma_start3A_236 = tpu.memref_slice %arg10[%dma_start3A_234, %dma_start3A_235] : memref<10240x128xf32, #tpu.memory_space<vmem_shared>> -> memref<10240x128xf32, #tpu.memory_space<vmem_shared>>
      tpu.enqueue_indirect_dma source(%dma_start3A_226 : memref<80x128xf32, #tpu.memory_space<vmem>>) target(%dma_start3A_236 : memref<10240x128xf32, #tpu.memory_space<vmem_shared>>) offsets(%dma_start3A_233 : memref<80xi32, #tpu.memory_space<vmem>>) semaphore(%arg16 : memref<!tpu.dma_semaphore, #tpu.memory_space<semaphore_mem>>) {add = true}
      %eq3A_237 = arith.constant 0 : i32
      %eq3A_238 = arith.cmpi eq, %rem3A_202, %eq3A_237 : i32
      %add3A_239 = arith.constant 2 : i32
      %add3A_240 = arith.addi %div3A_200, %add3A_239 : i32
      %mul3A_241 = arith.constant 8 : i32
      %mul3A_242 = arith.muli %add3A_240, %mul3A_241 : i32
      %lt3A_243 = arith.cmpi slt, %mul3A_242, %select_n3A_2 : i32
      %and3A_244 = arith.andi %eq3A_238, %lt3A_243 : i1
      %convert_element_type3A_245 = arith.extui %and3A_244 : i1 to i32
      %cond3A_246 = arith.constant 0 : i32
      %cond3A_247 = arith.cmpi ne, %convert_element_type3A_245, %cond3A_246 : i32
      scf.if %cond3A_247 {
        %add3A_372 = arith.constant 2 : i32
        %add3A_373 = arith.addi %div3A_200, %add3A_372 : i32
        %mul3A_374 = arith.constant 8 : i32
        %mul3A_375 = arith.muli %add3A_373, %mul3A_374 : i32
        %add3A_376 = arith.addi %select_n3A_9, %mul3A_375 : i32
        %add3A_377 = arith.constant 2 : i32
        %add3A_378 = arith.addi %div3A_200, %add3A_377 : i32
        %rem3A_379 = arith.constant 3 : i32
        %rem3A_380 = arith.remsi %add3A_378, %rem3A_379 : i32
        "tpu.region"() ({
          %run_scoped3A_390 = tpu.sem_alloc : memref<!tpu.dma_semaphore, #tpu.memory_space<semaphore_mem>>
          %dma_start3A_391 = arith.constant 0 : i32
          %dma_start3A_392 = arith.constant 0 : i32
          %dma_start3A_393 = tpu.memref_slice %arg7[%rem3A_380, %dma_start3A_391, %dma_start3A_392] : memref<3x8x80xi32, #tpu.memory_space<vmem>> -> memref<1x8x80xi32, #tpu.memory_space<vmem>>
          %dma_start3A_394 = tpu.memref_squeeze %dma_start3A_393 : memref<1x8x80xi32, #tpu.memory_space<vmem>> -> memref<8x80xi32, #tpu.memory_space<vmem>>
          %dma_start3A_395 = arith.constant 0 : i32
          %dma_start3A_396 = tpu.memref_slice %arg3[%add3A_376, %dma_start3A_395] : memref<4096x80xi32, #tpu.memory_space<hbm>> -> memref<8x80xi32, #tpu.memory_space<hbm>>
          %dma_start3A_397 = arith.constant 0 : i32
          %dma_start3A_398 = arith.constant 0 : i32
          %dma_start3A_399 = tpu.memref_slice %arg7[%rem3A_380, %dma_start3A_397, %dma_start3A_398] : memref<3x8x80xi32, #tpu.memory_space<vmem>> -> memref<1x8x80xi32, #tpu.memory_space<vmem>>
          %dma_start3A_400 = tpu.memref_squeeze %dma_start3A_399 : memref<1x8x80xi32, #tpu.memory_space<vmem>> -> memref<8x80xi32, #tpu.memory_space<vmem>>
          %dma_start3A_401 = arith.constant 0 : i32
          %dma_start3A_402 = tpu.memref_slice %arg3[%add3A_376, %dma_start3A_401] : memref<4096x80xi32, #tpu.memory_space<hbm>> -> memref<8x80xi32, #tpu.memory_space<hbm>>
          tpu.enqueue_dma source(%dma_start3A_402 : memref<8x80xi32, #tpu.memory_space<hbm>>) target(%dma_start3A_400 : memref<8x80xi32, #tpu.memory_space<vmem>>) target_semaphore(%run_scoped3A_390 : memref<!tpu.dma_semaphore, #tpu.memory_space<semaphore_mem>>)
          %dma_wait3A_403 = arith.constant 0 : i32
          %dma_wait3A_404 = arith.constant 0 : i32
          %dma_wait3A_405 = tpu.memref_slice %arg7[%rem3A_380, %dma_wait3A_403, %dma_wait3A_404] : memref<3x8x80xi32, #tpu.memory_space<vmem>> -> memref<1x8x80xi32, #tpu.memory_space<vmem>>
          %dma_wait3A_406 = tpu.memref_squeeze %dma_wait3A_405 : memref<1x8x80xi32, #tpu.memory_space<vmem>> -> memref<8x80xi32, #tpu.memory_space<vmem>>
          %dma_wait3A_407 = arith.constant 0 : i32
          %dma_wait3A_408 = tpu.memref_slice %arg3[%add3A_376, %dma_wait3A_407] : memref<4096x80xi32, #tpu.memory_space<hbm>> -> memref<8x80xi32, #tpu.memory_space<hbm>>
          %dma_wait3A_409 = arith.constant 0 : i32
          %dma_wait3A_410 = arith.constant 0 : i32
          %dma_wait3A_411 = tpu.memref_slice %arg7[%rem3A_380, %dma_wait3A_409, %dma_wait3A_410] : memref<3x8x80xi32, #tpu.memory_space<vmem>> -> memref<1x8x80xi32, #tpu.memory_space<vmem>>
          %dma_wait3A_412 = tpu.memref_squeeze %dma_wait3A_411 : memref<1x8x80xi32, #tpu.memory_space<vmem>> -> memref<8x80xi32, #tpu.memory_space<vmem>>
          %dma_wait3A_413 = arith.constant 0 : i32
          %dma_wait3A_414 = tpu.memref_slice %arg3[%add3A_376, %dma_wait3A_413] : memref<4096x80xi32, #tpu.memory_space<hbm>> -> memref<8x80xi32, #tpu.memory_space<hbm>>
          tpu.wait_dma2 semaphore(%run_scoped3A_390 : memref<!tpu.dma_semaphore, #tpu.memory_space<semaphore_mem>>) src(%dma_wait3A_414 : memref<8x80xi32, #tpu.memory_space<hbm>>) dst(%dma_wait3A_412 : memref<8x80xi32, #tpu.memory_space<vmem>>)
          tpu.yield
        }) : () -> ()
        %add3A_381 = arith.constant 2 : i32
        %add3A_382 = arith.addi %div3A_200, %add3A_381 : i32
        %mul3A_383 = arith.constant 8 : i32
        %mul3A_384 = arith.muli %add3A_382, %mul3A_383 : i32
        %add3A_385 = arith.addi %select_n3A_9, %mul3A_384 : i32
        %add3A_386 = arith.constant 2 : i32
        %add3A_387 = arith.addi %div3A_200, %add3A_386 : i32
        %rem3A_388 = arith.constant 4 : i32
        %rem3A_389 = arith.remsi %add3A_387, %rem3A_388 : i32
        "tpu.region"() ({
          %run_scoped3A_390 = tpu.sem_alloc : memref<!tpu.dma_semaphore, #tpu.memory_space<semaphore_mem>>
          %dma_start3A_391 = arith.constant 0 : i32
          %dma_start3A_392 = arith.constant 0 : i32
          %dma_start3A_393 = tpu.memref_slice %arg8[%rem3A_389, %dma_start3A_391, %dma_start3A_392] : memref<4x8x80xi32, #tpu.memory_space<vmem>> -> memref<1x8x80xi32, #tpu.memory_space<vmem>>
          %dma_start3A_394 = tpu.memref_squeeze %dma_start3A_393 : memref<1x8x80xi32, #tpu.memory_space<vmem>> -> memref<8x80xi32, #tpu.memory_space<vmem>>
          %dma_start3A_395 = arith.constant 0 : i32
          %dma_start3A_396 = tpu.memref_slice %arg4[%add3A_385, %dma_start3A_395] : memref<4096x80xi32, #tpu.memory_space<hbm>> -> memref<8x80xi32, #tpu.memory_space<hbm>>
          %dma_start3A_397 = arith.constant 0 : i32
          %dma_start3A_398 = arith.constant 0 : i32
          %dma_start3A_399 = tpu.memref_slice %arg8[%rem3A_389, %dma_start3A_397, %dma_start3A_398] : memref<4x8x80xi32, #tpu.memory_space<vmem>> -> memref<1x8x80xi32, #tpu.memory_space<vmem>>
          %dma_start3A_400 = tpu.memref_squeeze %dma_start3A_399 : memref<1x8x80xi32, #tpu.memory_space<vmem>> -> memref<8x80xi32, #tpu.memory_space<vmem>>
          %dma_start3A_401 = arith.constant 0 : i32
          %dma_start3A_402 = tpu.memref_slice %arg4[%add3A_385, %dma_start3A_401] : memref<4096x80xi32, #tpu.memory_space<hbm>> -> memref<8x80xi32, #tpu.memory_space<hbm>>
          tpu.enqueue_dma source(%dma_start3A_402 : memref<8x80xi32, #tpu.memory_space<hbm>>) target(%dma_start3A_400 : memref<8x80xi32, #tpu.memory_space<vmem>>) target_semaphore(%run_scoped3A_390 : memref<!tpu.dma_semaphore, #tpu.memory_space<semaphore_mem>>)
          %dma_wait3A_403 = arith.constant 0 : i32
          %dma_wait3A_404 = arith.constant 0 : i32
          %dma_wait3A_405 = tpu.memref_slice %arg8[%rem3A_389, %dma_wait3A_403, %dma_wait3A_404] : memref<4x8x80xi32, #tpu.memory_space<vmem>> -> memref<1x8x80xi32, #tpu.memory_space<vmem>>
          %dma_wait3A_406 = tpu.memref_squeeze %dma_wait3A_405 : memref<1x8x80xi32, #tpu.memory_space<vmem>> -> memref<8x80xi32, #tpu.memory_space<vmem>>
          %dma_wait3A_407 = arith.constant 0 : i32
          %dma_wait3A_408 = tpu.memref_slice %arg4[%add3A_385, %dma_wait3A_407] : memref<4096x80xi32, #tpu.memory_space<hbm>> -> memref<8x80xi32, #tpu.memory_space<hbm>>
          %dma_wait3A_409 = arith.constant 0 : i32
          %dma_wait3A_410 = arith.constant 0 : i32
          %dma_wait3A_411 = tpu.memref_slice %arg8[%rem3A_389, %dma_wait3A_409, %dma_wait3A_410] : memref<4x8x80xi32, #tpu.memory_space<vmem>> -> memref<1x8x80xi32, #tpu.memory_space<vmem>>
          %dma_wait3A_412 = tpu.memref_squeeze %dma_wait3A_411 : memref<1x8x80xi32, #tpu.memory_space<vmem>> -> memref<8x80xi32, #tpu.memory_space<vmem>>
          %dma_wait3A_413 = arith.constant 0 : i32
          %dma_wait3A_414 = tpu.memref_slice %arg4[%add3A_385, %dma_wait3A_413] : memref<4096x80xi32, #tpu.memory_space<hbm>> -> memref<8x80xi32, #tpu.memory_space<hbm>>
          tpu.wait_dma2 semaphore(%run_scoped3A_390 : memref<!tpu.dma_semaphore, #tpu.memory_space<semaphore_mem>>) src(%dma_wait3A_414 : memref<8x80xi32, #tpu.memory_space<hbm>>) dst(%dma_wait3A_412 : memref<8x80xi32, #tpu.memory_space<vmem>>)
          tpu.yield
        }) : () -> ()
      } else {
      }
      %add3A_248 = arith.constant 2 : i32
      %add3A_249 = arith.addi %add3A_198, %add3A_248 : i32
      %lt3A_250 = arith.cmpi slt, %add3A_249, %select_n3A_2 : i32
      %convert_element_type3A_251 = arith.extui %lt3A_250 : i1 to i32
      %cond3A_252 = arith.constant 0 : i32
      %cond3A_253 = arith.cmpi ne, %convert_element_type3A_251, %cond3A_252 : i32
      scf.if %cond3A_253 {
        %ge3A = arith.constant 4 : i32
        %ge3A_372 = arith.cmpi sge, %add3A_249, %ge3A : i32
        %convert_element_type3A_373 = arith.extui %ge3A_372 : i1 to i32
        %cond3A_374 = arith.constant 0 : i32
        %cond3A_375 = arith.cmpi ne, %convert_element_type3A_373, %cond3A_374 : i32
        scf.if %cond3A_375 {
          %dma_wait3A_397 = arith.constant 3 : i32
          %dma_wait3A_398 = arith.constant 0 : i32
          %dma_wait3A_399 = arith.constant 0 : i32
          %dma_wait3A_400 = arith.constant 0 : i32
          %dma_wait3A_401 = arith.constant 0 : i32
          %dma_wait3A_402 = tpu.memref_slice %arg9[%dma_wait3A_397, %dma_wait3A_400, %dma_wait3A_401] : memref<4x80x128xf32, #tpu.memory_space<vmem>> -> memref<1x80x128xf32, #tpu.memory_space<vmem>>
          %dma_wait3A_403 = tpu.memref_squeeze %dma_wait3A_402 : memref<1x80x128xf32, #tpu.memory_space<vmem>> -> memref<80x128xf32, #tpu.memory_space<vmem>>
          %dma_wait3A_404 = arith.constant 0 : i32
          %dma_wait3A_405 = arith.constant 0 : i32
          %dma_wait3A_406 = tpu.memref_slice %arg8[%dma_wait3A_398, %dma_wait3A_404, %dma_wait3A_405] : memref<4x8x80xi32, #tpu.memory_space<vmem>> -> memref<1x8x80xi32, #tpu.memory_space<vmem>>
          %dma_wait3A_407 = tpu.memref_squeeze %dma_wait3A_406 : memref<1x8x80xi32, #tpu.memory_space<vmem>> -> memref<8x80xi32, #tpu.memory_space<vmem>>
          %dma_wait3A_408 = arith.constant 0 : i32
          %dma_wait3A_409 = tpu.memref_slice %dma_wait3A_407[%dma_wait3A_399, %dma_wait3A_408] : memref<8x80xi32, #tpu.memory_space<vmem>> -> memref<1x80xi32, #tpu.memory_space<vmem>>
          %dma_wait3A_410 = tpu.memref_squeeze %dma_wait3A_409 : memref<1x80xi32, #tpu.memory_space<vmem>> -> memref<80xi32, #tpu.memory_space<vmem>>
          %dma_wait3A_411 = arith.constant 0 : i32
          %dma_wait3A_412 = arith.constant 0 : i32
          %dma_wait3A_413 = tpu.memref_slice %arg10[%dma_wait3A_411, %dma_wait3A_412] : memref<10240x128xf32, #tpu.memory_space<vmem_shared>> -> memref<10240x128xf32, #tpu.memory_space<vmem_shared>>
          tpu.wait_indirect_dma semaphore(%arg18 : memref<!tpu.dma_semaphore, #tpu.memory_space<semaphore_mem>>) src(%dma_wait3A_403 : memref<80x128xf32, #tpu.memory_space<vmem>>) dst(%dma_wait3A_413 : memref<10240x128xf32, #tpu.memory_space<vmem_shared>>)
        } else {
        }
        %div3A_376 = arith.constant 8 : i32
        %div3A_377 = arith.divsi %add3A_249, %div3A_376 : i32
        %rem3A_378 = arith.constant 3 : i32
        %rem3A_379 = arith.remsi %div3A_377, %rem3A_378 : i32
        %rem3A_380 = arith.constant 8 : i32
        %rem3A_381 = arith.remsi %add3A_249, %rem3A_380 : i32
        %dma_start3A_382 = arith.constant 3 : i32
        %dma_start3A_383 = arith.constant 0 : i32
        %dma_start3A_384 = arith.constant 0 : i32
        %dma_start3A_385 = tpu.memref_slice %arg9[%dma_start3A_382, %dma_start3A_383, %dma_start3A_384] : memref<4x80x128xf32, #tpu.memory_space<vmem>> -> memref<1x80x128xf32, #tpu.memory_space<vmem>>
        %dma_start3A_386 = tpu.memref_squeeze %dma_start3A_385 : memref<1x80x128xf32, #tpu.memory_space<vmem>> -> memref<80x128xf32, #tpu.memory_space<vmem>>
        %dma_start3A_387 = arith.constant 0 : i32
        %dma_start3A_388 = arith.constant 0 : i32
        %dma_start3A_389 = tpu.memref_slice %arg7[%rem3A_379, %dma_start3A_387, %dma_start3A_388] : memref<3x8x80xi32, #tpu.memory_space<vmem>> -> memref<1x8x80xi32, #tpu.memory_space<vmem>>
        %dma_start3A_390 = tpu.memref_squeeze %dma_start3A_389 : memref<1x8x80xi32, #tpu.memory_space<vmem>> -> memref<8x80xi32, #tpu.memory_space<vmem>>
        %dma_start3A_391 = arith.constant 0 : i32
        %dma_start3A_392 = tpu.memref_slice %dma_start3A_390[%rem3A_381, %dma_start3A_391] : memref<8x80xi32, #tpu.memory_space<vmem>> -> memref<1x80xi32, #tpu.memory_space<vmem>>
        %dma_start3A_393 = tpu.memref_squeeze %dma_start3A_392 : memref<1x80xi32, #tpu.memory_space<vmem>> -> memref<80xi32, #tpu.memory_space<vmem>>
        %dma_start3A_394 = arith.constant 0 : i32
        %dma_start3A_395 = arith.constant 0 : i32
        %dma_start3A_396 = tpu.memref_slice %arg2[%dma_start3A_394, %dma_start3A_395] : memref<10240x128xf32, #tpu.memory_space<hbm>> -> memref<10240x128xf32, #tpu.memory_space<hbm>>
        tpu.enqueue_indirect_dma source(%dma_start3A_396 : memref<10240x128xf32, #tpu.memory_space<hbm>>) target(%dma_start3A_386 : memref<80x128xf32, #tpu.memory_space<vmem>>) offsets(%dma_start3A_393 : memref<80xi32, #tpu.memory_space<vmem>>) semaphore(%arg14 : memref<!tpu.dma_semaphore, #tpu.memory_space<semaphore_mem>>)
      } else {
      }
      %mul3A_254 = arith.constant 4 : i32
      %mul3A_255 = arith.muli %while3A_140, %mul3A_254 : i32
      %add3A_256 = arith.constant 2 : i32
      %add3A_257 = arith.addi %mul3A_255, %add3A_256 : i32
      %div3A_258 = arith.constant 8 : i32
      %div3A_259 = arith.divsi %add3A_257, %div3A_258 : i32
      %rem3A_260 = arith.constant 8 : i32
      %rem3A_261 = arith.remsi %add3A_257, %rem3A_260 : i32
      %rem3A_262 = arith.constant 3 : i32
      %rem3A_263 = arith.remsi %div3A_259, %rem3A_262 : i32
      %dma_wait3A_264 = arith.constant 2 : i32
      %dma_wait3A_265 = arith.constant 0 : i32
      %dma_wait3A_266 = arith.constant 0 : i32
      %dma_wait3A_267 = tpu.memref_slice %arg9[%dma_wait3A_264, %dma_wait3A_265, %dma_wait3A_266] : memref<4x80x128xf32, #tpu.memory_space<vmem>> -> memref<1x80x128xf32, #tpu.memory_space<vmem>>
      %dma_wait3A_268 = tpu.memref_squeeze %dma_wait3A_267 : memref<1x80x128xf32, #tpu.memory_space<vmem>> -> memref<80x128xf32, #tpu.memory_space<vmem>>
      %dma_wait3A_269 = arith.constant 0 : i32
      %dma_wait3A_270 = arith.constant 0 : i32
      %dma_wait3A_271 = tpu.memref_slice %arg7[%rem3A_263, %dma_wait3A_269, %dma_wait3A_270] : memref<3x8x80xi32, #tpu.memory_space<vmem>> -> memref<1x8x80xi32, #tpu.memory_space<vmem>>
      %dma_wait3A_272 = tpu.memref_squeeze %dma_wait3A_271 : memref<1x8x80xi32, #tpu.memory_space<vmem>> -> memref<8x80xi32, #tpu.memory_space<vmem>>
      %dma_wait3A_273 = arith.constant 0 : i32
      %dma_wait3A_274 = tpu.memref_slice %dma_wait3A_272[%rem3A_261, %dma_wait3A_273] : memref<8x80xi32, #tpu.memory_space<vmem>> -> memref<1x80xi32, #tpu.memory_space<vmem>>
      %dma_wait3A_275 = tpu.memref_squeeze %dma_wait3A_274 : memref<1x80xi32, #tpu.memory_space<vmem>> -> memref<80xi32, #tpu.memory_space<vmem>>
      %dma_wait3A_276 = arith.constant 0 : i32
      %dma_wait3A_277 = arith.constant 0 : i32
      %dma_wait3A_278 = tpu.memref_slice %arg2[%dma_wait3A_276, %dma_wait3A_277] : memref<10240x128xf32, #tpu.memory_space<hbm>> -> memref<10240x128xf32, #tpu.memory_space<hbm>>
      tpu.wait_indirect_dma semaphore(%arg13 : memref<!tpu.dma_semaphore, #tpu.memory_space<semaphore_mem>>) src(%dma_wait3A_278 : memref<10240x128xf32, #tpu.memory_space<hbm>>) dst(%dma_wait3A_268 : memref<80x128xf32, #tpu.memory_space<vmem>>)
      %rem3A_279 = arith.constant 4 : i32
      %rem3A_280 = arith.remsi %div3A_259, %rem3A_279 : i32
      %dma_start3A_281 = arith.constant 2 : i32
      %dma_start3A_282 = arith.constant 0 : i32
      %dma_start3A_283 = arith.constant 0 : i32
      %dma_start3A_284 = tpu.memref_slice %arg9[%dma_start3A_281, %dma_start3A_282, %dma_start3A_283] : memref<4x80x128xf32, #tpu.memory_space<vmem>> -> memref<1x80x128xf32, #tpu.memory_space<vmem>>
      %dma_start3A_285 = tpu.memref_squeeze %dma_start3A_284 : memref<1x80x128xf32, #tpu.memory_space<vmem>> -> memref<80x128xf32, #tpu.memory_space<vmem>>
      %dma_start3A_286 = arith.constant 0 : i32
      %dma_start3A_287 = arith.constant 0 : i32
      %dma_start3A_288 = tpu.memref_slice %arg8[%rem3A_280, %dma_start3A_286, %dma_start3A_287] : memref<4x8x80xi32, #tpu.memory_space<vmem>> -> memref<1x8x80xi32, #tpu.memory_space<vmem>>
      %dma_start3A_289 = tpu.memref_squeeze %dma_start3A_288 : memref<1x8x80xi32, #tpu.memory_space<vmem>> -> memref<8x80xi32, #tpu.memory_space<vmem>>
      %dma_start3A_290 = arith.constant 0 : i32
      %dma_start3A_291 = tpu.memref_slice %dma_start3A_289[%rem3A_261, %dma_start3A_290] : memref<8x80xi32, #tpu.memory_space<vmem>> -> memref<1x80xi32, #tpu.memory_space<vmem>>
      %dma_start3A_292 = tpu.memref_squeeze %dma_start3A_291 : memref<1x80xi32, #tpu.memory_space<vmem>> -> memref<80xi32, #tpu.memory_space<vmem>>
      %dma_start3A_293 = arith.constant 0 : i32
      %dma_start3A_294 = arith.constant 0 : i32
      %dma_start3A_295 = tpu.memref_slice %arg10[%dma_start3A_293, %dma_start3A_294] : memref<10240x128xf32, #tpu.memory_space<vmem_shared>> -> memref<10240x128xf32, #tpu.memory_space<vmem_shared>>
      tpu.enqueue_indirect_dma source(%dma_start3A_285 : memref<80x128xf32, #tpu.memory_space<vmem>>) target(%dma_start3A_295 : memref<10240x128xf32, #tpu.memory_space<vmem_shared>>) offsets(%dma_start3A_292 : memref<80xi32, #tpu.memory_space<vmem>>) semaphore(%arg17 : memref<!tpu.dma_semaphore, #tpu.memory_space<semaphore_mem>>) {add = true}
      %eq3A_296 = arith.constant 0 : i32
      %eq3A_297 = arith.cmpi eq, %rem3A_261, %eq3A_296 : i32
      %add3A_298 = arith.constant 2 : i32
      %add3A_299 = arith.addi %div3A_259, %add3A_298 : i32
      %mul3A_300 = arith.constant 8 : i32
      %mul3A_301 = arith.muli %add3A_299, %mul3A_300 : i32
      %lt3A_302 = arith.cmpi slt, %mul3A_301, %select_n3A_2 : i32
      %and3A_303 = arith.andi %eq3A_297, %lt3A_302 : i1
      %convert_element_type3A_304 = arith.extui %and3A_303 : i1 to i32
      %cond3A_305 = arith.constant 0 : i32
      %cond3A_306 = arith.cmpi ne, %convert_element_type3A_304, %cond3A_305 : i32
      scf.if %cond3A_306 {
        %add3A_372 = arith.constant 2 : i32
        %add3A_373 = arith.addi %div3A_259, %add3A_372 : i32
        %mul3A_374 = arith.constant 8 : i32
        %mul3A_375 = arith.muli %add3A_373, %mul3A_374 : i32
        %add3A_376 = arith.addi %select_n3A_9, %mul3A_375 : i32
        %add3A_377 = arith.constant 2 : i32
        %add3A_378 = arith.addi %div3A_259, %add3A_377 : i32
        %rem3A_379 = arith.constant 3 : i32
        %rem3A_380 = arith.remsi %add3A_378, %rem3A_379 : i32
        "tpu.region"() ({
          %run_scoped3A_390 = tpu.sem_alloc : memref<!tpu.dma_semaphore, #tpu.memory_space<semaphore_mem>>
          %dma_start3A_391 = arith.constant 0 : i32
          %dma_start3A_392 = arith.constant 0 : i32
          %dma_start3A_393 = tpu.memref_slice %arg7[%rem3A_380, %dma_start3A_391, %dma_start3A_392] : memref<3x8x80xi32, #tpu.memory_space<vmem>> -> memref<1x8x80xi32, #tpu.memory_space<vmem>>
          %dma_start3A_394 = tpu.memref_squeeze %dma_start3A_393 : memref<1x8x80xi32, #tpu.memory_space<vmem>> -> memref<8x80xi32, #tpu.memory_space<vmem>>
          %dma_start3A_395 = arith.constant 0 : i32
          %dma_start3A_396 = tpu.memref_slice %arg3[%add3A_376, %dma_start3A_395] : memref<4096x80xi32, #tpu.memory_space<hbm>> -> memref<8x80xi32, #tpu.memory_space<hbm>>
          %dma_start3A_397 = arith.constant 0 : i32
          %dma_start3A_398 = arith.constant 0 : i32
          %dma_start3A_399 = tpu.memref_slice %arg7[%rem3A_380, %dma_start3A_397, %dma_start3A_398] : memref<3x8x80xi32, #tpu.memory_space<vmem>> -> memref<1x8x80xi32, #tpu.memory_space<vmem>>
          %dma_start3A_400 = tpu.memref_squeeze %dma_start3A_399 : memref<1x8x80xi32, #tpu.memory_space<vmem>> -> memref<8x80xi32, #tpu.memory_space<vmem>>
          %dma_start3A_401 = arith.constant 0 : i32
          %dma_start3A_402 = tpu.memref_slice %arg3[%add3A_376, %dma_start3A_401] : memref<4096x80xi32, #tpu.memory_space<hbm>> -> memref<8x80xi32, #tpu.memory_space<hbm>>
          tpu.enqueue_dma source(%dma_start3A_402 : memref<8x80xi32, #tpu.memory_space<hbm>>) target(%dma_start3A_400 : memref<8x80xi32, #tpu.memory_space<vmem>>) target_semaphore(%run_scoped3A_390 : memref<!tpu.dma_semaphore, #tpu.memory_space<semaphore_mem>>)
          %dma_wait3A_403 = arith.constant 0 : i32
          %dma_wait3A_404 = arith.constant 0 : i32
          %dma_wait3A_405 = tpu.memref_slice %arg7[%rem3A_380, %dma_wait3A_403, %dma_wait3A_404] : memref<3x8x80xi32, #tpu.memory_space<vmem>> -> memref<1x8x80xi32, #tpu.memory_space<vmem>>
          %dma_wait3A_406 = tpu.memref_squeeze %dma_wait3A_405 : memref<1x8x80xi32, #tpu.memory_space<vmem>> -> memref<8x80xi32, #tpu.memory_space<vmem>>
          %dma_wait3A_407 = arith.constant 0 : i32
          %dma_wait3A_408 = tpu.memref_slice %arg3[%add3A_376, %dma_wait3A_407] : memref<4096x80xi32, #tpu.memory_space<hbm>> -> memref<8x80xi32, #tpu.memory_space<hbm>>
          %dma_wait3A_409 = arith.constant 0 : i32
          %dma_wait3A_410 = arith.constant 0 : i32
          %dma_wait3A_411 = tpu.memref_slice %arg7[%rem3A_380, %dma_wait3A_409, %dma_wait3A_410] : memref<3x8x80xi32, #tpu.memory_space<vmem>> -> memref<1x8x80xi32, #tpu.memory_space<vmem>>
          %dma_wait3A_412 = tpu.memref_squeeze %dma_wait3A_411 : memref<1x8x80xi32, #tpu.memory_space<vmem>> -> memref<8x80xi32, #tpu.memory_space<vmem>>
          %dma_wait3A_413 = arith.constant 0 : i32
          %dma_wait3A_414 = tpu.memref_slice %arg3[%add3A_376, %dma_wait3A_413] : memref<4096x80xi32, #tpu.memory_space<hbm>> -> memref<8x80xi32, #tpu.memory_space<hbm>>
          tpu.wait_dma2 semaphore(%run_scoped3A_390 : memref<!tpu.dma_semaphore, #tpu.memory_space<semaphore_mem>>) src(%dma_wait3A_414 : memref<8x80xi32, #tpu.memory_space<hbm>>) dst(%dma_wait3A_412 : memref<8x80xi32, #tpu.memory_space<vmem>>)
          tpu.yield
        }) : () -> ()
        %add3A_381 = arith.constant 2 : i32
        %add3A_382 = arith.addi %div3A_259, %add3A_381 : i32
        %mul3A_383 = arith.constant 8 : i32
        %mul3A_384 = arith.muli %add3A_382, %mul3A_383 : i32
        %add3A_385 = arith.addi %select_n3A_9, %mul3A_384 : i32
        %add3A_386 = arith.constant 2 : i32
        %add3A_387 = arith.addi %div3A_259, %add3A_386 : i32
        %rem3A_388 = arith.constant 4 : i32
        %rem3A_389 = arith.remsi %add3A_387, %rem3A_388 : i32
        "tpu.region"() ({
          %run_scoped3A_390 = tpu.sem_alloc : memref<!tpu.dma_semaphore, #tpu.memory_space<semaphore_mem>>
          %dma_start3A_391 = arith.constant 0 : i32
          %dma_start3A_392 = arith.constant 0 : i32
          %dma_start3A_393 = tpu.memref_slice %arg8[%rem3A_389, %dma_start3A_391, %dma_start3A_392] : memref<4x8x80xi32, #tpu.memory_space<vmem>> -> memref<1x8x80xi32, #tpu.memory_space<vmem>>
          %dma_start3A_394 = tpu.memref_squeeze %dma_start3A_393 : memref<1x8x80xi32, #tpu.memory_space<vmem>> -> memref<8x80xi32, #tpu.memory_space<vmem>>
          %dma_start3A_395 = arith.constant 0 : i32
          %dma_start3A_396 = tpu.memref_slice %arg4[%add3A_385, %dma_start3A_395] : memref<4096x80xi32, #tpu.memory_space<hbm>> -> memref<8x80xi32, #tpu.memory_space<hbm>>
          %dma_start3A_397 = arith.constant 0 : i32
          %dma_start3A_398 = arith.constant 0 : i32
          %dma_start3A_399 = tpu.memref_slice %arg8[%rem3A_389, %dma_start3A_397, %dma_start3A_398] : memref<4x8x80xi32, #tpu.memory_space<vmem>> -> memref<1x8x80xi32, #tpu.memory_space<vmem>>
          %dma_start3A_400 = tpu.memref_squeeze %dma_start3A_399 : memref<1x8x80xi32, #tpu.memory_space<vmem>> -> memref<8x80xi32, #tpu.memory_space<vmem>>
          %dma_start3A_401 = arith.constant 0 : i32
          %dma_start3A_402 = tpu.memref_slice %arg4[%add3A_385, %dma_start3A_401] : memref<4096x80xi32, #tpu.memory_space<hbm>> -> memref<8x80xi32, #tpu.memory_space<hbm>>
          tpu.enqueue_dma source(%dma_start3A_402 : memref<8x80xi32, #tpu.memory_space<hbm>>) target(%dma_start3A_400 : memref<8x80xi32, #tpu.memory_space<vmem>>) target_semaphore(%run_scoped3A_390 : memref<!tpu.dma_semaphore, #tpu.memory_space<semaphore_mem>>)
          %dma_wait3A_403 = arith.constant 0 : i32
          %dma_wait3A_404 = arith.constant 0 : i32
          %dma_wait3A_405 = tpu.memref_slice %arg8[%rem3A_389, %dma_wait3A_403, %dma_wait3A_404] : memref<4x8x80xi32, #tpu.memory_space<vmem>> -> memref<1x8x80xi32, #tpu.memory_space<vmem>>
          %dma_wait3A_406 = tpu.memref_squeeze %dma_wait3A_405 : memref<1x8x80xi32, #tpu.memory_space<vmem>> -> memref<8x80xi32, #tpu.memory_space<vmem>>
          %dma_wait3A_407 = arith.constant 0 : i32
          %dma_wait3A_408 = tpu.memref_slice %arg4[%add3A_385, %dma_wait3A_407] : memref<4096x80xi32, #tpu.memory_space<hbm>> -> memref<8x80xi32, #tpu.memory_space<hbm>>
          %dma_wait3A_409 = arith.constant 0 : i32
          %dma_wait3A_410 = arith.constant 0 : i32
          %dma_wait3A_411 = tpu.memref_slice %arg8[%rem3A_389, %dma_wait3A_409, %dma_wait3A_410] : memref<4x8x80xi32, #tpu.memory_space<vmem>> -> memref<1x8x80xi32, #tpu.memory_space<vmem>>
          %dma_wait3A_412 = tpu.memref_squeeze %dma_wait3A_411 : memref<1x8x80xi32, #tpu.memory_space<vmem>> -> memref<8x80xi32, #tpu.memory_space<vmem>>
          %dma_wait3A_413 = arith.constant 0 : i32
          %dma_wait3A_414 = tpu.memref_slice %arg4[%add3A_385, %dma_wait3A_413] : memref<4096x80xi32, #tpu.memory_space<hbm>> -> memref<8x80xi32, #tpu.memory_space<hbm>>
          tpu.wait_dma2 semaphore(%run_scoped3A_390 : memref<!tpu.dma_semaphore, #tpu.memory_space<semaphore_mem>>) src(%dma_wait3A_414 : memref<8x80xi32, #tpu.memory_space<hbm>>) dst(%dma_wait3A_412 : memref<8x80xi32, #tpu.memory_space<vmem>>)
          tpu.yield
        }) : () -> ()
      } else {
      }
      %add3A_307 = arith.constant 2 : i32
      %add3A_308 = arith.addi %add3A_257, %add3A_307 : i32
      %lt3A_309 = arith.cmpi slt, %add3A_308, %select_n3A_2 : i32
      %convert_element_type3A_310 = arith.extui %lt3A_309 : i1 to i32
      %cond3A_311 = arith.constant 0 : i32
      %cond3A_312 = arith.cmpi ne, %convert_element_type3A_310, %cond3A_311 : i32
      scf.if %cond3A_312 {
        %ge3A = arith.constant 4 : i32
        %ge3A_372 = arith.cmpi sge, %add3A_308, %ge3A : i32
        %convert_element_type3A_373 = arith.extui %ge3A_372 : i1 to i32
        %cond3A_374 = arith.constant 0 : i32
        %cond3A_375 = arith.cmpi ne, %convert_element_type3A_373, %cond3A_374 : i32
        scf.if %cond3A_375 {
          %dma_wait3A_397 = arith.constant 0 : i32
          %dma_wait3A_398 = arith.constant 0 : i32
          %dma_wait3A_399 = arith.constant 0 : i32
          %dma_wait3A_400 = arith.constant 0 : i32
          %dma_wait3A_401 = arith.constant 0 : i32
          %dma_wait3A_402 = tpu.memref_slice %arg9[%dma_wait3A_397, %dma_wait3A_400, %dma_wait3A_401] : memref<4x80x128xf32, #tpu.memory_space<vmem>> -> memref<1x80x128xf32, #tpu.memory_space<vmem>>
          %dma_wait3A_403 = tpu.memref_squeeze %dma_wait3A_402 : memref<1x80x128xf32, #tpu.memory_space<vmem>> -> memref<80x128xf32, #tpu.memory_space<vmem>>
          %dma_wait3A_404 = arith.constant 0 : i32
          %dma_wait3A_405 = arith.constant 0 : i32
          %dma_wait3A_406 = tpu.memref_slice %arg8[%dma_wait3A_398, %dma_wait3A_404, %dma_wait3A_405] : memref<4x8x80xi32, #tpu.memory_space<vmem>> -> memref<1x8x80xi32, #tpu.memory_space<vmem>>
          %dma_wait3A_407 = tpu.memref_squeeze %dma_wait3A_406 : memref<1x8x80xi32, #tpu.memory_space<vmem>> -> memref<8x80xi32, #tpu.memory_space<vmem>>
          %dma_wait3A_408 = arith.constant 0 : i32
          %dma_wait3A_409 = tpu.memref_slice %dma_wait3A_407[%dma_wait3A_399, %dma_wait3A_408] : memref<8x80xi32, #tpu.memory_space<vmem>> -> memref<1x80xi32, #tpu.memory_space<vmem>>
          %dma_wait3A_410 = tpu.memref_squeeze %dma_wait3A_409 : memref<1x80xi32, #tpu.memory_space<vmem>> -> memref<80xi32, #tpu.memory_space<vmem>>
          %dma_wait3A_411 = arith.constant 0 : i32
          %dma_wait3A_412 = arith.constant 0 : i32
          %dma_wait3A_413 = tpu.memref_slice %arg10[%dma_wait3A_411, %dma_wait3A_412] : memref<10240x128xf32, #tpu.memory_space<vmem_shared>> -> memref<10240x128xf32, #tpu.memory_space<vmem_shared>>
          tpu.wait_indirect_dma semaphore(%arg15 : memref<!tpu.dma_semaphore, #tpu.memory_space<semaphore_mem>>) src(%dma_wait3A_403 : memref<80x128xf32, #tpu.memory_space<vmem>>) dst(%dma_wait3A_413 : memref<10240x128xf32, #tpu.memory_space<vmem_shared>>)
        } else {
        }
        %div3A_376 = arith.constant 8 : i32
        %div3A_377 = arith.divsi %add3A_308, %div3A_376 : i32
        %rem3A_378 = arith.constant 3 : i32
        %rem3A_379 = arith.remsi %div3A_377, %rem3A_378 : i32
        %rem3A_380 = arith.constant 8 : i32
        %rem3A_381 = arith.remsi %add3A_308, %rem3A_380 : i32
        %dma_start3A_382 = arith.constant 0 : i32
        %dma_start3A_383 = arith.constant 0 : i32
        %dma_start3A_384 = arith.constant 0 : i32
        %dma_start3A_385 = tpu.memref_slice %arg9[%dma_start3A_382, %dma_start3A_383, %dma_start3A_384] : memref<4x80x128xf32, #tpu.memory_space<vmem>> -> memref<1x80x128xf32, #tpu.memory_space<vmem>>
        %dma_start3A_386 = tpu.memref_squeeze %dma_start3A_385 : memref<1x80x128xf32, #tpu.memory_space<vmem>> -> memref<80x128xf32, #tpu.memory_space<vmem>>
        %dma_start3A_387 = arith.constant 0 : i32
        %dma_start3A_388 = arith.constant 0 : i32
        %dma_start3A_389 = tpu.memref_slice %arg7[%rem3A_379, %dma_start3A_387, %dma_start3A_388] : memref<3x8x80xi32, #tpu.memory_space<vmem>> -> memref<1x8x80xi32, #tpu.memory_space<vmem>>
        %dma_start3A_390 = tpu.memref_squeeze %dma_start3A_389 : memref<1x8x80xi32, #tpu.memory_space<vmem>> -> memref<8x80xi32, #tpu.memory_space<vmem>>
        %dma_start3A_391 = arith.constant 0 : i32
        %dma_start3A_392 = tpu.memref_slice %dma_start3A_390[%rem3A_381, %dma_start3A_391] : memref<8x80xi32, #tpu.memory_space<vmem>> -> memref<1x80xi32, #tpu.memory_space<vmem>>
        %dma_start3A_393 = tpu.memref_squeeze %dma_start3A_392 : memref<1x80xi32, #tpu.memory_space<vmem>> -> memref<80xi32, #tpu.memory_space<vmem>>
        %dma_start3A_394 = arith.constant 0 : i32
        %dma_start3A_395 = arith.constant 0 : i32
        %dma_start3A_396 = tpu.memref_slice %arg2[%dma_start3A_394, %dma_start3A_395] : memref<10240x128xf32, #tpu.memory_space<hbm>> -> memref<10240x128xf32, #tpu.memory_space<hbm>>
        tpu.enqueue_indirect_dma source(%dma_start3A_396 : memref<10240x128xf32, #tpu.memory_space<hbm>>) target(%dma_start3A_386 : memref<80x128xf32, #tpu.memory_space<vmem>>) offsets(%dma_start3A_393 : memref<80xi32, #tpu.memory_space<vmem>>) semaphore(%arg11 : memref<!tpu.dma_semaphore, #tpu.memory_space<semaphore_mem>>)
      } else {
      }
      %mul3A_313 = arith.constant 4 : i32
      %mul3A_314 = arith.muli %while3A_140, %mul3A_313 : i32
      %add3A_315 = arith.constant 3 : i32
      %add3A_316 = arith.addi %mul3A_314, %add3A_315 : i32
      %div3A_317 = arith.constant 8 : i32
      %div3A_318 = arith.divsi %add3A_316, %div3A_317 : i32
      %rem3A_319 = arith.constant 8 : i32
      %rem3A_320 = arith.remsi %add3A_316, %rem3A_319 : i32
      %rem3A_321 = arith.constant 3 : i32
      %rem3A_322 = arith.remsi %div3A_318, %rem3A_321 : i32
      %dma_wait3A_323 = arith.constant 3 : i32
      %dma_wait3A_324 = arith.constant 0 : i32
      %dma_wait3A_325 = arith.constant 0 : i32
      %dma_wait3A_326 = tpu.memref_slice %arg9[%dma_wait3A_323, %dma_wait3A_324, %dma_wait3A_325] : memref<4x80x128xf32, #tpu.memory_space<vmem>> -> memref<1x80x128xf32, #tpu.memory_space<vmem>>
      %dma_wait3A_327 = tpu.memref_squeeze %dma_wait3A_326 : memref<1x80x128xf32, #tpu.memory_space<vmem>> -> memref<80x128xf32, #tpu.memory_space<vmem>>
      %dma_wait3A_328 = arith.constant 0 : i32
      %dma_wait3A_329 = arith.constant 0 : i32
      %dma_wait3A_330 = tpu.memref_slice %arg7[%rem3A_322, %dma_wait3A_328, %dma_wait3A_329] : memref<3x8x80xi32, #tpu.memory_space<vmem>> -> memref<1x8x80xi32, #tpu.memory_space<vmem>>
      %dma_wait3A_331 = tpu.memref_squeeze %dma_wait3A_330 : memref<1x8x80xi32, #tpu.memory_space<vmem>> -> memref<8x80xi32, #tpu.memory_space<vmem>>
      %dma_wait3A_332 = arith.constant 0 : i32
      %dma_wait3A_333 = tpu.memref_slice %dma_wait3A_331[%rem3A_320, %dma_wait3A_332] : memref<8x80xi32, #tpu.memory_space<vmem>> -> memref<1x80xi32, #tpu.memory_space<vmem>>
      %dma_wait3A_334 = tpu.memref_squeeze %dma_wait3A_333 : memref<1x80xi32, #tpu.memory_space<vmem>> -> memref<80xi32, #tpu.memory_space<vmem>>
      %dma_wait3A_335 = arith.constant 0 : i32
      %dma_wait3A_336 = arith.constant 0 : i32
      %dma_wait3A_337 = tpu.memref_slice %arg2[%dma_wait3A_335, %dma_wait3A_336] : memref<10240x128xf32, #tpu.memory_space<hbm>> -> memref<10240x128xf32, #tpu.memory_space<hbm>>
      tpu.wait_indirect_dma semaphore(%arg14 : memref<!tpu.dma_semaphore, #tpu.memory_space<semaphore_mem>>) src(%dma_wait3A_337 : memref<10240x128xf32, #tpu.memory_space<hbm>>) dst(%dma_wait3A_327 : memref<80x128xf32, #tpu.memory_space<vmem>>)
      %rem3A_338 = arith.constant 4 : i32
      %rem3A_339 = arith.remsi %div3A_318, %rem3A_338 : i32
      %dma_start3A_340 = arith.constant 3 : i32
      %dma_start3A_341 = arith.constant 0 : i32
      %dma_start3A_342 = arith.constant 0 : i32
      %dma_start3A_343 = tpu.memref_slice %arg9[%dma_start3A_340, %dma_start3A_341, %dma_start3A_342] : memref<4x80x128xf32, #tpu.memory_space<vmem>> -> memref<1x80x128xf32, #tpu.memory_space<vmem>>
      %dma_start3A_344 = tpu.memref_squeeze %dma_start3A_343 : memref<1x80x128xf32, #tpu.memory_space<vmem>> -> memref<80x128xf32, #tpu.memory_space<vmem>>
      %dma_start3A_345 = arith.constant 0 : i32
      %dma_start3A_346 = arith.constant 0 : i32
      %dma_start3A_347 = tpu.memref_slice %arg8[%rem3A_339, %dma_start3A_345, %dma_start3A_346] : memref<4x8x80xi32, #tpu.memory_space<vmem>> -> memref<1x8x80xi32, #tpu.memory_space<vmem>>
      %dma_start3A_348 = tpu.memref_squeeze %dma_start3A_347 : memref<1x8x80xi32, #tpu.memory_space<vmem>> -> memref<8x80xi32, #tpu.memory_space<vmem>>
      %dma_start3A_349 = arith.constant 0 : i32
      %dma_start3A_350 = tpu.memref_slice %dma_start3A_348[%rem3A_320, %dma_start3A_349] : memref<8x80xi32, #tpu.memory_space<vmem>> -> memref<1x80xi32, #tpu.memory_space<vmem>>
      %dma_start3A_351 = tpu.memref_squeeze %dma_start3A_350 : memref<1x80xi32, #tpu.memory_space<vmem>> -> memref<80xi32, #tpu.memory_space<vmem>>
      %dma_start3A_352 = arith.constant 0 : i32
      %dma_start3A_353 = arith.constant 0 : i32
      %dma_start3A_354 = tpu.memref_slice %arg10[%dma_start3A_352, %dma_start3A_353] : memref<10240x128xf32, #tpu.memory_space<vmem_shared>> -> memref<10240x128xf32, #tpu.memory_space<vmem_shared>>
      tpu.enqueue_indirect_dma source(%dma_start3A_344 : memref<80x128xf32, #tpu.memory_space<vmem>>) target(%dma_start3A_354 : memref<10240x128xf32, #tpu.memory_space<vmem_shared>>) offsets(%dma_start3A_351 : memref<80xi32, #tpu.memory_space<vmem>>) semaphore(%arg18 : memref<!tpu.dma_semaphore, #tpu.memory_space<semaphore_mem>>) {add = true}
      %eq3A_355 = arith.constant 0 : i32
      %eq3A_356 = arith.cmpi eq, %rem3A_320, %eq3A_355 : i32
      %add3A_357 = arith.constant 2 : i32
      %add3A_358 = arith.addi %div3A_318, %add3A_357 : i32
      %mul3A_359 = arith.constant 8 : i32
      %mul3A_360 = arith.muli %add3A_358, %mul3A_359 : i32
      %lt3A_361 = arith.cmpi slt, %mul3A_360, %select_n3A_2 : i32
      %and3A_362 = arith.andi %eq3A_356, %lt3A_361 : i1
      %convert_element_type3A_363 = arith.extui %and3A_362 : i1 to i32
      %cond3A_364 = arith.constant 0 : i32
      %cond3A_365 = arith.cmpi ne, %convert_element_type3A_363, %cond3A_364 : i32
      scf.if %cond3A_365 {
        %add3A_372 = arith.constant 2 : i32
        %add3A_373 = arith.addi %div3A_318, %add3A_372 : i32
        %mul3A_374 = arith.constant 8 : i32
        %mul3A_375 = arith.muli %add3A_373, %mul3A_374 : i32
        %add3A_376 = arith.addi %select_n3A_9, %mul3A_375 : i32
        %add3A_377 = arith.constant 2 : i32
        %add3A_378 = arith.addi %div3A_318, %add3A_377 : i32
        %rem3A_379 = arith.constant 3 : i32
        %rem3A_380 = arith.remsi %add3A_378, %rem3A_379 : i32
        "tpu.region"() ({
          %run_scoped3A_390 = tpu.sem_alloc : memref<!tpu.dma_semaphore, #tpu.memory_space<semaphore_mem>>
          %dma_start3A_391 = arith.constant 0 : i32
          %dma_start3A_392 = arith.constant 0 : i32
          %dma_start3A_393 = tpu.memref_slice %arg7[%rem3A_380, %dma_start3A_391, %dma_start3A_392] : memref<3x8x80xi32, #tpu.memory_space<vmem>> -> memref<1x8x80xi32, #tpu.memory_space<vmem>>
          %dma_start3A_394 = tpu.memref_squeeze %dma_start3A_393 : memref<1x8x80xi32, #tpu.memory_space<vmem>> -> memref<8x80xi32, #tpu.memory_space<vmem>>
          %dma_start3A_395 = arith.constant 0 : i32
          %dma_start3A_396 = tpu.memref_slice %arg3[%add3A_376, %dma_start3A_395] : memref<4096x80xi32, #tpu.memory_space<hbm>> -> memref<8x80xi32, #tpu.memory_space<hbm>>
          %dma_start3A_397 = arith.constant 0 : i32
          %dma_start3A_398 = arith.constant 0 : i32
          %dma_start3A_399 = tpu.memref_slice %arg7[%rem3A_380, %dma_start3A_397, %dma_start3A_398] : memref<3x8x80xi32, #tpu.memory_space<vmem>> -> memref<1x8x80xi32, #tpu.memory_space<vmem>>
          %dma_start3A_400 = tpu.memref_squeeze %dma_start3A_399 : memref<1x8x80xi32, #tpu.memory_space<vmem>> -> memref<8x80xi32, #tpu.memory_space<vmem>>
          %dma_start3A_401 = arith.constant 0 : i32
          %dma_start3A_402 = tpu.memref_slice %arg3[%add3A_376, %dma_start3A_401] : memref<4096x80xi32, #tpu.memory_space<hbm>> -> memref<8x80xi32, #tpu.memory_space<hbm>>
          tpu.enqueue_dma source(%dma_start3A_402 : memref<8x80xi32, #tpu.memory_space<hbm>>) target(%dma_start3A_400 : memref<8x80xi32, #tpu.memory_space<vmem>>) target_semaphore(%run_scoped3A_390 : memref<!tpu.dma_semaphore, #tpu.memory_space<semaphore_mem>>)
          %dma_wait3A_403 = arith.constant 0 : i32
          %dma_wait3A_404 = arith.constant 0 : i32
          %dma_wait3A_405 = tpu.memref_slice %arg7[%rem3A_380, %dma_wait3A_403, %dma_wait3A_404] : memref<3x8x80xi32, #tpu.memory_space<vmem>> -> memref<1x8x80xi32, #tpu.memory_space<vmem>>
          %dma_wait3A_406 = tpu.memref_squeeze %dma_wait3A_405 : memref<1x8x80xi32, #tpu.memory_space<vmem>> -> memref<8x80xi32, #tpu.memory_space<vmem>>
          %dma_wait3A_407 = arith.constant 0 : i32
          %dma_wait3A_408 = tpu.memref_slice %arg3[%add3A_376, %dma_wait3A_407] : memref<4096x80xi32, #tpu.memory_space<hbm>> -> memref<8x80xi32, #tpu.memory_space<hbm>>
          %dma_wait3A_409 = arith.constant 0 : i32
          %dma_wait3A_410 = arith.constant 0 : i32
          %dma_wait3A_411 = tpu.memref_slice %arg7[%rem3A_380, %dma_wait3A_409, %dma_wait3A_410] : memref<3x8x80xi32, #tpu.memory_space<vmem>> -> memref<1x8x80xi32, #tpu.memory_space<vmem>>
          %dma_wait3A_412 = tpu.memref_squeeze %dma_wait3A_411 : memref<1x8x80xi32, #tpu.memory_space<vmem>> -> memref<8x80xi32, #tpu.memory_space<vmem>>
          %dma_wait3A_413 = arith.constant 0 : i32
          %dma_wait3A_414 = tpu.memref_slice %arg3[%add3A_376, %dma_wait3A_413] : memref<4096x80xi32, #tpu.memory_space<hbm>> -> memref<8x80xi32, #tpu.memory_space<hbm>>
          tpu.wait_dma2 semaphore(%run_scoped3A_390 : memref<!tpu.dma_semaphore, #tpu.memory_space<semaphore_mem>>) src(%dma_wait3A_414 : memref<8x80xi32, #tpu.memory_space<hbm>>) dst(%dma_wait3A_412 : memref<8x80xi32, #tpu.memory_space<vmem>>)
          tpu.yield
        }) : () -> ()
        %add3A_381 = arith.constant 2 : i32
        %add3A_382 = arith.addi %div3A_318, %add3A_381 : i32
        %mul3A_383 = arith.constant 8 : i32
        %mul3A_384 = arith.muli %add3A_382, %mul3A_383 : i32
        %add3A_385 = arith.addi %select_n3A_9, %mul3A_384 : i32
        %add3A_386 = arith.constant 2 : i32
        %add3A_387 = arith.addi %div3A_318, %add3A_386 : i32
        %rem3A_388 = arith.constant 4 : i32
        %rem3A_389 = arith.remsi %add3A_387, %rem3A_388 : i32
        "tpu.region"() ({
          %run_scoped3A_390 = tpu.sem_alloc : memref<!tpu.dma_semaphore, #tpu.memory_space<semaphore_mem>>
          %dma_start3A_391 = arith.constant 0 : i32
          %dma_start3A_392 = arith.constant 0 : i32
          %dma_start3A_393 = tpu.memref_slice %arg8[%rem3A_389, %dma_start3A_391, %dma_start3A_392] : memref<4x8x80xi32, #tpu.memory_space<vmem>> -> memref<1x8x80xi32, #tpu.memory_space<vmem>>
          %dma_start3A_394 = tpu.memref_squeeze %dma_start3A_393 : memref<1x8x80xi32, #tpu.memory_space<vmem>> -> memref<8x80xi32, #tpu.memory_space<vmem>>
          %dma_start3A_395 = arith.constant 0 : i32
          %dma_start3A_396 = tpu.memref_slice %arg4[%add3A_385, %dma_start3A_395] : memref<4096x80xi32, #tpu.memory_space<hbm>> -> memref<8x80xi32, #tpu.memory_space<hbm>>
          %dma_start3A_397 = arith.constant 0 : i32
          %dma_start3A_398 = arith.constant 0 : i32
          %dma_start3A_399 = tpu.memref_slice %arg8[%rem3A_389, %dma_start3A_397, %dma_start3A_398] : memref<4x8x80xi32, #tpu.memory_space<vmem>> -> memref<1x8x80xi32, #tpu.memory_space<vmem>>
          %dma_start3A_400 = tpu.memref_squeeze %dma_start3A_399 : memref<1x8x80xi32, #tpu.memory_space<vmem>> -> memref<8x80xi32, #tpu.memory_space<vmem>>
          %dma_start3A_401 = arith.constant 0 : i32
          %dma_start3A_402 = tpu.memref_slice %arg4[%add3A_385, %dma_start3A_401] : memref<4096x80xi32, #tpu.memory_space<hbm>> -> memref<8x80xi32, #tpu.memory_space<hbm>>
          tpu.enqueue_dma source(%dma_start3A_402 : memref<8x80xi32, #tpu.memory_space<hbm>>) target(%dma_start3A_400 : memref<8x80xi32, #tpu.memory_space<vmem>>) target_semaphore(%run_scoped3A_390 : memref<!tpu.dma_semaphore, #tpu.memory_space<semaphore_mem>>)
          %dma_wait3A_403 = arith.constant 0 : i32
          %dma_wait3A_404 = arith.constant 0 : i32
          %dma_wait3A_405 = tpu.memref_slice %arg8[%rem3A_389, %dma_wait3A_403, %dma_wait3A_404] : memref<4x8x80xi32, #tpu.memory_space<vmem>> -> memref<1x8x80xi32, #tpu.memory_space<vmem>>
          %dma_wait3A_406 = tpu.memref_squeeze %dma_wait3A_405 : memref<1x8x80xi32, #tpu.memory_space<vmem>> -> memref<8x80xi32, #tpu.memory_space<vmem>>
          %dma_wait3A_407 = arith.constant 0 : i32
          %dma_wait3A_408 = tpu.memref_slice %arg4[%add3A_385, %dma_wait3A_407] : memref<4096x80xi32, #tpu.memory_space<hbm>> -> memref<8x80xi32, #tpu.memory_space<hbm>>
          %dma_wait3A_409 = arith.constant 0 : i32
          %dma_wait3A_410 = arith.constant 0 : i32
          %dma_wait3A_411 = tpu.memref_slice %arg8[%rem3A_389, %dma_wait3A_409, %dma_wait3A_410] : memref<4x8x80xi32, #tpu.memory_space<vmem>> -> memref<1x8x80xi32, #tpu.memory_space<vmem>>
          %dma_wait3A_412 = tpu.memref_squeeze %dma_wait3A_411 : memref<1x8x80xi32, #tpu.memory_space<vmem>> -> memref<8x80xi32, #tpu.memory_space<vmem>>
          %dma_wait3A_413 = arith.constant 0 : i32
          %dma_wait3A_414 = tpu.memref_slice %arg4[%add3A_385, %dma_wait3A_413] : memref<4096x80xi32, #tpu.memory_space<hbm>> -> memref<8x80xi32, #tpu.memory_space<hbm>>
          tpu.wait_dma2 semaphore(%run_scoped3A_390 : memref<!tpu.dma_semaphore, #tpu.memory_space<semaphore_mem>>) src(%dma_wait3A_414 : memref<8x80xi32, #tpu.memory_space<hbm>>) dst(%dma_wait3A_412 : memref<8x80xi32, #tpu.memory_space<vmem>>)
          tpu.yield
        }) : () -> ()
      } else {
      }
      %add3A_366 = arith.constant 2 : i32
      %add3A_367 = arith.addi %add3A_316, %add3A_366 : i32
      %lt3A_368 = arith.cmpi slt, %add3A_367, %select_n3A_2 : i32
      %convert_element_type3A_369 = arith.extui %lt3A_368 : i1 to i32
      %cond3A_370 = arith.constant 0 : i32
      %cond3A_371 = arith.cmpi ne, %convert_element_type3A_369, %cond3A_370 : i32
      scf.if %cond3A_371 {
        %ge3A = arith.constant 4 : i32
        %ge3A_372 = arith.cmpi sge, %add3A_367, %ge3A : i32
        %convert_element_type3A_373 = arith.extui %ge3A_372 : i1 to i32
        %cond3A_374 = arith.constant 0 : i32
        %cond3A_375 = arith.cmpi ne, %convert_element_type3A_373, %cond3A_374 : i32
        scf.if %cond3A_375 {
          %dma_wait3A_397 = arith.constant 1 : i32
          %dma_wait3A_398 = arith.constant 0 : i32
          %dma_wait3A_399 = arith.constant 0 : i32
          %dma_wait3A_400 = arith.constant 0 : i32
          %dma_wait3A_401 = arith.constant 0 : i32
          %dma_wait3A_402 = tpu.memref_slice %arg9[%dma_wait3A_397, %dma_wait3A_400, %dma_wait3A_401] : memref<4x80x128xf32, #tpu.memory_space<vmem>> -> memref<1x80x128xf32, #tpu.memory_space<vmem>>
          %dma_wait3A_403 = tpu.memref_squeeze %dma_wait3A_402 : memref<1x80x128xf32, #tpu.memory_space<vmem>> -> memref<80x128xf32, #tpu.memory_space<vmem>>
          %dma_wait3A_404 = arith.constant 0 : i32
          %dma_wait3A_405 = arith.constant 0 : i32
          %dma_wait3A_406 = tpu.memref_slice %arg8[%dma_wait3A_398, %dma_wait3A_404, %dma_wait3A_405] : memref<4x8x80xi32, #tpu.memory_space<vmem>> -> memref<1x8x80xi32, #tpu.memory_space<vmem>>
          %dma_wait3A_407 = tpu.memref_squeeze %dma_wait3A_406 : memref<1x8x80xi32, #tpu.memory_space<vmem>> -> memref<8x80xi32, #tpu.memory_space<vmem>>
          %dma_wait3A_408 = arith.constant 0 : i32
          %dma_wait3A_409 = tpu.memref_slice %dma_wait3A_407[%dma_wait3A_399, %dma_wait3A_408] : memref<8x80xi32, #tpu.memory_space<vmem>> -> memref<1x80xi32, #tpu.memory_space<vmem>>
          %dma_wait3A_410 = tpu.memref_squeeze %dma_wait3A_409 : memref<1x80xi32, #tpu.memory_space<vmem>> -> memref<80xi32, #tpu.memory_space<vmem>>
          %dma_wait3A_411 = arith.constant 0 : i32
          %dma_wait3A_412 = arith.constant 0 : i32
          %dma_wait3A_413 = tpu.memref_slice %arg10[%dma_wait3A_411, %dma_wait3A_412] : memref<10240x128xf32, #tpu.memory_space<vmem_shared>> -> memref<10240x128xf32, #tpu.memory_space<vmem_shared>>
          tpu.wait_indirect_dma semaphore(%arg16 : memref<!tpu.dma_semaphore, #tpu.memory_space<semaphore_mem>>) src(%dma_wait3A_403 : memref<80x128xf32, #tpu.memory_space<vmem>>) dst(%dma_wait3A_413 : memref<10240x128xf32, #tpu.memory_space<vmem_shared>>)
        } else {
        }
        %div3A_376 = arith.constant 8 : i32
        %div3A_377 = arith.divsi %add3A_367, %div3A_376 : i32
        %rem3A_378 = arith.constant 3 : i32
        %rem3A_379 = arith.remsi %div3A_377, %rem3A_378 : i32
        %rem3A_380 = arith.constant 8 : i32
        %rem3A_381 = arith.remsi %add3A_367, %rem3A_380 : i32
        %dma_start3A_382 = arith.constant 1 : i32
        %dma_start3A_383 = arith.constant 0 : i32
        %dma_start3A_384 = arith.constant 0 : i32
        %dma_start3A_385 = tpu.memref_slice %arg9[%dma_start3A_382, %dma_start3A_383, %dma_start3A_384] : memref<4x80x128xf32, #tpu.memory_space<vmem>> -> memref<1x80x128xf32, #tpu.memory_space<vmem>>
        %dma_start3A_386 = tpu.memref_squeeze %dma_start3A_385 : memref<1x80x128xf32, #tpu.memory_space<vmem>> -> memref<80x128xf32, #tpu.memory_space<vmem>>
        %dma_start3A_387 = arith.constant 0 : i32
        %dma_start3A_388 = arith.constant 0 : i32
        %dma_start3A_389 = tpu.memref_slice %arg7[%rem3A_379, %dma_start3A_387, %dma_start3A_388] : memref<3x8x80xi32, #tpu.memory_space<vmem>> -> memref<1x8x80xi32, #tpu.memory_space<vmem>>
        %dma_start3A_390 = tpu.memref_squeeze %dma_start3A_389 : memref<1x8x80xi32, #tpu.memory_space<vmem>> -> memref<8x80xi32, #tpu.memory_space<vmem>>
        %dma_start3A_391 = arith.constant 0 : i32
        %dma_start3A_392 = tpu.memref_slice %dma_start3A_390[%rem3A_381, %dma_start3A_391] : memref<8x80xi32, #tpu.memory_space<vmem>> -> memref<1x80xi32, #tpu.memory_space<vmem>>
        %dma_start3A_393 = tpu.memref_squeeze %dma_start3A_392 : memref<1x80xi32, #tpu.memory_space<vmem>> -> memref<80xi32, #tpu.memory_space<vmem>>
        %dma_start3A_394 = arith.constant 0 : i32
        %dma_start3A_395 = arith.constant 0 : i32
        %dma_start3A_396 = tpu.memref_slice %arg2[%dma_start3A_394, %dma_start3A_395] : memref<10240x128xf32, #tpu.memory_space<hbm>> -> memref<10240x128xf32, #tpu.memory_space<hbm>>
        tpu.enqueue_indirect_dma source(%dma_start3A_396 : memref<10240x128xf32, #tpu.memory_space<hbm>>) target(%dma_start3A_386 : memref<80x128xf32, #tpu.memory_space<vmem>>) offsets(%dma_start3A_393 : memref<80xi32, #tpu.memory_space<vmem>>) semaphore(%arg12 : memref<!tpu.dma_semaphore, #tpu.memory_space<semaphore_mem>>)
      } else {
      }
    }
    %dma_wait3A = arith.constant 0 : i32
    %dma_wait3A_68 = arith.constant 0 : i32
    %dma_wait3A_69 = arith.constant 0 : i32
    %dma_wait3A_70 = arith.constant 0 : i32
    %dma_wait3A_71 = arith.constant 0 : i32
    %dma_wait3A_72 = tpu.memref_slice %arg9[%dma_wait3A, %dma_wait3A_70, %dma_wait3A_71] : memref<4x80x128xf32, #tpu.memory_space<vmem>> -> memref<1x80x128xf32, #tpu.memory_space<vmem>>
    %dma_wait3A_73 = tpu.memref_squeeze %dma_wait3A_72 : memref<1x80x128xf32, #tpu.memory_space<vmem>> -> memref<80x128xf32, #tpu.memory_space<vmem>>
    %dma_wait3A_74 = arith.constant 0 : i32
    %dma_wait3A_75 = arith.constant 0 : i32
    %dma_wait3A_76 = tpu.memref_slice %arg8[%dma_wait3A_68, %dma_wait3A_74, %dma_wait3A_75] : memref<4x8x80xi32, #tpu.memory_space<vmem>> -> memref<1x8x80xi32, #tpu.memory_space<vmem>>
    %dma_wait3A_77 = tpu.memref_squeeze %dma_wait3A_76 : memref<1x8x80xi32, #tpu.memory_space<vmem>> -> memref<8x80xi32, #tpu.memory_space<vmem>>
    %dma_wait3A_78 = arith.constant 0 : i32
    %dma_wait3A_79 = tpu.memref_slice %dma_wait3A_77[%dma_wait3A_69, %dma_wait3A_78] : memref<8x80xi32, #tpu.memory_space<vmem>> -> memref<1x80xi32, #tpu.memory_space<vmem>>
    %dma_wait3A_80 = tpu.memref_squeeze %dma_wait3A_79 : memref<1x80xi32, #tpu.memory_space<vmem>> -> memref<80xi32, #tpu.memory_space<vmem>>
    %dma_wait3A_81 = arith.constant 0 : i32
    %dma_wait3A_82 = arith.constant 0 : i32
    %dma_wait3A_83 = tpu.memref_slice %arg10[%dma_wait3A_81, %dma_wait3A_82] : memref<10240x128xf32, #tpu.memory_space<vmem_shared>> -> memref<10240x128xf32, #tpu.memory_space<vmem_shared>>
    tpu.wait_indirect_dma semaphore(%arg15 : memref<!tpu.dma_semaphore, #tpu.memory_space<semaphore_mem>>) src(%dma_wait3A_73 : memref<80x128xf32, #tpu.memory_space<vmem>>) dst(%dma_wait3A_83 : memref<10240x128xf32, #tpu.memory_space<vmem_shared>>)
    %dma_wait3A_84 = arith.constant 1 : i32
    %dma_wait3A_85 = arith.constant 0 : i32
    %dma_wait3A_86 = arith.constant 0 : i32
    %dma_wait3A_87 = arith.constant 0 : i32
    %dma_wait3A_88 = arith.constant 0 : i32
    %dma_wait3A_89 = tpu.memref_slice %arg9[%dma_wait3A_84, %dma_wait3A_87, %dma_wait3A_88] : memref<4x80x128xf32, #tpu.memory_space<vmem>> -> memref<1x80x128xf32, #tpu.memory_space<vmem>>
    %dma_wait3A_90 = tpu.memref_squeeze %dma_wait3A_89 : memref<1x80x128xf32, #tpu.memory_space<vmem>> -> memref<80x128xf32, #tpu.memory_space<vmem>>
    %dma_wait3A_91 = arith.constant 0 : i32
    %dma_wait3A_92 = arith.constant 0 : i32
    %dma_wait3A_93 = tpu.memref_slice %arg8[%dma_wait3A_85, %dma_wait3A_91, %dma_wait3A_92] : memref<4x8x80xi32, #tpu.memory_space<vmem>> -> memref<1x8x80xi32, #tpu.memory_space<vmem>>
    %dma_wait3A_94 = tpu.memref_squeeze %dma_wait3A_93 : memref<1x8x80xi32, #tpu.memory_space<vmem>> -> memref<8x80xi32, #tpu.memory_space<vmem>>
    %dma_wait3A_95 = arith.constant 0 : i32
    %dma_wait3A_96 = tpu.memref_slice %dma_wait3A_94[%dma_wait3A_86, %dma_wait3A_95] : memref<8x80xi32, #tpu.memory_space<vmem>> -> memref<1x80xi32, #tpu.memory_space<vmem>>
    %dma_wait3A_97 = tpu.memref_squeeze %dma_wait3A_96 : memref<1x80xi32, #tpu.memory_space<vmem>> -> memref<80xi32, #tpu.memory_space<vmem>>
    %dma_wait3A_98 = arith.constant 0 : i32
    %dma_wait3A_99 = arith.constant 0 : i32
    %dma_wait3A_100 = tpu.memref_slice %arg10[%dma_wait3A_98, %dma_wait3A_99] : memref<10240x128xf32, #tpu.memory_space<vmem_shared>> -> memref<10240x128xf32, #tpu.memory_space<vmem_shared>>
    tpu.wait_indirect_dma semaphore(%arg16 : memref<!tpu.dma_semaphore, #tpu.memory_space<semaphore_mem>>) src(%dma_wait3A_90 : memref<80x128xf32, #tpu.memory_space<vmem>>) dst(%dma_wait3A_100 : memref<10240x128xf32, #tpu.memory_space<vmem_shared>>)
    %dma_wait3A_101 = arith.constant 2 : i32
    %dma_wait3A_102 = arith.constant 0 : i32
    %dma_wait3A_103 = arith.constant 0 : i32
    %dma_wait3A_104 = arith.constant 0 : i32
    %dma_wait3A_105 = arith.constant 0 : i32
    %dma_wait3A_106 = tpu.memref_slice %arg9[%dma_wait3A_101, %dma_wait3A_104, %dma_wait3A_105] : memref<4x80x128xf32, #tpu.memory_space<vmem>> -> memref<1x80x128xf32, #tpu.memory_space<vmem>>
    %dma_wait3A_107 = tpu.memref_squeeze %dma_wait3A_106 : memref<1x80x128xf32, #tpu.memory_space<vmem>> -> memref<80x128xf32, #tpu.memory_space<vmem>>
    %dma_wait3A_108 = arith.constant 0 : i32
    %dma_wait3A_109 = arith.constant 0 : i32
    %dma_wait3A_110 = tpu.memref_slice %arg8[%dma_wait3A_102, %dma_wait3A_108, %dma_wait3A_109] : memref<4x8x80xi32, #tpu.memory_space<vmem>> -> memref<1x8x80xi32, #tpu.memory_space<vmem>>
    %dma_wait3A_111 = tpu.memref_squeeze %dma_wait3A_110 : memref<1x8x80xi32, #tpu.memory_space<vmem>> -> memref<8x80xi32, #tpu.memory_space<vmem>>
    %dma_wait3A_112 = arith.constant 0 : i32
    %dma_wait3A_113 = tpu.memref_slice %dma_wait3A_111[%dma_wait3A_103, %dma_wait3A_112] : memref<8x80xi32, #tpu.memory_space<vmem>> -> memref<1x80xi32, #tpu.memory_space<vmem>>
    %dma_wait3A_114 = tpu.memref_squeeze %dma_wait3A_113 : memref<1x80xi32, #tpu.memory_space<vmem>> -> memref<80xi32, #tpu.memory_space<vmem>>
    %dma_wait3A_115 = arith.constant 0 : i32
    %dma_wait3A_116 = arith.constant 0 : i32
    %dma_wait3A_117 = tpu.memref_slice %arg10[%dma_wait3A_115, %dma_wait3A_116] : memref<10240x128xf32, #tpu.memory_space<vmem_shared>> -> memref<10240x128xf32, #tpu.memory_space<vmem_shared>>
    tpu.wait_indirect_dma semaphore(%arg17 : memref<!tpu.dma_semaphore, #tpu.memory_space<semaphore_mem>>) src(%dma_wait3A_107 : memref<80x128xf32, #tpu.memory_space<vmem>>) dst(%dma_wait3A_117 : memref<10240x128xf32, #tpu.memory_space<vmem_shared>>)
    %dma_wait3A_118 = arith.constant 3 : i32
    %dma_wait3A_119 = arith.constant 0 : i32
    %dma_wait3A_120 = arith.constant 0 : i32
    %dma_wait3A_121 = arith.constant 0 : i32
    %dma_wait3A_122 = arith.constant 0 : i32
    %dma_wait3A_123 = tpu.memref_slice %arg9[%dma_wait3A_118, %dma_wait3A_121, %dma_wait3A_122] : memref<4x80x128xf32, #tpu.memory_space<vmem>> -> memref<1x80x128xf32, #tpu.memory_space<vmem>>
    %dma_wait3A_124 = tpu.memref_squeeze %dma_wait3A_123 : memref<1x80x128xf32, #tpu.memory_space<vmem>> -> memref<80x128xf32, #tpu.memory_space<vmem>>
    %dma_wait3A_125 = arith.constant 0 : i32
    %dma_wait3A_126 = arith.constant 0 : i32
    %dma_wait3A_127 = tpu.memref_slice %arg8[%dma_wait3A_119, %dma_wait3A_125, %dma_wait3A_126] : memref<4x8x80xi32, #tpu.memory_space<vmem>> -> memref<1x8x80xi32, #tpu.memory_space<vmem>>
    %dma_wait3A_128 = tpu.memref_squeeze %dma_wait3A_127 : memref<1x8x80xi32, #tpu.memory_space<vmem>> -> memref<8x80xi32, #tpu.memory_space<vmem>>
    %dma_wait3A_129 = arith.constant 0 : i32
    %dma_wait3A_130 = tpu.memref_slice %dma_wait3A_128[%dma_wait3A_120, %dma_wait3A_129] : memref<8x80xi32, #tpu.memory_space<vmem>> -> memref<1x80xi32, #tpu.memory_space<vmem>>
    %dma_wait3A_131 = tpu.memref_squeeze %dma_wait3A_130 : memref<1x80xi32, #tpu.memory_space<vmem>> -> memref<80xi32, #tpu.memory_space<vmem>>
    %dma_wait3A_132 = arith.constant 0 : i32
    %dma_wait3A_133 = arith.constant 0 : i32
    %dma_wait3A_134 = tpu.memref_slice %arg10[%dma_wait3A_132, %dma_wait3A_133] : memref<10240x128xf32, #tpu.memory_space<vmem_shared>> -> memref<10240x128xf32, #tpu.memory_space<vmem_shared>>
    tpu.wait_indirect_dma semaphore(%arg18 : memref<!tpu.dma_semaphore, #tpu.memory_space<semaphore_mem>>) src(%dma_wait3A_124 : memref<80x128xf32, #tpu.memory_space<vmem>>) dst(%dma_wait3A_134 : memref<10240x128xf32, #tpu.memory_space<vmem_shared>>)
    %barrier3A_135 = arith.constant 0 : index
    tpu.barrier barrier_id(%barrier3A_135)
    %mul3A_136 = arith.constant 640 : i32
    %mul3A_137 = arith.muli %arg1, %mul3A_136 : i32
    %mul3A_138 = arith.constant 640 : i32
    %mul3A_139 = arith.muli %arg1, %mul3A_138 : i32
    "tpu.region"() ({
      %run_scoped3A_140 = tpu.sem_alloc : memref<!tpu.dma_semaphore, #tpu.memory_space<semaphore_mem>>
      %dma_start3A_141 = arith.constant 0 : i32
      %dma_start3A_142 = arith.constant 0 : i32
      %dma_start3A_143 = tpu.memref_slice %arg6[%arg0, %dma_start3A_141, %dma_start3A_142] : memref<2x10240x128xf32, #tpu.memory_space<hbm>> -> memref<1x10240x128xf32, #tpu.memory_space<hbm>>
      %dma_start3A_144 = tpu.memref_squeeze %dma_start3A_143 : memref<1x10240x128xf32, #tpu.memory_space<hbm>> -> memref<10240x128xf32, #tpu.memory_space<hbm>>
      %dma_start3A_145 = arith.constant 0 : i32
      %dma_start3A_146 = tpu.memref_slice %dma_start3A_144[%mul3A_139, %dma_start3A_145] : memref<10240x128xf32, #tpu.memory_space<hbm>> -> memref<640x128xf32, #tpu.memory_space<hbm>>
      %dma_start3A_147 = arith.constant 0 : i32
      %dma_start3A_148 = tpu.memref_slice %arg10[%mul3A_137, %dma_start3A_147] : memref<10240x128xf32, #tpu.memory_space<vmem_shared>> -> memref<640x128xf32, #tpu.memory_space<vmem_shared>>
      tpu.enqueue_dma source(%dma_start3A_148 : memref<640x128xf32, #tpu.memory_space<vmem_shared>>) target(%dma_start3A_146 : memref<640x128xf32, #tpu.memory_space<hbm>>) target_semaphore(%run_scoped3A_140 : memref<!tpu.dma_semaphore, #tpu.memory_space<semaphore_mem>>)
      %dma_wait3A_149 = arith.constant 0 : i32
      %dma_wait3A_150 = arith.constant 0 : i32
      %dma_wait3A_151 = tpu.memref_slice %arg6[%arg0, %dma_wait3A_149, %dma_wait3A_150] : memref<2x10240x128xf32, #tpu.memory_space<hbm>> -> memref<1x10240x128xf32, #tpu.memory_space<hbm>>
      %dma_wait3A_152 = tpu.memref_squeeze %dma_wait3A_151 : memref<1x10240x128xf32, #tpu.memory_space<hbm>> -> memref<10240x128xf32, #tpu.memory_space<hbm>>
      %dma_wait3A_153 = arith.constant 0 : i32
      %dma_wait3A_154 = tpu.memref_slice %dma_wait3A_152[%mul3A_139, %dma_wait3A_153] : memref<10240x128xf32, #tpu.memory_space<hbm>> -> memref<640x128xf32, #tpu.memory_space<hbm>>
      %dma_wait3A_155 = arith.constant 0 : i32
      %dma_wait3A_156 = tpu.memref_slice %arg10[%mul3A_137, %dma_wait3A_155] : memref<10240x128xf32, #tpu.memory_space<vmem_shared>> -> memref<640x128xf32, #tpu.memory_space<vmem_shared>>
      tpu.wait_dma2 semaphore(%run_scoped3A_140 : memref<!tpu.dma_semaphore, #tpu.memory_space<semaphore_mem>>) src(%dma_wait3A_156 : memref<640x128xf32, #tpu.memory_space<vmem_shared>>) dst(%dma_wait3A_154 : memref<640x128xf32, #tpu.memory_space<hbm>>)
      tpu.yield
    }) : () -> ()
    return
  }
}

#map = affine_map<(d0, d1) -> (0, 0)>
#map1 = affine_map<(d0, d1) -> (0, 0, 0)>
module attributes {stable_mosaic.version = 14 : i64} {
  func.func @_sc_agg_body(%arg0: i32, %arg1: i32, %arg2: memref<10240x128xf32, #tpu.memory_space<hbm>>, %arg3: memref<4096x80xi32, #tpu.memory_space<hbm>>, %arg4: memref<4096x80xi32, #tpu.memory_space<hbm>>, %arg5: memref<10240x128xf32, #tpu.memory_space<hbm>>, %arg6: memref<2x10240x128xf32, #tpu.memory_space<hbm>>, %arg7: memref<3x8x80xi32, #tpu.memory_space<vmem>>, %arg8: memref<4x8x80xi32, #tpu.memory_space<vmem>>, %arg9: memref<4x80x128xf32, #tpu.memory_space<vmem>>, %arg10: memref<10240x128xf32, #tpu.memory_space<vmem_shared>>, %arg11: memref<!tpu.dma_semaphore, #tpu.memory_space<semaphore_mem>>, %arg12: memref<!tpu.dma_semaphore, #tpu.memory_space<semaphore_mem>>, %arg13: memref<!tpu.dma_semaphore, #tpu.memory_space<semaphore_mem>>, %arg14: memref<!tpu.dma_semaphore, #tpu.memory_space<semaphore_mem>>, %arg15: memref<!tpu.dma_semaphore, #tpu.memory_space<semaphore_mem>>, %arg16: memref<!tpu.dma_semaphore, #tpu.memory_space<semaphore_mem>>, %arg17: memref<!tpu.dma_semaphore, #tpu.memory_space<semaphore_mem>>, %arg18: memref<!tpu.dma_semaphore, #tpu.memory_space<semaphore_mem>>) attributes {dimension_semantics = [#tpu.dimension_semantics<core_parallel>, #tpu.dimension_semantics<subcore_parallel>], iteration_bounds = array<i64: 2, 16>, scalar_prefetch = 0 : i64, scratch_operands = 12 : i64, tpu.core_type = #tpu.core_type<sc_vector_subcore>, window_params = [{transform_indices = #map}, {transform_indices = #map}, {transform_indices = #map}, {transform_indices = #map}, {transform_indices = #map1}]} {
    %eq3A = arith.constant 0 : i32
    %eq3A_0 = arith.cmpi eq, %arg0, %eq3A : i32
    %select_n3A = arith.constant 128 : i32
    %select_n3A_1 = arith.constant 128 : i32
    %select_n3A_2 = arith.select %eq3A_0, %select_n3A_1, %select_n3A : i32
    %eq3A_3 = arith.constant 0 : i32
    %eq3A_4 = arith.cmpi eq, %arg0, %eq3A_3 : i32
    %mul3A = arith.constant 128 : i32
    %mul3A_5 = arith.muli %arg1, %mul3A : i32
    %mul3A_6 = arith.constant 128 : i32
    %mul3A_7 = arith.muli %arg1, %mul3A_6 : i32
    %add3A = arith.constant 2048 : i32
    %add3A_8 = arith.addi %add3A, %mul3A_7 : i32
    %select_n3A_9 = arith.select %eq3A_4, %mul3A_5, %add3A_8 : i32
    %mul3A_10 = arith.constant 640 : i32
    %mul3A_11 = arith.muli %arg1, %mul3A_10 : i32
    %mul3A_12 = arith.constant 640 : i32
    %mul3A_13 = arith.muli %arg1, %mul3A_12 : i32
    "tpu.region"() ({
      %run_scoped3A_140 = tpu.sem_alloc : memref<!tpu.dma_semaphore, #tpu.memory_space<semaphore_mem>>
      %dma_start3A_141 = arith.constant 0 : i32
      %dma_start3A_142 = tpu.memref_slice %arg10[%mul3A_13, %dma_start3A_141] : memref<10240x128xf32, #tpu.memory_space<vmem_shared>> -> memref<640x128xf32, #tpu.memory_space<vmem_shared>>
      %dma_start3A_143 = arith.constant 0 : i32
      %dma_start3A_144 = tpu.memref_slice %arg5[%mul3A_11, %dma_start3A_143] : memref<10240x128xf32, #tpu.memory_space<hbm>> -> memref<640x128xf32, #tpu.memory_space<hbm>>
      tpu.enqueue_dma source(%dma_start3A_144 : memref<640x128xf32, #tpu.memory_space<hbm>>) target(%dma_start3A_142 : memref<640x128xf32, #tpu.memory_space<vmem_shared>>) target_semaphore(%run_scoped3A_140 : memref<!tpu.dma_semaphore, #tpu.memory_space<semaphore_mem>>)
      %dma_wait3A_145 = arith.constant 0 : i32
      %dma_wait3A_146 = tpu.memref_slice %arg10[%mul3A_13, %dma_wait3A_145] : memref<10240x128xf32, #tpu.memory_space<vmem_shared>> -> memref<640x128xf32, #tpu.memory_space<vmem_shared>>
      %dma_wait3A_147 = arith.constant 0 : i32
      %dma_wait3A_148 = tpu.memref_slice %arg5[%mul3A_11, %dma_wait3A_147] : memref<10240x128xf32, #tpu.memory_space<hbm>> -> memref<640x128xf32, #tpu.memory_space<hbm>>
      tpu.wait_dma2 semaphore(%run_scoped3A_140 : memref<!tpu.dma_semaphore, #tpu.memory_space<semaphore_mem>>) src(%dma_wait3A_148 : memref<640x128xf32, #tpu.memory_space<hbm>>) dst(%dma_wait3A_146 : memref<640x128xf32, #tpu.memory_space<vmem_shared>>)
      tpu.yield
    }) : () -> ()
    %add3A_14 = arith.constant 0 : i32
    %add3A_15 = arith.addi %select_n3A_9, %add3A_14 : i32
    %run_scoped3A = arith.constant 0 : i32
    "tpu.region"() ({
      %run_scoped3A_140 = tpu.sem_alloc : memref<!tpu.dma_semaphore, #tpu.memory_space<semaphore_mem>>
      %dma_start3A_141 = arith.constant 0 : i32
      %dma_start3A_142 = arith.constant 0 : i32
      %dma_start3A_143 = tpu.memref_slice %arg7[%run_scoped3A, %dma_start3A_141, %dma_start3A_142] : memref<3x8x80xi32, #tpu.memory_space<vmem>> -> memref<1x8x80xi32, #tpu.memory_space<vmem>>
      %dma_start3A_144 = tpu.memref_squeeze %dma_start3A_143 : memref<1x8x80xi32, #tpu.memory_space<vmem>> -> memref<8x80xi32, #tpu.memory_space<vmem>>
      %dma_start3A_145 = arith.constant 0 : i32
      %dma_start3A_146 = tpu.memref_slice %arg3[%add3A_15, %dma_start3A_145] : memref<4096x80xi32, #tpu.memory_space<hbm>> -> memref<8x80xi32, #tpu.memory_space<hbm>>
      %dma_start3A_147 = arith.constant 0 : i32
      %dma_start3A_148 = arith.constant 0 : i32
      %dma_start3A_149 = tpu.memref_slice %arg7[%run_scoped3A, %dma_start3A_147, %dma_start3A_148] : memref<3x8x80xi32, #tpu.memory_space<vmem>> -> memref<1x8x80xi32, #tpu.memory_space<vmem>>
      %dma_start3A_150 = tpu.memref_squeeze %dma_start3A_149 : memref<1x8x80xi32, #tpu.memory_space<vmem>> -> memref<8x80xi32, #tpu.memory_space<vmem>>
      %dma_start3A_151 = arith.constant 0 : i32
      %dma_start3A_152 = tpu.memref_slice %arg3[%add3A_15, %dma_start3A_151] : memref<4096x80xi32, #tpu.memory_space<hbm>> -> memref<8x80xi32, #tpu.memory_space<hbm>>
      tpu.enqueue_dma source(%dma_start3A_152 : memref<8x80xi32, #tpu.memory_space<hbm>>) target(%dma_start3A_150 : memref<8x80xi32, #tpu.memory_space<vmem>>) target_semaphore(%run_scoped3A_140 : memref<!tpu.dma_semaphore, #tpu.memory_space<semaphore_mem>>)
      %dma_wait3A_153 = arith.constant 0 : i32
      %dma_wait3A_154 = arith.constant 0 : i32
      %dma_wait3A_155 = tpu.memref_slice %arg7[%run_scoped3A, %dma_wait3A_153, %dma_wait3A_154] : memref<3x8x80xi32, #tpu.memory_space<vmem>> -> memref<1x8x80xi32, #tpu.memory_space<vmem>>
      %dma_wait3A_156 = tpu.memref_squeeze %dma_wait3A_155 : memref<1x8x80xi32, #tpu.memory_space<vmem>> -> memref<8x80xi32, #tpu.memory_space<vmem>>
      %dma_wait3A_157 = arith.constant 0 : i32
      %dma_wait3A_158 = tpu.memref_slice %arg3[%add3A_15, %dma_wait3A_157] : memref<4096x80xi32, #tpu.memory_space<hbm>> -> memref<8x80xi32, #tpu.memory_space<hbm>>
      %dma_wait3A_159 = arith.constant 0 : i32
      %dma_wait3A_160 = arith.constant 0 : i32
      %dma_wait3A_161 = tpu.memref_slice %arg7[%run_scoped3A, %dma_wait3A_159, %dma_wait3A_160] : memref<3x8x80xi32, #tpu.memory_space<vmem>> -> memref<1x8x80xi32, #tpu.memory_space<vmem>>
      %dma_wait3A_162 = tpu.memref_squeeze %dma_wait3A_161 : memref<1x8x80xi32, #tpu.memory_space<vmem>> -> memref<8x80xi32, #tpu.memory_space<vmem>>
      %dma_wait3A_163 = arith.constant 0 : i32
      %dma_wait3A_164 = tpu.memref_slice %arg3[%add3A_15, %dma_wait3A_163] : memref<4096x80xi32, #tpu.memory_space<hbm>> -> memref<8x80xi32, #tpu.memory_space<hbm>>
      tpu.wait_dma2 semaphore(%run_scoped3A_140 : memref<!tpu.dma_semaphore, #tpu.memory_space<semaphore_mem>>) src(%dma_wait3A_164 : memref<8x80xi32, #tpu.memory_space<hbm>>) dst(%dma_wait3A_162 : memref<8x80xi32, #tpu.memory_space<vmem>>)
      tpu.yield
    }) : () -> ()
    %add3A_16 = arith.constant 0 : i32
    %add3A_17 = arith.addi %select_n3A_9, %add3A_16 : i32
    %run_scoped3A_18 = arith.constant 0 : i32
    "tpu.region"() ({
      %run_scoped3A_140 = tpu.sem_alloc : memref<!tpu.dma_semaphore, #tpu.memory_space<semaphore_mem>>
      %dma_start3A_141 = arith.constant 0 : i32
      %dma_start3A_142 = arith.constant 0 : i32
      %dma_start3A_143 = tpu.memref_slice %arg8[%run_scoped3A_18, %dma_start3A_141, %dma_start3A_142] : memref<4x8x80xi32, #tpu.memory_space<vmem>> -> memref<1x8x80xi32, #tpu.memory_space<vmem>>
      %dma_start3A_144 = tpu.memref_squeeze %dma_start3A_143 : memref<1x8x80xi32, #tpu.memory_space<vmem>> -> memref<8x80xi32, #tpu.memory_space<vmem>>
      %dma_start3A_145 = arith.constant 0 : i32
      %dma_start3A_146 = tpu.memref_slice %arg4[%add3A_17, %dma_start3A_145] : memref<4096x80xi32, #tpu.memory_space<hbm>> -> memref<8x80xi32, #tpu.memory_space<hbm>>
      %dma_start3A_147 = arith.constant 0 : i32
      %dma_start3A_148 = arith.constant 0 : i32
      %dma_start3A_149 = tpu.memref_slice %arg8[%run_scoped3A_18, %dma_start3A_147, %dma_start3A_148] : memref<4x8x80xi32, #tpu.memory_space<vmem>> -> memref<1x8x80xi32, #tpu.memory_space<vmem>>
      %dma_start3A_150 = tpu.memref_squeeze %dma_start3A_149 : memref<1x8x80xi32, #tpu.memory_space<vmem>> -> memref<8x80xi32, #tpu.memory_space<vmem>>
      %dma_start3A_151 = arith.constant 0 : i32
      %dma_start3A_152 = tpu.memref_slice %arg4[%add3A_17, %dma_start3A_151] : memref<4096x80xi32, #tpu.memory_space<hbm>> -> memref<8x80xi32, #tpu.memory_space<hbm>>
      tpu.enqueue_dma source(%dma_start3A_152 : memref<8x80xi32, #tpu.memory_space<hbm>>) target(%dma_start3A_150 : memref<8x80xi32, #tpu.memory_space<vmem>>) target_semaphore(%run_scoped3A_140 : memref<!tpu.dma_semaphore, #tpu.memory_space<semaphore_mem>>)
      %dma_wait3A_153 = arith.constant 0 : i32
      %dma_wait3A_154 = arith.constant 0 : i32
      %dma_wait3A_155 = tpu.memref_slice %arg8[%run_scoped3A_18, %dma_wait3A_153, %dma_wait3A_154] : memref<4x8x80xi32, #tpu.memory_space<vmem>> -> memref<1x8x80xi32, #tpu.memory_space<vmem>>
      %dma_wait3A_156 = tpu.memref_squeeze %dma_wait3A_155 : memref<1x8x80xi32, #tpu.memory_space<vmem>> -> memref<8x80xi32, #tpu.memory_space<vmem>>
      %dma_wait3A_157 = arith.constant 0 : i32
      %dma_wait3A_158 = tpu.memref_slice %arg4[%add3A_17, %dma_wait3A_157] : memref<4096x80xi32, #tpu.memory_space<hbm>> -> memref<8x80xi32, #tpu.memory_space<hbm>>
      %dma_wait3A_159 = arith.constant 0 : i32
      %dma_wait3A_160 = arith.constant 0 : i32
      %dma_wait3A_161 = tpu.memref_slice %arg8[%run_scoped3A_18, %dma_wait3A_159, %dma_wait3A_160] : memref<4x8x80xi32, #tpu.memory_space<vmem>> -> memref<1x8x80xi32, #tpu.memory_space<vmem>>
      %dma_wait3A_162 = tpu.memref_squeeze %dma_wait3A_161 : memref<1x8x80xi32, #tpu.memory_space<vmem>> -> memref<8x80xi32, #tpu.memory_space<vmem>>
      %dma_wait3A_163 = arith.constant 0 : i32
      %dma_wait3A_164 = tpu.memref_slice %arg4[%add3A_17, %dma_wait3A_163] : memref<4096x80xi32, #tpu.memory_space<hbm>> -> memref<8x80xi32, #tpu.memory_space<hbm>>
      tpu.wait_dma2 semaphore(%run_scoped3A_140 : memref<!tpu.dma_semaphore, #tpu.memory_space<semaphore_mem>>) src(%dma_wait3A_164 : memref<8x80xi32, #tpu.memory_space<hbm>>) dst(%dma_wait3A_162 : memref<8x80xi32, #tpu.memory_space<vmem>>)
      tpu.yield
    }) : () -> ()
    %add3A_19 = arith.constant 8 : i32
    %add3A_20 = arith.addi %select_n3A_9, %add3A_19 : i32
    %run_scoped3A_21 = arith.constant 1 : i32
    "tpu.region"() ({
      %run_scoped3A_140 = tpu.sem_alloc : memref<!tpu.dma_semaphore, #tpu.memory_space<semaphore_mem>>
      %dma_start3A_141 = arith.constant 0 : i32
      %dma_start3A_142 = arith.constant 0 : i32
      %dma_start3A_143 = tpu.memref_slice %arg7[%run_scoped3A_21, %dma_start3A_141, %dma_start3A_142] : memref<3x8x80xi32, #tpu.memory_space<vmem>> -> memref<1x8x80xi32, #tpu.memory_space<vmem>>
      %dma_start3A_144 = tpu.memref_squeeze %dma_start3A_143 : memref<1x8x80xi32, #tpu.memory_space<vmem>> -> memref<8x80xi32, #tpu.memory_space<vmem>>
      %dma_start3A_145 = arith.constant 0 : i32
      %dma_start3A_146 = tpu.memref_slice %arg3[%add3A_20, %dma_start3A_145] : memref<4096x80xi32, #tpu.memory_space<hbm>> -> memref<8x80xi32, #tpu.memory_space<hbm>>
      %dma_start3A_147 = arith.constant 0 : i32
      %dma_start3A_148 = arith.constant 0 : i32
      %dma_start3A_149 = tpu.memref_slice %arg7[%run_scoped3A_21, %dma_start3A_147, %dma_start3A_148] : memref<3x8x80xi32, #tpu.memory_space<vmem>> -> memref<1x8x80xi32, #tpu.memory_space<vmem>>
      %dma_start3A_150 = tpu.memref_squeeze %dma_start3A_149 : memref<1x8x80xi32, #tpu.memory_space<vmem>> -> memref<8x80xi32, #tpu.memory_space<vmem>>
      %dma_start3A_151 = arith.constant 0 : i32
      %dma_start3A_152 = tpu.memref_slice %arg3[%add3A_20, %dma_start3A_151] : memref<4096x80xi32, #tpu.memory_space<hbm>> -> memref<8x80xi32, #tpu.memory_space<hbm>>
      tpu.enqueue_dma source(%dma_start3A_152 : memref<8x80xi32, #tpu.memory_space<hbm>>) target(%dma_start3A_150 : memref<8x80xi32, #tpu.memory_space<vmem>>) target_semaphore(%run_scoped3A_140 : memref<!tpu.dma_semaphore, #tpu.memory_space<semaphore_mem>>)
      %dma_wait3A_153 = arith.constant 0 : i32
      %dma_wait3A_154 = arith.constant 0 : i32
      %dma_wait3A_155 = tpu.memref_slice %arg7[%run_scoped3A_21, %dma_wait3A_153, %dma_wait3A_154] : memref<3x8x80xi32, #tpu.memory_space<vmem>> -> memref<1x8x80xi32, #tpu.memory_space<vmem>>
      %dma_wait3A_156 = tpu.memref_squeeze %dma_wait3A_155 : memref<1x8x80xi32, #tpu.memory_space<vmem>> -> memref<8x80xi32, #tpu.memory_space<vmem>>
      %dma_wait3A_157 = arith.constant 0 : i32
      %dma_wait3A_158 = tpu.memref_slice %arg3[%add3A_20, %dma_wait3A_157] : memref<4096x80xi32, #tpu.memory_space<hbm>> -> memref<8x80xi32, #tpu.memory_space<hbm>>
      %dma_wait3A_159 = arith.constant 0 : i32
      %dma_wait3A_160 = arith.constant 0 : i32
      %dma_wait3A_161 = tpu.memref_slice %arg7[%run_scoped3A_21, %dma_wait3A_159, %dma_wait3A_160] : memref<3x8x80xi32, #tpu.memory_space<vmem>> -> memref<1x8x80xi32, #tpu.memory_space<vmem>>
      %dma_wait3A_162 = tpu.memref_squeeze %dma_wait3A_161 : memref<1x8x80xi32, #tpu.memory_space<vmem>> -> memref<8x80xi32, #tpu.memory_space<vmem>>
      %dma_wait3A_163 = arith.constant 0 : i32
      %dma_wait3A_164 = tpu.memref_slice %arg3[%add3A_20, %dma_wait3A_163] : memref<4096x80xi32, #tpu.memory_space<hbm>> -> memref<8x80xi32, #tpu.memory_space<hbm>>
      tpu.wait_dma2 semaphore(%run_scoped3A_140 : memref<!tpu.dma_semaphore, #tpu.memory_space<semaphore_mem>>) src(%dma_wait3A_164 : memref<8x80xi32, #tpu.memory_space<hbm>>) dst(%dma_wait3A_162 : memref<8x80xi32, #tpu.memory_space<vmem>>)
      tpu.yield
    }) : () -> ()
    %add3A_22 = arith.constant 8 : i32
    %add3A_23 = arith.addi %select_n3A_9, %add3A_22 : i32
    %run_scoped3A_24 = arith.constant 1 : i32
    "tpu.region"() ({
      %run_scoped3A_140 = tpu.sem_alloc : memref<!tpu.dma_semaphore, #tpu.memory_space<semaphore_mem>>
      %dma_start3A_141 = arith.constant 0 : i32
      %dma_start3A_142 = arith.constant 0 : i32
      %dma_start3A_143 = tpu.memref_slice %arg8[%run_scoped3A_24, %dma_start3A_141, %dma_start3A_142] : memref<4x8x80xi32, #tpu.memory_space<vmem>> -> memref<1x8x80xi32, #tpu.memory_space<vmem>>
      %dma_start3A_144 = tpu.memref_squeeze %dma_start3A_143 : memref<1x8x80xi32, #tpu.memory_space<vmem>> -> memref<8x80xi32, #tpu.memory_space<vmem>>
      %dma_start3A_145 = arith.constant 0 : i32
      %dma_start3A_146 = tpu.memref_slice %arg4[%add3A_23, %dma_start3A_145] : memref<4096x80xi32, #tpu.memory_space<hbm>> -> memref<8x80xi32, #tpu.memory_space<hbm>>
      %dma_start3A_147 = arith.constant 0 : i32
      %dma_start3A_148 = arith.constant 0 : i32
      %dma_start3A_149 = tpu.memref_slice %arg8[%run_scoped3A_24, %dma_start3A_147, %dma_start3A_148] : memref<4x8x80xi32, #tpu.memory_space<vmem>> -> memref<1x8x80xi32, #tpu.memory_space<vmem>>
      %dma_start3A_150 = tpu.memref_squeeze %dma_start3A_149 : memref<1x8x80xi32, #tpu.memory_space<vmem>> -> memref<8x80xi32, #tpu.memory_space<vmem>>
      %dma_start3A_151 = arith.constant 0 : i32
      %dma_start3A_152 = tpu.memref_slice %arg4[%add3A_23, %dma_start3A_151] : memref<4096x80xi32, #tpu.memory_space<hbm>> -> memref<8x80xi32, #tpu.memory_space<hbm>>
      tpu.enqueue_dma source(%dma_start3A_152 : memref<8x80xi32, #tpu.memory_space<hbm>>) target(%dma_start3A_150 : memref<8x80xi32, #tpu.memory_space<vmem>>) target_semaphore(%run_scoped3A_140 : memref<!tpu.dma_semaphore, #tpu.memory_space<semaphore_mem>>)
      %dma_wait3A_153 = arith.constant 0 : i32
      %dma_wait3A_154 = arith.constant 0 : i32
      %dma_wait3A_155 = tpu.memref_slice %arg8[%run_scoped3A_24, %dma_wait3A_153, %dma_wait3A_154] : memref<4x8x80xi32, #tpu.memory_space<vmem>> -> memref<1x8x80xi32, #tpu.memory_space<vmem>>
      %dma_wait3A_156 = tpu.memref_squeeze %dma_wait3A_155 : memref<1x8x80xi32, #tpu.memory_space<vmem>> -> memref<8x80xi32, #tpu.memory_space<vmem>>
      %dma_wait3A_157 = arith.constant 0 : i32
      %dma_wait3A_158 = tpu.memref_slice %arg4[%add3A_23, %dma_wait3A_157] : memref<4096x80xi32, #tpu.memory_space<hbm>> -> memref<8x80xi32, #tpu.memory_space<hbm>>
      %dma_wait3A_159 = arith.constant 0 : i32
      %dma_wait3A_160 = arith.constant 0 : i32
      %dma_wait3A_161 = tpu.memref_slice %arg8[%run_scoped3A_24, %dma_wait3A_159, %dma_wait3A_160] : memref<4x8x80xi32, #tpu.memory_space<vmem>> -> memref<1x8x80xi32, #tpu.memory_space<vmem>>
      %dma_wait3A_162 = tpu.memref_squeeze %dma_wait3A_161 : memref<1x8x80xi32, #tpu.memory_space<vmem>> -> memref<8x80xi32, #tpu.memory_space<vmem>>
      %dma_wait3A_163 = arith.constant 0 : i32
      %dma_wait3A_164 = tpu.memref_slice %arg4[%add3A_23, %dma_wait3A_163] : memref<4096x80xi32, #tpu.memory_space<hbm>> -> memref<8x80xi32, #tpu.memory_space<hbm>>
      tpu.wait_dma2 semaphore(%run_scoped3A_140 : memref<!tpu.dma_semaphore, #tpu.memory_space<semaphore_mem>>) src(%dma_wait3A_164 : memref<8x80xi32, #tpu.memory_space<hbm>>) dst(%dma_wait3A_162 : memref<8x80xi32, #tpu.memory_space<vmem>>)
      tpu.yield
    }) : () -> ()
    %barrier3A = arith.constant 0 : index
    tpu.barrier barrier_id(%barrier3A)
    %dma_start3A = arith.constant 0 : i32
    %dma_start3A_25 = arith.constant 0 : i32
    %dma_start3A_26 = arith.constant 0 : i32
    %dma_start3A_27 = arith.constant 0 : i32
    %dma_start3A_28 = arith.constant 0 : i32
    %dma_start3A_29 = tpu.memref_slice %arg9[%dma_start3A_26, %dma_start3A_27, %dma_start3A_28] : memref<4x80x128xf32, #tpu.memory_space<vmem>> -> memref<1x80x128xf32, #tpu.memory_space<vmem>>
    %dma_start3A_30 = tpu.memref_squeeze %dma_start3A_29 : memref<1x80x128xf32, #tpu.memory_space<vmem>> -> memref<80x128xf32, #tpu.memory_space<vmem>>
    %dma_start3A_31 = arith.constant 0 : i32
    %dma_start3A_32 = arith.constant 0 : i32
    %dma_start3A_33 = tpu.memref_slice %arg7[%dma_start3A, %dma_start3A_31, %dma_start3A_32] : memref<3x8x80xi32, #tpu.memory_space<vmem>> -> memref<1x8x80xi32, #tpu.memory_space<vmem>>
    %dma_start3A_34 = tpu.memref_squeeze %dma_start3A_33 : memref<1x8x80xi32, #tpu.memory_space<vmem>> -> memref<8x80xi32, #tpu.memory_space<vmem>>
    %dma_start3A_35 = arith.constant 0 : i32
    %dma_start3A_36 = tpu.memref_slice %dma_start3A_34[%dma_start3A_25, %dma_start3A_35] : memref<8x80xi32, #tpu.memory_space<vmem>> -> memref<1x80xi32, #tpu.memory_space<vmem>>
    %dma_start3A_37 = tpu.memref_squeeze %dma_start3A_36 : memref<1x80xi32, #tpu.memory_space<vmem>> -> memref<80xi32, #tpu.memory_space<vmem>>
    %dma_start3A_38 = arith.constant 0 : i32
    %dma_start3A_39 = arith.constant 0 : i32
    %dma_start3A_40 = tpu.memref_slice %arg2[%dma_start3A_38, %dma_start3A_39] : memref<10240x128xf32, #tpu.memory_space<hbm>> -> memref<10240x128xf32, #tpu.memory_space<hbm>>
    tpu.enqueue_indirect_dma source(%dma_start3A_40 : memref<10240x128xf32, #tpu.memory_space<hbm>>) target(%dma_start3A_30 : memref<80x128xf32, #tpu.memory_space<vmem>>) offsets(%dma_start3A_37 : memref<80xi32, #tpu.memory_space<vmem>>) semaphore(%arg11 : memref<!tpu.dma_semaphore, #tpu.memory_space<semaphore_mem>>)
    %dma_start3A_41 = arith.constant 0 : i32
    %dma_start3A_42 = arith.constant 1 : i32
    %dma_start3A_43 = arith.constant 1 : i32
    %dma_start3A_44 = arith.constant 0 : i32
    %dma_start3A_45 = arith.constant 0 : i32
    %dma_start3A_46 = tpu.memref_slice %arg9[%dma_start3A_43, %dma_start3A_44, %dma_start3A_45] : memref<4x80x128xf32, #tpu.memory_space<vmem>> -> memref<1x80x128xf32, #tpu.memory_space<vmem>>
    %dma_start3A_47 = tpu.memref_squeeze %dma_start3A_46 : memref<1x80x128xf32, #tpu.memory_space<vmem>> -> memref<80x128xf32, #tpu.memory_space<vmem>>
    %dma_start3A_48 = arith.constant 0 : i32
    %dma_start3A_49 = arith.constant 0 : i32
    %dma_start3A_50 = tpu.memref_slice %arg7[%dma_start3A_41, %dma_start3A_48, %dma_start3A_49] : memref<3x8x80xi32, #tpu.memory_space<vmem>> -> memref<1x8x80xi32, #tpu.memory_space<vmem>>
    %dma_start3A_51 = tpu.memref_squeeze %dma_start3A_50 : memref<1x8x80xi32, #tpu.memory_space<vmem>> -> memref<8x80xi32, #tpu.memory_space<vmem>>
    %dma_start3A_52 = arith.constant 0 : i32
    %dma_start3A_53 = tpu.memref_slice %dma_start3A_51[%dma_start3A_42, %dma_start3A_52] : memref<8x80xi32, #tpu.memory_space<vmem>> -> memref<1x80xi32, #tpu.memory_space<vmem>>
    %dma_start3A_54 = tpu.memref_squeeze %dma_start3A_53 : memref<1x80xi32, #tpu.memory_space<vmem>> -> memref<80xi32, #tpu.memory_space<vmem>>
    %dma_start3A_55 = arith.constant 0 : i32
    %dma_start3A_56 = arith.constant 0 : i32
    %dma_start3A_57 = tpu.memref_slice %arg2[%dma_start3A_55, %dma_start3A_56] : memref<10240x128xf32, #tpu.memory_space<hbm>> -> memref<10240x128xf32, #tpu.memory_space<hbm>>
    tpu.enqueue_indirect_dma source(%dma_start3A_57 : memref<10240x128xf32, #tpu.memory_space<hbm>>) target(%dma_start3A_47 : memref<80x128xf32, #tpu.memory_space<vmem>>) offsets(%dma_start3A_54 : memref<80xi32, #tpu.memory_space<vmem>>) semaphore(%arg12 : memref<!tpu.dma_semaphore, #tpu.memory_space<semaphore_mem>>)
    %div3A = arith.constant 4 : i32
    %div3A_58 = arith.divsi %select_n3A_2, %div3A : i32
    %while3A = arith.constant 0 : i32
    %while3A_59 = arith.constant 0 : i32
    %while3A_60 = arith.subi %div3A_58, %while3A_59 : i32
    %while3A_61 = arith.addi %while3A_59, %while3A_60 : i32
    %while3A_62 = arith.constant 1 : i32
    %while3A_63 = arith.divsi %while3A_60, %while3A_62 : i32
    %while3A_64 = arith.muli %while3A_63, %while3A_62 : i32
    %while3A_65 = arith.addi %while3A_59, %while3A_64 : i32
    %while3A_66 = arith.constant 1 : i32
    scf.for %while3A_140 = %while3A_59 to %while3A_65 step %while3A_66  : i32 {
      %mul3A_141 = arith.constant 4 : i32
      %mul3A_142 = arith.muli %while3A_140, %mul3A_141 : i32
      %add3A_143 = arith.constant 0 : i32
      %add3A_144 = arith.addi %mul3A_142, %add3A_143 : i32
      %div3A_145 = arith.constant 8 : i32
      %div3A_146 = arith.divsi %add3A_144, %div3A_145 : i32
      %rem3A = arith.constant 8 : i32
      %rem3A_147 = arith.remsi %add3A_144, %rem3A : i32
      %rem3A_148 = arith.constant 3 : i32
      %rem3A_149 = arith.remsi %div3A_146, %rem3A_148 : i32
      %dma_wait3A_150 = arith.constant 0 : i32
      %dma_wait3A_151 = arith.constant 0 : i32
      %dma_wait3A_152 = arith.constant 0 : i32
      %dma_wait3A_153 = tpu.memref_slice %arg9[%dma_wait3A_150, %dma_wait3A_151, %dma_wait3A_152] : memref<4x80x128xf32, #tpu.memory_space<vmem>> -> memref<1x80x128xf32, #tpu.memory_space<vmem>>
      %dma_wait3A_154 = tpu.memref_squeeze %dma_wait3A_153 : memref<1x80x128xf32, #tpu.memory_space<vmem>> -> memref<80x128xf32, #tpu.memory_space<vmem>>
      %dma_wait3A_155 = arith.constant 0 : i32
      %dma_wait3A_156 = arith.constant 0 : i32
      %dma_wait3A_157 = tpu.memref_slice %arg7[%rem3A_149, %dma_wait3A_155, %dma_wait3A_156] : memref<3x8x80xi32, #tpu.memory_space<vmem>> -> memref<1x8x80xi32, #tpu.memory_space<vmem>>
      %dma_wait3A_158 = tpu.memref_squeeze %dma_wait3A_157 : memref<1x8x80xi32, #tpu.memory_space<vmem>> -> memref<8x80xi32, #tpu.memory_space<vmem>>
      %dma_wait3A_159 = arith.constant 0 : i32
      %dma_wait3A_160 = tpu.memref_slice %dma_wait3A_158[%rem3A_147, %dma_wait3A_159] : memref<8x80xi32, #tpu.memory_space<vmem>> -> memref<1x80xi32, #tpu.memory_space<vmem>>
      %dma_wait3A_161 = tpu.memref_squeeze %dma_wait3A_160 : memref<1x80xi32, #tpu.memory_space<vmem>> -> memref<80xi32, #tpu.memory_space<vmem>>
      %dma_wait3A_162 = arith.constant 0 : i32
      %dma_wait3A_163 = arith.constant 0 : i32
      %dma_wait3A_164 = tpu.memref_slice %arg2[%dma_wait3A_162, %dma_wait3A_163] : memref<10240x128xf32, #tpu.memory_space<hbm>> -> memref<10240x128xf32, #tpu.memory_space<hbm>>
      tpu.wait_indirect_dma semaphore(%arg11 : memref<!tpu.dma_semaphore, #tpu.memory_space<semaphore_mem>>) src(%dma_wait3A_164 : memref<10240x128xf32, #tpu.memory_space<hbm>>) dst(%dma_wait3A_154 : memref<80x128xf32, #tpu.memory_space<vmem>>)
      %rem3A_165 = arith.constant 4 : i32
      %rem3A_166 = arith.remsi %div3A_146, %rem3A_165 : i32
      %dma_start3A_167 = arith.constant 0 : i32
      %dma_start3A_168 = arith.constant 0 : i32
      %dma_start3A_169 = arith.constant 0 : i32
      %dma_start3A_170 = tpu.memref_slice %arg9[%dma_start3A_167, %dma_start3A_168, %dma_start3A_169] : memref<4x80x128xf32, #tpu.memory_space<vmem>> -> memref<1x80x128xf32, #tpu.memory_space<vmem>>
      %dma_start3A_171 = tpu.memref_squeeze %dma_start3A_170 : memref<1x80x128xf32, #tpu.memory_space<vmem>> -> memref<80x128xf32, #tpu.memory_space<vmem>>
      %dma_start3A_172 = arith.constant 0 : i32
      %dma_start3A_173 = arith.constant 0 : i32
      %dma_start3A_174 = tpu.memref_slice %arg8[%rem3A_166, %dma_start3A_172, %dma_start3A_173] : memref<4x8x80xi32, #tpu.memory_space<vmem>> -> memref<1x8x80xi32, #tpu.memory_space<vmem>>
      %dma_start3A_175 = tpu.memref_squeeze %dma_start3A_174 : memref<1x8x80xi32, #tpu.memory_space<vmem>> -> memref<8x80xi32, #tpu.memory_space<vmem>>
      %dma_start3A_176 = arith.constant 0 : i32
      %dma_start3A_177 = tpu.memref_slice %dma_start3A_175[%rem3A_147, %dma_start3A_176] : memref<8x80xi32, #tpu.memory_space<vmem>> -> memref<1x80xi32, #tpu.memory_space<vmem>>
      %dma_start3A_178 = tpu.memref_squeeze %dma_start3A_177 : memref<1x80xi32, #tpu.memory_space<vmem>> -> memref<80xi32, #tpu.memory_space<vmem>>
      %dma_start3A_179 = arith.constant 0 : i32
      %dma_start3A_180 = arith.constant 0 : i32
      %dma_start3A_181 = tpu.memref_slice %arg10[%dma_start3A_179, %dma_start3A_180] : memref<10240x128xf32, #tpu.memory_space<vmem_shared>> -> memref<10240x128xf32, #tpu.memory_space<vmem_shared>>
      tpu.enqueue_indirect_dma source(%dma_start3A_171 : memref<80x128xf32, #tpu.memory_space<vmem>>) target(%dma_start3A_181 : memref<10240x128xf32, #tpu.memory_space<vmem_shared>>) offsets(%dma_start3A_178 : memref<80xi32, #tpu.memory_space<vmem>>) semaphore(%arg15 : memref<!tpu.dma_semaphore, #tpu.memory_space<semaphore_mem>>) {add = true}
      %eq3A_182 = arith.constant 0 : i32
      %eq3A_183 = arith.cmpi eq, %rem3A_147, %eq3A_182 : i32
      %add3A_184 = arith.constant 2 : i32
      %add3A_185 = arith.addi %div3A_146, %add3A_184 : i32
      %mul3A_186 = arith.constant 8 : i32
      %mul3A_187 = arith.muli %add3A_185, %mul3A_186 : i32
      %lt3A = arith.cmpi slt, %mul3A_187, %select_n3A_2 : i32
      %and3A = arith.andi %eq3A_183, %lt3A : i1
      %convert_element_type3A = arith.extui %and3A : i1 to i32
      %cond3A = arith.constant 0 : i32
      %cond3A_188 = arith.cmpi ne, %convert_element_type3A, %cond3A : i32
      scf.if %cond3A_188 {
        %add3A_372 = arith.constant 2 : i32
        %add3A_373 = arith.addi %div3A_146, %add3A_372 : i32
        %mul3A_374 = arith.constant 8 : i32
        %mul3A_375 = arith.muli %add3A_373, %mul3A_374 : i32
        %add3A_376 = arith.addi %select_n3A_9, %mul3A_375 : i32
        %add3A_377 = arith.constant 2 : i32
        %add3A_378 = arith.addi %div3A_146, %add3A_377 : i32
        %rem3A_379 = arith.constant 3 : i32
        %rem3A_380 = arith.remsi %add3A_378, %rem3A_379 : i32
        "tpu.region"() ({
          %run_scoped3A_390 = tpu.sem_alloc : memref<!tpu.dma_semaphore, #tpu.memory_space<semaphore_mem>>
          %dma_start3A_391 = arith.constant 0 : i32
          %dma_start3A_392 = arith.constant 0 : i32
          %dma_start3A_393 = tpu.memref_slice %arg7[%rem3A_380, %dma_start3A_391, %dma_start3A_392] : memref<3x8x80xi32, #tpu.memory_space<vmem>> -> memref<1x8x80xi32, #tpu.memory_space<vmem>>
          %dma_start3A_394 = tpu.memref_squeeze %dma_start3A_393 : memref<1x8x80xi32, #tpu.memory_space<vmem>> -> memref<8x80xi32, #tpu.memory_space<vmem>>
          %dma_start3A_395 = arith.constant 0 : i32
          %dma_start3A_396 = tpu.memref_slice %arg3[%add3A_376, %dma_start3A_395] : memref<4096x80xi32, #tpu.memory_space<hbm>> -> memref<8x80xi32, #tpu.memory_space<hbm>>
          %dma_start3A_397 = arith.constant 0 : i32
          %dma_start3A_398 = arith.constant 0 : i32
          %dma_start3A_399 = tpu.memref_slice %arg7[%rem3A_380, %dma_start3A_397, %dma_start3A_398] : memref<3x8x80xi32, #tpu.memory_space<vmem>> -> memref<1x8x80xi32, #tpu.memory_space<vmem>>
          %dma_start3A_400 = tpu.memref_squeeze %dma_start3A_399 : memref<1x8x80xi32, #tpu.memory_space<vmem>> -> memref<8x80xi32, #tpu.memory_space<vmem>>
          %dma_start3A_401 = arith.constant 0 : i32
          %dma_start3A_402 = tpu.memref_slice %arg3[%add3A_376, %dma_start3A_401] : memref<4096x80xi32, #tpu.memory_space<hbm>> -> memref<8x80xi32, #tpu.memory_space<hbm>>
          tpu.enqueue_dma source(%dma_start3A_402 : memref<8x80xi32, #tpu.memory_space<hbm>>) target(%dma_start3A_400 : memref<8x80xi32, #tpu.memory_space<vmem>>) target_semaphore(%run_scoped3A_390 : memref<!tpu.dma_semaphore, #tpu.memory_space<semaphore_mem>>)
          %dma_wait3A_403 = arith.constant 0 : i32
          %dma_wait3A_404 = arith.constant 0 : i32
          %dma_wait3A_405 = tpu.memref_slice %arg7[%rem3A_380, %dma_wait3A_403, %dma_wait3A_404] : memref<3x8x80xi32, #tpu.memory_space<vmem>> -> memref<1x8x80xi32, #tpu.memory_space<vmem>>
          %dma_wait3A_406 = tpu.memref_squeeze %dma_wait3A_405 : memref<1x8x80xi32, #tpu.memory_space<vmem>> -> memref<8x80xi32, #tpu.memory_space<vmem>>
          %dma_wait3A_407 = arith.constant 0 : i32
          %dma_wait3A_408 = tpu.memref_slice %arg3[%add3A_376, %dma_wait3A_407] : memref<4096x80xi32, #tpu.memory_space<hbm>> -> memref<8x80xi32, #tpu.memory_space<hbm>>
          %dma_wait3A_409 = arith.constant 0 : i32
          %dma_wait3A_410 = arith.constant 0 : i32
          %dma_wait3A_411 = tpu.memref_slice %arg7[%rem3A_380, %dma_wait3A_409, %dma_wait3A_410] : memref<3x8x80xi32, #tpu.memory_space<vmem>> -> memref<1x8x80xi32, #tpu.memory_space<vmem>>
          %dma_wait3A_412 = tpu.memref_squeeze %dma_wait3A_411 : memref<1x8x80xi32, #tpu.memory_space<vmem>> -> memref<8x80xi32, #tpu.memory_space<vmem>>
          %dma_wait3A_413 = arith.constant 0 : i32
          %dma_wait3A_414 = tpu.memref_slice %arg3[%add3A_376, %dma_wait3A_413] : memref<4096x80xi32, #tpu.memory_space<hbm>> -> memref<8x80xi32, #tpu.memory_space<hbm>>
          tpu.wait_dma2 semaphore(%run_scoped3A_390 : memref<!tpu.dma_semaphore, #tpu.memory_space<semaphore_mem>>) src(%dma_wait3A_414 : memref<8x80xi32, #tpu.memory_space<hbm>>) dst(%dma_wait3A_412 : memref<8x80xi32, #tpu.memory_space<vmem>>)
          tpu.yield
        }) : () -> ()
        %add3A_381 = arith.constant 2 : i32
        %add3A_382 = arith.addi %div3A_146, %add3A_381 : i32
        %mul3A_383 = arith.constant 8 : i32
        %mul3A_384 = arith.muli %add3A_382, %mul3A_383 : i32
        %add3A_385 = arith.addi %select_n3A_9, %mul3A_384 : i32
        %add3A_386 = arith.constant 2 : i32
        %add3A_387 = arith.addi %div3A_146, %add3A_386 : i32
        %rem3A_388 = arith.constant 4 : i32
        %rem3A_389 = arith.remsi %add3A_387, %rem3A_388 : i32
        "tpu.region"() ({
          %run_scoped3A_390 = tpu.sem_alloc : memref<!tpu.dma_semaphore, #tpu.memory_space<semaphore_mem>>
          %dma_start3A_391 = arith.constant 0 : i32
          %dma_start3A_392 = arith.constant 0 : i32
          %dma_start3A_393 = tpu.memref_slice %arg8[%rem3A_389, %dma_start3A_391, %dma_start3A_392] : memref<4x8x80xi32, #tpu.memory_space<vmem>> -> memref<1x8x80xi32, #tpu.memory_space<vmem>>
          %dma_start3A_394 = tpu.memref_squeeze %dma_start3A_393 : memref<1x8x80xi32, #tpu.memory_space<vmem>> -> memref<8x80xi32, #tpu.memory_space<vmem>>
          %dma_start3A_395 = arith.constant 0 : i32
          %dma_start3A_396 = tpu.memref_slice %arg4[%add3A_385, %dma_start3A_395] : memref<4096x80xi32, #tpu.memory_space<hbm>> -> memref<8x80xi32, #tpu.memory_space<hbm>>
          %dma_start3A_397 = arith.constant 0 : i32
          %dma_start3A_398 = arith.constant 0 : i32
          %dma_start3A_399 = tpu.memref_slice %arg8[%rem3A_389, %dma_start3A_397, %dma_start3A_398] : memref<4x8x80xi32, #tpu.memory_space<vmem>> -> memref<1x8x80xi32, #tpu.memory_space<vmem>>
          %dma_start3A_400 = tpu.memref_squeeze %dma_start3A_399 : memref<1x8x80xi32, #tpu.memory_space<vmem>> -> memref<8x80xi32, #tpu.memory_space<vmem>>
          %dma_start3A_401 = arith.constant 0 : i32
          %dma_start3A_402 = tpu.memref_slice %arg4[%add3A_385, %dma_start3A_401] : memref<4096x80xi32, #tpu.memory_space<hbm>> -> memref<8x80xi32, #tpu.memory_space<hbm>>
          tpu.enqueue_dma source(%dma_start3A_402 : memref<8x80xi32, #tpu.memory_space<hbm>>) target(%dma_start3A_400 : memref<8x80xi32, #tpu.memory_space<vmem>>) target_semaphore(%run_scoped3A_390 : memref<!tpu.dma_semaphore, #tpu.memory_space<semaphore_mem>>)
          %dma_wait3A_403 = arith.constant 0 : i32
          %dma_wait3A_404 = arith.constant 0 : i32
          %dma_wait3A_405 = tpu.memref_slice %arg8[%rem3A_389, %dma_wait3A_403, %dma_wait3A_404] : memref<4x8x80xi32, #tpu.memory_space<vmem>> -> memref<1x8x80xi32, #tpu.memory_space<vmem>>
          %dma_wait3A_406 = tpu.memref_squeeze %dma_wait3A_405 : memref<1x8x80xi32, #tpu.memory_space<vmem>> -> memref<8x80xi32, #tpu.memory_space<vmem>>
          %dma_wait3A_407 = arith.constant 0 : i32
          %dma_wait3A_408 = tpu.memref_slice %arg4[%add3A_385, %dma_wait3A_407] : memref<4096x80xi32, #tpu.memory_space<hbm>> -> memref<8x80xi32, #tpu.memory_space<hbm>>
          %dma_wait3A_409 = arith.constant 0 : i32
          %dma_wait3A_410 = arith.constant 0 : i32
          %dma_wait3A_411 = tpu.memref_slice %arg8[%rem3A_389, %dma_wait3A_409, %dma_wait3A_410] : memref<4x8x80xi32, #tpu.memory_space<vmem>> -> memref<1x8x80xi32, #tpu.memory_space<vmem>>
          %dma_wait3A_412 = tpu.memref_squeeze %dma_wait3A_411 : memref<1x8x80xi32, #tpu.memory_space<vmem>> -> memref<8x80xi32, #tpu.memory_space<vmem>>
          %dma_wait3A_413 = arith.constant 0 : i32
          %dma_wait3A_414 = tpu.memref_slice %arg4[%add3A_385, %dma_wait3A_413] : memref<4096x80xi32, #tpu.memory_space<hbm>> -> memref<8x80xi32, #tpu.memory_space<hbm>>
          tpu.wait_dma2 semaphore(%run_scoped3A_390 : memref<!tpu.dma_semaphore, #tpu.memory_space<semaphore_mem>>) src(%dma_wait3A_414 : memref<8x80xi32, #tpu.memory_space<hbm>>) dst(%dma_wait3A_412 : memref<8x80xi32, #tpu.memory_space<vmem>>)
          tpu.yield
        }) : () -> ()
      } else {
      }
      %add3A_189 = arith.constant 2 : i32
      %add3A_190 = arith.addi %add3A_144, %add3A_189 : i32
      %lt3A_191 = arith.cmpi slt, %add3A_190, %select_n3A_2 : i32
      %convert_element_type3A_192 = arith.extui %lt3A_191 : i1 to i32
      %cond3A_193 = arith.constant 0 : i32
      %cond3A_194 = arith.cmpi ne, %convert_element_type3A_192, %cond3A_193 : i32
      scf.if %cond3A_194 {
        %ge3A = arith.constant 4 : i32
        %ge3A_372 = arith.cmpi sge, %add3A_190, %ge3A : i32
        %convert_element_type3A_373 = arith.extui %ge3A_372 : i1 to i32
        %cond3A_374 = arith.constant 0 : i32
        %cond3A_375 = arith.cmpi ne, %convert_element_type3A_373, %cond3A_374 : i32
        scf.if %cond3A_375 {
          %dma_wait3A_397 = arith.constant 2 : i32
          %dma_wait3A_398 = arith.constant 0 : i32
          %dma_wait3A_399 = arith.constant 0 : i32
          %dma_wait3A_400 = arith.constant 0 : i32
          %dma_wait3A_401 = arith.constant 0 : i32
          %dma_wait3A_402 = tpu.memref_slice %arg9[%dma_wait3A_397, %dma_wait3A_400, %dma_wait3A_401] : memref<4x80x128xf32, #tpu.memory_space<vmem>> -> memref<1x80x128xf32, #tpu.memory_space<vmem>>
          %dma_wait3A_403 = tpu.memref_squeeze %dma_wait3A_402 : memref<1x80x128xf32, #tpu.memory_space<vmem>> -> memref<80x128xf32, #tpu.memory_space<vmem>>
          %dma_wait3A_404 = arith.constant 0 : i32
          %dma_wait3A_405 = arith.constant 0 : i32
          %dma_wait3A_406 = tpu.memref_slice %arg8[%dma_wait3A_398, %dma_wait3A_404, %dma_wait3A_405] : memref<4x8x80xi32, #tpu.memory_space<vmem>> -> memref<1x8x80xi32, #tpu.memory_space<vmem>>
          %dma_wait3A_407 = tpu.memref_squeeze %dma_wait3A_406 : memref<1x8x80xi32, #tpu.memory_space<vmem>> -> memref<8x80xi32, #tpu.memory_space<vmem>>
          %dma_wait3A_408 = arith.constant 0 : i32
          %dma_wait3A_409 = tpu.memref_slice %dma_wait3A_407[%dma_wait3A_399, %dma_wait3A_408] : memref<8x80xi32, #tpu.memory_space<vmem>> -> memref<1x80xi32, #tpu.memory_space<vmem>>
          %dma_wait3A_410 = tpu.memref_squeeze %dma_wait3A_409 : memref<1x80xi32, #tpu.memory_space<vmem>> -> memref<80xi32, #tpu.memory_space<vmem>>
          %dma_wait3A_411 = arith.constant 0 : i32
          %dma_wait3A_412 = arith.constant 0 : i32
          %dma_wait3A_413 = tpu.memref_slice %arg10[%dma_wait3A_411, %dma_wait3A_412] : memref<10240x128xf32, #tpu.memory_space<vmem_shared>> -> memref<10240x128xf32, #tpu.memory_space<vmem_shared>>
          tpu.wait_indirect_dma semaphore(%arg17 : memref<!tpu.dma_semaphore, #tpu.memory_space<semaphore_mem>>) src(%dma_wait3A_403 : memref<80x128xf32, #tpu.memory_space<vmem>>) dst(%dma_wait3A_413 : memref<10240x128xf32, #tpu.memory_space<vmem_shared>>)
        } else {
        }
        %div3A_376 = arith.constant 8 : i32
        %div3A_377 = arith.divsi %add3A_190, %div3A_376 : i32
        %rem3A_378 = arith.constant 3 : i32
        %rem3A_379 = arith.remsi %div3A_377, %rem3A_378 : i32
        %rem3A_380 = arith.constant 8 : i32
        %rem3A_381 = arith.remsi %add3A_190, %rem3A_380 : i32
        %dma_start3A_382 = arith.constant 2 : i32
        %dma_start3A_383 = arith.constant 0 : i32
        %dma_start3A_384 = arith.constant 0 : i32
        %dma_start3A_385 = tpu.memref_slice %arg9[%dma_start3A_382, %dma_start3A_383, %dma_start3A_384] : memref<4x80x128xf32, #tpu.memory_space<vmem>> -> memref<1x80x128xf32, #tpu.memory_space<vmem>>
        %dma_start3A_386 = tpu.memref_squeeze %dma_start3A_385 : memref<1x80x128xf32, #tpu.memory_space<vmem>> -> memref<80x128xf32, #tpu.memory_space<vmem>>
        %dma_start3A_387 = arith.constant 0 : i32
        %dma_start3A_388 = arith.constant 0 : i32
        %dma_start3A_389 = tpu.memref_slice %arg7[%rem3A_379, %dma_start3A_387, %dma_start3A_388] : memref<3x8x80xi32, #tpu.memory_space<vmem>> -> memref<1x8x80xi32, #tpu.memory_space<vmem>>
        %dma_start3A_390 = tpu.memref_squeeze %dma_start3A_389 : memref<1x8x80xi32, #tpu.memory_space<vmem>> -> memref<8x80xi32, #tpu.memory_space<vmem>>
        %dma_start3A_391 = arith.constant 0 : i32
        %dma_start3A_392 = tpu.memref_slice %dma_start3A_390[%rem3A_381, %dma_start3A_391] : memref<8x80xi32, #tpu.memory_space<vmem>> -> memref<1x80xi32, #tpu.memory_space<vmem>>
        %dma_start3A_393 = tpu.memref_squeeze %dma_start3A_392 : memref<1x80xi32, #tpu.memory_space<vmem>> -> memref<80xi32, #tpu.memory_space<vmem>>
        %dma_start3A_394 = arith.constant 0 : i32
        %dma_start3A_395 = arith.constant 0 : i32
        %dma_start3A_396 = tpu.memref_slice %arg2[%dma_start3A_394, %dma_start3A_395] : memref<10240x128xf32, #tpu.memory_space<hbm>> -> memref<10240x128xf32, #tpu.memory_space<hbm>>
        tpu.enqueue_indirect_dma source(%dma_start3A_396 : memref<10240x128xf32, #tpu.memory_space<hbm>>) target(%dma_start3A_386 : memref<80x128xf32, #tpu.memory_space<vmem>>) offsets(%dma_start3A_393 : memref<80xi32, #tpu.memory_space<vmem>>) semaphore(%arg13 : memref<!tpu.dma_semaphore, #tpu.memory_space<semaphore_mem>>)
      } else {
      }
      %mul3A_195 = arith.constant 4 : i32
      %mul3A_196 = arith.muli %while3A_140, %mul3A_195 : i32
      %add3A_197 = arith.constant 1 : i32
      %add3A_198 = arith.addi %mul3A_196, %add3A_197 : i32
      %div3A_199 = arith.constant 8 : i32
      %div3A_200 = arith.divsi %add3A_198, %div3A_199 : i32
      %rem3A_201 = arith.constant 8 : i32
      %rem3A_202 = arith.remsi %add3A_198, %rem3A_201 : i32
      %rem3A_203 = arith.constant 3 : i32
      %rem3A_204 = arith.remsi %div3A_200, %rem3A_203 : i32
      %dma_wait3A_205 = arith.constant 1 : i32
      %dma_wait3A_206 = arith.constant 0 : i32
      %dma_wait3A_207 = arith.constant 0 : i32
      %dma_wait3A_208 = tpu.memref_slice %arg9[%dma_wait3A_205, %dma_wait3A_206, %dma_wait3A_207] : memref<4x80x128xf32, #tpu.memory_space<vmem>> -> memref<1x80x128xf32, #tpu.memory_space<vmem>>
      %dma_wait3A_209 = tpu.memref_squeeze %dma_wait3A_208 : memref<1x80x128xf32, #tpu.memory_space<vmem>> -> memref<80x128xf32, #tpu.memory_space<vmem>>
      %dma_wait3A_210 = arith.constant 0 : i32
      %dma_wait3A_211 = arith.constant 0 : i32
      %dma_wait3A_212 = tpu.memref_slice %arg7[%rem3A_204, %dma_wait3A_210, %dma_wait3A_211] : memref<3x8x80xi32, #tpu.memory_space<vmem>> -> memref<1x8x80xi32, #tpu.memory_space<vmem>>
      %dma_wait3A_213 = tpu.memref_squeeze %dma_wait3A_212 : memref<1x8x80xi32, #tpu.memory_space<vmem>> -> memref<8x80xi32, #tpu.memory_space<vmem>>
      %dma_wait3A_214 = arith.constant 0 : i32
      %dma_wait3A_215 = tpu.memref_slice %dma_wait3A_213[%rem3A_202, %dma_wait3A_214] : memref<8x80xi32, #tpu.memory_space<vmem>> -> memref<1x80xi32, #tpu.memory_space<vmem>>
      %dma_wait3A_216 = tpu.memref_squeeze %dma_wait3A_215 : memref<1x80xi32, #tpu.memory_space<vmem>> -> memref<80xi32, #tpu.memory_space<vmem>>
      %dma_wait3A_217 = arith.constant 0 : i32
      %dma_wait3A_218 = arith.constant 0 : i32
      %dma_wait3A_219 = tpu.memref_slice %arg2[%dma_wait3A_217, %dma_wait3A_218] : memref<10240x128xf32, #tpu.memory_space<hbm>> -> memref<10240x128xf32, #tpu.memory_space<hbm>>
      tpu.wait_indirect_dma semaphore(%arg12 : memref<!tpu.dma_semaphore, #tpu.memory_space<semaphore_mem>>) src(%dma_wait3A_219 : memref<10240x128xf32, #tpu.memory_space<hbm>>) dst(%dma_wait3A_209 : memref<80x128xf32, #tpu.memory_space<vmem>>)
      %rem3A_220 = arith.constant 4 : i32
      %rem3A_221 = arith.remsi %div3A_200, %rem3A_220 : i32
      %dma_start3A_222 = arith.constant 1 : i32
      %dma_start3A_223 = arith.constant 0 : i32
      %dma_start3A_224 = arith.constant 0 : i32
      %dma_start3A_225 = tpu.memref_slice %arg9[%dma_start3A_222, %dma_start3A_223, %dma_start3A_224] : memref<4x80x128xf32, #tpu.memory_space<vmem>> -> memref<1x80x128xf32, #tpu.memory_space<vmem>>
      %dma_start3A_226 = tpu.memref_squeeze %dma_start3A_225 : memref<1x80x128xf32, #tpu.memory_space<vmem>> -> memref<80x128xf32, #tpu.memory_space<vmem>>
      %dma_start3A_227 = arith.constant 0 : i32
      %dma_start3A_228 = arith.constant 0 : i32
      %dma_start3A_229 = tpu.memref_slice %arg8[%rem3A_221, %dma_start3A_227, %dma_start3A_228] : memref<4x8x80xi32, #tpu.memory_space<vmem>> -> memref<1x8x80xi32, #tpu.memory_space<vmem>>
      %dma_start3A_230 = tpu.memref_squeeze %dma_start3A_229 : memref<1x8x80xi32, #tpu.memory_space<vmem>> -> memref<8x80xi32, #tpu.memory_space<vmem>>
      %dma_start3A_231 = arith.constant 0 : i32
      %dma_start3A_232 = tpu.memref_slice %dma_start3A_230[%rem3A_202, %dma_start3A_231] : memref<8x80xi32, #tpu.memory_space<vmem>> -> memref<1x80xi32, #tpu.memory_space<vmem>>
      %dma_start3A_233 = tpu.memref_squeeze %dma_start3A_232 : memref<1x80xi32, #tpu.memory_space<vmem>> -> memref<80xi32, #tpu.memory_space<vmem>>
      %dma_start3A_234 = arith.constant 0 : i32
      %dma_start3A_235 = arith.constant 0 : i32
      %dma_start3A_236 = tpu.memref_slice %arg10[%dma_start3A_234, %dma_start3A_235] : memref<10240x128xf32, #tpu.memory_space<vmem_shared>> -> memref<10240x128xf32, #tpu.memory_space<vmem_shared>>
      tpu.enqueue_indirect_dma source(%dma_start3A_226 : memref<80x128xf32, #tpu.memory_space<vmem>>) target(%dma_start3A_236 : memref<10240x128xf32, #tpu.memory_space<vmem_shared>>) offsets(%dma_start3A_233 : memref<80xi32, #tpu.memory_space<vmem>>) semaphore(%arg16 : memref<!tpu.dma_semaphore, #tpu.memory_space<semaphore_mem>>) {add = true}
      %eq3A_237 = arith.constant 0 : i32
      %eq3A_238 = arith.cmpi eq, %rem3A_202, %eq3A_237 : i32
      %add3A_239 = arith.constant 2 : i32
      %add3A_240 = arith.addi %div3A_200, %add3A_239 : i32
      %mul3A_241 = arith.constant 8 : i32
      %mul3A_242 = arith.muli %add3A_240, %mul3A_241 : i32
      %lt3A_243 = arith.cmpi slt, %mul3A_242, %select_n3A_2 : i32
      %and3A_244 = arith.andi %eq3A_238, %lt3A_243 : i1
      %convert_element_type3A_245 = arith.extui %and3A_244 : i1 to i32
      %cond3A_246 = arith.constant 0 : i32
      %cond3A_247 = arith.cmpi ne, %convert_element_type3A_245, %cond3A_246 : i32
      scf.if %cond3A_247 {
        %add3A_372 = arith.constant 2 : i32
        %add3A_373 = arith.addi %div3A_200, %add3A_372 : i32
        %mul3A_374 = arith.constant 8 : i32
        %mul3A_375 = arith.muli %add3A_373, %mul3A_374 : i32
        %add3A_376 = arith.addi %select_n3A_9, %mul3A_375 : i32
        %add3A_377 = arith.constant 2 : i32
        %add3A_378 = arith.addi %div3A_200, %add3A_377 : i32
        %rem3A_379 = arith.constant 3 : i32
        %rem3A_380 = arith.remsi %add3A_378, %rem3A_379 : i32
        "tpu.region"() ({
          %run_scoped3A_390 = tpu.sem_alloc : memref<!tpu.dma_semaphore, #tpu.memory_space<semaphore_mem>>
          %dma_start3A_391 = arith.constant 0 : i32
          %dma_start3A_392 = arith.constant 0 : i32
          %dma_start3A_393 = tpu.memref_slice %arg7[%rem3A_380, %dma_start3A_391, %dma_start3A_392] : memref<3x8x80xi32, #tpu.memory_space<vmem>> -> memref<1x8x80xi32, #tpu.memory_space<vmem>>
          %dma_start3A_394 = tpu.memref_squeeze %dma_start3A_393 : memref<1x8x80xi32, #tpu.memory_space<vmem>> -> memref<8x80xi32, #tpu.memory_space<vmem>>
          %dma_start3A_395 = arith.constant 0 : i32
          %dma_start3A_396 = tpu.memref_slice %arg3[%add3A_376, %dma_start3A_395] : memref<4096x80xi32, #tpu.memory_space<hbm>> -> memref<8x80xi32, #tpu.memory_space<hbm>>
          %dma_start3A_397 = arith.constant 0 : i32
          %dma_start3A_398 = arith.constant 0 : i32
          %dma_start3A_399 = tpu.memref_slice %arg7[%rem3A_380, %dma_start3A_397, %dma_start3A_398] : memref<3x8x80xi32, #tpu.memory_space<vmem>> -> memref<1x8x80xi32, #tpu.memory_space<vmem>>
          %dma_start3A_400 = tpu.memref_squeeze %dma_start3A_399 : memref<1x8x80xi32, #tpu.memory_space<vmem>> -> memref<8x80xi32, #tpu.memory_space<vmem>>
          %dma_start3A_401 = arith.constant 0 : i32
          %dma_start3A_402 = tpu.memref_slice %arg3[%add3A_376, %dma_start3A_401] : memref<4096x80xi32, #tpu.memory_space<hbm>> -> memref<8x80xi32, #tpu.memory_space<hbm>>
          tpu.enqueue_dma source(%dma_start3A_402 : memref<8x80xi32, #tpu.memory_space<hbm>>) target(%dma_start3A_400 : memref<8x80xi32, #tpu.memory_space<vmem>>) target_semaphore(%run_scoped3A_390 : memref<!tpu.dma_semaphore, #tpu.memory_space<semaphore_mem>>)
          %dma_wait3A_403 = arith.constant 0 : i32
          %dma_wait3A_404 = arith.constant 0 : i32
          %dma_wait3A_405 = tpu.memref_slice %arg7[%rem3A_380, %dma_wait3A_403, %dma_wait3A_404] : memref<3x8x80xi32, #tpu.memory_space<vmem>> -> memref<1x8x80xi32, #tpu.memory_space<vmem>>
          %dma_wait3A_406 = tpu.memref_squeeze %dma_wait3A_405 : memref<1x8x80xi32, #tpu.memory_space<vmem>> -> memref<8x80xi32, #tpu.memory_space<vmem>>
          %dma_wait3A_407 = arith.constant 0 : i32
          %dma_wait3A_408 = tpu.memref_slice %arg3[%add3A_376, %dma_wait3A_407] : memref<4096x80xi32, #tpu.memory_space<hbm>> -> memref<8x80xi32, #tpu.memory_space<hbm>>
          %dma_wait3A_409 = arith.constant 0 : i32
          %dma_wait3A_410 = arith.constant 0 : i32
          %dma_wait3A_411 = tpu.memref_slice %arg7[%rem3A_380, %dma_wait3A_409, %dma_wait3A_410] : memref<3x8x80xi32, #tpu.memory_space<vmem>> -> memref<1x8x80xi32, #tpu.memory_space<vmem>>
          %dma_wait3A_412 = tpu.memref_squeeze %dma_wait3A_411 : memref<1x8x80xi32, #tpu.memory_space<vmem>> -> memref<8x80xi32, #tpu.memory_space<vmem>>
          %dma_wait3A_413 = arith.constant 0 : i32
          %dma_wait3A_414 = tpu.memref_slice %arg3[%add3A_376, %dma_wait3A_413] : memref<4096x80xi32, #tpu.memory_space<hbm>> -> memref<8x80xi32, #tpu.memory_space<hbm>>
          tpu.wait_dma2 semaphore(%run_scoped3A_390 : memref<!tpu.dma_semaphore, #tpu.memory_space<semaphore_mem>>) src(%dma_wait3A_414 : memref<8x80xi32, #tpu.memory_space<hbm>>) dst(%dma_wait3A_412 : memref<8x80xi32, #tpu.memory_space<vmem>>)
          tpu.yield
        }) : () -> ()
        %add3A_381 = arith.constant 2 : i32
        %add3A_382 = arith.addi %div3A_200, %add3A_381 : i32
        %mul3A_383 = arith.constant 8 : i32
        %mul3A_384 = arith.muli %add3A_382, %mul3A_383 : i32
        %add3A_385 = arith.addi %select_n3A_9, %mul3A_384 : i32
        %add3A_386 = arith.constant 2 : i32
        %add3A_387 = arith.addi %div3A_200, %add3A_386 : i32
        %rem3A_388 = arith.constant 4 : i32
        %rem3A_389 = arith.remsi %add3A_387, %rem3A_388 : i32
        "tpu.region"() ({
          %run_scoped3A_390 = tpu.sem_alloc : memref<!tpu.dma_semaphore, #tpu.memory_space<semaphore_mem>>
          %dma_start3A_391 = arith.constant 0 : i32
          %dma_start3A_392 = arith.constant 0 : i32
          %dma_start3A_393 = tpu.memref_slice %arg8[%rem3A_389, %dma_start3A_391, %dma_start3A_392] : memref<4x8x80xi32, #tpu.memory_space<vmem>> -> memref<1x8x80xi32, #tpu.memory_space<vmem>>
          %dma_start3A_394 = tpu.memref_squeeze %dma_start3A_393 : memref<1x8x80xi32, #tpu.memory_space<vmem>> -> memref<8x80xi32, #tpu.memory_space<vmem>>
          %dma_start3A_395 = arith.constant 0 : i32
          %dma_start3A_396 = tpu.memref_slice %arg4[%add3A_385, %dma_start3A_395] : memref<4096x80xi32, #tpu.memory_space<hbm>> -> memref<8x80xi32, #tpu.memory_space<hbm>>
          %dma_start3A_397 = arith.constant 0 : i32
          %dma_start3A_398 = arith.constant 0 : i32
          %dma_start3A_399 = tpu.memref_slice %arg8[%rem3A_389, %dma_start3A_397, %dma_start3A_398] : memref<4x8x80xi32, #tpu.memory_space<vmem>> -> memref<1x8x80xi32, #tpu.memory_space<vmem>>
          %dma_start3A_400 = tpu.memref_squeeze %dma_start3A_399 : memref<1x8x80xi32, #tpu.memory_space<vmem>> -> memref<8x80xi32, #tpu.memory_space<vmem>>
          %dma_start3A_401 = arith.constant 0 : i32
          %dma_start3A_402 = tpu.memref_slice %arg4[%add3A_385, %dma_start3A_401] : memref<4096x80xi32, #tpu.memory_space<hbm>> -> memref<8x80xi32, #tpu.memory_space<hbm>>
          tpu.enqueue_dma source(%dma_start3A_402 : memref<8x80xi32, #tpu.memory_space<hbm>>) target(%dma_start3A_400 : memref<8x80xi32, #tpu.memory_space<vmem>>) target_semaphore(%run_scoped3A_390 : memref<!tpu.dma_semaphore, #tpu.memory_space<semaphore_mem>>)
          %dma_wait3A_403 = arith.constant 0 : i32
          %dma_wait3A_404 = arith.constant 0 : i32
          %dma_wait3A_405 = tpu.memref_slice %arg8[%rem3A_389, %dma_wait3A_403, %dma_wait3A_404] : memref<4x8x80xi32, #tpu.memory_space<vmem>> -> memref<1x8x80xi32, #tpu.memory_space<vmem>>
          %dma_wait3A_406 = tpu.memref_squeeze %dma_wait3A_405 : memref<1x8x80xi32, #tpu.memory_space<vmem>> -> memref<8x80xi32, #tpu.memory_space<vmem>>
          %dma_wait3A_407 = arith.constant 0 : i32
          %dma_wait3A_408 = tpu.memref_slice %arg4[%add3A_385, %dma_wait3A_407] : memref<4096x80xi32, #tpu.memory_space<hbm>> -> memref<8x80xi32, #tpu.memory_space<hbm>>
          %dma_wait3A_409 = arith.constant 0 : i32
          %dma_wait3A_410 = arith.constant 0 : i32
          %dma_wait3A_411 = tpu.memref_slice %arg8[%rem3A_389, %dma_wait3A_409, %dma_wait3A_410] : memref<4x8x80xi32, #tpu.memory_space<vmem>> -> memref<1x8x80xi32, #tpu.memory_space<vmem>>
          %dma_wait3A_412 = tpu.memref_squeeze %dma_wait3A_411 : memref<1x8x80xi32, #tpu.memory_space<vmem>> -> memref<8x80xi32, #tpu.memory_space<vmem>>
          %dma_wait3A_413 = arith.constant 0 : i32
          %dma_wait3A_414 = tpu.memref_slice %arg4[%add3A_385, %dma_wait3A_413] : memref<4096x80xi32, #tpu.memory_space<hbm>> -> memref<8x80xi32, #tpu.memory_space<hbm>>
          tpu.wait_dma2 semaphore(%run_scoped3A_390 : memref<!tpu.dma_semaphore, #tpu.memory_space<semaphore_mem>>) src(%dma_wait3A_414 : memref<8x80xi32, #tpu.memory_space<hbm>>) dst(%dma_wait3A_412 : memref<8x80xi32, #tpu.memory_space<vmem>>)
          tpu.yield
        }) : () -> ()
      } else {
      }
      %add3A_248 = arith.constant 2 : i32
      %add3A_249 = arith.addi %add3A_198, %add3A_248 : i32
      %lt3A_250 = arith.cmpi slt, %add3A_249, %select_n3A_2 : i32
      %convert_element_type3A_251 = arith.extui %lt3A_250 : i1 to i32
      %cond3A_252 = arith.constant 0 : i32
      %cond3A_253 = arith.cmpi ne, %convert_element_type3A_251, %cond3A_252 : i32
      scf.if %cond3A_253 {
        %ge3A = arith.constant 4 : i32
        %ge3A_372 = arith.cmpi sge, %add3A_249, %ge3A : i32
        %convert_element_type3A_373 = arith.extui %ge3A_372 : i1 to i32
        %cond3A_374 = arith.constant 0 : i32
        %cond3A_375 = arith.cmpi ne, %convert_element_type3A_373, %cond3A_374 : i32
        scf.if %cond3A_375 {
          %dma_wait3A_397 = arith.constant 3 : i32
          %dma_wait3A_398 = arith.constant 0 : i32
          %dma_wait3A_399 = arith.constant 0 : i32
          %dma_wait3A_400 = arith.constant 0 : i32
          %dma_wait3A_401 = arith.constant 0 : i32
          %dma_wait3A_402 = tpu.memref_slice %arg9[%dma_wait3A_397, %dma_wait3A_400, %dma_wait3A_401] : memref<4x80x128xf32, #tpu.memory_space<vmem>> -> memref<1x80x128xf32, #tpu.memory_space<vmem>>
          %dma_wait3A_403 = tpu.memref_squeeze %dma_wait3A_402 : memref<1x80x128xf32, #tpu.memory_space<vmem>> -> memref<80x128xf32, #tpu.memory_space<vmem>>
          %dma_wait3A_404 = arith.constant 0 : i32
          %dma_wait3A_405 = arith.constant 0 : i32
          %dma_wait3A_406 = tpu.memref_slice %arg8[%dma_wait3A_398, %dma_wait3A_404, %dma_wait3A_405] : memref<4x8x80xi32, #tpu.memory_space<vmem>> -> memref<1x8x80xi32, #tpu.memory_space<vmem>>
          %dma_wait3A_407 = tpu.memref_squeeze %dma_wait3A_406 : memref<1x8x80xi32, #tpu.memory_space<vmem>> -> memref<8x80xi32, #tpu.memory_space<vmem>>
          %dma_wait3A_408 = arith.constant 0 : i32
          %dma_wait3A_409 = tpu.memref_slice %dma_wait3A_407[%dma_wait3A_399, %dma_wait3A_408] : memref<8x80xi32, #tpu.memory_space<vmem>> -> memref<1x80xi32, #tpu.memory_space<vmem>>
          %dma_wait3A_410 = tpu.memref_squeeze %dma_wait3A_409 : memref<1x80xi32, #tpu.memory_space<vmem>> -> memref<80xi32, #tpu.memory_space<vmem>>
          %dma_wait3A_411 = arith.constant 0 : i32
          %dma_wait3A_412 = arith.constant 0 : i32
          %dma_wait3A_413 = tpu.memref_slice %arg10[%dma_wait3A_411, %dma_wait3A_412] : memref<10240x128xf32, #tpu.memory_space<vmem_shared>> -> memref<10240x128xf32, #tpu.memory_space<vmem_shared>>
          tpu.wait_indirect_dma semaphore(%arg18 : memref<!tpu.dma_semaphore, #tpu.memory_space<semaphore_mem>>) src(%dma_wait3A_403 : memref<80x128xf32, #tpu.memory_space<vmem>>) dst(%dma_wait3A_413 : memref<10240x128xf32, #tpu.memory_space<vmem_shared>>)
        } else {
        }
        %div3A_376 = arith.constant 8 : i32
        %div3A_377 = arith.divsi %add3A_249, %div3A_376 : i32
        %rem3A_378 = arith.constant 3 : i32
        %rem3A_379 = arith.remsi %div3A_377, %rem3A_378 : i32
        %rem3A_380 = arith.constant 8 : i32
        %rem3A_381 = arith.remsi %add3A_249, %rem3A_380 : i32
        %dma_start3A_382 = arith.constant 3 : i32
        %dma_start3A_383 = arith.constant 0 : i32
        %dma_start3A_384 = arith.constant 0 : i32
        %dma_start3A_385 = tpu.memref_slice %arg9[%dma_start3A_382, %dma_start3A_383, %dma_start3A_384] : memref<4x80x128xf32, #tpu.memory_space<vmem>> -> memref<1x80x128xf32, #tpu.memory_space<vmem>>
        %dma_start3A_386 = tpu.memref_squeeze %dma_start3A_385 : memref<1x80x128xf32, #tpu.memory_space<vmem>> -> memref<80x128xf32, #tpu.memory_space<vmem>>
        %dma_start3A_387 = arith.constant 0 : i32
        %dma_start3A_388 = arith.constant 0 : i32
        %dma_start3A_389 = tpu.memref_slice %arg7[%rem3A_379, %dma_start3A_387, %dma_start3A_388] : memref<3x8x80xi32, #tpu.memory_space<vmem>> -> memref<1x8x80xi32, #tpu.memory_space<vmem>>
        %dma_start3A_390 = tpu.memref_squeeze %dma_start3A_389 : memref<1x8x80xi32, #tpu.memory_space<vmem>> -> memref<8x80xi32, #tpu.memory_space<vmem>>
        %dma_start3A_391 = arith.constant 0 : i32
        %dma_start3A_392 = tpu.memref_slice %dma_start3A_390[%rem3A_381, %dma_start3A_391] : memref<8x80xi32, #tpu.memory_space<vmem>> -> memref<1x80xi32, #tpu.memory_space<vmem>>
        %dma_start3A_393 = tpu.memref_squeeze %dma_start3A_392 : memref<1x80xi32, #tpu.memory_space<vmem>> -> memref<80xi32, #tpu.memory_space<vmem>>
        %dma_start3A_394 = arith.constant 0 : i32
        %dma_start3A_395 = arith.constant 0 : i32
        %dma_start3A_396 = tpu.memref_slice %arg2[%dma_start3A_394, %dma_start3A_395] : memref<10240x128xf32, #tpu.memory_space<hbm>> -> memref<10240x128xf32, #tpu.memory_space<hbm>>
        tpu.enqueue_indirect_dma source(%dma_start3A_396 : memref<10240x128xf32, #tpu.memory_space<hbm>>) target(%dma_start3A_386 : memref<80x128xf32, #tpu.memory_space<vmem>>) offsets(%dma_start3A_393 : memref<80xi32, #tpu.memory_space<vmem>>) semaphore(%arg14 : memref<!tpu.dma_semaphore, #tpu.memory_space<semaphore_mem>>)
      } else {
      }
      %mul3A_254 = arith.constant 4 : i32
      %mul3A_255 = arith.muli %while3A_140, %mul3A_254 : i32
      %add3A_256 = arith.constant 2 : i32
      %add3A_257 = arith.addi %mul3A_255, %add3A_256 : i32
      %div3A_258 = arith.constant 8 : i32
      %div3A_259 = arith.divsi %add3A_257, %div3A_258 : i32
      %rem3A_260 = arith.constant 8 : i32
      %rem3A_261 = arith.remsi %add3A_257, %rem3A_260 : i32
      %rem3A_262 = arith.constant 3 : i32
      %rem3A_263 = arith.remsi %div3A_259, %rem3A_262 : i32
      %dma_wait3A_264 = arith.constant 2 : i32
      %dma_wait3A_265 = arith.constant 0 : i32
      %dma_wait3A_266 = arith.constant 0 : i32
      %dma_wait3A_267 = tpu.memref_slice %arg9[%dma_wait3A_264, %dma_wait3A_265, %dma_wait3A_266] : memref<4x80x128xf32, #tpu.memory_space<vmem>> -> memref<1x80x128xf32, #tpu.memory_space<vmem>>
      %dma_wait3A_268 = tpu.memref_squeeze %dma_wait3A_267 : memref<1x80x128xf32, #tpu.memory_space<vmem>> -> memref<80x128xf32, #tpu.memory_space<vmem>>
      %dma_wait3A_269 = arith.constant 0 : i32
      %dma_wait3A_270 = arith.constant 0 : i32
      %dma_wait3A_271 = tpu.memref_slice %arg7[%rem3A_263, %dma_wait3A_269, %dma_wait3A_270] : memref<3x8x80xi32, #tpu.memory_space<vmem>> -> memref<1x8x80xi32, #tpu.memory_space<vmem>>
      %dma_wait3A_272 = tpu.memref_squeeze %dma_wait3A_271 : memref<1x8x80xi32, #tpu.memory_space<vmem>> -> memref<8x80xi32, #tpu.memory_space<vmem>>
      %dma_wait3A_273 = arith.constant 0 : i32
      %dma_wait3A_274 = tpu.memref_slice %dma_wait3A_272[%rem3A_261, %dma_wait3A_273] : memref<8x80xi32, #tpu.memory_space<vmem>> -> memref<1x80xi32, #tpu.memory_space<vmem>>
      %dma_wait3A_275 = tpu.memref_squeeze %dma_wait3A_274 : memref<1x80xi32, #tpu.memory_space<vmem>> -> memref<80xi32, #tpu.memory_space<vmem>>
      %dma_wait3A_276 = arith.constant 0 : i32
      %dma_wait3A_277 = arith.constant 0 : i32
      %dma_wait3A_278 = tpu.memref_slice %arg2[%dma_wait3A_276, %dma_wait3A_277] : memref<10240x128xf32, #tpu.memory_space<hbm>> -> memref<10240x128xf32, #tpu.memory_space<hbm>>
      tpu.wait_indirect_dma semaphore(%arg13 : memref<!tpu.dma_semaphore, #tpu.memory_space<semaphore_mem>>) src(%dma_wait3A_278 : memref<10240x128xf32, #tpu.memory_space<hbm>>) dst(%dma_wait3A_268 : memref<80x128xf32, #tpu.memory_space<vmem>>)
      %rem3A_279 = arith.constant 4 : i32
      %rem3A_280 = arith.remsi %div3A_259, %rem3A_279 : i32
      %dma_start3A_281 = arith.constant 2 : i32
      %dma_start3A_282 = arith.constant 0 : i32
      %dma_start3A_283 = arith.constant 0 : i32
      %dma_start3A_284 = tpu.memref_slice %arg9[%dma_start3A_281, %dma_start3A_282, %dma_start3A_283] : memref<4x80x128xf32, #tpu.memory_space<vmem>> -> memref<1x80x128xf32, #tpu.memory_space<vmem>>
      %dma_start3A_285 = tpu.memref_squeeze %dma_start3A_284 : memref<1x80x128xf32, #tpu.memory_space<vmem>> -> memref<80x128xf32, #tpu.memory_space<vmem>>
      %dma_start3A_286 = arith.constant 0 : i32
      %dma_start3A_287 = arith.constant 0 : i32
      %dma_start3A_288 = tpu.memref_slice %arg8[%rem3A_280, %dma_start3A_286, %dma_start3A_287] : memref<4x8x80xi32, #tpu.memory_space<vmem>> -> memref<1x8x80xi32, #tpu.memory_space<vmem>>
      %dma_start3A_289 = tpu.memref_squeeze %dma_start3A_288 : memref<1x8x80xi32, #tpu.memory_space<vmem>> -> memref<8x80xi32, #tpu.memory_space<vmem>>
      %dma_start3A_290 = arith.constant 0 : i32
      %dma_start3A_291 = tpu.memref_slice %dma_start3A_289[%rem3A_261, %dma_start3A_290] : memref<8x80xi32, #tpu.memory_space<vmem>> -> memref<1x80xi32, #tpu.memory_space<vmem>>
      %dma_start3A_292 = tpu.memref_squeeze %dma_start3A_291 : memref<1x80xi32, #tpu.memory_space<vmem>> -> memref<80xi32, #tpu.memory_space<vmem>>
      %dma_start3A_293 = arith.constant 0 : i32
      %dma_start3A_294 = arith.constant 0 : i32
      %dma_start3A_295 = tpu.memref_slice %arg10[%dma_start3A_293, %dma_start3A_294] : memref<10240x128xf32, #tpu.memory_space<vmem_shared>> -> memref<10240x128xf32, #tpu.memory_space<vmem_shared>>
      tpu.enqueue_indirect_dma source(%dma_start3A_285 : memref<80x128xf32, #tpu.memory_space<vmem>>) target(%dma_start3A_295 : memref<10240x128xf32, #tpu.memory_space<vmem_shared>>) offsets(%dma_start3A_292 : memref<80xi32, #tpu.memory_space<vmem>>) semaphore(%arg17 : memref<!tpu.dma_semaphore, #tpu.memory_space<semaphore_mem>>) {add = true}
      %eq3A_296 = arith.constant 0 : i32
      %eq3A_297 = arith.cmpi eq, %rem3A_261, %eq3A_296 : i32
      %add3A_298 = arith.constant 2 : i32
      %add3A_299 = arith.addi %div3A_259, %add3A_298 : i32
      %mul3A_300 = arith.constant 8 : i32
      %mul3A_301 = arith.muli %add3A_299, %mul3A_300 : i32
      %lt3A_302 = arith.cmpi slt, %mul3A_301, %select_n3A_2 : i32
      %and3A_303 = arith.andi %eq3A_297, %lt3A_302 : i1
      %convert_element_type3A_304 = arith.extui %and3A_303 : i1 to i32
      %cond3A_305 = arith.constant 0 : i32
      %cond3A_306 = arith.cmpi ne, %convert_element_type3A_304, %cond3A_305 : i32
      scf.if %cond3A_306 {
        %add3A_372 = arith.constant 2 : i32
        %add3A_373 = arith.addi %div3A_259, %add3A_372 : i32
        %mul3A_374 = arith.constant 8 : i32
        %mul3A_375 = arith.muli %add3A_373, %mul3A_374 : i32
        %add3A_376 = arith.addi %select_n3A_9, %mul3A_375 : i32
        %add3A_377 = arith.constant 2 : i32
        %add3A_378 = arith.addi %div3A_259, %add3A_377 : i32
        %rem3A_379 = arith.constant 3 : i32
        %rem3A_380 = arith.remsi %add3A_378, %rem3A_379 : i32
        "tpu.region"() ({
          %run_scoped3A_390 = tpu.sem_alloc : memref<!tpu.dma_semaphore, #tpu.memory_space<semaphore_mem>>
          %dma_start3A_391 = arith.constant 0 : i32
          %dma_start3A_392 = arith.constant 0 : i32
          %dma_start3A_393 = tpu.memref_slice %arg7[%rem3A_380, %dma_start3A_391, %dma_start3A_392] : memref<3x8x80xi32, #tpu.memory_space<vmem>> -> memref<1x8x80xi32, #tpu.memory_space<vmem>>
          %dma_start3A_394 = tpu.memref_squeeze %dma_start3A_393 : memref<1x8x80xi32, #tpu.memory_space<vmem>> -> memref<8x80xi32, #tpu.memory_space<vmem>>
          %dma_start3A_395 = arith.constant 0 : i32
          %dma_start3A_396 = tpu.memref_slice %arg3[%add3A_376, %dma_start3A_395] : memref<4096x80xi32, #tpu.memory_space<hbm>> -> memref<8x80xi32, #tpu.memory_space<hbm>>
          %dma_start3A_397 = arith.constant 0 : i32
          %dma_start3A_398 = arith.constant 0 : i32
          %dma_start3A_399 = tpu.memref_slice %arg7[%rem3A_380, %dma_start3A_397, %dma_start3A_398] : memref<3x8x80xi32, #tpu.memory_space<vmem>> -> memref<1x8x80xi32, #tpu.memory_space<vmem>>
          %dma_start3A_400 = tpu.memref_squeeze %dma_start3A_399 : memref<1x8x80xi32, #tpu.memory_space<vmem>> -> memref<8x80xi32, #tpu.memory_space<vmem>>
          %dma_start3A_401 = arith.constant 0 : i32
          %dma_start3A_402 = tpu.memref_slice %arg3[%add3A_376, %dma_start3A_401] : memref<4096x80xi32, #tpu.memory_space<hbm>> -> memref<8x80xi32, #tpu.memory_space<hbm>>
          tpu.enqueue_dma source(%dma_start3A_402 : memref<8x80xi32, #tpu.memory_space<hbm>>) target(%dma_start3A_400 : memref<8x80xi32, #tpu.memory_space<vmem>>) target_semaphore(%run_scoped3A_390 : memref<!tpu.dma_semaphore, #tpu.memory_space<semaphore_mem>>)
          %dma_wait3A_403 = arith.constant 0 : i32
          %dma_wait3A_404 = arith.constant 0 : i32
          %dma_wait3A_405 = tpu.memref_slice %arg7[%rem3A_380, %dma_wait3A_403, %dma_wait3A_404] : memref<3x8x80xi32, #tpu.memory_space<vmem>> -> memref<1x8x80xi32, #tpu.memory_space<vmem>>
          %dma_wait3A_406 = tpu.memref_squeeze %dma_wait3A_405 : memref<1x8x80xi32, #tpu.memory_space<vmem>> -> memref<8x80xi32, #tpu.memory_space<vmem>>
          %dma_wait3A_407 = arith.constant 0 : i32
          %dma_wait3A_408 = tpu.memref_slice %arg3[%add3A_376, %dma_wait3A_407] : memref<4096x80xi32, #tpu.memory_space<hbm>> -> memref<8x80xi32, #tpu.memory_space<hbm>>
          %dma_wait3A_409 = arith.constant 0 : i32
          %dma_wait3A_410 = arith.constant 0 : i32
          %dma_wait3A_411 = tpu.memref_slice %arg7[%rem3A_380, %dma_wait3A_409, %dma_wait3A_410] : memref<3x8x80xi32, #tpu.memory_space<vmem>> -> memref<1x8x80xi32, #tpu.memory_space<vmem>>
          %dma_wait3A_412 = tpu.memref_squeeze %dma_wait3A_411 : memref<1x8x80xi32, #tpu.memory_space<vmem>> -> memref<8x80xi32, #tpu.memory_space<vmem>>
          %dma_wait3A_413 = arith.constant 0 : i32
          %dma_wait3A_414 = tpu.memref_slice %arg3[%add3A_376, %dma_wait3A_413] : memref<4096x80xi32, #tpu.memory_space<hbm>> -> memref<8x80xi32, #tpu.memory_space<hbm>>
          tpu.wait_dma2 semaphore(%run_scoped3A_390 : memref<!tpu.dma_semaphore, #tpu.memory_space<semaphore_mem>>) src(%dma_wait3A_414 : memref<8x80xi32, #tpu.memory_space<hbm>>) dst(%dma_wait3A_412 : memref<8x80xi32, #tpu.memory_space<vmem>>)
          tpu.yield
        }) : () -> ()
        %add3A_381 = arith.constant 2 : i32
        %add3A_382 = arith.addi %div3A_259, %add3A_381 : i32
        %mul3A_383 = arith.constant 8 : i32
        %mul3A_384 = arith.muli %add3A_382, %mul3A_383 : i32
        %add3A_385 = arith.addi %select_n3A_9, %mul3A_384 : i32
        %add3A_386 = arith.constant 2 : i32
        %add3A_387 = arith.addi %div3A_259, %add3A_386 : i32
        %rem3A_388 = arith.constant 4 : i32
        %rem3A_389 = arith.remsi %add3A_387, %rem3A_388 : i32
        "tpu.region"() ({
          %run_scoped3A_390 = tpu.sem_alloc : memref<!tpu.dma_semaphore, #tpu.memory_space<semaphore_mem>>
          %dma_start3A_391 = arith.constant 0 : i32
          %dma_start3A_392 = arith.constant 0 : i32
          %dma_start3A_393 = tpu.memref_slice %arg8[%rem3A_389, %dma_start3A_391, %dma_start3A_392] : memref<4x8x80xi32, #tpu.memory_space<vmem>> -> memref<1x8x80xi32, #tpu.memory_space<vmem>>
          %dma_start3A_394 = tpu.memref_squeeze %dma_start3A_393 : memref<1x8x80xi32, #tpu.memory_space<vmem>> -> memref<8x80xi32, #tpu.memory_space<vmem>>
          %dma_start3A_395 = arith.constant 0 : i32
          %dma_start3A_396 = tpu.memref_slice %arg4[%add3A_385, %dma_start3A_395] : memref<4096x80xi32, #tpu.memory_space<hbm>> -> memref<8x80xi32, #tpu.memory_space<hbm>>
          %dma_start3A_397 = arith.constant 0 : i32
          %dma_start3A_398 = arith.constant 0 : i32
          %dma_start3A_399 = tpu.memref_slice %arg8[%rem3A_389, %dma_start3A_397, %dma_start3A_398] : memref<4x8x80xi32, #tpu.memory_space<vmem>> -> memref<1x8x80xi32, #tpu.memory_space<vmem>>
          %dma_start3A_400 = tpu.memref_squeeze %dma_start3A_399 : memref<1x8x80xi32, #tpu.memory_space<vmem>> -> memref<8x80xi32, #tpu.memory_space<vmem>>
          %dma_start3A_401 = arith.constant 0 : i32
          %dma_start3A_402 = tpu.memref_slice %arg4[%add3A_385, %dma_start3A_401] : memref<4096x80xi32, #tpu.memory_space<hbm>> -> memref<8x80xi32, #tpu.memory_space<hbm>>
          tpu.enqueue_dma source(%dma_start3A_402 : memref<8x80xi32, #tpu.memory_space<hbm>>) target(%dma_start3A_400 : memref<8x80xi32, #tpu.memory_space<vmem>>) target_semaphore(%run_scoped3A_390 : memref<!tpu.dma_semaphore, #tpu.memory_space<semaphore_mem>>)
          %dma_wait3A_403 = arith.constant 0 : i32
          %dma_wait3A_404 = arith.constant 0 : i32
          %dma_wait3A_405 = tpu.memref_slice %arg8[%rem3A_389, %dma_wait3A_403, %dma_wait3A_404] : memref<4x8x80xi32, #tpu.memory_space<vmem>> -> memref<1x8x80xi32, #tpu.memory_space<vmem>>
          %dma_wait3A_406 = tpu.memref_squeeze %dma_wait3A_405 : memref<1x8x80xi32, #tpu.memory_space<vmem>> -> memref<8x80xi32, #tpu.memory_space<vmem>>
          %dma_wait3A_407 = arith.constant 0 : i32
          %dma_wait3A_408 = tpu.memref_slice %arg4[%add3A_385, %dma_wait3A_407] : memref<4096x80xi32, #tpu.memory_space<hbm>> -> memref<8x80xi32, #tpu.memory_space<hbm>>
          %dma_wait3A_409 = arith.constant 0 : i32
          %dma_wait3A_410 = arith.constant 0 : i32
          %dma_wait3A_411 = tpu.memref_slice %arg8[%rem3A_389, %dma_wait3A_409, %dma_wait3A_410] : memref<4x8x80xi32, #tpu.memory_space<vmem>> -> memref<1x8x80xi32, #tpu.memory_space<vmem>>
          %dma_wait3A_412 = tpu.memref_squeeze %dma_wait3A_411 : memref<1x8x80xi32, #tpu.memory_space<vmem>> -> memref<8x80xi32, #tpu.memory_space<vmem>>
          %dma_wait3A_413 = arith.constant 0 : i32
          %dma_wait3A_414 = tpu.memref_slice %arg4[%add3A_385, %dma_wait3A_413] : memref<4096x80xi32, #tpu.memory_space<hbm>> -> memref<8x80xi32, #tpu.memory_space<hbm>>
          tpu.wait_dma2 semaphore(%run_scoped3A_390 : memref<!tpu.dma_semaphore, #tpu.memory_space<semaphore_mem>>) src(%dma_wait3A_414 : memref<8x80xi32, #tpu.memory_space<hbm>>) dst(%dma_wait3A_412 : memref<8x80xi32, #tpu.memory_space<vmem>>)
          tpu.yield
        }) : () -> ()
      } else {
      }
      %add3A_307 = arith.constant 2 : i32
      %add3A_308 = arith.addi %add3A_257, %add3A_307 : i32
      %lt3A_309 = arith.cmpi slt, %add3A_308, %select_n3A_2 : i32
      %convert_element_type3A_310 = arith.extui %lt3A_309 : i1 to i32
      %cond3A_311 = arith.constant 0 : i32
      %cond3A_312 = arith.cmpi ne, %convert_element_type3A_310, %cond3A_311 : i32
      scf.if %cond3A_312 {
        %ge3A = arith.constant 4 : i32
        %ge3A_372 = arith.cmpi sge, %add3A_308, %ge3A : i32
        %convert_element_type3A_373 = arith.extui %ge3A_372 : i1 to i32
        %cond3A_374 = arith.constant 0 : i32
        %cond3A_375 = arith.cmpi ne, %convert_element_type3A_373, %cond3A_374 : i32
        scf.if %cond3A_375 {
          %dma_wait3A_397 = arith.constant 0 : i32
          %dma_wait3A_398 = arith.constant 0 : i32
          %dma_wait3A_399 = arith.constant 0 : i32
          %dma_wait3A_400 = arith.constant 0 : i32
          %dma_wait3A_401 = arith.constant 0 : i32
          %dma_wait3A_402 = tpu.memref_slice %arg9[%dma_wait3A_397, %dma_wait3A_400, %dma_wait3A_401] : memref<4x80x128xf32, #tpu.memory_space<vmem>> -> memref<1x80x128xf32, #tpu.memory_space<vmem>>
          %dma_wait3A_403 = tpu.memref_squeeze %dma_wait3A_402 : memref<1x80x128xf32, #tpu.memory_space<vmem>> -> memref<80x128xf32, #tpu.memory_space<vmem>>
          %dma_wait3A_404 = arith.constant 0 : i32
          %dma_wait3A_405 = arith.constant 0 : i32
          %dma_wait3A_406 = tpu.memref_slice %arg8[%dma_wait3A_398, %dma_wait3A_404, %dma_wait3A_405] : memref<4x8x80xi32, #tpu.memory_space<vmem>> -> memref<1x8x80xi32, #tpu.memory_space<vmem>>
          %dma_wait3A_407 = tpu.memref_squeeze %dma_wait3A_406 : memref<1x8x80xi32, #tpu.memory_space<vmem>> -> memref<8x80xi32, #tpu.memory_space<vmem>>
          %dma_wait3A_408 = arith.constant 0 : i32
          %dma_wait3A_409 = tpu.memref_slice %dma_wait3A_407[%dma_wait3A_399, %dma_wait3A_408] : memref<8x80xi32, #tpu.memory_space<vmem>> -> memref<1x80xi32, #tpu.memory_space<vmem>>
          %dma_wait3A_410 = tpu.memref_squeeze %dma_wait3A_409 : memref<1x80xi32, #tpu.memory_space<vmem>> -> memref<80xi32, #tpu.memory_space<vmem>>
          %dma_wait3A_411 = arith.constant 0 : i32
          %dma_wait3A_412 = arith.constant 0 : i32
          %dma_wait3A_413 = tpu.memref_slice %arg10[%dma_wait3A_411, %dma_wait3A_412] : memref<10240x128xf32, #tpu.memory_space<vmem_shared>> -> memref<10240x128xf32, #tpu.memory_space<vmem_shared>>
          tpu.wait_indirect_dma semaphore(%arg15 : memref<!tpu.dma_semaphore, #tpu.memory_space<semaphore_mem>>) src(%dma_wait3A_403 : memref<80x128xf32, #tpu.memory_space<vmem>>) dst(%dma_wait3A_413 : memref<10240x128xf32, #tpu.memory_space<vmem_shared>>)
        } else {
        }
        %div3A_376 = arith.constant 8 : i32
        %div3A_377 = arith.divsi %add3A_308, %div3A_376 : i32
        %rem3A_378 = arith.constant 3 : i32
        %rem3A_379 = arith.remsi %div3A_377, %rem3A_378 : i32
        %rem3A_380 = arith.constant 8 : i32
        %rem3A_381 = arith.remsi %add3A_308, %rem3A_380 : i32
        %dma_start3A_382 = arith.constant 0 : i32
        %dma_start3A_383 = arith.constant 0 : i32
        %dma_start3A_384 = arith.constant 0 : i32
        %dma_start3A_385 = tpu.memref_slice %arg9[%dma_start3A_382, %dma_start3A_383, %dma_start3A_384] : memref<4x80x128xf32, #tpu.memory_space<vmem>> -> memref<1x80x128xf32, #tpu.memory_space<vmem>>
        %dma_start3A_386 = tpu.memref_squeeze %dma_start3A_385 : memref<1x80x128xf32, #tpu.memory_space<vmem>> -> memref<80x128xf32, #tpu.memory_space<vmem>>
        %dma_start3A_387 = arith.constant 0 : i32
        %dma_start3A_388 = arith.constant 0 : i32
        %dma_start3A_389 = tpu.memref_slice %arg7[%rem3A_379, %dma_start3A_387, %dma_start3A_388] : memref<3x8x80xi32, #tpu.memory_space<vmem>> -> memref<1x8x80xi32, #tpu.memory_space<vmem>>
        %dma_start3A_390 = tpu.memref_squeeze %dma_start3A_389 : memref<1x8x80xi32, #tpu.memory_space<vmem>> -> memref<8x80xi32, #tpu.memory_space<vmem>>
        %dma_start3A_391 = arith.constant 0 : i32
        %dma_start3A_392 = tpu.memref_slice %dma_start3A_390[%rem3A_381, %dma_start3A_391] : memref<8x80xi32, #tpu.memory_space<vmem>> -> memref<1x80xi32, #tpu.memory_space<vmem>>
        %dma_start3A_393 = tpu.memref_squeeze %dma_start3A_392 : memref<1x80xi32, #tpu.memory_space<vmem>> -> memref<80xi32, #tpu.memory_space<vmem>>
        %dma_start3A_394 = arith.constant 0 : i32
        %dma_start3A_395 = arith.constant 0 : i32
        %dma_start3A_396 = tpu.memref_slice %arg2[%dma_start3A_394, %dma_start3A_395] : memref<10240x128xf32, #tpu.memory_space<hbm>> -> memref<10240x128xf32, #tpu.memory_space<hbm>>
        tpu.enqueue_indirect_dma source(%dma_start3A_396 : memref<10240x128xf32, #tpu.memory_space<hbm>>) target(%dma_start3A_386 : memref<80x128xf32, #tpu.memory_space<vmem>>) offsets(%dma_start3A_393 : memref<80xi32, #tpu.memory_space<vmem>>) semaphore(%arg11 : memref<!tpu.dma_semaphore, #tpu.memory_space<semaphore_mem>>)
      } else {
      }
      %mul3A_313 = arith.constant 4 : i32
      %mul3A_314 = arith.muli %while3A_140, %mul3A_313 : i32
      %add3A_315 = arith.constant 3 : i32
      %add3A_316 = arith.addi %mul3A_314, %add3A_315 : i32
      %div3A_317 = arith.constant 8 : i32
      %div3A_318 = arith.divsi %add3A_316, %div3A_317 : i32
      %rem3A_319 = arith.constant 8 : i32
      %rem3A_320 = arith.remsi %add3A_316, %rem3A_319 : i32
      %rem3A_321 = arith.constant 3 : i32
      %rem3A_322 = arith.remsi %div3A_318, %rem3A_321 : i32
      %dma_wait3A_323 = arith.constant 3 : i32
      %dma_wait3A_324 = arith.constant 0 : i32
      %dma_wait3A_325 = arith.constant 0 : i32
      %dma_wait3A_326 = tpu.memref_slice %arg9[%dma_wait3A_323, %dma_wait3A_324, %dma_wait3A_325] : memref<4x80x128xf32, #tpu.memory_space<vmem>> -> memref<1x80x128xf32, #tpu.memory_space<vmem>>
      %dma_wait3A_327 = tpu.memref_squeeze %dma_wait3A_326 : memref<1x80x128xf32, #tpu.memory_space<vmem>> -> memref<80x128xf32, #tpu.memory_space<vmem>>
      %dma_wait3A_328 = arith.constant 0 : i32
      %dma_wait3A_329 = arith.constant 0 : i32
      %dma_wait3A_330 = tpu.memref_slice %arg7[%rem3A_322, %dma_wait3A_328, %dma_wait3A_329] : memref<3x8x80xi32, #tpu.memory_space<vmem>> -> memref<1x8x80xi32, #tpu.memory_space<vmem>>
      %dma_wait3A_331 = tpu.memref_squeeze %dma_wait3A_330 : memref<1x8x80xi32, #tpu.memory_space<vmem>> -> memref<8x80xi32, #tpu.memory_space<vmem>>
      %dma_wait3A_332 = arith.constant 0 : i32
      %dma_wait3A_333 = tpu.memref_slice %dma_wait3A_331[%rem3A_320, %dma_wait3A_332] : memref<8x80xi32, #tpu.memory_space<vmem>> -> memref<1x80xi32, #tpu.memory_space<vmem>>
      %dma_wait3A_334 = tpu.memref_squeeze %dma_wait3A_333 : memref<1x80xi32, #tpu.memory_space<vmem>> -> memref<80xi32, #tpu.memory_space<vmem>>
      %dma_wait3A_335 = arith.constant 0 : i32
      %dma_wait3A_336 = arith.constant 0 : i32
      %dma_wait3A_337 = tpu.memref_slice %arg2[%dma_wait3A_335, %dma_wait3A_336] : memref<10240x128xf32, #tpu.memory_space<hbm>> -> memref<10240x128xf32, #tpu.memory_space<hbm>>
      tpu.wait_indirect_dma semaphore(%arg14 : memref<!tpu.dma_semaphore, #tpu.memory_space<semaphore_mem>>) src(%dma_wait3A_337 : memref<10240x128xf32, #tpu.memory_space<hbm>>) dst(%dma_wait3A_327 : memref<80x128xf32, #tpu.memory_space<vmem>>)
      %rem3A_338 = arith.constant 4 : i32
      %rem3A_339 = arith.remsi %div3A_318, %rem3A_338 : i32
      %dma_start3A_340 = arith.constant 3 : i32
      %dma_start3A_341 = arith.constant 0 : i32
      %dma_start3A_342 = arith.constant 0 : i32
      %dma_start3A_343 = tpu.memref_slice %arg9[%dma_start3A_340, %dma_start3A_341, %dma_start3A_342] : memref<4x80x128xf32, #tpu.memory_space<vmem>> -> memref<1x80x128xf32, #tpu.memory_space<vmem>>
      %dma_start3A_344 = tpu.memref_squeeze %dma_start3A_343 : memref<1x80x128xf32, #tpu.memory_space<vmem>> -> memref<80x128xf32, #tpu.memory_space<vmem>>
      %dma_start3A_345 = arith.constant 0 : i32
      %dma_start3A_346 = arith.constant 0 : i32
      %dma_start3A_347 = tpu.memref_slice %arg8[%rem3A_339, %dma_start3A_345, %dma_start3A_346] : memref<4x8x80xi32, #tpu.memory_space<vmem>> -> memref<1x8x80xi32, #tpu.memory_space<vmem>>
      %dma_start3A_348 = tpu.memref_squeeze %dma_start3A_347 : memref<1x8x80xi32, #tpu.memory_space<vmem>> -> memref<8x80xi32, #tpu.memory_space<vmem>>
      %dma_start3A_349 = arith.constant 0 : i32
      %dma_start3A_350 = tpu.memref_slice %dma_start3A_348[%rem3A_320, %dma_start3A_349] : memref<8x80xi32, #tpu.memory_space<vmem>> -> memref<1x80xi32, #tpu.memory_space<vmem>>
      %dma_start3A_351 = tpu.memref_squeeze %dma_start3A_350 : memref<1x80xi32, #tpu.memory_space<vmem>> -> memref<80xi32, #tpu.memory_space<vmem>>
      %dma_start3A_352 = arith.constant 0 : i32
      %dma_start3A_353 = arith.constant 0 : i32
      %dma_start3A_354 = tpu.memref_slice %arg10[%dma_start3A_352, %dma_start3A_353] : memref<10240x128xf32, #tpu.memory_space<vmem_shared>> -> memref<10240x128xf32, #tpu.memory_space<vmem_shared>>
      tpu.enqueue_indirect_dma source(%dma_start3A_344 : memref<80x128xf32, #tpu.memory_space<vmem>>) target(%dma_start3A_354 : memref<10240x128xf32, #tpu.memory_space<vmem_shared>>) offsets(%dma_start3A_351 : memref<80xi32, #tpu.memory_space<vmem>>) semaphore(%arg18 : memref<!tpu.dma_semaphore, #tpu.memory_space<semaphore_mem>>) {add = true}
      %eq3A_355 = arith.constant 0 : i32
      %eq3A_356 = arith.cmpi eq, %rem3A_320, %eq3A_355 : i32
      %add3A_357 = arith.constant 2 : i32
      %add3A_358 = arith.addi %div3A_318, %add3A_357 : i32
      %mul3A_359 = arith.constant 8 : i32
      %mul3A_360 = arith.muli %add3A_358, %mul3A_359 : i32
      %lt3A_361 = arith.cmpi slt, %mul3A_360, %select_n3A_2 : i32
      %and3A_362 = arith.andi %eq3A_356, %lt3A_361 : i1
      %convert_element_type3A_363 = arith.extui %and3A_362 : i1 to i32
      %cond3A_364 = arith.constant 0 : i32
      %cond3A_365 = arith.cmpi ne, %convert_element_type3A_363, %cond3A_364 : i32
      scf.if %cond3A_365 {
        %add3A_372 = arith.constant 2 : i32
        %add3A_373 = arith.addi %div3A_318, %add3A_372 : i32
        %mul3A_374 = arith.constant 8 : i32
        %mul3A_375 = arith.muli %add3A_373, %mul3A_374 : i32
        %add3A_376 = arith.addi %select_n3A_9, %mul3A_375 : i32
        %add3A_377 = arith.constant 2 : i32
        %add3A_378 = arith.addi %div3A_318, %add3A_377 : i32
        %rem3A_379 = arith.constant 3 : i32
        %rem3A_380 = arith.remsi %add3A_378, %rem3A_379 : i32
        "tpu.region"() ({
          %run_scoped3A_390 = tpu.sem_alloc : memref<!tpu.dma_semaphore, #tpu.memory_space<semaphore_mem>>
          %dma_start3A_391 = arith.constant 0 : i32
          %dma_start3A_392 = arith.constant 0 : i32
          %dma_start3A_393 = tpu.memref_slice %arg7[%rem3A_380, %dma_start3A_391, %dma_start3A_392] : memref<3x8x80xi32, #tpu.memory_space<vmem>> -> memref<1x8x80xi32, #tpu.memory_space<vmem>>
          %dma_start3A_394 = tpu.memref_squeeze %dma_start3A_393 : memref<1x8x80xi32, #tpu.memory_space<vmem>> -> memref<8x80xi32, #tpu.memory_space<vmem>>
          %dma_start3A_395 = arith.constant 0 : i32
          %dma_start3A_396 = tpu.memref_slice %arg3[%add3A_376, %dma_start3A_395] : memref<4096x80xi32, #tpu.memory_space<hbm>> -> memref<8x80xi32, #tpu.memory_space<hbm>>
          %dma_start3A_397 = arith.constant 0 : i32
          %dma_start3A_398 = arith.constant 0 : i32
          %dma_start3A_399 = tpu.memref_slice %arg7[%rem3A_380, %dma_start3A_397, %dma_start3A_398] : memref<3x8x80xi32, #tpu.memory_space<vmem>> -> memref<1x8x80xi32, #tpu.memory_space<vmem>>
          %dma_start3A_400 = tpu.memref_squeeze %dma_start3A_399 : memref<1x8x80xi32, #tpu.memory_space<vmem>> -> memref<8x80xi32, #tpu.memory_space<vmem>>
          %dma_start3A_401 = arith.constant 0 : i32
          %dma_start3A_402 = tpu.memref_slice %arg3[%add3A_376, %dma_start3A_401] : memref<4096x80xi32, #tpu.memory_space<hbm>> -> memref<8x80xi32, #tpu.memory_space<hbm>>
          tpu.enqueue_dma source(%dma_start3A_402 : memref<8x80xi32, #tpu.memory_space<hbm>>) target(%dma_start3A_400 : memref<8x80xi32, #tpu.memory_space<vmem>>) target_semaphore(%run_scoped3A_390 : memref<!tpu.dma_semaphore, #tpu.memory_space<semaphore_mem>>)
          %dma_wait3A_403 = arith.constant 0 : i32
          %dma_wait3A_404 = arith.constant 0 : i32
          %dma_wait3A_405 = tpu.memref_slice %arg7[%rem3A_380, %dma_wait3A_403, %dma_wait3A_404] : memref<3x8x80xi32, #tpu.memory_space<vmem>> -> memref<1x8x80xi32, #tpu.memory_space<vmem>>
          %dma_wait3A_406 = tpu.memref_squeeze %dma_wait3A_405 : memref<1x8x80xi32, #tpu.memory_space<vmem>> -> memref<8x80xi32, #tpu.memory_space<vmem>>
          %dma_wait3A_407 = arith.constant 0 : i32
          %dma_wait3A_408 = tpu.memref_slice %arg3[%add3A_376, %dma_wait3A_407] : memref<4096x80xi32, #tpu.memory_space<hbm>> -> memref<8x80xi32, #tpu.memory_space<hbm>>
          %dma_wait3A_409 = arith.constant 0 : i32
          %dma_wait3A_410 = arith.constant 0 : i32
          %dma_wait3A_411 = tpu.memref_slice %arg7[%rem3A_380, %dma_wait3A_409, %dma_wait3A_410] : memref<3x8x80xi32, #tpu.memory_space<vmem>> -> memref<1x8x80xi32, #tpu.memory_space<vmem>>
          %dma_wait3A_412 = tpu.memref_squeeze %dma_wait3A_411 : memref<1x8x80xi32, #tpu.memory_space<vmem>> -> memref<8x80xi32, #tpu.memory_space<vmem>>
          %dma_wait3A_413 = arith.constant 0 : i32
          %dma_wait3A_414 = tpu.memref_slice %arg3[%add3A_376, %dma_wait3A_413] : memref<4096x80xi32, #tpu.memory_space<hbm>> -> memref<8x80xi32, #tpu.memory_space<hbm>>
          tpu.wait_dma2 semaphore(%run_scoped3A_390 : memref<!tpu.dma_semaphore, #tpu.memory_space<semaphore_mem>>) src(%dma_wait3A_414 : memref<8x80xi32, #tpu.memory_space<hbm>>) dst(%dma_wait3A_412 : memref<8x80xi32, #tpu.memory_space<vmem>>)
          tpu.yield
        }) : () -> ()
        %add3A_381 = arith.constant 2 : i32
        %add3A_382 = arith.addi %div3A_318, %add3A_381 : i32
        %mul3A_383 = arith.constant 8 : i32
        %mul3A_384 = arith.muli %add3A_382, %mul3A_383 : i32
        %add3A_385 = arith.addi %select_n3A_9, %mul3A_384 : i32
        %add3A_386 = arith.constant 2 : i32
        %add3A_387 = arith.addi %div3A_318, %add3A_386 : i32
        %rem3A_388 = arith.constant 4 : i32
        %rem3A_389 = arith.remsi %add3A_387, %rem3A_388 : i32
        "tpu.region"() ({
          %run_scoped3A_390 = tpu.sem_alloc : memref<!tpu.dma_semaphore, #tpu.memory_space<semaphore_mem>>
          %dma_start3A_391 = arith.constant 0 : i32
          %dma_start3A_392 = arith.constant 0 : i32
          %dma_start3A_393 = tpu.memref_slice %arg8[%rem3A_389, %dma_start3A_391, %dma_start3A_392] : memref<4x8x80xi32, #tpu.memory_space<vmem>> -> memref<1x8x80xi32, #tpu.memory_space<vmem>>
          %dma_start3A_394 = tpu.memref_squeeze %dma_start3A_393 : memref<1x8x80xi32, #tpu.memory_space<vmem>> -> memref<8x80xi32, #tpu.memory_space<vmem>>
          %dma_start3A_395 = arith.constant 0 : i32
          %dma_start3A_396 = tpu.memref_slice %arg4[%add3A_385, %dma_start3A_395] : memref<4096x80xi32, #tpu.memory_space<hbm>> -> memref<8x80xi32, #tpu.memory_space<hbm>>
          %dma_start3A_397 = arith.constant 0 : i32
          %dma_start3A_398 = arith.constant 0 : i32
          %dma_start3A_399 = tpu.memref_slice %arg8[%rem3A_389, %dma_start3A_397, %dma_start3A_398] : memref<4x8x80xi32, #tpu.memory_space<vmem>> -> memref<1x8x80xi32, #tpu.memory_space<vmem>>
          %dma_start3A_400 = tpu.memref_squeeze %dma_start3A_399 : memref<1x8x80xi32, #tpu.memory_space<vmem>> -> memref<8x80xi32, #tpu.memory_space<vmem>>
          %dma_start3A_401 = arith.constant 0 : i32
          %dma_start3A_402 = tpu.memref_slice %arg4[%add3A_385, %dma_start3A_401] : memref<4096x80xi32, #tpu.memory_space<hbm>> -> memref<8x80xi32, #tpu.memory_space<hbm>>
          tpu.enqueue_dma source(%dma_start3A_402 : memref<8x80xi32, #tpu.memory_space<hbm>>) target(%dma_start3A_400 : memref<8x80xi32, #tpu.memory_space<vmem>>) target_semaphore(%run_scoped3A_390 : memref<!tpu.dma_semaphore, #tpu.memory_space<semaphore_mem>>)
          %dma_wait3A_403 = arith.constant 0 : i32
          %dma_wait3A_404 = arith.constant 0 : i32
          %dma_wait3A_405 = tpu.memref_slice %arg8[%rem3A_389, %dma_wait3A_403, %dma_wait3A_404] : memref<4x8x80xi32, #tpu.memory_space<vmem>> -> memref<1x8x80xi32, #tpu.memory_space<vmem>>
          %dma_wait3A_406 = tpu.memref_squeeze %dma_wait3A_405 : memref<1x8x80xi32, #tpu.memory_space<vmem>> -> memref<8x80xi32, #tpu.memory_space<vmem>>
          %dma_wait3A_407 = arith.constant 0 : i32
          %dma_wait3A_408 = tpu.memref_slice %arg4[%add3A_385, %dma_wait3A_407] : memref<4096x80xi32, #tpu.memory_space<hbm>> -> memref<8x80xi32, #tpu.memory_space<hbm>>
          %dma_wait3A_409 = arith.constant 0 : i32
          %dma_wait3A_410 = arith.constant 0 : i32
          %dma_wait3A_411 = tpu.memref_slice %arg8[%rem3A_389, %dma_wait3A_409, %dma_wait3A_410] : memref<4x8x80xi32, #tpu.memory_space<vmem>> -> memref<1x8x80xi32, #tpu.memory_space<vmem>>
          %dma_wait3A_412 = tpu.memref_squeeze %dma_wait3A_411 : memref<1x8x80xi32, #tpu.memory_space<vmem>> -> memref<8x80xi32, #tpu.memory_space<vmem>>
          %dma_wait3A_413 = arith.constant 0 : i32
          %dma_wait3A_414 = tpu.memref_slice %arg4[%add3A_385, %dma_wait3A_413] : memref<4096x80xi32, #tpu.memory_space<hbm>> -> memref<8x80xi32, #tpu.memory_space<hbm>>
          tpu.wait_dma2 semaphore(%run_scoped3A_390 : memref<!tpu.dma_semaphore, #tpu.memory_space<semaphore_mem>>) src(%dma_wait3A_414 : memref<8x80xi32, #tpu.memory_space<hbm>>) dst(%dma_wait3A_412 : memref<8x80xi32, #tpu.memory_space<vmem>>)
          tpu.yield
        }) : () -> ()
      } else {
      }
      %add3A_366 = arith.constant 2 : i32
      %add3A_367 = arith.addi %add3A_316, %add3A_366 : i32
      %lt3A_368 = arith.cmpi slt, %add3A_367, %select_n3A_2 : i32
      %convert_element_type3A_369 = arith.extui %lt3A_368 : i1 to i32
      %cond3A_370 = arith.constant 0 : i32
      %cond3A_371 = arith.cmpi ne, %convert_element_type3A_369, %cond3A_370 : i32
      scf.if %cond3A_371 {
        %ge3A = arith.constant 4 : i32
        %ge3A_372 = arith.cmpi sge, %add3A_367, %ge3A : i32
        %convert_element_type3A_373 = arith.extui %ge3A_372 : i1 to i32
        %cond3A_374 = arith.constant 0 : i32
        %cond3A_375 = arith.cmpi ne, %convert_element_type3A_373, %cond3A_374 : i32
        scf.if %cond3A_375 {
          %dma_wait3A_397 = arith.constant 1 : i32
          %dma_wait3A_398 = arith.constant 0 : i32
          %dma_wait3A_399 = arith.constant 0 : i32
          %dma_wait3A_400 = arith.constant 0 : i32
          %dma_wait3A_401 = arith.constant 0 : i32
          %dma_wait3A_402 = tpu.memref_slice %arg9[%dma_wait3A_397, %dma_wait3A_400, %dma_wait3A_401] : memref<4x80x128xf32, #tpu.memory_space<vmem>> -> memref<1x80x128xf32, #tpu.memory_space<vmem>>
          %dma_wait3A_403 = tpu.memref_squeeze %dma_wait3A_402 : memref<1x80x128xf32, #tpu.memory_space<vmem>> -> memref<80x128xf32, #tpu.memory_space<vmem>>
          %dma_wait3A_404 = arith.constant 0 : i32
          %dma_wait3A_405 = arith.constant 0 : i32
          %dma_wait3A_406 = tpu.memref_slice %arg8[%dma_wait3A_398, %dma_wait3A_404, %dma_wait3A_405] : memref<4x8x80xi32, #tpu.memory_space<vmem>> -> memref<1x8x80xi32, #tpu.memory_space<vmem>>
          %dma_wait3A_407 = tpu.memref_squeeze %dma_wait3A_406 : memref<1x8x80xi32, #tpu.memory_space<vmem>> -> memref<8x80xi32, #tpu.memory_space<vmem>>
          %dma_wait3A_408 = arith.constant 0 : i32
          %dma_wait3A_409 = tpu.memref_slice %dma_wait3A_407[%dma_wait3A_399, %dma_wait3A_408] : memref<8x80xi32, #tpu.memory_space<vmem>> -> memref<1x80xi32, #tpu.memory_space<vmem>>
          %dma_wait3A_410 = tpu.memref_squeeze %dma_wait3A_409 : memref<1x80xi32, #tpu.memory_space<vmem>> -> memref<80xi32, #tpu.memory_space<vmem>>
          %dma_wait3A_411 = arith.constant 0 : i32
          %dma_wait3A_412 = arith.constant 0 : i32
          %dma_wait3A_413 = tpu.memref_slice %arg10[%dma_wait3A_411, %dma_wait3A_412] : memref<10240x128xf32, #tpu.memory_space<vmem_shared>> -> memref<10240x128xf32, #tpu.memory_space<vmem_shared>>
          tpu.wait_indirect_dma semaphore(%arg16 : memref<!tpu.dma_semaphore, #tpu.memory_space<semaphore_mem>>) src(%dma_wait3A_403 : memref<80x128xf32, #tpu.memory_space<vmem>>) dst(%dma_wait3A_413 : memref<10240x128xf32, #tpu.memory_space<vmem_shared>>)
        } else {
        }
        %div3A_376 = arith.constant 8 : i32
        %div3A_377 = arith.divsi %add3A_367, %div3A_376 : i32
        %rem3A_378 = arith.constant 3 : i32
        %rem3A_379 = arith.remsi %div3A_377, %rem3A_378 : i32
        %rem3A_380 = arith.constant 8 : i32
        %rem3A_381 = arith.remsi %add3A_367, %rem3A_380 : i32
        %dma_start3A_382 = arith.constant 1 : i32
        %dma_start3A_383 = arith.constant 0 : i32
        %dma_start3A_384 = arith.constant 0 : i32
        %dma_start3A_385 = tpu.memref_slice %arg9[%dma_start3A_382, %dma_start3A_383, %dma_start3A_384] : memref<4x80x128xf32, #tpu.memory_space<vmem>> -> memref<1x80x128xf32, #tpu.memory_space<vmem>>
        %dma_start3A_386 = tpu.memref_squeeze %dma_start3A_385 : memref<1x80x128xf32, #tpu.memory_space<vmem>> -> memref<80x128xf32, #tpu.memory_space<vmem>>
        %dma_start3A_387 = arith.constant 0 : i32
        %dma_start3A_388 = arith.constant 0 : i32
        %dma_start3A_389 = tpu.memref_slice %arg7[%rem3A_379, %dma_start3A_387, %dma_start3A_388] : memref<3x8x80xi32, #tpu.memory_space<vmem>> -> memref<1x8x80xi32, #tpu.memory_space<vmem>>
        %dma_start3A_390 = tpu.memref_squeeze %dma_start3A_389 : memref<1x8x80xi32, #tpu.memory_space<vmem>> -> memref<8x80xi32, #tpu.memory_space<vmem>>
        %dma_start3A_391 = arith.constant 0 : i32
        %dma_start3A_392 = tpu.memref_slice %dma_start3A_390[%rem3A_381, %dma_start3A_391] : memref<8x80xi32, #tpu.memory_space<vmem>> -> memref<1x80xi32, #tpu.memory_space<vmem>>
        %dma_start3A_393 = tpu.memref_squeeze %dma_start3A_392 : memref<1x80xi32, #tpu.memory_space<vmem>> -> memref<80xi32, #tpu.memory_space<vmem>>
        %dma_start3A_394 = arith.constant 0 : i32
        %dma_start3A_395 = arith.constant 0 : i32
        %dma_start3A_396 = tpu.memref_slice %arg2[%dma_start3A_394, %dma_start3A_395] : memref<10240x128xf32, #tpu.memory_space<hbm>> -> memref<10240x128xf32, #tpu.memory_space<hbm>>
        tpu.enqueue_indirect_dma source(%dma_start3A_396 : memref<10240x128xf32, #tpu.memory_space<hbm>>) target(%dma_start3A_386 : memref<80x128xf32, #tpu.memory_space<vmem>>) offsets(%dma_start3A_393 : memref<80xi32, #tpu.memory_space<vmem>>) semaphore(%arg12 : memref<!tpu.dma_semaphore, #tpu.memory_space<semaphore_mem>>)
      } else {
      }
    }
    %while3A_67 = arith.constant 1 : i32
    scf.for %while3A_140 = %while3A_65 to %while3A_61 step %while3A_67  : i32 {
      %mul3A_141 = arith.constant 4 : i32
      %mul3A_142 = arith.muli %while3A_140, %mul3A_141 : i32
      %add3A_143 = arith.constant 0 : i32
      %add3A_144 = arith.addi %mul3A_142, %add3A_143 : i32
      %div3A_145 = arith.constant 8 : i32
      %div3A_146 = arith.divsi %add3A_144, %div3A_145 : i32
      %rem3A = arith.constant 8 : i32
      %rem3A_147 = arith.remsi %add3A_144, %rem3A : i32
      %rem3A_148 = arith.constant 3 : i32
      %rem3A_149 = arith.remsi %div3A_146, %rem3A_148 : i32
      %dma_wait3A_150 = arith.constant 0 : i32
      %dma_wait3A_151 = arith.constant 0 : i32
      %dma_wait3A_152 = arith.constant 0 : i32
      %dma_wait3A_153 = tpu.memref_slice %arg9[%dma_wait3A_150, %dma_wait3A_151, %dma_wait3A_152] : memref<4x80x128xf32, #tpu.memory_space<vmem>> -> memref<1x80x128xf32, #tpu.memory_space<vmem>>
      %dma_wait3A_154 = tpu.memref_squeeze %dma_wait3A_153 : memref<1x80x128xf32, #tpu.memory_space<vmem>> -> memref<80x128xf32, #tpu.memory_space<vmem>>
      %dma_wait3A_155 = arith.constant 0 : i32
      %dma_wait3A_156 = arith.constant 0 : i32
      %dma_wait3A_157 = tpu.memref_slice %arg7[%rem3A_149, %dma_wait3A_155, %dma_wait3A_156] : memref<3x8x80xi32, #tpu.memory_space<vmem>> -> memref<1x8x80xi32, #tpu.memory_space<vmem>>
      %dma_wait3A_158 = tpu.memref_squeeze %dma_wait3A_157 : memref<1x8x80xi32, #tpu.memory_space<vmem>> -> memref<8x80xi32, #tpu.memory_space<vmem>>
      %dma_wait3A_159 = arith.constant 0 : i32
      %dma_wait3A_160 = tpu.memref_slice %dma_wait3A_158[%rem3A_147, %dma_wait3A_159] : memref<8x80xi32, #tpu.memory_space<vmem>> -> memref<1x80xi32, #tpu.memory_space<vmem>>
      %dma_wait3A_161 = tpu.memref_squeeze %dma_wait3A_160 : memref<1x80xi32, #tpu.memory_space<vmem>> -> memref<80xi32, #tpu.memory_space<vmem>>
      %dma_wait3A_162 = arith.constant 0 : i32
      %dma_wait3A_163 = arith.constant 0 : i32
      %dma_wait3A_164 = tpu.memref_slice %arg2[%dma_wait3A_162, %dma_wait3A_163] : memref<10240x128xf32, #tpu.memory_space<hbm>> -> memref<10240x128xf32, #tpu.memory_space<hbm>>
      tpu.wait_indirect_dma semaphore(%arg11 : memref<!tpu.dma_semaphore, #tpu.memory_space<semaphore_mem>>) src(%dma_wait3A_164 : memref<10240x128xf32, #tpu.memory_space<hbm>>) dst(%dma_wait3A_154 : memref<80x128xf32, #tpu.memory_space<vmem>>)
      %rem3A_165 = arith.constant 4 : i32
      %rem3A_166 = arith.remsi %div3A_146, %rem3A_165 : i32
      %dma_start3A_167 = arith.constant 0 : i32
      %dma_start3A_168 = arith.constant 0 : i32
      %dma_start3A_169 = arith.constant 0 : i32
      %dma_start3A_170 = tpu.memref_slice %arg9[%dma_start3A_167, %dma_start3A_168, %dma_start3A_169] : memref<4x80x128xf32, #tpu.memory_space<vmem>> -> memref<1x80x128xf32, #tpu.memory_space<vmem>>
      %dma_start3A_171 = tpu.memref_squeeze %dma_start3A_170 : memref<1x80x128xf32, #tpu.memory_space<vmem>> -> memref<80x128xf32, #tpu.memory_space<vmem>>
      %dma_start3A_172 = arith.constant 0 : i32
      %dma_start3A_173 = arith.constant 0 : i32
      %dma_start3A_174 = tpu.memref_slice %arg8[%rem3A_166, %dma_start3A_172, %dma_start3A_173] : memref<4x8x80xi32, #tpu.memory_space<vmem>> -> memref<1x8x80xi32, #tpu.memory_space<vmem>>
      %dma_start3A_175 = tpu.memref_squeeze %dma_start3A_174 : memref<1x8x80xi32, #tpu.memory_space<vmem>> -> memref<8x80xi32, #tpu.memory_space<vmem>>
      %dma_start3A_176 = arith.constant 0 : i32
      %dma_start3A_177 = tpu.memref_slice %dma_start3A_175[%rem3A_147, %dma_start3A_176] : memref<8x80xi32, #tpu.memory_space<vmem>> -> memref<1x80xi32, #tpu.memory_space<vmem>>
      %dma_start3A_178 = tpu.memref_squeeze %dma_start3A_177 : memref<1x80xi32, #tpu.memory_space<vmem>> -> memref<80xi32, #tpu.memory_space<vmem>>
      %dma_start3A_179 = arith.constant 0 : i32
      %dma_start3A_180 = arith.constant 0 : i32
      %dma_start3A_181 = tpu.memref_slice %arg10[%dma_start3A_179, %dma_start3A_180] : memref<10240x128xf32, #tpu.memory_space<vmem_shared>> -> memref<10240x128xf32, #tpu.memory_space<vmem_shared>>
      tpu.enqueue_indirect_dma source(%dma_start3A_171 : memref<80x128xf32, #tpu.memory_space<vmem>>) target(%dma_start3A_181 : memref<10240x128xf32, #tpu.memory_space<vmem_shared>>) offsets(%dma_start3A_178 : memref<80xi32, #tpu.memory_space<vmem>>) semaphore(%arg15 : memref<!tpu.dma_semaphore, #tpu.memory_space<semaphore_mem>>) {add = true}
      %eq3A_182 = arith.constant 0 : i32
      %eq3A_183 = arith.cmpi eq, %rem3A_147, %eq3A_182 : i32
      %add3A_184 = arith.constant 2 : i32
      %add3A_185 = arith.addi %div3A_146, %add3A_184 : i32
      %mul3A_186 = arith.constant 8 : i32
      %mul3A_187 = arith.muli %add3A_185, %mul3A_186 : i32
      %lt3A = arith.cmpi slt, %mul3A_187, %select_n3A_2 : i32
      %and3A = arith.andi %eq3A_183, %lt3A : i1
      %convert_element_type3A = arith.extui %and3A : i1 to i32
      %cond3A = arith.constant 0 : i32
      %cond3A_188 = arith.cmpi ne, %convert_element_type3A, %cond3A : i32
      scf.if %cond3A_188 {
        %add3A_372 = arith.constant 2 : i32
        %add3A_373 = arith.addi %div3A_146, %add3A_372 : i32
        %mul3A_374 = arith.constant 8 : i32
        %mul3A_375 = arith.muli %add3A_373, %mul3A_374 : i32
        %add3A_376 = arith.addi %select_n3A_9, %mul3A_375 : i32
        %add3A_377 = arith.constant 2 : i32
        %add3A_378 = arith.addi %div3A_146, %add3A_377 : i32
        %rem3A_379 = arith.constant 3 : i32
        %rem3A_380 = arith.remsi %add3A_378, %rem3A_379 : i32
        "tpu.region"() ({
          %run_scoped3A_390 = tpu.sem_alloc : memref<!tpu.dma_semaphore, #tpu.memory_space<semaphore_mem>>
          %dma_start3A_391 = arith.constant 0 : i32
          %dma_start3A_392 = arith.constant 0 : i32
          %dma_start3A_393 = tpu.memref_slice %arg7[%rem3A_380, %dma_start3A_391, %dma_start3A_392] : memref<3x8x80xi32, #tpu.memory_space<vmem>> -> memref<1x8x80xi32, #tpu.memory_space<vmem>>
          %dma_start3A_394 = tpu.memref_squeeze %dma_start3A_393 : memref<1x8x80xi32, #tpu.memory_space<vmem>> -> memref<8x80xi32, #tpu.memory_space<vmem>>
          %dma_start3A_395 = arith.constant 0 : i32
          %dma_start3A_396 = tpu.memref_slice %arg3[%add3A_376, %dma_start3A_395] : memref<4096x80xi32, #tpu.memory_space<hbm>> -> memref<8x80xi32, #tpu.memory_space<hbm>>
          %dma_start3A_397 = arith.constant 0 : i32
          %dma_start3A_398 = arith.constant 0 : i32
          %dma_start3A_399 = tpu.memref_slice %arg7[%rem3A_380, %dma_start3A_397, %dma_start3A_398] : memref<3x8x80xi32, #tpu.memory_space<vmem>> -> memref<1x8x80xi32, #tpu.memory_space<vmem>>
          %dma_start3A_400 = tpu.memref_squeeze %dma_start3A_399 : memref<1x8x80xi32, #tpu.memory_space<vmem>> -> memref<8x80xi32, #tpu.memory_space<vmem>>
          %dma_start3A_401 = arith.constant 0 : i32
          %dma_start3A_402 = tpu.memref_slice %arg3[%add3A_376, %dma_start3A_401] : memref<4096x80xi32, #tpu.memory_space<hbm>> -> memref<8x80xi32, #tpu.memory_space<hbm>>
          tpu.enqueue_dma source(%dma_start3A_402 : memref<8x80xi32, #tpu.memory_space<hbm>>) target(%dma_start3A_400 : memref<8x80xi32, #tpu.memory_space<vmem>>) target_semaphore(%run_scoped3A_390 : memref<!tpu.dma_semaphore, #tpu.memory_space<semaphore_mem>>)
          %dma_wait3A_403 = arith.constant 0 : i32
          %dma_wait3A_404 = arith.constant 0 : i32
          %dma_wait3A_405 = tpu.memref_slice %arg7[%rem3A_380, %dma_wait3A_403, %dma_wait3A_404] : memref<3x8x80xi32, #tpu.memory_space<vmem>> -> memref<1x8x80xi32, #tpu.memory_space<vmem>>
          %dma_wait3A_406 = tpu.memref_squeeze %dma_wait3A_405 : memref<1x8x80xi32, #tpu.memory_space<vmem>> -> memref<8x80xi32, #tpu.memory_space<vmem>>
          %dma_wait3A_407 = arith.constant 0 : i32
          %dma_wait3A_408 = tpu.memref_slice %arg3[%add3A_376, %dma_wait3A_407] : memref<4096x80xi32, #tpu.memory_space<hbm>> -> memref<8x80xi32, #tpu.memory_space<hbm>>
          %dma_wait3A_409 = arith.constant 0 : i32
          %dma_wait3A_410 = arith.constant 0 : i32
          %dma_wait3A_411 = tpu.memref_slice %arg7[%rem3A_380, %dma_wait3A_409, %dma_wait3A_410] : memref<3x8x80xi32, #tpu.memory_space<vmem>> -> memref<1x8x80xi32, #tpu.memory_space<vmem>>
          %dma_wait3A_412 = tpu.memref_squeeze %dma_wait3A_411 : memref<1x8x80xi32, #tpu.memory_space<vmem>> -> memref<8x80xi32, #tpu.memory_space<vmem>>
          %dma_wait3A_413 = arith.constant 0 : i32
          %dma_wait3A_414 = tpu.memref_slice %arg3[%add3A_376, %dma_wait3A_413] : memref<4096x80xi32, #tpu.memory_space<hbm>> -> memref<8x80xi32, #tpu.memory_space<hbm>>
          tpu.wait_dma2 semaphore(%run_scoped3A_390 : memref<!tpu.dma_semaphore, #tpu.memory_space<semaphore_mem>>) src(%dma_wait3A_414 : memref<8x80xi32, #tpu.memory_space<hbm>>) dst(%dma_wait3A_412 : memref<8x80xi32, #tpu.memory_space<vmem>>)
          tpu.yield
        }) : () -> ()
        %add3A_381 = arith.constant 2 : i32
        %add3A_382 = arith.addi %div3A_146, %add3A_381 : i32
        %mul3A_383 = arith.constant 8 : i32
        %mul3A_384 = arith.muli %add3A_382, %mul3A_383 : i32
        %add3A_385 = arith.addi %select_n3A_9, %mul3A_384 : i32
        %add3A_386 = arith.constant 2 : i32
        %add3A_387 = arith.addi %div3A_146, %add3A_386 : i32
        %rem3A_388 = arith.constant 4 : i32
        %rem3A_389 = arith.remsi %add3A_387, %rem3A_388 : i32
        "tpu.region"() ({
          %run_scoped3A_390 = tpu.sem_alloc : memref<!tpu.dma_semaphore, #tpu.memory_space<semaphore_mem>>
          %dma_start3A_391 = arith.constant 0 : i32
          %dma_start3A_392 = arith.constant 0 : i32
          %dma_start3A_393 = tpu.memref_slice %arg8[%rem3A_389, %dma_start3A_391, %dma_start3A_392] : memref<4x8x80xi32, #tpu.memory_space<vmem>> -> memref<1x8x80xi32, #tpu.memory_space<vmem>>
          %dma_start3A_394 = tpu.memref_squeeze %dma_start3A_393 : memref<1x8x80xi32, #tpu.memory_space<vmem>> -> memref<8x80xi32, #tpu.memory_space<vmem>>
          %dma_start3A_395 = arith.constant 0 : i32
          %dma_start3A_396 = tpu.memref_slice %arg4[%add3A_385, %dma_start3A_395] : memref<4096x80xi32, #tpu.memory_space<hbm>> -> memref<8x80xi32, #tpu.memory_space<hbm>>
          %dma_start3A_397 = arith.constant 0 : i32
          %dma_start3A_398 = arith.constant 0 : i32
          %dma_start3A_399 = tpu.memref_slice %arg8[%rem3A_389, %dma_start3A_397, %dma_start3A_398] : memref<4x8x80xi32, #tpu.memory_space<vmem>> -> memref<1x8x80xi32, #tpu.memory_space<vmem>>
          %dma_start3A_400 = tpu.memref_squeeze %dma_start3A_399 : memref<1x8x80xi32, #tpu.memory_space<vmem>> -> memref<8x80xi32, #tpu.memory_space<vmem>>
          %dma_start3A_401 = arith.constant 0 : i32
          %dma_start3A_402 = tpu.memref_slice %arg4[%add3A_385, %dma_start3A_401] : memref<4096x80xi32, #tpu.memory_space<hbm>> -> memref<8x80xi32, #tpu.memory_space<hbm>>
          tpu.enqueue_dma source(%dma_start3A_402 : memref<8x80xi32, #tpu.memory_space<hbm>>) target(%dma_start3A_400 : memref<8x80xi32, #tpu.memory_space<vmem>>) target_semaphore(%run_scoped3A_390 : memref<!tpu.dma_semaphore, #tpu.memory_space<semaphore_mem>>)
          %dma_wait3A_403 = arith.constant 0 : i32
          %dma_wait3A_404 = arith.constant 0 : i32
          %dma_wait3A_405 = tpu.memref_slice %arg8[%rem3A_389, %dma_wait3A_403, %dma_wait3A_404] : memref<4x8x80xi32, #tpu.memory_space<vmem>> -> memref<1x8x80xi32, #tpu.memory_space<vmem>>
          %dma_wait3A_406 = tpu.memref_squeeze %dma_wait3A_405 : memref<1x8x80xi32, #tpu.memory_space<vmem>> -> memref<8x80xi32, #tpu.memory_space<vmem>>
          %dma_wait3A_407 = arith.constant 0 : i32
          %dma_wait3A_408 = tpu.memref_slice %arg4[%add3A_385, %dma_wait3A_407] : memref<4096x80xi32, #tpu.memory_space<hbm>> -> memref<8x80xi32, #tpu.memory_space<hbm>>
          %dma_wait3A_409 = arith.constant 0 : i32
          %dma_wait3A_410 = arith.constant 0 : i32
          %dma_wait3A_411 = tpu.memref_slice %arg8[%rem3A_389, %dma_wait3A_409, %dma_wait3A_410] : memref<4x8x80xi32, #tpu.memory_space<vmem>> -> memref<1x8x80xi32, #tpu.memory_space<vmem>>
          %dma_wait3A_412 = tpu.memref_squeeze %dma_wait3A_411 : memref<1x8x80xi32, #tpu.memory_space<vmem>> -> memref<8x80xi32, #tpu.memory_space<vmem>>
          %dma_wait3A_413 = arith.constant 0 : i32
          %dma_wait3A_414 = tpu.memref_slice %arg4[%add3A_385, %dma_wait3A_413] : memref<4096x80xi32, #tpu.memory_space<hbm>> -> memref<8x80xi32, #tpu.memory_space<hbm>>
          tpu.wait_dma2 semaphore(%run_scoped3A_390 : memref<!tpu.dma_semaphore, #tpu.memory_space<semaphore_mem>>) src(%dma_wait3A_414 : memref<8x80xi32, #tpu.memory_space<hbm>>) dst(%dma_wait3A_412 : memref<8x80xi32, #tpu.memory_space<vmem>>)
          tpu.yield
        }) : () -> ()
      } else {
      }
      %add3A_189 = arith.constant 2 : i32
      %add3A_190 = arith.addi %add3A_144, %add3A_189 : i32
      %lt3A_191 = arith.cmpi slt, %add3A_190, %select_n3A_2 : i32
      %convert_element_type3A_192 = arith.extui %lt3A_191 : i1 to i32
      %cond3A_193 = arith.constant 0 : i32
      %cond3A_194 = arith.cmpi ne, %convert_element_type3A_192, %cond3A_193 : i32
      scf.if %cond3A_194 {
        %ge3A = arith.constant 4 : i32
        %ge3A_372 = arith.cmpi sge, %add3A_190, %ge3A : i32
        %convert_element_type3A_373 = arith.extui %ge3A_372 : i1 to i32
        %cond3A_374 = arith.constant 0 : i32
        %cond3A_375 = arith.cmpi ne, %convert_element_type3A_373, %cond3A_374 : i32
        scf.if %cond3A_375 {
          %dma_wait3A_397 = arith.constant 2 : i32
          %dma_wait3A_398 = arith.constant 0 : i32
          %dma_wait3A_399 = arith.constant 0 : i32
          %dma_wait3A_400 = arith.constant 0 : i32
          %dma_wait3A_401 = arith.constant 0 : i32
          %dma_wait3A_402 = tpu.memref_slice %arg9[%dma_wait3A_397, %dma_wait3A_400, %dma_wait3A_401] : memref<4x80x128xf32, #tpu.memory_space<vmem>> -> memref<1x80x128xf32, #tpu.memory_space<vmem>>
          %dma_wait3A_403 = tpu.memref_squeeze %dma_wait3A_402 : memref<1x80x128xf32, #tpu.memory_space<vmem>> -> memref<80x128xf32, #tpu.memory_space<vmem>>
          %dma_wait3A_404 = arith.constant 0 : i32
          %dma_wait3A_405 = arith.constant 0 : i32
          %dma_wait3A_406 = tpu.memref_slice %arg8[%dma_wait3A_398, %dma_wait3A_404, %dma_wait3A_405] : memref<4x8x80xi32, #tpu.memory_space<vmem>> -> memref<1x8x80xi32, #tpu.memory_space<vmem>>
          %dma_wait3A_407 = tpu.memref_squeeze %dma_wait3A_406 : memref<1x8x80xi32, #tpu.memory_space<vmem>> -> memref<8x80xi32, #tpu.memory_space<vmem>>
          %dma_wait3A_408 = arith.constant 0 : i32
          %dma_wait3A_409 = tpu.memref_slice %dma_wait3A_407[%dma_wait3A_399, %dma_wait3A_408] : memref<8x80xi32, #tpu.memory_space<vmem>> -> memref<1x80xi32, #tpu.memory_space<vmem>>
          %dma_wait3A_410 = tpu.memref_squeeze %dma_wait3A_409 : memref<1x80xi32, #tpu.memory_space<vmem>> -> memref<80xi32, #tpu.memory_space<vmem>>
          %dma_wait3A_411 = arith.constant 0 : i32
          %dma_wait3A_412 = arith.constant 0 : i32
          %dma_wait3A_413 = tpu.memref_slice %arg10[%dma_wait3A_411, %dma_wait3A_412] : memref<10240x128xf32, #tpu.memory_space<vmem_shared>> -> memref<10240x128xf32, #tpu.memory_space<vmem_shared>>
          tpu.wait_indirect_dma semaphore(%arg17 : memref<!tpu.dma_semaphore, #tpu.memory_space<semaphore_mem>>) src(%dma_wait3A_403 : memref<80x128xf32, #tpu.memory_space<vmem>>) dst(%dma_wait3A_413 : memref<10240x128xf32, #tpu.memory_space<vmem_shared>>)
        } else {
        }
        %div3A_376 = arith.constant 8 : i32
        %div3A_377 = arith.divsi %add3A_190, %div3A_376 : i32
        %rem3A_378 = arith.constant 3 : i32
        %rem3A_379 = arith.remsi %div3A_377, %rem3A_378 : i32
        %rem3A_380 = arith.constant 8 : i32
        %rem3A_381 = arith.remsi %add3A_190, %rem3A_380 : i32
        %dma_start3A_382 = arith.constant 2 : i32
        %dma_start3A_383 = arith.constant 0 : i32
        %dma_start3A_384 = arith.constant 0 : i32
        %dma_start3A_385 = tpu.memref_slice %arg9[%dma_start3A_382, %dma_start3A_383, %dma_start3A_384] : memref<4x80x128xf32, #tpu.memory_space<vmem>> -> memref<1x80x128xf32, #tpu.memory_space<vmem>>
        %dma_start3A_386 = tpu.memref_squeeze %dma_start3A_385 : memref<1x80x128xf32, #tpu.memory_space<vmem>> -> memref<80x128xf32, #tpu.memory_space<vmem>>
        %dma_start3A_387 = arith.constant 0 : i32
        %dma_start3A_388 = arith.constant 0 : i32
        %dma_start3A_389 = tpu.memref_slice %arg7[%rem3A_379, %dma_start3A_387, %dma_start3A_388] : memref<3x8x80xi32, #tpu.memory_space<vmem>> -> memref<1x8x80xi32, #tpu.memory_space<vmem>>
        %dma_start3A_390 = tpu.memref_squeeze %dma_start3A_389 : memref<1x8x80xi32, #tpu.memory_space<vmem>> -> memref<8x80xi32, #tpu.memory_space<vmem>>
        %dma_start3A_391 = arith.constant 0 : i32
        %dma_start3A_392 = tpu.memref_slice %dma_start3A_390[%rem3A_381, %dma_start3A_391] : memref<8x80xi32, #tpu.memory_space<vmem>> -> memref<1x80xi32, #tpu.memory_space<vmem>>
        %dma_start3A_393 = tpu.memref_squeeze %dma_start3A_392 : memref<1x80xi32, #tpu.memory_space<vmem>> -> memref<80xi32, #tpu.memory_space<vmem>>
        %dma_start3A_394 = arith.constant 0 : i32
        %dma_start3A_395 = arith.constant 0 : i32
        %dma_start3A_396 = tpu.memref_slice %arg2[%dma_start3A_394, %dma_start3A_395] : memref<10240x128xf32, #tpu.memory_space<hbm>> -> memref<10240x128xf32, #tpu.memory_space<hbm>>
        tpu.enqueue_indirect_dma source(%dma_start3A_396 : memref<10240x128xf32, #tpu.memory_space<hbm>>) target(%dma_start3A_386 : memref<80x128xf32, #tpu.memory_space<vmem>>) offsets(%dma_start3A_393 : memref<80xi32, #tpu.memory_space<vmem>>) semaphore(%arg13 : memref<!tpu.dma_semaphore, #tpu.memory_space<semaphore_mem>>)
      } else {
      }
      %mul3A_195 = arith.constant 4 : i32
      %mul3A_196 = arith.muli %while3A_140, %mul3A_195 : i32
      %add3A_197 = arith.constant 1 : i32
      %add3A_198 = arith.addi %mul3A_196, %add3A_197 : i32
      %div3A_199 = arith.constant 8 : i32
      %div3A_200 = arith.divsi %add3A_198, %div3A_199 : i32
      %rem3A_201 = arith.constant 8 : i32
      %rem3A_202 = arith.remsi %add3A_198, %rem3A_201 : i32
      %rem3A_203 = arith.constant 3 : i32
      %rem3A_204 = arith.remsi %div3A_200, %rem3A_203 : i32
      %dma_wait3A_205 = arith.constant 1 : i32
      %dma_wait3A_206 = arith.constant 0 : i32
      %dma_wait3A_207 = arith.constant 0 : i32
      %dma_wait3A_208 = tpu.memref_slice %arg9[%dma_wait3A_205, %dma_wait3A_206, %dma_wait3A_207] : memref<4x80x128xf32, #tpu.memory_space<vmem>> -> memref<1x80x128xf32, #tpu.memory_space<vmem>>
      %dma_wait3A_209 = tpu.memref_squeeze %dma_wait3A_208 : memref<1x80x128xf32, #tpu.memory_space<vmem>> -> memref<80x128xf32, #tpu.memory_space<vmem>>
      %dma_wait3A_210 = arith.constant 0 : i32
      %dma_wait3A_211 = arith.constant 0 : i32
      %dma_wait3A_212 = tpu.memref_slice %arg7[%rem3A_204, %dma_wait3A_210, %dma_wait3A_211] : memref<3x8x80xi32, #tpu.memory_space<vmem>> -> memref<1x8x80xi32, #tpu.memory_space<vmem>>
      %dma_wait3A_213 = tpu.memref_squeeze %dma_wait3A_212 : memref<1x8x80xi32, #tpu.memory_space<vmem>> -> memref<8x80xi32, #tpu.memory_space<vmem>>
      %dma_wait3A_214 = arith.constant 0 : i32
      %dma_wait3A_215 = tpu.memref_slice %dma_wait3A_213[%rem3A_202, %dma_wait3A_214] : memref<8x80xi32, #tpu.memory_space<vmem>> -> memref<1x80xi32, #tpu.memory_space<vmem>>
      %dma_wait3A_216 = tpu.memref_squeeze %dma_wait3A_215 : memref<1x80xi32, #tpu.memory_space<vmem>> -> memref<80xi32, #tpu.memory_space<vmem>>
      %dma_wait3A_217 = arith.constant 0 : i32
      %dma_wait3A_218 = arith.constant 0 : i32
      %dma_wait3A_219 = tpu.memref_slice %arg2[%dma_wait3A_217, %dma_wait3A_218] : memref<10240x128xf32, #tpu.memory_space<hbm>> -> memref<10240x128xf32, #tpu.memory_space<hbm>>
      tpu.wait_indirect_dma semaphore(%arg12 : memref<!tpu.dma_semaphore, #tpu.memory_space<semaphore_mem>>) src(%dma_wait3A_219 : memref<10240x128xf32, #tpu.memory_space<hbm>>) dst(%dma_wait3A_209 : memref<80x128xf32, #tpu.memory_space<vmem>>)
      %rem3A_220 = arith.constant 4 : i32
      %rem3A_221 = arith.remsi %div3A_200, %rem3A_220 : i32
      %dma_start3A_222 = arith.constant 1 : i32
      %dma_start3A_223 = arith.constant 0 : i32
      %dma_start3A_224 = arith.constant 0 : i32
      %dma_start3A_225 = tpu.memref_slice %arg9[%dma_start3A_222, %dma_start3A_223, %dma_start3A_224] : memref<4x80x128xf32, #tpu.memory_space<vmem>> -> memref<1x80x128xf32, #tpu.memory_space<vmem>>
      %dma_start3A_226 = tpu.memref_squeeze %dma_start3A_225 : memref<1x80x128xf32, #tpu.memory_space<vmem>> -> memref<80x128xf32, #tpu.memory_space<vmem>>
      %dma_start3A_227 = arith.constant 0 : i32
      %dma_start3A_228 = arith.constant 0 : i32
      %dma_start3A_229 = tpu.memref_slice %arg8[%rem3A_221, %dma_start3A_227, %dma_start3A_228] : memref<4x8x80xi32, #tpu.memory_space<vmem>> -> memref<1x8x80xi32, #tpu.memory_space<vmem>>
      %dma_start3A_230 = tpu.memref_squeeze %dma_start3A_229 : memref<1x8x80xi32, #tpu.memory_space<vmem>> -> memref<8x80xi32, #tpu.memory_space<vmem>>
      %dma_start3A_231 = arith.constant 0 : i32
      %dma_start3A_232 = tpu.memref_slice %dma_start3A_230[%rem3A_202, %dma_start3A_231] : memref<8x80xi32, #tpu.memory_space<vmem>> -> memref<1x80xi32, #tpu.memory_space<vmem>>
      %dma_start3A_233 = tpu.memref_squeeze %dma_start3A_232 : memref<1x80xi32, #tpu.memory_space<vmem>> -> memref<80xi32, #tpu.memory_space<vmem>>
      %dma_start3A_234 = arith.constant 0 : i32
      %dma_start3A_235 = arith.constant 0 : i32
      %dma_start3A_236 = tpu.memref_slice %arg10[%dma_start3A_234, %dma_start3A_235] : memref<10240x128xf32, #tpu.memory_space<vmem_shared>> -> memref<10240x128xf32, #tpu.memory_space<vmem_shared>>
      tpu.enqueue_indirect_dma source(%dma_start3A_226 : memref<80x128xf32, #tpu.memory_space<vmem>>) target(%dma_start3A_236 : memref<10240x128xf32, #tpu.memory_space<vmem_shared>>) offsets(%dma_start3A_233 : memref<80xi32, #tpu.memory_space<vmem>>) semaphore(%arg16 : memref<!tpu.dma_semaphore, #tpu.memory_space<semaphore_mem>>) {add = true}
      %eq3A_237 = arith.constant 0 : i32
      %eq3A_238 = arith.cmpi eq, %rem3A_202, %eq3A_237 : i32
      %add3A_239 = arith.constant 2 : i32
      %add3A_240 = arith.addi %div3A_200, %add3A_239 : i32
      %mul3A_241 = arith.constant 8 : i32
      %mul3A_242 = arith.muli %add3A_240, %mul3A_241 : i32
      %lt3A_243 = arith.cmpi slt, %mul3A_242, %select_n3A_2 : i32
      %and3A_244 = arith.andi %eq3A_238, %lt3A_243 : i1
      %convert_element_type3A_245 = arith.extui %and3A_244 : i1 to i32
      %cond3A_246 = arith.constant 0 : i32
      %cond3A_247 = arith.cmpi ne, %convert_element_type3A_245, %cond3A_246 : i32
      scf.if %cond3A_247 {
        %add3A_372 = arith.constant 2 : i32
        %add3A_373 = arith.addi %div3A_200, %add3A_372 : i32
        %mul3A_374 = arith.constant 8 : i32
        %mul3A_375 = arith.muli %add3A_373, %mul3A_374 : i32
        %add3A_376 = arith.addi %select_n3A_9, %mul3A_375 : i32
        %add3A_377 = arith.constant 2 : i32
        %add3A_378 = arith.addi %div3A_200, %add3A_377 : i32
        %rem3A_379 = arith.constant 3 : i32
        %rem3A_380 = arith.remsi %add3A_378, %rem3A_379 : i32
        "tpu.region"() ({
          %run_scoped3A_390 = tpu.sem_alloc : memref<!tpu.dma_semaphore, #tpu.memory_space<semaphore_mem>>
          %dma_start3A_391 = arith.constant 0 : i32
          %dma_start3A_392 = arith.constant 0 : i32
          %dma_start3A_393 = tpu.memref_slice %arg7[%rem3A_380, %dma_start3A_391, %dma_start3A_392] : memref<3x8x80xi32, #tpu.memory_space<vmem>> -> memref<1x8x80xi32, #tpu.memory_space<vmem>>
          %dma_start3A_394 = tpu.memref_squeeze %dma_start3A_393 : memref<1x8x80xi32, #tpu.memory_space<vmem>> -> memref<8x80xi32, #tpu.memory_space<vmem>>
          %dma_start3A_395 = arith.constant 0 : i32
          %dma_start3A_396 = tpu.memref_slice %arg3[%add3A_376, %dma_start3A_395] : memref<4096x80xi32, #tpu.memory_space<hbm>> -> memref<8x80xi32, #tpu.memory_space<hbm>>
          %dma_start3A_397 = arith.constant 0 : i32
          %dma_start3A_398 = arith.constant 0 : i32
          %dma_start3A_399 = tpu.memref_slice %arg7[%rem3A_380, %dma_start3A_397, %dma_start3A_398] : memref<3x8x80xi32, #tpu.memory_space<vmem>> -> memref<1x8x80xi32, #tpu.memory_space<vmem>>
          %dma_start3A_400 = tpu.memref_squeeze %dma_start3A_399 : memref<1x8x80xi32, #tpu.memory_space<vmem>> -> memref<8x80xi32, #tpu.memory_space<vmem>>
          %dma_start3A_401 = arith.constant 0 : i32
          %dma_start3A_402 = tpu.memref_slice %arg3[%add3A_376, %dma_start3A_401] : memref<4096x80xi32, #tpu.memory_space<hbm>> -> memref<8x80xi32, #tpu.memory_space<hbm>>
          tpu.enqueue_dma source(%dma_start3A_402 : memref<8x80xi32, #tpu.memory_space<hbm>>) target(%dma_start3A_400 : memref<8x80xi32, #tpu.memory_space<vmem>>) target_semaphore(%run_scoped3A_390 : memref<!tpu.dma_semaphore, #tpu.memory_space<semaphore_mem>>)
          %dma_wait3A_403 = arith.constant 0 : i32
          %dma_wait3A_404 = arith.constant 0 : i32
          %dma_wait3A_405 = tpu.memref_slice %arg7[%rem3A_380, %dma_wait3A_403, %dma_wait3A_404] : memref<3x8x80xi32, #tpu.memory_space<vmem>> -> memref<1x8x80xi32, #tpu.memory_space<vmem>>
          %dma_wait3A_406 = tpu.memref_squeeze %dma_wait3A_405 : memref<1x8x80xi32, #tpu.memory_space<vmem>> -> memref<8x80xi32, #tpu.memory_space<vmem>>
          %dma_wait3A_407 = arith.constant 0 : i32
          %dma_wait3A_408 = tpu.memref_slice %arg3[%add3A_376, %dma_wait3A_407] : memref<4096x80xi32, #tpu.memory_space<hbm>> -> memref<8x80xi32, #tpu.memory_space<hbm>>
          %dma_wait3A_409 = arith.constant 0 : i32
          %dma_wait3A_410 = arith.constant 0 : i32
          %dma_wait3A_411 = tpu.memref_slice %arg7[%rem3A_380, %dma_wait3A_409, %dma_wait3A_410] : memref<3x8x80xi32, #tpu.memory_space<vmem>> -> memref<1x8x80xi32, #tpu.memory_space<vmem>>
          %dma_wait3A_412 = tpu.memref_squeeze %dma_wait3A_411 : memref<1x8x80xi32, #tpu.memory_space<vmem>> -> memref<8x80xi32, #tpu.memory_space<vmem>>
          %dma_wait3A_413 = arith.constant 0 : i32
          %dma_wait3A_414 = tpu.memref_slice %arg3[%add3A_376, %dma_wait3A_413] : memref<4096x80xi32, #tpu.memory_space<hbm>> -> memref<8x80xi32, #tpu.memory_space<hbm>>
          tpu.wait_dma2 semaphore(%run_scoped3A_390 : memref<!tpu.dma_semaphore, #tpu.memory_space<semaphore_mem>>) src(%dma_wait3A_414 : memref<8x80xi32, #tpu.memory_space<hbm>>) dst(%dma_wait3A_412 : memref<8x80xi32, #tpu.memory_space<vmem>>)
          tpu.yield
        }) : () -> ()
        %add3A_381 = arith.constant 2 : i32
        %add3A_382 = arith.addi %div3A_200, %add3A_381 : i32
        %mul3A_383 = arith.constant 8 : i32
        %mul3A_384 = arith.muli %add3A_382, %mul3A_383 : i32
        %add3A_385 = arith.addi %select_n3A_9, %mul3A_384 : i32
        %add3A_386 = arith.constant 2 : i32
        %add3A_387 = arith.addi %div3A_200, %add3A_386 : i32
        %rem3A_388 = arith.constant 4 : i32
        %rem3A_389 = arith.remsi %add3A_387, %rem3A_388 : i32
        "tpu.region"() ({
          %run_scoped3A_390 = tpu.sem_alloc : memref<!tpu.dma_semaphore, #tpu.memory_space<semaphore_mem>>
          %dma_start3A_391 = arith.constant 0 : i32
          %dma_start3A_392 = arith.constant 0 : i32
          %dma_start3A_393 = tpu.memref_slice %arg8[%rem3A_389, %dma_start3A_391, %dma_start3A_392] : memref<4x8x80xi32, #tpu.memory_space<vmem>> -> memref<1x8x80xi32, #tpu.memory_space<vmem>>
          %dma_start3A_394 = tpu.memref_squeeze %dma_start3A_393 : memref<1x8x80xi32, #tpu.memory_space<vmem>> -> memref<8x80xi32, #tpu.memory_space<vmem>>
          %dma_start3A_395 = arith.constant 0 : i32
          %dma_start3A_396 = tpu.memref_slice %arg4[%add3A_385, %dma_start3A_395] : memref<4096x80xi32, #tpu.memory_space<hbm>> -> memref<8x80xi32, #tpu.memory_space<hbm>>
          %dma_start3A_397 = arith.constant 0 : i32
          %dma_start3A_398 = arith.constant 0 : i32
          %dma_start3A_399 = tpu.memref_slice %arg8[%rem3A_389, %dma_start3A_397, %dma_start3A_398] : memref<4x8x80xi32, #tpu.memory_space<vmem>> -> memref<1x8x80xi32, #tpu.memory_space<vmem>>
          %dma_start3A_400 = tpu.memref_squeeze %dma_start3A_399 : memref<1x8x80xi32, #tpu.memory_space<vmem>> -> memref<8x80xi32, #tpu.memory_space<vmem>>
          %dma_start3A_401 = arith.constant 0 : i32
          %dma_start3A_402 = tpu.memref_slice %arg4[%add3A_385, %dma_start3A_401] : memref<4096x80xi32, #tpu.memory_space<hbm>> -> memref<8x80xi32, #tpu.memory_space<hbm>>
          tpu.enqueue_dma source(%dma_start3A_402 : memref<8x80xi32, #tpu.memory_space<hbm>>) target(%dma_start3A_400 : memref<8x80xi32, #tpu.memory_space<vmem>>) target_semaphore(%run_scoped3A_390 : memref<!tpu.dma_semaphore, #tpu.memory_space<semaphore_mem>>)
          %dma_wait3A_403 = arith.constant 0 : i32
          %dma_wait3A_404 = arith.constant 0 : i32
          %dma_wait3A_405 = tpu.memref_slice %arg8[%rem3A_389, %dma_wait3A_403, %dma_wait3A_404] : memref<4x8x80xi32, #tpu.memory_space<vmem>> -> memref<1x8x80xi32, #tpu.memory_space<vmem>>
          %dma_wait3A_406 = tpu.memref_squeeze %dma_wait3A_405 : memref<1x8x80xi32, #tpu.memory_space<vmem>> -> memref<8x80xi32, #tpu.memory_space<vmem>>
          %dma_wait3A_407 = arith.constant 0 : i32
          %dma_wait3A_408 = tpu.memref_slice %arg4[%add3A_385, %dma_wait3A_407] : memref<4096x80xi32, #tpu.memory_space<hbm>> -> memref<8x80xi32, #tpu.memory_space<hbm>>
          %dma_wait3A_409 = arith.constant 0 : i32
          %dma_wait3A_410 = arith.constant 0 : i32
          %dma_wait3A_411 = tpu.memref_slice %arg8[%rem3A_389, %dma_wait3A_409, %dma_wait3A_410] : memref<4x8x80xi32, #tpu.memory_space<vmem>> -> memref<1x8x80xi32, #tpu.memory_space<vmem>>
          %dma_wait3A_412 = tpu.memref_squeeze %dma_wait3A_411 : memref<1x8x80xi32, #tpu.memory_space<vmem>> -> memref<8x80xi32, #tpu.memory_space<vmem>>
          %dma_wait3A_413 = arith.constant 0 : i32
          %dma_wait3A_414 = tpu.memref_slice %arg4[%add3A_385, %dma_wait3A_413] : memref<4096x80xi32, #tpu.memory_space<hbm>> -> memref<8x80xi32, #tpu.memory_space<hbm>>
          tpu.wait_dma2 semaphore(%run_scoped3A_390 : memref<!tpu.dma_semaphore, #tpu.memory_space<semaphore_mem>>) src(%dma_wait3A_414 : memref<8x80xi32, #tpu.memory_space<hbm>>) dst(%dma_wait3A_412 : memref<8x80xi32, #tpu.memory_space<vmem>>)
          tpu.yield
        }) : () -> ()
      } else {
      }
      %add3A_248 = arith.constant 2 : i32
      %add3A_249 = arith.addi %add3A_198, %add3A_248 : i32
      %lt3A_250 = arith.cmpi slt, %add3A_249, %select_n3A_2 : i32
      %convert_element_type3A_251 = arith.extui %lt3A_250 : i1 to i32
      %cond3A_252 = arith.constant 0 : i32
      %cond3A_253 = arith.cmpi ne, %convert_element_type3A_251, %cond3A_252 : i32
      scf.if %cond3A_253 {
        %ge3A = arith.constant 4 : i32
        %ge3A_372 = arith.cmpi sge, %add3A_249, %ge3A : i32
        %convert_element_type3A_373 = arith.extui %ge3A_372 : i1 to i32
        %cond3A_374 = arith.constant 0 : i32
        %cond3A_375 = arith.cmpi ne, %convert_element_type3A_373, %cond3A_374 : i32
        scf.if %cond3A_375 {
          %dma_wait3A_397 = arith.constant 3 : i32
          %dma_wait3A_398 = arith.constant 0 : i32
          %dma_wait3A_399 = arith.constant 0 : i32
          %dma_wait3A_400 = arith.constant 0 : i32
          %dma_wait3A_401 = arith.constant 0 : i32
          %dma_wait3A_402 = tpu.memref_slice %arg9[%dma_wait3A_397, %dma_wait3A_400, %dma_wait3A_401] : memref<4x80x128xf32, #tpu.memory_space<vmem>> -> memref<1x80x128xf32, #tpu.memory_space<vmem>>
          %dma_wait3A_403 = tpu.memref_squeeze %dma_wait3A_402 : memref<1x80x128xf32, #tpu.memory_space<vmem>> -> memref<80x128xf32, #tpu.memory_space<vmem>>
          %dma_wait3A_404 = arith.constant 0 : i32
          %dma_wait3A_405 = arith.constant 0 : i32
          %dma_wait3A_406 = tpu.memref_slice %arg8[%dma_wait3A_398, %dma_wait3A_404, %dma_wait3A_405] : memref<4x8x80xi32, #tpu.memory_space<vmem>> -> memref<1x8x80xi32, #tpu.memory_space<vmem>>
          %dma_wait3A_407 = tpu.memref_squeeze %dma_wait3A_406 : memref<1x8x80xi32, #tpu.memory_space<vmem>> -> memref<8x80xi32, #tpu.memory_space<vmem>>
          %dma_wait3A_408 = arith.constant 0 : i32
          %dma_wait3A_409 = tpu.memref_slice %dma_wait3A_407[%dma_wait3A_399, %dma_wait3A_408] : memref<8x80xi32, #tpu.memory_space<vmem>> -> memref<1x80xi32, #tpu.memory_space<vmem>>
          %dma_wait3A_410 = tpu.memref_squeeze %dma_wait3A_409 : memref<1x80xi32, #tpu.memory_space<vmem>> -> memref<80xi32, #tpu.memory_space<vmem>>
          %dma_wait3A_411 = arith.constant 0 : i32
          %dma_wait3A_412 = arith.constant 0 : i32
          %dma_wait3A_413 = tpu.memref_slice %arg10[%dma_wait3A_411, %dma_wait3A_412] : memref<10240x128xf32, #tpu.memory_space<vmem_shared>> -> memref<10240x128xf32, #tpu.memory_space<vmem_shared>>
          tpu.wait_indirect_dma semaphore(%arg18 : memref<!tpu.dma_semaphore, #tpu.memory_space<semaphore_mem>>) src(%dma_wait3A_403 : memref<80x128xf32, #tpu.memory_space<vmem>>) dst(%dma_wait3A_413 : memref<10240x128xf32, #tpu.memory_space<vmem_shared>>)
        } else {
        }
        %div3A_376 = arith.constant 8 : i32
        %div3A_377 = arith.divsi %add3A_249, %div3A_376 : i32
        %rem3A_378 = arith.constant 3 : i32
        %rem3A_379 = arith.remsi %div3A_377, %rem3A_378 : i32
        %rem3A_380 = arith.constant 8 : i32
        %rem3A_381 = arith.remsi %add3A_249, %rem3A_380 : i32
        %dma_start3A_382 = arith.constant 3 : i32
        %dma_start3A_383 = arith.constant 0 : i32
        %dma_start3A_384 = arith.constant 0 : i32
        %dma_start3A_385 = tpu.memref_slice %arg9[%dma_start3A_382, %dma_start3A_383, %dma_start3A_384] : memref<4x80x128xf32, #tpu.memory_space<vmem>> -> memref<1x80x128xf32, #tpu.memory_space<vmem>>
        %dma_start3A_386 = tpu.memref_squeeze %dma_start3A_385 : memref<1x80x128xf32, #tpu.memory_space<vmem>> -> memref<80x128xf32, #tpu.memory_space<vmem>>
        %dma_start3A_387 = arith.constant 0 : i32
        %dma_start3A_388 = arith.constant 0 : i32
        %dma_start3A_389 = tpu.memref_slice %arg7[%rem3A_379, %dma_start3A_387, %dma_start3A_388] : memref<3x8x80xi32, #tpu.memory_space<vmem>> -> memref<1x8x80xi32, #tpu.memory_space<vmem>>
        %dma_start3A_390 = tpu.memref_squeeze %dma_start3A_389 : memref<1x8x80xi32, #tpu.memory_space<vmem>> -> memref<8x80xi32, #tpu.memory_space<vmem>>
        %dma_start3A_391 = arith.constant 0 : i32
        %dma_start3A_392 = tpu.memref_slice %dma_start3A_390[%rem3A_381, %dma_start3A_391] : memref<8x80xi32, #tpu.memory_space<vmem>> -> memref<1x80xi32, #tpu.memory_space<vmem>>
        %dma_start3A_393 = tpu.memref_squeeze %dma_start3A_392 : memref<1x80xi32, #tpu.memory_space<vmem>> -> memref<80xi32, #tpu.memory_space<vmem>>
        %dma_start3A_394 = arith.constant 0 : i32
        %dma_start3A_395 = arith.constant 0 : i32
        %dma_start3A_396 = tpu.memref_slice %arg2[%dma_start3A_394, %dma_start3A_395] : memref<10240x128xf32, #tpu.memory_space<hbm>> -> memref<10240x128xf32, #tpu.memory_space<hbm>>
        tpu.enqueue_indirect_dma source(%dma_start3A_396 : memref<10240x128xf32, #tpu.memory_space<hbm>>) target(%dma_start3A_386 : memref<80x128xf32, #tpu.memory_space<vmem>>) offsets(%dma_start3A_393 : memref<80xi32, #tpu.memory_space<vmem>>) semaphore(%arg14 : memref<!tpu.dma_semaphore, #tpu.memory_space<semaphore_mem>>)
      } else {
      }
      %mul3A_254 = arith.constant 4 : i32
      %mul3A_255 = arith.muli %while3A_140, %mul3A_254 : i32
      %add3A_256 = arith.constant 2 : i32
      %add3A_257 = arith.addi %mul3A_255, %add3A_256 : i32
      %div3A_258 = arith.constant 8 : i32
      %div3A_259 = arith.divsi %add3A_257, %div3A_258 : i32
      %rem3A_260 = arith.constant 8 : i32
      %rem3A_261 = arith.remsi %add3A_257, %rem3A_260 : i32
      %rem3A_262 = arith.constant 3 : i32
      %rem3A_263 = arith.remsi %div3A_259, %rem3A_262 : i32
      %dma_wait3A_264 = arith.constant 2 : i32
      %dma_wait3A_265 = arith.constant 0 : i32
      %dma_wait3A_266 = arith.constant 0 : i32
      %dma_wait3A_267 = tpu.memref_slice %arg9[%dma_wait3A_264, %dma_wait3A_265, %dma_wait3A_266] : memref<4x80x128xf32, #tpu.memory_space<vmem>> -> memref<1x80x128xf32, #tpu.memory_space<vmem>>
      %dma_wait3A_268 = tpu.memref_squeeze %dma_wait3A_267 : memref<1x80x128xf32, #tpu.memory_space<vmem>> -> memref<80x128xf32, #tpu.memory_space<vmem>>
      %dma_wait3A_269 = arith.constant 0 : i32
      %dma_wait3A_270 = arith.constant 0 : i32
      %dma_wait3A_271 = tpu.memref_slice %arg7[%rem3A_263, %dma_wait3A_269, %dma_wait3A_270] : memref<3x8x80xi32, #tpu.memory_space<vmem>> -> memref<1x8x80xi32, #tpu.memory_space<vmem>>
      %dma_wait3A_272 = tpu.memref_squeeze %dma_wait3A_271 : memref<1x8x80xi32, #tpu.memory_space<vmem>> -> memref<8x80xi32, #tpu.memory_space<vmem>>
      %dma_wait3A_273 = arith.constant 0 : i32
      %dma_wait3A_274 = tpu.memref_slice %dma_wait3A_272[%rem3A_261, %dma_wait3A_273] : memref<8x80xi32, #tpu.memory_space<vmem>> -> memref<1x80xi32, #tpu.memory_space<vmem>>
      %dma_wait3A_275 = tpu.memref_squeeze %dma_wait3A_274 : memref<1x80xi32, #tpu.memory_space<vmem>> -> memref<80xi32, #tpu.memory_space<vmem>>
      %dma_wait3A_276 = arith.constant 0 : i32
      %dma_wait3A_277 = arith.constant 0 : i32
      %dma_wait3A_278 = tpu.memref_slice %arg2[%dma_wait3A_276, %dma_wait3A_277] : memref<10240x128xf32, #tpu.memory_space<hbm>> -> memref<10240x128xf32, #tpu.memory_space<hbm>>
      tpu.wait_indirect_dma semaphore(%arg13 : memref<!tpu.dma_semaphore, #tpu.memory_space<semaphore_mem>>) src(%dma_wait3A_278 : memref<10240x128xf32, #tpu.memory_space<hbm>>) dst(%dma_wait3A_268 : memref<80x128xf32, #tpu.memory_space<vmem>>)
      %rem3A_279 = arith.constant 4 : i32
      %rem3A_280 = arith.remsi %div3A_259, %rem3A_279 : i32
      %dma_start3A_281 = arith.constant 2 : i32
      %dma_start3A_282 = arith.constant 0 : i32
      %dma_start3A_283 = arith.constant 0 : i32
      %dma_start3A_284 = tpu.memref_slice %arg9[%dma_start3A_281, %dma_start3A_282, %dma_start3A_283] : memref<4x80x128xf32, #tpu.memory_space<vmem>> -> memref<1x80x128xf32, #tpu.memory_space<vmem>>
      %dma_start3A_285 = tpu.memref_squeeze %dma_start3A_284 : memref<1x80x128xf32, #tpu.memory_space<vmem>> -> memref<80x128xf32, #tpu.memory_space<vmem>>
      %dma_start3A_286 = arith.constant 0 : i32
      %dma_start3A_287 = arith.constant 0 : i32
      %dma_start3A_288 = tpu.memref_slice %arg8[%rem3A_280, %dma_start3A_286, %dma_start3A_287] : memref<4x8x80xi32, #tpu.memory_space<vmem>> -> memref<1x8x80xi32, #tpu.memory_space<vmem>>
      %dma_start3A_289 = tpu.memref_squeeze %dma_start3A_288 : memref<1x8x80xi32, #tpu.memory_space<vmem>> -> memref<8x80xi32, #tpu.memory_space<vmem>>
      %dma_start3A_290 = arith.constant 0 : i32
      %dma_start3A_291 = tpu.memref_slice %dma_start3A_289[%rem3A_261, %dma_start3A_290] : memref<8x80xi32, #tpu.memory_space<vmem>> -> memref<1x80xi32, #tpu.memory_space<vmem>>
      %dma_start3A_292 = tpu.memref_squeeze %dma_start3A_291 : memref<1x80xi32, #tpu.memory_space<vmem>> -> memref<80xi32, #tpu.memory_space<vmem>>
      %dma_start3A_293 = arith.constant 0 : i32
      %dma_start3A_294 = arith.constant 0 : i32
      %dma_start3A_295 = tpu.memref_slice %arg10[%dma_start3A_293, %dma_start3A_294] : memref<10240x128xf32, #tpu.memory_space<vmem_shared>> -> memref<10240x128xf32, #tpu.memory_space<vmem_shared>>
      tpu.enqueue_indirect_dma source(%dma_start3A_285 : memref<80x128xf32, #tpu.memory_space<vmem>>) target(%dma_start3A_295 : memref<10240x128xf32, #tpu.memory_space<vmem_shared>>) offsets(%dma_start3A_292 : memref<80xi32, #tpu.memory_space<vmem>>) semaphore(%arg17 : memref<!tpu.dma_semaphore, #tpu.memory_space<semaphore_mem>>) {add = true}
      %eq3A_296 = arith.constant 0 : i32
      %eq3A_297 = arith.cmpi eq, %rem3A_261, %eq3A_296 : i32
      %add3A_298 = arith.constant 2 : i32
      %add3A_299 = arith.addi %div3A_259, %add3A_298 : i32
      %mul3A_300 = arith.constant 8 : i32
      %mul3A_301 = arith.muli %add3A_299, %mul3A_300 : i32
      %lt3A_302 = arith.cmpi slt, %mul3A_301, %select_n3A_2 : i32
      %and3A_303 = arith.andi %eq3A_297, %lt3A_302 : i1
      %convert_element_type3A_304 = arith.extui %and3A_303 : i1 to i32
      %cond3A_305 = arith.constant 0 : i32
      %cond3A_306 = arith.cmpi ne, %convert_element_type3A_304, %cond3A_305 : i32
      scf.if %cond3A_306 {
        %add3A_372 = arith.constant 2 : i32
        %add3A_373 = arith.addi %div3A_259, %add3A_372 : i32
        %mul3A_374 = arith.constant 8 : i32
        %mul3A_375 = arith.muli %add3A_373, %mul3A_374 : i32
        %add3A_376 = arith.addi %select_n3A_9, %mul3A_375 : i32
        %add3A_377 = arith.constant 2 : i32
        %add3A_378 = arith.addi %div3A_259, %add3A_377 : i32
        %rem3A_379 = arith.constant 3 : i32
        %rem3A_380 = arith.remsi %add3A_378, %rem3A_379 : i32
        "tpu.region"() ({
          %run_scoped3A_390 = tpu.sem_alloc : memref<!tpu.dma_semaphore, #tpu.memory_space<semaphore_mem>>
          %dma_start3A_391 = arith.constant 0 : i32
          %dma_start3A_392 = arith.constant 0 : i32
          %dma_start3A_393 = tpu.memref_slice %arg7[%rem3A_380, %dma_start3A_391, %dma_start3A_392] : memref<3x8x80xi32, #tpu.memory_space<vmem>> -> memref<1x8x80xi32, #tpu.memory_space<vmem>>
          %dma_start3A_394 = tpu.memref_squeeze %dma_start3A_393 : memref<1x8x80xi32, #tpu.memory_space<vmem>> -> memref<8x80xi32, #tpu.memory_space<vmem>>
          %dma_start3A_395 = arith.constant 0 : i32
          %dma_start3A_396 = tpu.memref_slice %arg3[%add3A_376, %dma_start3A_395] : memref<4096x80xi32, #tpu.memory_space<hbm>> -> memref<8x80xi32, #tpu.memory_space<hbm>>
          %dma_start3A_397 = arith.constant 0 : i32
          %dma_start3A_398 = arith.constant 0 : i32
          %dma_start3A_399 = tpu.memref_slice %arg7[%rem3A_380, %dma_start3A_397, %dma_start3A_398] : memref<3x8x80xi32, #tpu.memory_space<vmem>> -> memref<1x8x80xi32, #tpu.memory_space<vmem>>
          %dma_start3A_400 = tpu.memref_squeeze %dma_start3A_399 : memref<1x8x80xi32, #tpu.memory_space<vmem>> -> memref<8x80xi32, #tpu.memory_space<vmem>>
          %dma_start3A_401 = arith.constant 0 : i32
          %dma_start3A_402 = tpu.memref_slice %arg3[%add3A_376, %dma_start3A_401] : memref<4096x80xi32, #tpu.memory_space<hbm>> -> memref<8x80xi32, #tpu.memory_space<hbm>>
          tpu.enqueue_dma source(%dma_start3A_402 : memref<8x80xi32, #tpu.memory_space<hbm>>) target(%dma_start3A_400 : memref<8x80xi32, #tpu.memory_space<vmem>>) target_semaphore(%run_scoped3A_390 : memref<!tpu.dma_semaphore, #tpu.memory_space<semaphore_mem>>)
          %dma_wait3A_403 = arith.constant 0 : i32
          %dma_wait3A_404 = arith.constant 0 : i32
          %dma_wait3A_405 = tpu.memref_slice %arg7[%rem3A_380, %dma_wait3A_403, %dma_wait3A_404] : memref<3x8x80xi32, #tpu.memory_space<vmem>> -> memref<1x8x80xi32, #tpu.memory_space<vmem>>
          %dma_wait3A_406 = tpu.memref_squeeze %dma_wait3A_405 : memref<1x8x80xi32, #tpu.memory_space<vmem>> -> memref<8x80xi32, #tpu.memory_space<vmem>>
          %dma_wait3A_407 = arith.constant 0 : i32
          %dma_wait3A_408 = tpu.memref_slice %arg3[%add3A_376, %dma_wait3A_407] : memref<4096x80xi32, #tpu.memory_space<hbm>> -> memref<8x80xi32, #tpu.memory_space<hbm>>
          %dma_wait3A_409 = arith.constant 0 : i32
          %dma_wait3A_410 = arith.constant 0 : i32
          %dma_wait3A_411 = tpu.memref_slice %arg7[%rem3A_380, %dma_wait3A_409, %dma_wait3A_410] : memref<3x8x80xi32, #tpu.memory_space<vmem>> -> memref<1x8x80xi32, #tpu.memory_space<vmem>>
          %dma_wait3A_412 = tpu.memref_squeeze %dma_wait3A_411 : memref<1x8x80xi32, #tpu.memory_space<vmem>> -> memref<8x80xi32, #tpu.memory_space<vmem>>
          %dma_wait3A_413 = arith.constant 0 : i32
          %dma_wait3A_414 = tpu.memref_slice %arg3[%add3A_376, %dma_wait3A_413] : memref<4096x80xi32, #tpu.memory_space<hbm>> -> memref<8x80xi32, #tpu.memory_space<hbm>>
          tpu.wait_dma2 semaphore(%run_scoped3A_390 : memref<!tpu.dma_semaphore, #tpu.memory_space<semaphore_mem>>) src(%dma_wait3A_414 : memref<8x80xi32, #tpu.memory_space<hbm>>) dst(%dma_wait3A_412 : memref<8x80xi32, #tpu.memory_space<vmem>>)
          tpu.yield
        }) : () -> ()
        %add3A_381 = arith.constant 2 : i32
        %add3A_382 = arith.addi %div3A_259, %add3A_381 : i32
        %mul3A_383 = arith.constant 8 : i32
        %mul3A_384 = arith.muli %add3A_382, %mul3A_383 : i32
        %add3A_385 = arith.addi %select_n3A_9, %mul3A_384 : i32
        %add3A_386 = arith.constant 2 : i32
        %add3A_387 = arith.addi %div3A_259, %add3A_386 : i32
        %rem3A_388 = arith.constant 4 : i32
        %rem3A_389 = arith.remsi %add3A_387, %rem3A_388 : i32
        "tpu.region"() ({
          %run_scoped3A_390 = tpu.sem_alloc : memref<!tpu.dma_semaphore, #tpu.memory_space<semaphore_mem>>
          %dma_start3A_391 = arith.constant 0 : i32
          %dma_start3A_392 = arith.constant 0 : i32
          %dma_start3A_393 = tpu.memref_slice %arg8[%rem3A_389, %dma_start3A_391, %dma_start3A_392] : memref<4x8x80xi32, #tpu.memory_space<vmem>> -> memref<1x8x80xi32, #tpu.memory_space<vmem>>
          %dma_start3A_394 = tpu.memref_squeeze %dma_start3A_393 : memref<1x8x80xi32, #tpu.memory_space<vmem>> -> memref<8x80xi32, #tpu.memory_space<vmem>>
          %dma_start3A_395 = arith.constant 0 : i32
          %dma_start3A_396 = tpu.memref_slice %arg4[%add3A_385, %dma_start3A_395] : memref<4096x80xi32, #tpu.memory_space<hbm>> -> memref<8x80xi32, #tpu.memory_space<hbm>>
          %dma_start3A_397 = arith.constant 0 : i32
          %dma_start3A_398 = arith.constant 0 : i32
          %dma_start3A_399 = tpu.memref_slice %arg8[%rem3A_389, %dma_start3A_397, %dma_start3A_398] : memref<4x8x80xi32, #tpu.memory_space<vmem>> -> memref<1x8x80xi32, #tpu.memory_space<vmem>>
          %dma_start3A_400 = tpu.memref_squeeze %dma_start3A_399 : memref<1x8x80xi32, #tpu.memory_space<vmem>> -> memref<8x80xi32, #tpu.memory_space<vmem>>
          %dma_start3A_401 = arith.constant 0 : i32
          %dma_start3A_402 = tpu.memref_slice %arg4[%add3A_385, %dma_start3A_401] : memref<4096x80xi32, #tpu.memory_space<hbm>> -> memref<8x80xi32, #tpu.memory_space<hbm>>
          tpu.enqueue_dma source(%dma_start3A_402 : memref<8x80xi32, #tpu.memory_space<hbm>>) target(%dma_start3A_400 : memref<8x80xi32, #tpu.memory_space<vmem>>) target_semaphore(%run_scoped3A_390 : memref<!tpu.dma_semaphore, #tpu.memory_space<semaphore_mem>>)
          %dma_wait3A_403 = arith.constant 0 : i32
          %dma_wait3A_404 = arith.constant 0 : i32
          %dma_wait3A_405 = tpu.memref_slice %arg8[%rem3A_389, %dma_wait3A_403, %dma_wait3A_404] : memref<4x8x80xi32, #tpu.memory_space<vmem>> -> memref<1x8x80xi32, #tpu.memory_space<vmem>>
          %dma_wait3A_406 = tpu.memref_squeeze %dma_wait3A_405 : memref<1x8x80xi32, #tpu.memory_space<vmem>> -> memref<8x80xi32, #tpu.memory_space<vmem>>
          %dma_wait3A_407 = arith.constant 0 : i32
          %dma_wait3A_408 = tpu.memref_slice %arg4[%add3A_385, %dma_wait3A_407] : memref<4096x80xi32, #tpu.memory_space<hbm>> -> memref<8x80xi32, #tpu.memory_space<hbm>>
          %dma_wait3A_409 = arith.constant 0 : i32
          %dma_wait3A_410 = arith.constant 0 : i32
          %dma_wait3A_411 = tpu.memref_slice %arg8[%rem3A_389, %dma_wait3A_409, %dma_wait3A_410] : memref<4x8x80xi32, #tpu.memory_space<vmem>> -> memref<1x8x80xi32, #tpu.memory_space<vmem>>
          %dma_wait3A_412 = tpu.memref_squeeze %dma_wait3A_411 : memref<1x8x80xi32, #tpu.memory_space<vmem>> -> memref<8x80xi32, #tpu.memory_space<vmem>>
          %dma_wait3A_413 = arith.constant 0 : i32
          %dma_wait3A_414 = tpu.memref_slice %arg4[%add3A_385, %dma_wait3A_413] : memref<4096x80xi32, #tpu.memory_space<hbm>> -> memref<8x80xi32, #tpu.memory_space<hbm>>
          tpu.wait_dma2 semaphore(%run_scoped3A_390 : memref<!tpu.dma_semaphore, #tpu.memory_space<semaphore_mem>>) src(%dma_wait3A_414 : memref<8x80xi32, #tpu.memory_space<hbm>>) dst(%dma_wait3A_412 : memref<8x80xi32, #tpu.memory_space<vmem>>)
          tpu.yield
        }) : () -> ()
      } else {
      }
      %add3A_307 = arith.constant 2 : i32
      %add3A_308 = arith.addi %add3A_257, %add3A_307 : i32
      %lt3A_309 = arith.cmpi slt, %add3A_308, %select_n3A_2 : i32
      %convert_element_type3A_310 = arith.extui %lt3A_309 : i1 to i32
      %cond3A_311 = arith.constant 0 : i32
      %cond3A_312 = arith.cmpi ne, %convert_element_type3A_310, %cond3A_311 : i32
      scf.if %cond3A_312 {
        %ge3A = arith.constant 4 : i32
        %ge3A_372 = arith.cmpi sge, %add3A_308, %ge3A : i32
        %convert_element_type3A_373 = arith.extui %ge3A_372 : i1 to i32
        %cond3A_374 = arith.constant 0 : i32
        %cond3A_375 = arith.cmpi ne, %convert_element_type3A_373, %cond3A_374 : i32
        scf.if %cond3A_375 {
          %dma_wait3A_397 = arith.constant 0 : i32
          %dma_wait3A_398 = arith.constant 0 : i32
          %dma_wait3A_399 = arith.constant 0 : i32
          %dma_wait3A_400 = arith.constant 0 : i32
          %dma_wait3A_401 = arith.constant 0 : i32
          %dma_wait3A_402 = tpu.memref_slice %arg9[%dma_wait3A_397, %dma_wait3A_400, %dma_wait3A_401] : memref<4x80x128xf32, #tpu.memory_space<vmem>> -> memref<1x80x128xf32, #tpu.memory_space<vmem>>
          %dma_wait3A_403 = tpu.memref_squeeze %dma_wait3A_402 : memref<1x80x128xf32, #tpu.memory_space<vmem>> -> memref<80x128xf32, #tpu.memory_space<vmem>>
          %dma_wait3A_404 = arith.constant 0 : i32
          %dma_wait3A_405 = arith.constant 0 : i32
          %dma_wait3A_406 = tpu.memref_slice %arg8[%dma_wait3A_398, %dma_wait3A_404, %dma_wait3A_405] : memref<4x8x80xi32, #tpu.memory_space<vmem>> -> memref<1x8x80xi32, #tpu.memory_space<vmem>>
          %dma_wait3A_407 = tpu.memref_squeeze %dma_wait3A_406 : memref<1x8x80xi32, #tpu.memory_space<vmem>> -> memref<8x80xi32, #tpu.memory_space<vmem>>
          %dma_wait3A_408 = arith.constant 0 : i32
          %dma_wait3A_409 = tpu.memref_slice %dma_wait3A_407[%dma_wait3A_399, %dma_wait3A_408] : memref<8x80xi32, #tpu.memory_space<vmem>> -> memref<1x80xi32, #tpu.memory_space<vmem>>
          %dma_wait3A_410 = tpu.memref_squeeze %dma_wait3A_409 : memref<1x80xi32, #tpu.memory_space<vmem>> -> memref<80xi32, #tpu.memory_space<vmem>>
          %dma_wait3A_411 = arith.constant 0 : i32
          %dma_wait3A_412 = arith.constant 0 : i32
          %dma_wait3A_413 = tpu.memref_slice %arg10[%dma_wait3A_411, %dma_wait3A_412] : memref<10240x128xf32, #tpu.memory_space<vmem_shared>> -> memref<10240x128xf32, #tpu.memory_space<vmem_shared>>
          tpu.wait_indirect_dma semaphore(%arg15 : memref<!tpu.dma_semaphore, #tpu.memory_space<semaphore_mem>>) src(%dma_wait3A_403 : memref<80x128xf32, #tpu.memory_space<vmem>>) dst(%dma_wait3A_413 : memref<10240x128xf32, #tpu.memory_space<vmem_shared>>)
        } else {
        }
        %div3A_376 = arith.constant 8 : i32
        %div3A_377 = arith.divsi %add3A_308, %div3A_376 : i32
        %rem3A_378 = arith.constant 3 : i32
        %rem3A_379 = arith.remsi %div3A_377, %rem3A_378 : i32
        %rem3A_380 = arith.constant 8 : i32
        %rem3A_381 = arith.remsi %add3A_308, %rem3A_380 : i32
        %dma_start3A_382 = arith.constant 0 : i32
        %dma_start3A_383 = arith.constant 0 : i32
        %dma_start3A_384 = arith.constant 0 : i32
        %dma_start3A_385 = tpu.memref_slice %arg9[%dma_start3A_382, %dma_start3A_383, %dma_start3A_384] : memref<4x80x128xf32, #tpu.memory_space<vmem>> -> memref<1x80x128xf32, #tpu.memory_space<vmem>>
        %dma_start3A_386 = tpu.memref_squeeze %dma_start3A_385 : memref<1x80x128xf32, #tpu.memory_space<vmem>> -> memref<80x128xf32, #tpu.memory_space<vmem>>
        %dma_start3A_387 = arith.constant 0 : i32
        %dma_start3A_388 = arith.constant 0 : i32
        %dma_start3A_389 = tpu.memref_slice %arg7[%rem3A_379, %dma_start3A_387, %dma_start3A_388] : memref<3x8x80xi32, #tpu.memory_space<vmem>> -> memref<1x8x80xi32, #tpu.memory_space<vmem>>
        %dma_start3A_390 = tpu.memref_squeeze %dma_start3A_389 : memref<1x8x80xi32, #tpu.memory_space<vmem>> -> memref<8x80xi32, #tpu.memory_space<vmem>>
        %dma_start3A_391 = arith.constant 0 : i32
        %dma_start3A_392 = tpu.memref_slice %dma_start3A_390[%rem3A_381, %dma_start3A_391] : memref<8x80xi32, #tpu.memory_space<vmem>> -> memref<1x80xi32, #tpu.memory_space<vmem>>
        %dma_start3A_393 = tpu.memref_squeeze %dma_start3A_392 : memref<1x80xi32, #tpu.memory_space<vmem>> -> memref<80xi32, #tpu.memory_space<vmem>>
        %dma_start3A_394 = arith.constant 0 : i32
        %dma_start3A_395 = arith.constant 0 : i32
        %dma_start3A_396 = tpu.memref_slice %arg2[%dma_start3A_394, %dma_start3A_395] : memref<10240x128xf32, #tpu.memory_space<hbm>> -> memref<10240x128xf32, #tpu.memory_space<hbm>>
        tpu.enqueue_indirect_dma source(%dma_start3A_396 : memref<10240x128xf32, #tpu.memory_space<hbm>>) target(%dma_start3A_386 : memref<80x128xf32, #tpu.memory_space<vmem>>) offsets(%dma_start3A_393 : memref<80xi32, #tpu.memory_space<vmem>>) semaphore(%arg11 : memref<!tpu.dma_semaphore, #tpu.memory_space<semaphore_mem>>)
      } else {
      }
      %mul3A_313 = arith.constant 4 : i32
      %mul3A_314 = arith.muli %while3A_140, %mul3A_313 : i32
      %add3A_315 = arith.constant 3 : i32
      %add3A_316 = arith.addi %mul3A_314, %add3A_315 : i32
      %div3A_317 = arith.constant 8 : i32
      %div3A_318 = arith.divsi %add3A_316, %div3A_317 : i32
      %rem3A_319 = arith.constant 8 : i32
      %rem3A_320 = arith.remsi %add3A_316, %rem3A_319 : i32
      %rem3A_321 = arith.constant 3 : i32
      %rem3A_322 = arith.remsi %div3A_318, %rem3A_321 : i32
      %dma_wait3A_323 = arith.constant 3 : i32
      %dma_wait3A_324 = arith.constant 0 : i32
      %dma_wait3A_325 = arith.constant 0 : i32
      %dma_wait3A_326 = tpu.memref_slice %arg9[%dma_wait3A_323, %dma_wait3A_324, %dma_wait3A_325] : memref<4x80x128xf32, #tpu.memory_space<vmem>> -> memref<1x80x128xf32, #tpu.memory_space<vmem>>
      %dma_wait3A_327 = tpu.memref_squeeze %dma_wait3A_326 : memref<1x80x128xf32, #tpu.memory_space<vmem>> -> memref<80x128xf32, #tpu.memory_space<vmem>>
      %dma_wait3A_328 = arith.constant 0 : i32
      %dma_wait3A_329 = arith.constant 0 : i32
      %dma_wait3A_330 = tpu.memref_slice %arg7[%rem3A_322, %dma_wait3A_328, %dma_wait3A_329] : memref<3x8x80xi32, #tpu.memory_space<vmem>> -> memref<1x8x80xi32, #tpu.memory_space<vmem>>
      %dma_wait3A_331 = tpu.memref_squeeze %dma_wait3A_330 : memref<1x8x80xi32, #tpu.memory_space<vmem>> -> memref<8x80xi32, #tpu.memory_space<vmem>>
      %dma_wait3A_332 = arith.constant 0 : i32
      %dma_wait3A_333 = tpu.memref_slice %dma_wait3A_331[%rem3A_320, %dma_wait3A_332] : memref<8x80xi32, #tpu.memory_space<vmem>> -> memref<1x80xi32, #tpu.memory_space<vmem>>
      %dma_wait3A_334 = tpu.memref_squeeze %dma_wait3A_333 : memref<1x80xi32, #tpu.memory_space<vmem>> -> memref<80xi32, #tpu.memory_space<vmem>>
      %dma_wait3A_335 = arith.constant 0 : i32
      %dma_wait3A_336 = arith.constant 0 : i32
      %dma_wait3A_337 = tpu.memref_slice %arg2[%dma_wait3A_335, %dma_wait3A_336] : memref<10240x128xf32, #tpu.memory_space<hbm>> -> memref<10240x128xf32, #tpu.memory_space<hbm>>
      tpu.wait_indirect_dma semaphore(%arg14 : memref<!tpu.dma_semaphore, #tpu.memory_space<semaphore_mem>>) src(%dma_wait3A_337 : memref<10240x128xf32, #tpu.memory_space<hbm>>) dst(%dma_wait3A_327 : memref<80x128xf32, #tpu.memory_space<vmem>>)
      %rem3A_338 = arith.constant 4 : i32
      %rem3A_339 = arith.remsi %div3A_318, %rem3A_338 : i32
      %dma_start3A_340 = arith.constant 3 : i32
      %dma_start3A_341 = arith.constant 0 : i32
      %dma_start3A_342 = arith.constant 0 : i32
      %dma_start3A_343 = tpu.memref_slice %arg9[%dma_start3A_340, %dma_start3A_341, %dma_start3A_342] : memref<4x80x128xf32, #tpu.memory_space<vmem>> -> memref<1x80x128xf32, #tpu.memory_space<vmem>>
      %dma_start3A_344 = tpu.memref_squeeze %dma_start3A_343 : memref<1x80x128xf32, #tpu.memory_space<vmem>> -> memref<80x128xf32, #tpu.memory_space<vmem>>
      %dma_start3A_345 = arith.constant 0 : i32
      %dma_start3A_346 = arith.constant 0 : i32
      %dma_start3A_347 = tpu.memref_slice %arg8[%rem3A_339, %dma_start3A_345, %dma_start3A_346] : memref<4x8x80xi32, #tpu.memory_space<vmem>> -> memref<1x8x80xi32, #tpu.memory_space<vmem>>
      %dma_start3A_348 = tpu.memref_squeeze %dma_start3A_347 : memref<1x8x80xi32, #tpu.memory_space<vmem>> -> memref<8x80xi32, #tpu.memory_space<vmem>>
      %dma_start3A_349 = arith.constant 0 : i32
      %dma_start3A_350 = tpu.memref_slice %dma_start3A_348[%rem3A_320, %dma_start3A_349] : memref<8x80xi32, #tpu.memory_space<vmem>> -> memref<1x80xi32, #tpu.memory_space<vmem>>
      %dma_start3A_351 = tpu.memref_squeeze %dma_start3A_350 : memref<1x80xi32, #tpu.memory_space<vmem>> -> memref<80xi32, #tpu.memory_space<vmem>>
      %dma_start3A_352 = arith.constant 0 : i32
      %dma_start3A_353 = arith.constant 0 : i32
      %dma_start3A_354 = tpu.memref_slice %arg10[%dma_start3A_352, %dma_start3A_353] : memref<10240x128xf32, #tpu.memory_space<vmem_shared>> -> memref<10240x128xf32, #tpu.memory_space<vmem_shared>>
      tpu.enqueue_indirect_dma source(%dma_start3A_344 : memref<80x128xf32, #tpu.memory_space<vmem>>) target(%dma_start3A_354 : memref<10240x128xf32, #tpu.memory_space<vmem_shared>>) offsets(%dma_start3A_351 : memref<80xi32, #tpu.memory_space<vmem>>) semaphore(%arg18 : memref<!tpu.dma_semaphore, #tpu.memory_space<semaphore_mem>>) {add = true}
      %eq3A_355 = arith.constant 0 : i32
      %eq3A_356 = arith.cmpi eq, %rem3A_320, %eq3A_355 : i32
      %add3A_357 = arith.constant 2 : i32
      %add3A_358 = arith.addi %div3A_318, %add3A_357 : i32
      %mul3A_359 = arith.constant 8 : i32
      %mul3A_360 = arith.muli %add3A_358, %mul3A_359 : i32
      %lt3A_361 = arith.cmpi slt, %mul3A_360, %select_n3A_2 : i32
      %and3A_362 = arith.andi %eq3A_356, %lt3A_361 : i1
      %convert_element_type3A_363 = arith.extui %and3A_362 : i1 to i32
      %cond3A_364 = arith.constant 0 : i32
      %cond3A_365 = arith.cmpi ne, %convert_element_type3A_363, %cond3A_364 : i32
      scf.if %cond3A_365 {
        %add3A_372 = arith.constant 2 : i32
        %add3A_373 = arith.addi %div3A_318, %add3A_372 : i32
        %mul3A_374 = arith.constant 8 : i32
        %mul3A_375 = arith.muli %add3A_373, %mul3A_374 : i32
        %add3A_376 = arith.addi %select_n3A_9, %mul3A_375 : i32
        %add3A_377 = arith.constant 2 : i32
        %add3A_378 = arith.addi %div3A_318, %add3A_377 : i32
        %rem3A_379 = arith.constant 3 : i32
        %rem3A_380 = arith.remsi %add3A_378, %rem3A_379 : i32
        "tpu.region"() ({
          %run_scoped3A_390 = tpu.sem_alloc : memref<!tpu.dma_semaphore, #tpu.memory_space<semaphore_mem>>
          %dma_start3A_391 = arith.constant 0 : i32
          %dma_start3A_392 = arith.constant 0 : i32
          %dma_start3A_393 = tpu.memref_slice %arg7[%rem3A_380, %dma_start3A_391, %dma_start3A_392] : memref<3x8x80xi32, #tpu.memory_space<vmem>> -> memref<1x8x80xi32, #tpu.memory_space<vmem>>
          %dma_start3A_394 = tpu.memref_squeeze %dma_start3A_393 : memref<1x8x80xi32, #tpu.memory_space<vmem>> -> memref<8x80xi32, #tpu.memory_space<vmem>>
          %dma_start3A_395 = arith.constant 0 : i32
          %dma_start3A_396 = tpu.memref_slice %arg3[%add3A_376, %dma_start3A_395] : memref<4096x80xi32, #tpu.memory_space<hbm>> -> memref<8x80xi32, #tpu.memory_space<hbm>>
          %dma_start3A_397 = arith.constant 0 : i32
          %dma_start3A_398 = arith.constant 0 : i32
          %dma_start3A_399 = tpu.memref_slice %arg7[%rem3A_380, %dma_start3A_397, %dma_start3A_398] : memref<3x8x80xi32, #tpu.memory_space<vmem>> -> memref<1x8x80xi32, #tpu.memory_space<vmem>>
          %dma_start3A_400 = tpu.memref_squeeze %dma_start3A_399 : memref<1x8x80xi32, #tpu.memory_space<vmem>> -> memref<8x80xi32, #tpu.memory_space<vmem>>
          %dma_start3A_401 = arith.constant 0 : i32
          %dma_start3A_402 = tpu.memref_slice %arg3[%add3A_376, %dma_start3A_401] : memref<4096x80xi32, #tpu.memory_space<hbm>> -> memref<8x80xi32, #tpu.memory_space<hbm>>
          tpu.enqueue_dma source(%dma_start3A_402 : memref<8x80xi32, #tpu.memory_space<hbm>>) target(%dma_start3A_400 : memref<8x80xi32, #tpu.memory_space<vmem>>) target_semaphore(%run_scoped3A_390 : memref<!tpu.dma_semaphore, #tpu.memory_space<semaphore_mem>>)
          %dma_wait3A_403 = arith.constant 0 : i32
          %dma_wait3A_404 = arith.constant 0 : i32
          %dma_wait3A_405 = tpu.memref_slice %arg7[%rem3A_380, %dma_wait3A_403, %dma_wait3A_404] : memref<3x8x80xi32, #tpu.memory_space<vmem>> -> memref<1x8x80xi32, #tpu.memory_space<vmem>>
          %dma_wait3A_406 = tpu.memref_squeeze %dma_wait3A_405 : memref<1x8x80xi32, #tpu.memory_space<vmem>> -> memref<8x80xi32, #tpu.memory_space<vmem>>
          %dma_wait3A_407 = arith.constant 0 : i32
          %dma_wait3A_408 = tpu.memref_slice %arg3[%add3A_376, %dma_wait3A_407] : memref<4096x80xi32, #tpu.memory_space<hbm>> -> memref<8x80xi32, #tpu.memory_space<hbm>>
          %dma_wait3A_409 = arith.constant 0 : i32
          %dma_wait3A_410 = arith.constant 0 : i32
          %dma_wait3A_411 = tpu.memref_slice %arg7[%rem3A_380, %dma_wait3A_409, %dma_wait3A_410] : memref<3x8x80xi32, #tpu.memory_space<vmem>> -> memref<1x8x80xi32, #tpu.memory_space<vmem>>
          %dma_wait3A_412 = tpu.memref_squeeze %dma_wait3A_411 : memref<1x8x80xi32, #tpu.memory_space<vmem>> -> memref<8x80xi32, #tpu.memory_space<vmem>>
          %dma_wait3A_413 = arith.constant 0 : i32
          %dma_wait3A_414 = tpu.memref_slice %arg3[%add3A_376, %dma_wait3A_413] : memref<4096x80xi32, #tpu.memory_space<hbm>> -> memref<8x80xi32, #tpu.memory_space<hbm>>
          tpu.wait_dma2 semaphore(%run_scoped3A_390 : memref<!tpu.dma_semaphore, #tpu.memory_space<semaphore_mem>>) src(%dma_wait3A_414 : memref<8x80xi32, #tpu.memory_space<hbm>>) dst(%dma_wait3A_412 : memref<8x80xi32, #tpu.memory_space<vmem>>)
          tpu.yield
        }) : () -> ()
        %add3A_381 = arith.constant 2 : i32
        %add3A_382 = arith.addi %div3A_318, %add3A_381 : i32
        %mul3A_383 = arith.constant 8 : i32
        %mul3A_384 = arith.muli %add3A_382, %mul3A_383 : i32
        %add3A_385 = arith.addi %select_n3A_9, %mul3A_384 : i32
        %add3A_386 = arith.constant 2 : i32
        %add3A_387 = arith.addi %div3A_318, %add3A_386 : i32
        %rem3A_388 = arith.constant 4 : i32
        %rem3A_389 = arith.remsi %add3A_387, %rem3A_388 : i32
        "tpu.region"() ({
          %run_scoped3A_390 = tpu.sem_alloc : memref<!tpu.dma_semaphore, #tpu.memory_space<semaphore_mem>>
          %dma_start3A_391 = arith.constant 0 : i32
          %dma_start3A_392 = arith.constant 0 : i32
          %dma_start3A_393 = tpu.memref_slice %arg8[%rem3A_389, %dma_start3A_391, %dma_start3A_392] : memref<4x8x80xi32, #tpu.memory_space<vmem>> -> memref<1x8x80xi32, #tpu.memory_space<vmem>>
          %dma_start3A_394 = tpu.memref_squeeze %dma_start3A_393 : memref<1x8x80xi32, #tpu.memory_space<vmem>> -> memref<8x80xi32, #tpu.memory_space<vmem>>
          %dma_start3A_395 = arith.constant 0 : i32
          %dma_start3A_396 = tpu.memref_slice %arg4[%add3A_385, %dma_start3A_395] : memref<4096x80xi32, #tpu.memory_space<hbm>> -> memref<8x80xi32, #tpu.memory_space<hbm>>
          %dma_start3A_397 = arith.constant 0 : i32
          %dma_start3A_398 = arith.constant 0 : i32
          %dma_start3A_399 = tpu.memref_slice %arg8[%rem3A_389, %dma_start3A_397, %dma_start3A_398] : memref<4x8x80xi32, #tpu.memory_space<vmem>> -> memref<1x8x80xi32, #tpu.memory_space<vmem>>
          %dma_start3A_400 = tpu.memref_squeeze %dma_start3A_399 : memref<1x8x80xi32, #tpu.memory_space<vmem>> -> memref<8x80xi32, #tpu.memory_space<vmem>>
          %dma_start3A_401 = arith.constant 0 : i32
          %dma_start3A_402 = tpu.memref_slice %arg4[%add3A_385, %dma_start3A_401] : memref<4096x80xi32, #tpu.memory_space<hbm>> -> memref<8x80xi32, #tpu.memory_space<hbm>>
          tpu.enqueue_dma source(%dma_start3A_402 : memref<8x80xi32, #tpu.memory_space<hbm>>) target(%dma_start3A_400 : memref<8x80xi32, #tpu.memory_space<vmem>>) target_semaphore(%run_scoped3A_390 : memref<!tpu.dma_semaphore, #tpu.memory_space<semaphore_mem>>)
          %dma_wait3A_403 = arith.constant 0 : i32
          %dma_wait3A_404 = arith.constant 0 : i32
          %dma_wait3A_405 = tpu.memref_slice %arg8[%rem3A_389, %dma_wait3A_403, %dma_wait3A_404] : memref<4x8x80xi32, #tpu.memory_space<vmem>> -> memref<1x8x80xi32, #tpu.memory_space<vmem>>
          %dma_wait3A_406 = tpu.memref_squeeze %dma_wait3A_405 : memref<1x8x80xi32, #tpu.memory_space<vmem>> -> memref<8x80xi32, #tpu.memory_space<vmem>>
          %dma_wait3A_407 = arith.constant 0 : i32
          %dma_wait3A_408 = tpu.memref_slice %arg4[%add3A_385, %dma_wait3A_407] : memref<4096x80xi32, #tpu.memory_space<hbm>> -> memref<8x80xi32, #tpu.memory_space<hbm>>
          %dma_wait3A_409 = arith.constant 0 : i32
          %dma_wait3A_410 = arith.constant 0 : i32
          %dma_wait3A_411 = tpu.memref_slice %arg8[%rem3A_389, %dma_wait3A_409, %dma_wait3A_410] : memref<4x8x80xi32, #tpu.memory_space<vmem>> -> memref<1x8x80xi32, #tpu.memory_space<vmem>>
          %dma_wait3A_412 = tpu.memref_squeeze %dma_wait3A_411 : memref<1x8x80xi32, #tpu.memory_space<vmem>> -> memref<8x80xi32, #tpu.memory_space<vmem>>
          %dma_wait3A_413 = arith.constant 0 : i32
          %dma_wait3A_414 = tpu.memref_slice %arg4[%add3A_385, %dma_wait3A_413] : memref<4096x80xi32, #tpu.memory_space<hbm>> -> memref<8x80xi32, #tpu.memory_space<hbm>>
          tpu.wait_dma2 semaphore(%run_scoped3A_390 : memref<!tpu.dma_semaphore, #tpu.memory_space<semaphore_mem>>) src(%dma_wait3A_414 : memref<8x80xi32, #tpu.memory_space<hbm>>) dst(%dma_wait3A_412 : memref<8x80xi32, #tpu.memory_space<vmem>>)
          tpu.yield
        }) : () -> ()
      } else {
      }
      %add3A_366 = arith.constant 2 : i32
      %add3A_367 = arith.addi %add3A_316, %add3A_366 : i32
      %lt3A_368 = arith.cmpi slt, %add3A_367, %select_n3A_2 : i32
      %convert_element_type3A_369 = arith.extui %lt3A_368 : i1 to i32
      %cond3A_370 = arith.constant 0 : i32
      %cond3A_371 = arith.cmpi ne, %convert_element_type3A_369, %cond3A_370 : i32
      scf.if %cond3A_371 {
        %ge3A = arith.constant 4 : i32
        %ge3A_372 = arith.cmpi sge, %add3A_367, %ge3A : i32
        %convert_element_type3A_373 = arith.extui %ge3A_372 : i1 to i32
        %cond3A_374 = arith.constant 0 : i32
        %cond3A_375 = arith.cmpi ne, %convert_element_type3A_373, %cond3A_374 : i32
        scf.if %cond3A_375 {
          %dma_wait3A_397 = arith.constant 1 : i32
          %dma_wait3A_398 = arith.constant 0 : i32
          %dma_wait3A_399 = arith.constant 0 : i32
          %dma_wait3A_400 = arith.constant 0 : i32
          %dma_wait3A_401 = arith.constant 0 : i32
          %dma_wait3A_402 = tpu.memref_slice %arg9[%dma_wait3A_397, %dma_wait3A_400, %dma_wait3A_401] : memref<4x80x128xf32, #tpu.memory_space<vmem>> -> memref<1x80x128xf32, #tpu.memory_space<vmem>>
          %dma_wait3A_403 = tpu.memref_squeeze %dma_wait3A_402 : memref<1x80x128xf32, #tpu.memory_space<vmem>> -> memref<80x128xf32, #tpu.memory_space<vmem>>
          %dma_wait3A_404 = arith.constant 0 : i32
          %dma_wait3A_405 = arith.constant 0 : i32
          %dma_wait3A_406 = tpu.memref_slice %arg8[%dma_wait3A_398, %dma_wait3A_404, %dma_wait3A_405] : memref<4x8x80xi32, #tpu.memory_space<vmem>> -> memref<1x8x80xi32, #tpu.memory_space<vmem>>
          %dma_wait3A_407 = tpu.memref_squeeze %dma_wait3A_406 : memref<1x8x80xi32, #tpu.memory_space<vmem>> -> memref<8x80xi32, #tpu.memory_space<vmem>>
          %dma_wait3A_408 = arith.constant 0 : i32
          %dma_wait3A_409 = tpu.memref_slice %dma_wait3A_407[%dma_wait3A_399, %dma_wait3A_408] : memref<8x80xi32, #tpu.memory_space<vmem>> -> memref<1x80xi32, #tpu.memory_space<vmem>>
          %dma_wait3A_410 = tpu.memref_squeeze %dma_wait3A_409 : memref<1x80xi32, #tpu.memory_space<vmem>> -> memref<80xi32, #tpu.memory_space<vmem>>
          %dma_wait3A_411 = arith.constant 0 : i32
          %dma_wait3A_412 = arith.constant 0 : i32
          %dma_wait3A_413 = tpu.memref_slice %arg10[%dma_wait3A_411, %dma_wait3A_412] : memref<10240x128xf32, #tpu.memory_space<vmem_shared>> -> memref<10240x128xf32, #tpu.memory_space<vmem_shared>>
          tpu.wait_indirect_dma semaphore(%arg16 : memref<!tpu.dma_semaphore, #tpu.memory_space<semaphore_mem>>) src(%dma_wait3A_403 : memref<80x128xf32, #tpu.memory_space<vmem>>) dst(%dma_wait3A_413 : memref<10240x128xf32, #tpu.memory_space<vmem_shared>>)
        } else {
        }
        %div3A_376 = arith.constant 8 : i32
        %div3A_377 = arith.divsi %add3A_367, %div3A_376 : i32
        %rem3A_378 = arith.constant 3 : i32
        %rem3A_379 = arith.remsi %div3A_377, %rem3A_378 : i32
        %rem3A_380 = arith.constant 8 : i32
        %rem3A_381 = arith.remsi %add3A_367, %rem3A_380 : i32
        %dma_start3A_382 = arith.constant 1 : i32
        %dma_start3A_383 = arith.constant 0 : i32
        %dma_start3A_384 = arith.constant 0 : i32
        %dma_start3A_385 = tpu.memref_slice %arg9[%dma_start3A_382, %dma_start3A_383, %dma_start3A_384] : memref<4x80x128xf32, #tpu.memory_space<vmem>> -> memref<1x80x128xf32, #tpu.memory_space<vmem>>
        %dma_start3A_386 = tpu.memref_squeeze %dma_start3A_385 : memref<1x80x128xf32, #tpu.memory_space<vmem>> -> memref<80x128xf32, #tpu.memory_space<vmem>>
        %dma_start3A_387 = arith.constant 0 : i32
        %dma_start3A_388 = arith.constant 0 : i32
        %dma_start3A_389 = tpu.memref_slice %arg7[%rem3A_379, %dma_start3A_387, %dma_start3A_388] : memref<3x8x80xi32, #tpu.memory_space<vmem>> -> memref<1x8x80xi32, #tpu.memory_space<vmem>>
        %dma_start3A_390 = tpu.memref_squeeze %dma_start3A_389 : memref<1x8x80xi32, #tpu.memory_space<vmem>> -> memref<8x80xi32, #tpu.memory_space<vmem>>
        %dma_start3A_391 = arith.constant 0 : i32
        %dma_start3A_392 = tpu.memref_slice %dma_start3A_390[%rem3A_381, %dma_start3A_391] : memref<8x80xi32, #tpu.memory_space<vmem>> -> memref<1x80xi32, #tpu.memory_space<vmem>>
        %dma_start3A_393 = tpu.memref_squeeze %dma_start3A_392 : memref<1x80xi32, #tpu.memory_space<vmem>> -> memref<80xi32, #tpu.memory_space<vmem>>
        %dma_start3A_394 = arith.constant 0 : i32
        %dma_start3A_395 = arith.constant 0 : i32
        %dma_start3A_396 = tpu.memref_slice %arg2[%dma_start3A_394, %dma_start3A_395] : memref<10240x128xf32, #tpu.memory_space<hbm>> -> memref<10240x128xf32, #tpu.memory_space<hbm>>
        tpu.enqueue_indirect_dma source(%dma_start3A_396 : memref<10240x128xf32, #tpu.memory_space<hbm>>) target(%dma_start3A_386 : memref<80x128xf32, #tpu.memory_space<vmem>>) offsets(%dma_start3A_393 : memref<80xi32, #tpu.memory_space<vmem>>) semaphore(%arg12 : memref<!tpu.dma_semaphore, #tpu.memory_space<semaphore_mem>>)
      } else {
      }
    }
    %dma_wait3A = arith.constant 0 : i32
    %dma_wait3A_68 = arith.constant 0 : i32
    %dma_wait3A_69 = arith.constant 0 : i32
    %dma_wait3A_70 = arith.constant 0 : i32
    %dma_wait3A_71 = arith.constant 0 : i32
    %dma_wait3A_72 = tpu.memref_slice %arg9[%dma_wait3A, %dma_wait3A_70, %dma_wait3A_71] : memref<4x80x128xf32, #tpu.memory_space<vmem>> -> memref<1x80x128xf32, #tpu.memory_space<vmem>>
    %dma_wait3A_73 = tpu.memref_squeeze %dma_wait3A_72 : memref<1x80x128xf32, #tpu.memory_space<vmem>> -> memref<80x128xf32, #tpu.memory_space<vmem>>
    %dma_wait3A_74 = arith.constant 0 : i32
    %dma_wait3A_75 = arith.constant 0 : i32
    %dma_wait3A_76 = tpu.memref_slice %arg8[%dma_wait3A_68, %dma_wait3A_74, %dma_wait3A_75] : memref<4x8x80xi32, #tpu.memory_space<vmem>> -> memref<1x8x80xi32, #tpu.memory_space<vmem>>
    %dma_wait3A_77 = tpu.memref_squeeze %dma_wait3A_76 : memref<1x8x80xi32, #tpu.memory_space<vmem>> -> memref<8x80xi32, #tpu.memory_space<vmem>>
    %dma_wait3A_78 = arith.constant 0 : i32
    %dma_wait3A_79 = tpu.memref_slice %dma_wait3A_77[%dma_wait3A_69, %dma_wait3A_78] : memref<8x80xi32, #tpu.memory_space<vmem>> -> memref<1x80xi32, #tpu.memory_space<vmem>>
    %dma_wait3A_80 = tpu.memref_squeeze %dma_wait3A_79 : memref<1x80xi32, #tpu.memory_space<vmem>> -> memref<80xi32, #tpu.memory_space<vmem>>
    %dma_wait3A_81 = arith.constant 0 : i32
    %dma_wait3A_82 = arith.constant 0 : i32
    %dma_wait3A_83 = tpu.memref_slice %arg10[%dma_wait3A_81, %dma_wait3A_82] : memref<10240x128xf32, #tpu.memory_space<vmem_shared>> -> memref<10240x128xf32, #tpu.memory_space<vmem_shared>>
    tpu.wait_indirect_dma semaphore(%arg15 : memref<!tpu.dma_semaphore, #tpu.memory_space<semaphore_mem>>) src(%dma_wait3A_73 : memref<80x128xf32, #tpu.memory_space<vmem>>) dst(%dma_wait3A_83 : memref<10240x128xf32, #tpu.memory_space<vmem_shared>>)
    %dma_wait3A_84 = arith.constant 1 : i32
    %dma_wait3A_85 = arith.constant 0 : i32
    %dma_wait3A_86 = arith.constant 0 : i32
    %dma_wait3A_87 = arith.constant 0 : i32
    %dma_wait3A_88 = arith.constant 0 : i32
    %dma_wait3A_89 = tpu.memref_slice %arg9[%dma_wait3A_84, %dma_wait3A_87, %dma_wait3A_88] : memref<4x80x128xf32, #tpu.memory_space<vmem>> -> memref<1x80x128xf32, #tpu.memory_space<vmem>>
    %dma_wait3A_90 = tpu.memref_squeeze %dma_wait3A_89 : memref<1x80x128xf32, #tpu.memory_space<vmem>> -> memref<80x128xf32, #tpu.memory_space<vmem>>
    %dma_wait3A_91 = arith.constant 0 : i32
    %dma_wait3A_92 = arith.constant 0 : i32
    %dma_wait3A_93 = tpu.memref_slice %arg8[%dma_wait3A_85, %dma_wait3A_91, %dma_wait3A_92] : memref<4x8x80xi32, #tpu.memory_space<vmem>> -> memref<1x8x80xi32, #tpu.memory_space<vmem>>
    %dma_wait3A_94 = tpu.memref_squeeze %dma_wait3A_93 : memref<1x8x80xi32, #tpu.memory_space<vmem>> -> memref<8x80xi32, #tpu.memory_space<vmem>>
    %dma_wait3A_95 = arith.constant 0 : i32
    %dma_wait3A_96 = tpu.memref_slice %dma_wait3A_94[%dma_wait3A_86, %dma_wait3A_95] : memref<8x80xi32, #tpu.memory_space<vmem>> -> memref<1x80xi32, #tpu.memory_space<vmem>>
    %dma_wait3A_97 = tpu.memref_squeeze %dma_wait3A_96 : memref<1x80xi32, #tpu.memory_space<vmem>> -> memref<80xi32, #tpu.memory_space<vmem>>
    %dma_wait3A_98 = arith.constant 0 : i32
    %dma_wait3A_99 = arith.constant 0 : i32
    %dma_wait3A_100 = tpu.memref_slice %arg10[%dma_wait3A_98, %dma_wait3A_99] : memref<10240x128xf32, #tpu.memory_space<vmem_shared>> -> memref<10240x128xf32, #tpu.memory_space<vmem_shared>>
    tpu.wait_indirect_dma semaphore(%arg16 : memref<!tpu.dma_semaphore, #tpu.memory_space<semaphore_mem>>) src(%dma_wait3A_90 : memref<80x128xf32, #tpu.memory_space<vmem>>) dst(%dma_wait3A_100 : memref<10240x128xf32, #tpu.memory_space<vmem_shared>>)
    %dma_wait3A_101 = arith.constant 2 : i32
    %dma_wait3A_102 = arith.constant 0 : i32
    %dma_wait3A_103 = arith.constant 0 : i32
    %dma_wait3A_104 = arith.constant 0 : i32
    %dma_wait3A_105 = arith.constant 0 : i32
    %dma_wait3A_106 = tpu.memref_slice %arg9[%dma_wait3A_101, %dma_wait3A_104, %dma_wait3A_105] : memref<4x80x128xf32, #tpu.memory_space<vmem>> -> memref<1x80x128xf32, #tpu.memory_space<vmem>>
    %dma_wait3A_107 = tpu.memref_squeeze %dma_wait3A_106 : memref<1x80x128xf32, #tpu.memory_space<vmem>> -> memref<80x128xf32, #tpu.memory_space<vmem>>
    %dma_wait3A_108 = arith.constant 0 : i32
    %dma_wait3A_109 = arith.constant 0 : i32
    %dma_wait3A_110 = tpu.memref_slice %arg8[%dma_wait3A_102, %dma_wait3A_108, %dma_wait3A_109] : memref<4x8x80xi32, #tpu.memory_space<vmem>> -> memref<1x8x80xi32, #tpu.memory_space<vmem>>
    %dma_wait3A_111 = tpu.memref_squeeze %dma_wait3A_110 : memref<1x8x80xi32, #tpu.memory_space<vmem>> -> memref<8x80xi32, #tpu.memory_space<vmem>>
    %dma_wait3A_112 = arith.constant 0 : i32
    %dma_wait3A_113 = tpu.memref_slice %dma_wait3A_111[%dma_wait3A_103, %dma_wait3A_112] : memref<8x80xi32, #tpu.memory_space<vmem>> -> memref<1x80xi32, #tpu.memory_space<vmem>>
    %dma_wait3A_114 = tpu.memref_squeeze %dma_wait3A_113 : memref<1x80xi32, #tpu.memory_space<vmem>> -> memref<80xi32, #tpu.memory_space<vmem>>
    %dma_wait3A_115 = arith.constant 0 : i32
    %dma_wait3A_116 = arith.constant 0 : i32
    %dma_wait3A_117 = tpu.memref_slice %arg10[%dma_wait3A_115, %dma_wait3A_116] : memref<10240x128xf32, #tpu.memory_space<vmem_shared>> -> memref<10240x128xf32, #tpu.memory_space<vmem_shared>>
    tpu.wait_indirect_dma semaphore(%arg17 : memref<!tpu.dma_semaphore, #tpu.memory_space<semaphore_mem>>) src(%dma_wait3A_107 : memref<80x128xf32, #tpu.memory_space<vmem>>) dst(%dma_wait3A_117 : memref<10240x128xf32, #tpu.memory_space<vmem_shared>>)
    %dma_wait3A_118 = arith.constant 3 : i32
    %dma_wait3A_119 = arith.constant 0 : i32
    %dma_wait3A_120 = arith.constant 0 : i32
    %dma_wait3A_121 = arith.constant 0 : i32
    %dma_wait3A_122 = arith.constant 0 : i32
    %dma_wait3A_123 = tpu.memref_slice %arg9[%dma_wait3A_118, %dma_wait3A_121, %dma_wait3A_122] : memref<4x80x128xf32, #tpu.memory_space<vmem>> -> memref<1x80x128xf32, #tpu.memory_space<vmem>>
    %dma_wait3A_124 = tpu.memref_squeeze %dma_wait3A_123 : memref<1x80x128xf32, #tpu.memory_space<vmem>> -> memref<80x128xf32, #tpu.memory_space<vmem>>
    %dma_wait3A_125 = arith.constant 0 : i32
    %dma_wait3A_126 = arith.constant 0 : i32
    %dma_wait3A_127 = tpu.memref_slice %arg8[%dma_wait3A_119, %dma_wait3A_125, %dma_wait3A_126] : memref<4x8x80xi32, #tpu.memory_space<vmem>> -> memref<1x8x80xi32, #tpu.memory_space<vmem>>
    %dma_wait3A_128 = tpu.memref_squeeze %dma_wait3A_127 : memref<1x8x80xi32, #tpu.memory_space<vmem>> -> memref<8x80xi32, #tpu.memory_space<vmem>>
    %dma_wait3A_129 = arith.constant 0 : i32
    %dma_wait3A_130 = tpu.memref_slice %dma_wait3A_128[%dma_wait3A_120, %dma_wait3A_129] : memref<8x80xi32, #tpu.memory_space<vmem>> -> memref<1x80xi32, #tpu.memory_space<vmem>>
    %dma_wait3A_131 = tpu.memref_squeeze %dma_wait3A_130 : memref<1x80xi32, #tpu.memory_space<vmem>> -> memref<80xi32, #tpu.memory_space<vmem>>
    %dma_wait3A_132 = arith.constant 0 : i32
    %dma_wait3A_133 = arith.constant 0 : i32
    %dma_wait3A_134 = tpu.memref_slice %arg10[%dma_wait3A_132, %dma_wait3A_133] : memref<10240x128xf32, #tpu.memory_space<vmem_shared>> -> memref<10240x128xf32, #tpu.memory_space<vmem_shared>>
    tpu.wait_indirect_dma semaphore(%arg18 : memref<!tpu.dma_semaphore, #tpu.memory_space<semaphore_mem>>) src(%dma_wait3A_124 : memref<80x128xf32, #tpu.memory_space<vmem>>) dst(%dma_wait3A_134 : memref<10240x128xf32, #tpu.memory_space<vmem_shared>>)
    %barrier3A_135 = arith.constant 0 : index
    tpu.barrier barrier_id(%barrier3A_135)
    %mul3A_136 = arith.constant 640 : i32
    %mul3A_137 = arith.muli %arg1, %mul3A_136 : i32
    %mul3A_138 = arith.constant 640 : i32
    %mul3A_139 = arith.muli %arg1, %mul3A_138 : i32
    "tpu.region"() ({
      %run_scoped3A_140 = tpu.sem_alloc : memref<!tpu.dma_semaphore, #tpu.memory_space<semaphore_mem>>
      %dma_start3A_141 = arith.constant 0 : i32
      %dma_start3A_142 = arith.constant 0 : i32
      %dma_start3A_143 = tpu.memref_slice %arg6[%arg0, %dma_start3A_141, %dma_start3A_142] : memref<2x10240x128xf32, #tpu.memory_space<hbm>> -> memref<1x10240x128xf32, #tpu.memory_space<hbm>>
      %dma_start3A_144 = tpu.memref_squeeze %dma_start3A_143 : memref<1x10240x128xf32, #tpu.memory_space<hbm>> -> memref<10240x128xf32, #tpu.memory_space<hbm>>
      %dma_start3A_145 = arith.constant 0 : i32
      %dma_start3A_146 = tpu.memref_slice %dma_start3A_144[%mul3A_139, %dma_start3A_145] : memref<10240x128xf32, #tpu.memory_space<hbm>> -> memref<640x128xf32, #tpu.memory_space<hbm>>
      %dma_start3A_147 = arith.constant 0 : i32
      %dma_start3A_148 = tpu.memref_slice %arg10[%mul3A_137, %dma_start3A_147] : memref<10240x128xf32, #tpu.memory_space<vmem_shared>> -> memref<640x128xf32, #tpu.memory_space<vmem_shared>>
      tpu.enqueue_dma source(%dma_start3A_148 : memref<640x128xf32, #tpu.memory_space<vmem_shared>>) target(%dma_start3A_146 : memref<640x128xf32, #tpu.memory_space<hbm>>) target_semaphore(%run_scoped3A_140 : memref<!tpu.dma_semaphore, #tpu.memory_space<semaphore_mem>>)
      %dma_wait3A_149 = arith.constant 0 : i32
      %dma_wait3A_150 = arith.constant 0 : i32
      %dma_wait3A_151 = tpu.memref_slice %arg6[%arg0, %dma_wait3A_149, %dma_wait3A_150] : memref<2x10240x128xf32, #tpu.memory_space<hbm>> -> memref<1x10240x128xf32, #tpu.memory_space<hbm>>
      %dma_wait3A_152 = tpu.memref_squeeze %dma_wait3A_151 : memref<1x10240x128xf32, #tpu.memory_space<hbm>> -> memref<10240x128xf32, #tpu.memory_space<hbm>>
      %dma_wait3A_153 = arith.constant 0 : i32
      %dma_wait3A_154 = tpu.memref_slice %dma_wait3A_152[%mul3A_139, %dma_wait3A_153] : memref<10240x128xf32, #tpu.memory_space<hbm>> -> memref<640x128xf32, #tpu.memory_space<hbm>>
      %dma_wait3A_155 = arith.constant 0 : i32
      %dma_wait3A_156 = tpu.memref_slice %arg10[%mul3A_137, %dma_wait3A_155] : memref<10240x128xf32, #tpu.memory_space<vmem_shared>> -> memref<640x128xf32, #tpu.memory_space<vmem_shared>>
      tpu.wait_dma2 semaphore(%run_scoped3A_140 : memref<!tpu.dma_semaphore, #tpu.memory_space<semaphore_mem>>) src(%dma_wait3A_156 : memref<640x128xf32, #tpu.memory_space<vmem_shared>>) dst(%dma_wait3A_154 : memref<640x128xf32, #tpu.memory_space<hbm>>)
      tpu.yield
    }) : () -> ()
    return
  }
}

module attributes {stable_mosaic.version = 14 : i64} {
  func.func @_tc_prep_body(%arg0: memref<2x10240xf32, #tpu.memory_space<vmem>>, %arg1: memref<10240x128xf32, #tpu.memory_space<vmem>>, %arg2: memref<10240x128xf32, #tpu.memory_space<vmem>>) attributes {dimension_semantics = [], scalar_prefetch = 0 : i64, scratch_operands = 0 : i64, tpu.core_type = #tpu.core_type<tc>} {
    %get3A = arith.constant 0 : index
    %get3A_0 = arith.constant 0 : index
    %get3A_1 = vector.load %arg0[%get3A, %get3A_0] : memref<2x10240xf32, #tpu.memory_space<vmem>>, vector<2x10240xf32>
    %slice3A = vector.extract_strided_slice %get3A_1 {offsets = [0, 0], sizes = [1, 10240], strides = [1, 1]} : vector<2x10240xf32> to vector<1x10240xf32>
    %squeeze3A = vector.shape_cast %slice3A : vector<1x10240xf32> to vector<10240xf32>
    %slice3A_2 = vector.extract_strided_slice %get3A_1 {offsets = [1, 0], sizes = [1, 10240], strides = [1, 1]} : vector<2x10240xf32> to vector<1x10240xf32>
    %squeeze3A_3 = vector.shape_cast %slice3A_2 : vector<1x10240xf32> to vector<10240xf32>
    %add3A = arith.addf %squeeze3A, %squeeze3A_3 : vector<10240xf32>
    %max3A = arith.constant 1.000000e+00 : f32
    %max3A_4 = vector.broadcast %max3A : f32 to vector<10240xf32>
    %max3A_5 = arith.maximumf %add3A, %max3A_4 : vector<10240xf32>
    %rsqrt3A = math.rsqrt %max3A_5 : vector<10240xf32>
    %get3A_6 = arith.constant 0 : index
    %get3A_7 = arith.constant 0 : index
    %get3A_8 = vector.load %arg1[%get3A_6, %get3A_7] : memref<10240x128xf32, #tpu.memory_space<vmem>>, vector<10240x128xf32>
    %broadcast_in_dim3A = vector.shape_cast %rsqrt3A : vector<10240xf32> to vector<10240x1xf32>
    %mul3A = vector.broadcast %broadcast_in_dim3A : vector<10240x1xf32> to vector<10240x128xf32>
    %mul3A_9 = arith.mulf %get3A_8, %mul3A : vector<10240x128xf32>
    %swap3A = arith.constant 0 : index
    %swap3A_10 = arith.constant 0 : index
    %swap3A_11 = vector.load %arg2[%swap3A, %swap3A_10] : memref<10240x128xf32, #tpu.memory_space<vmem>>, vector<10240x128xf32>
    tpu.vector_store %arg2[%swap3A, %swap3A_10], %mul3A_9 {strides = array<i32>} : memref<10240x128xf32, #tpu.memory_space<vmem>>, vector<10240x128xf32>,
    return
  }
}

module attributes {stable_mosaic.version = 14 : i64} {
  func.func @_tc_mid_body(%arg0: memref<2x10240xf32, #tpu.memory_space<vmem>>, %arg1: memref<2x10240x128xf32, #tpu.memory_space<vmem>>, %arg2: memref<10240x128xf32, #tpu.memory_space<vmem>>) attributes {dimension_semantics = [], scalar_prefetch = 0 : i64, scratch_operands = 0 : i64, tpu.core_type = #tpu.core_type<tc>} {
    %get3A = arith.constant 0 : index
    %get3A_0 = arith.constant 0 : index
    %get3A_1 = vector.load %arg0[%get3A, %get3A_0] : memref<2x10240xf32, #tpu.memory_space<vmem>>, vector<2x10240xf32>
    %slice3A = vector.extract_strided_slice %get3A_1 {offsets = [0, 0], sizes = [1, 10240], strides = [1, 1]} : vector<2x10240xf32> to vector<1x10240xf32>
    %squeeze3A = vector.shape_cast %slice3A : vector<1x10240xf32> to vector<10240xf32>
    %slice3A_2 = vector.extract_strided_slice %get3A_1 {offsets = [1, 0], sizes = [1, 10240], strides = [1, 1]} : vector<2x10240xf32> to vector<1x10240xf32>
    %squeeze3A_3 = vector.shape_cast %slice3A_2 : vector<1x10240xf32> to vector<10240xf32>
    %add3A = arith.addf %squeeze3A, %squeeze3A_3 : vector<10240xf32>
    %max3A = arith.constant 1.000000e+00 : f32
    %max3A_4 = vector.broadcast %max3A : f32 to vector<10240xf32>
    %max3A_5 = arith.maximumf %add3A, %max3A_4 : vector<10240xf32>
    %rsqrt3A = math.rsqrt %max3A_5 : vector<10240xf32>
    %get3A_6 = arith.constant 0 : index
    %get3A_7 = arith.constant 0 : index
    %get3A_8 = arith.constant 0 : index
    %get3A_9 = vector.load %arg1[%get3A_6, %get3A_7, %get3A_8] : memref<2x10240x128xf32, #tpu.memory_space<vmem>>, vector<1x10240x128xf32>
    %get3A_10 = vector.shape_cast %get3A_9 : vector<1x10240x128xf32> to vector<10240x128xf32>
    %get3A_11 = arith.constant 1 : index
    %get3A_12 = arith.constant 0 : index
    %get3A_13 = arith.constant 0 : index
    %get3A_14 = vector.load %arg1[%get3A_11, %get3A_12, %get3A_13] : memref<2x10240x128xf32, #tpu.memory_space<vmem>>, vector<1x10240x128xf32>
    %get3A_15 = vector.shape_cast %get3A_14 : vector<1x10240x128xf32> to vector<10240x128xf32>
    %add3A_16 = arith.addf %get3A_10, %get3A_15 : vector<10240x128xf32>
    %mul3A = arith.mulf %rsqrt3A, %rsqrt3A : vector<10240xf32>
    %broadcast_in_dim3A = vector.shape_cast %mul3A : vector<10240xf32> to vector<10240x1xf32>
    %mul3A_17 = vector.broadcast %broadcast_in_dim3A : vector<10240x1xf32> to vector<10240x128xf32>
    %mul3A_18 = arith.mulf %add3A_16, %mul3A_17 : vector<10240x128xf32>
    %swap3A = arith.constant 0 : index
    %swap3A_19 = arith.constant 0 : index
    %swap3A_20 = vector.load %arg2[%swap3A, %swap3A_19] : memref<10240x128xf32, #tpu.memory_space<vmem>>, vector<10240x128xf32>
    tpu.vector_store %arg2[%swap3A, %swap3A_19], %mul3A_18 {strides = array<i32>} : memref<10240x128xf32, #tpu.memory_space<vmem>>, vector<10240x128xf32>,
    return
  }
}

module attributes {stable_mosaic.version = 14 : i64} {
  func.func @_tc_final_body(%arg0: memref<2x10240xf32, #tpu.memory_space<vmem>>, %arg1: memref<2x10240x128xf32, #tpu.memory_space<vmem>>, %arg2: memref<128x128xf32, #tpu.memory_space<vmem>>, %arg3: memref<1x128xf32, #tpu.memory_space<vmem>>, %arg4: memref<10240x128xf32, #tpu.memory_space<vmem>>) attributes {dimension_semantics = [], scalar_prefetch = 0 : i64, scratch_operands = 0 : i64, tpu.core_type = #tpu.core_type<tc>} {
    %get3A = arith.constant 0 : index
    %get3A_0 = arith.constant 0 : index
    %get3A_1 = vector.load %arg0[%get3A, %get3A_0] : memref<2x10240xf32, #tpu.memory_space<vmem>>, vector<2x10240xf32>
    %slice3A = vector.extract_strided_slice %get3A_1 {offsets = [0, 0], sizes = [1, 10240], strides = [1, 1]} : vector<2x10240xf32> to vector<1x10240xf32>
    %squeeze3A = vector.shape_cast %slice3A : vector<1x10240xf32> to vector<10240xf32>
    %slice3A_2 = vector.extract_strided_slice %get3A_1 {offsets = [1, 0], sizes = [1, 10240], strides = [1, 1]} : vector<2x10240xf32> to vector<1x10240xf32>
    %squeeze3A_3 = vector.shape_cast %slice3A_2 : vector<1x10240xf32> to vector<10240xf32>
    %add3A = arith.addf %squeeze3A, %squeeze3A_3 : vector<10240xf32>
    %max3A = arith.constant 1.000000e+00 : f32
    %max3A_4 = vector.broadcast %max3A : f32 to vector<10240xf32>
    %max3A_5 = arith.maximumf %add3A, %max3A_4 : vector<10240xf32>
    %rsqrt3A = math.rsqrt %max3A_5 : vector<10240xf32>
    %get3A_6 = arith.constant 0 : index
    %get3A_7 = arith.constant 0 : index
    %get3A_8 = arith.constant 0 : index
    %get3A_9 = vector.load %arg1[%get3A_6, %get3A_7, %get3A_8] : memref<2x10240x128xf32, #tpu.memory_space<vmem>>, vector<1x10240x128xf32>
    %get3A_10 = vector.shape_cast %get3A_9 : vector<1x10240x128xf32> to vector<10240x128xf32>
    %get3A_11 = arith.constant 1 : index
    %get3A_12 = arith.constant 0 : index
    %get3A_13 = arith.constant 0 : index
    %get3A_14 = vector.load %arg1[%get3A_11, %get3A_12, %get3A_13] : memref<2x10240x128xf32, #tpu.memory_space<vmem>>, vector<1x10240x128xf32>
    %get3A_15 = vector.shape_cast %get3A_14 : vector<1x10240x128xf32> to vector<10240x128xf32>
    %add3A_16 = arith.addf %get3A_10, %get3A_15 : vector<10240x128xf32>
    %broadcast_in_dim3A = vector.shape_cast %rsqrt3A : vector<10240xf32> to vector<10240x1xf32>
    %mul3A = vector.broadcast %broadcast_in_dim3A : vector<10240x1xf32> to vector<10240x128xf32>
    %mul3A_17 = arith.mulf %add3A_16, %mul3A : vector<10240x128xf32>
    %get3A_18 = arith.constant 0 : index
    %get3A_19 = arith.constant 0 : index
    %get3A_20 = vector.load %arg2[%get3A_18, %get3A_19] : memref<128x128xf32, #tpu.memory_space<vmem>>, vector<128x128xf32>
    %dot_general3A = arith.constant dense<0.000000e+00> : vector<10240x128xf32>
    %dot_general3A_21 = tpu.matmul %mul3A_17, %get3A_20, %dot_general3A {dimension_numbers = #tpu.dot_dimension_numbers<[1], [0], [0], [1], [0, 0, 1, 1], [], []>, transpose_lhs_hint = false} : vector<10240x128xf32>, vector<128x128xf32>, vector<10240x128xf32> -> vector<10240x128xf32>
    %get3A_22 = arith.constant 0 : index
    %get3A_23 = arith.constant 0 : index
    %get3A_24 = vector.load %arg3[%get3A_22, %get3A_23] : memref<1x128xf32, #tpu.memory_space<vmem>>, vector<1x128xf32>
    %add3A_25 = vector.broadcast %get3A_24 : vector<1x128xf32> to vector<10240x128xf32>
    %add3A_26 = arith.addf %dot_general3A_21, %add3A_25 : vector<10240x128xf32>
    %swap3A = arith.constant 0 : index
    %swap3A_27 = arith.constant 0 : index
    %swap3A_28 = vector.load %arg4[%swap3A, %swap3A_27] : memref<10240x128xf32, #tpu.memory_space<vmem>>, vector<10240x128xf32>
    tpu.vector_store %arg4[%swap3A, %swap3A_27], %add3A_26 {strides = array<i32>} : memref<10240x128xf32, #tpu.memory_space<vmem>>, vector<10240x128xf32>,
    return
  }
}

</mosaic_0001>

<sc_bundles>
// kernel: kernel.11.cloned.1.call-start
scs
__scs_entry_jumppad:
0x0: {  	(pc) =	sbr.rel $0x88, $3  }
0x1: {  	(tag) =	ssettag $0x0;
	lr =	simm.s32 $0x1  }
0x2: {  	[smem:$0x3F9D] =	sst lr;
	_ =	strace $0xD0000000  }
0x3: {  	_ = 	snop  }
0x4: {  	_ = 	snop  }
0x5: {  	_ = 	snop  }
0x6: {  	_ = 	snop  }
0x7: {  	_ = 	snop  }
__scs_overlays_trampoline_lowered:
0x8: {  	[smem:$0x3FAC] =	sst s0  }
0x9: {  	[smem:$0x3FAD] =	sst s1  }
0xa: {  	[smem:$0x3FAE] =	sst s2  }
0xb: {  	[smem:$0x3FAF] =	sst s3  }
0xc: {  	[smem:$0x3FB0] =	sst s4  }
0xd: {  	[smem:$0x3FB1] =	sst s5  }
0xe: {  	[smem:$0x3FB2] =	sst s6  }
0xf: {  	[smem:$0x3FB3] =	sst s7  }
0x10: {  	[smem:$0x3FB4] =	sst s8  }
0x11: {  	[smem:$0x3FB5] =	sst s9;
	s0 =	simm.s32 @!p0 $0x0  }
0x12: {  	s1 =	sld [smem:$0x3F9B];
	s0 =	simm.s32 @p0 $0x1  }
0x13: {  	[smem:$0x3FB6] =	sst s0;
	s0 =	simm.s32 @!p1 $0x0  }
0x14: {  	s2 =	sld [smem:$0x3F9A];
	s0 =	simm.s32 @p1 $0x1  }
0x15: {  	[smem:$0x3FB7] =	sst s0;
	s0 =	simm.s32 @!p2 $0x0  }
0x16: {  	s3 =	sld [smem:$0x3FDB];
	s0 =	simm.s32 @p2 $0x1  }
0x17: {  	s4 =	simm.s32 $0x1BF5;
	[smem:$0x3FB9] =	sst s0  }
0x18: {  	s0 =	sld [smem:$0x3F9C];
	_ =	swait.ge [sflag:s4], $0x0  }
0x19: {  	s7 =	sld [smem:$0x3F9D]  }
0x1a: {  	s8 =	sadd.s32 $0xFFFFE003, lr  }
0x1b: {  	s9 =	sadd.s32 $0xFFFFFEF7, lr;
	s5 =	simm.s32 $0xFFFFFFFF;
	p2 =	slt.u32 s8, $0xFFFFF086  }
0x1c: {  	p1 =	slt.u32 s9, $0xF7A;
	s5 =	simm.s32 @!p2 $0x0  }
0x1d: {  	s5 =	simm.s32 @p1 $0x1;
	p0 =	seq.s32 s7, s2  }
0x1e: {  	s7 =	smul.u32 @!p0 $0xF7A, s2;
	p2 =	seq.s32 @!p0 s5, $0x0  }
0x1f: {  	s9 =	smul.u32 $0xF7A, s1;
	s8 =	simm.s32 @!p0 $0x1BF5;
	p2 =	por !p2, p0  }
0x20: {  	[sflag:s8] =	ssyncset.s32 @!p0 $0xFFFFF086;
	s6 =	sadd.s32 @!p0 s3, s7;
	s7 =	simm.s32 @!p0 $0x108  }
0x21: {  	s3 =	sadd.s32 s3, s9;
	s6 =	sadd.s32 @!p0 $0x88, s6;
	s7 =	simm.s32 @p2 $0x1082  }
0x22: {  	[simem:s7], [sflag:s8] =	dma.local @!p0 [hbm:s6], $0xF7A  }
0x23: {  	s9 =	sor.u32 $0xD0000000, s2;
	s6 =	simm.s32 $0x108;
	_ =	swait.ge @!p0 [sflag:s8], $0x0  }
0x24: {  	s3 =	sadd.s32 $0x88, s3;
	s6 =	simm.s32 @!p1 $0x1082;
	[sflag:s4] =	ssyncset.s32 $0xFFFFF086  }
0x25: {  	[simem:s6], [sflag:s4] =	dma.local [hbm:s3], $0xF7A  }
0x26: {  	[smem:$0x3F9D] =	sst s1;
	(tag) =	ssettag s2;
	_ =	strace s9  }
0x27: {  	s1 =	sld [smem:$0x3FAD]  }
0x28: {  	s2 =	sld [smem:$0x3FAE]  }
0x29: {  	s4 =	sld [smem:$0x3FB0]  }
0x2a: {  	p0 =	seq.s32 s5, $0x0;
	s5 =	sld [smem:$0x3FB1]  }
0x2b: {  	s6 =	sld [smem:$0x3FB2]  }
0x2c: {  	s7 =	sld [smem:$0x3FB3]  }
0x2d: {  	s3 =	simm.s32 $0x108;
	s8 =	sld [smem:$0x3FB4]  }
0x2e: {  	s3 =	simm.s32 @!p0 $0x1082;
	s9 =	sld [smem:$0x3FB5]  }
0x2f: {  	lr =	sadd.s32 s0, s3;
	s0 =	sld [smem:$0x3FAC]  }
0x30: {  	s3 =	sld [smem:$0x3FAF]  }
0x31: {  	[smem:$0x3FB8] =	sst s10  }
0x32: {  	s10 =	sld [smem:$0x3FB6];
	_ =	sdelay $0x3  }
0x33: {  	p0 =	seq.s32 s10, $0x1;
	s10 =	sld [smem:$0x3FB8];
	_ =	sdelay $0x3  }
0x34: {  	[smem:$0x3FB8] =	sst s10  }
0x35: {  	s10 =	sld [smem:$0x3FB7];
	_ =	sdelay $0x3  }
0x36: {  	p1 =	seq.s32 s10, $0x1;
	s10 =	sld [smem:$0x3FB8];
	_ =	sdelay $0x3  }
0x37: {  	[smem:$0x3FB8] =	sst s10  }
0x38: {  	s10 =	sld [smem:$0x3FB9]  }
0x39: {  	_ = 	snop;
	(pc) =	sbr.ind lr, $3  }
0x3a: {  	_ = 	snop  }
0x3b: {  	_ = 	snop  }
0x3c: {  	p2 =	seq.s32 s10, $0x1;
	s10 =	sld [smem:$0x3FB8]  }
0x3d: {  	_ =	shalt  }
0x3e: {  	_ =	shalt  }
0x3f: {  	_ =	shalt  }
0x40: {  	_ =	shalt  }
0x41: {  	_ =	shalt  }
0x42: {  	_ =	shalt  }
0x43: {  	_ =	shalt  }
0x44: {  	_ =	shalt  }
0x45: {  	_ =	shalt  }
0x46: {  	_ =	shalt  }
0x47: {  	_ =	shalt  }
0x48: {  	_ =	shalt  }
0x49: {  	_ =	shalt  }
0x4a: {  	_ =	shalt  }
0x4b: {  	_ =	shalt  }
0x4c: {  	_ =	shalt  }
0x4d: {  	_ =	shalt  }
0x4e: {  	_ =	shalt  }
0x4f: {  	_ =	shalt  }
0x50: {  	_ =	shalt  }
0x51: {  	_ =	shalt  }
0x52: {  	_ =	shalt  }
0x53: {  	_ =	shalt  }
0x54: {  	_ =	shalt  }
0x55: {  	_ =	shalt  }
0x56: {  	_ =	shalt  }
0x57: {  	_ =	shalt  }
0x58: {  	_ =	shalt  }
0x59: {  	_ =	shalt  }
0x5a: {  	_ =	shalt  }
0x5b: {  	_ =	shalt  }
0x5c: {  	_ =	shalt  }
0x5d: {  	_ =	shalt  }
0x5e: {  	_ =	shalt  }
0x5f: {  	_ =	shalt  }
0x60: {  	_ =	shalt  }
0x61: {  	_ =	shalt  }
0x62: {  	_ =	shalt  }
0x63: {  	_ =	shalt  }
0x64: {  	_ =	shalt  }
0x65: {  	_ =	shalt  }
0x66: {  	_ =	shalt  }
0x67: {  	_ =	shalt  }
0x68: {  	_ =	shalt  }
0x69: {  	_ =	shalt  }
0x6a: {  	_ =	shalt  }
0x6b: {  	_ =	shalt  }
0x6c: {  	_ =	shalt  }
0x6d: {  	_ =	shalt  }
0x6e: {  	_ =	shalt  }
0x6f: {  	_ =	shalt  }
0x70: {  	_ =	shalt  }
0x71: {  	_ =	shalt  }
0x72: {  	_ =	shalt  }
0x73: {  	_ =	shalt  }
0x74: {  	_ =	shalt  }
0x75: {  	_ =	shalt  }
0x76: {  	_ =	shalt  }
0x77: {  	_ =	shalt  }
0x78: {  	_ =	shalt  }
0x79: {  	_ =	shalt  }
0x7a: {  	_ =	shalt  }
0x7b: {  	_ =	shalt  }
0x7c: {  	_ =	shalt  }
0x7d: {  	_ =	shalt  }
0x7e: {  	_ =	shalt  }
0x7f: {  	_ =	shalt  }
0x80: {  	_ =	shalt  }
0x81: {  	_ =	shalt  }
0x82: {  	_ =	shalt  }
0x83: {  	_ =	shalt  }
0x84: {  	_ =	shalt  }
0x85: {  	_ =	shalt  }
0x86: {  	_ =	shalt  }
0x87: {  	_ =	shalt  }
.Lfunc_end0:
.L_simem_size_0:
called_computation.1_lowered:
.L_overlay_start_0:
0x88: {  	s2 =	sld [smem:$0x3FD9]  }
0x89: {  	s3 =	sld [smem:$0x3FFE];
	_ =	sdelay $0x1  }
0x8a: {  	s1 =	srdreg.scid  }
0x8b: {  	s0 =	sand.u32 $0x1, s1  }
0x8c: {  	s17 =	sshll.u32 s0, $0xA;
	s2 =	sadd.s32 s3, s2  }
0x8d: {  	s2 =	sadd.s32 s2, s17  }
0x8e: {  	[smem:$0x3FC4] =	sst s2  }
0x8f: {  	_ = 	snop  }
0x90: {  	s2 =	sld [smem:$0x3FD0];
	(tm) =	ssettm $0x1  }
0x91: {  	s18 =	sld [smem:$0x3FFB];
	_ =	sdelay $0x3  }
0x92: {  	_ =	strace s18  }
0x93: {  	s3 =	sld [smem:$0x3FFC];
	_ =	sdelay $0x3  }
0x94: {  	_ =	strace s3  }
0x95: {  	s3 =	sld [smem:$0x3FFD];
	_ =	sdelay $0x3  }
0x96: {  	_ =	strace s3  }
0x97: {  	_ =	strace $0x8FFFFFFF  }
0x98: {  	s19 =	sld [smem:$0x3FDB];
	_ =	sdelay $0x1  }
0x99: {  	s4 =	simm.s32 $_scs_section_size  }
0x9a: {  	s5 =	simm.s32 $_size__tile_overlayer_lowered;
	s6 =	simm.s32 $_tile_overlayer_lowered  }
0x9b: {  	s22 =	simm.s32 $0x1BFF;
	s21 =	sshll.u32 s6, $0x1;
	s3 =	sadd.s32 s4, s19  }
0x9c: {  	s7 =	simm.s32 $0x0;
	s20 =	sshll.u32 s5, $0x1;
	s5 =	sadd.s32 s21, s3  }
0x9d: {  	[timem:s7], [sflag:s22] =	dma.local [hbm:s5], s20  }
0x9e: {  	_ =	swait.ge [sflag:s22], s20  }
0x9f: {  	s4 =	ssub.s32 $0x0, s20;
	[sflag:s22] =	ssyncset.done $0x0  }
0xa0: {  	[sflag:s22] =	ssyncadd.s32 s4;
	_ =	sdelay $0x1  }
0xa1: {  	s23 =	simm.s32 $0x1B8B  }
0xa2: {  	_ =	swait.ge [sflag:s23], $0x1  }
0xa3: {  	[sflag:s23] =	ssyncset.done $0x0  }
0xa4: {  	s25 =	simm.s32 $0x1B8E;
	s24 =	sld [smem:$0x3FFE];
	[sflag:s23] =	ssyncadd.s32 $0xFFFFFFFF  }
0xa5: {  	s26 =	simm.s32 $execute0_lowered;
	[smem:$0x3FD2] =	sst s25  }
0xa6: {  	s5 =	sshll.u32 s26, $0x1;
	_ =	strace $0x80000049;
	[dreg:$0x1] =	wrdreg $0xFFFFFFFF  }
0xa7: {  	s28 =	simm.s32 $_size_execute0_lowered;
	s3 =	sadd.s32 s3, s5;
	[dreg:$0x0] =	wrdreg $0x0  }
0xa8: {  	s5 =	sshll.u32 s28, $0x1;
	[dreg:$0x2] =	wrdreg s3  }
0xa9: {  	[dreg:$0x3] =	wrdreg s5  }
0xaa: {  	[dreg:$0x4] =	wrdreg $0xC0  }
0xab: {  	_ =	task [dreg:s7], $0x5FFFF  }
0xac: {  	[dreg:$0x1] =	wrdreg $0xFFFFFFFF  }
0xad: {  	[dreg:$0x0] =	wrdreg $0x60  }
0xae: {  	[dreg:$0x2] =	wrdreg s24  }
0xaf: {  	[dreg:$0x3] =	wrdreg s2  }
0xb0: {  	[dreg:$0x4] =	wrdreg $0xBC000  }
0xb1: {  	[dreg:$0x5] =	wrdreg $0x9  }
0xb2: {  	_ =	task.clear_ibuf [dreg:s7], $0x6FFFF;
	_ =	strace $0x90000049  }
0xb3: {  	s29 =	simm.s32 $0x9;
	_ =	strace $0x8000004B  }
0xb4: {  	_ =	swait.ge [sflag:s29], $0x1  }
0xb5: {  	[sflag:s29] =	ssyncadd.s32 $0xFFFFFFFF  }
0xb6: {  	_ =	strace $0x9000004B  }
0xb7: {  	_ =	sfence  }
0xb8: {  	s30 =	sld [smem:$0x0];
	_ =	sdelay $0x2  }
0xb9: {  	s31 =	sshll.u32 s1, $0xD;
	s1 =	sshrl.u32 s1, $0x2  }
0xba: {  	s3 =	sand.u32 $0x4000, s31;
	s1 =	sadd.s32 s1, s30  }
0xbb: {  	s0 =	sor.u32 s3, s0;
	s1 =	sshll.u32 s1, $0x11  }
0xbc: {  	s0 =	sor.u32 s1, s0  }
0xbd: {  	s0 =	sadd.s32 $0x8F2B, s0  }
0xbe: {  	[sflag:s0] =	ssyncadd.remote.s32 $0x1  }
0xbf: {  	_ =	sfence.sel $0xFFFF  }
0xc0: {  	[dreg:$0x0] =	wrdreg $0xFFFFFFFF;
	(pc) =	sbr.abs _section_cstart, $3  }
0xc1: {  	[dreg:$0x1] =	wrdreg $0xFFFFFFFF  }
0xc2: {  	_ =	task.clear_ibuf [dreg:s7], $0x2FFFF;
	_ =	strace $0x9FFFFFFF  }
0xc3: {  	(tm) =	ssettm $0x7FFFFFFF  }
tec
execute0_lowered:
.L_overlay_start_1:
0x0: {  	(tag) =	ssettag $0x1  }
0x1: {  	s0 =	rddreg [dreg:$0x0]  }
0x2: {  	s1 =	rddreg [dreg:$0x1]  }
0x3: {  	s3 =	rddreg [dreg:$0x2];
	s4 =	simm.s32 $0x0  }
0x4: {  	s13 =	stileid.u32;
	s2 =	srdreg.scid;
	s16 =	simm.s32 $0x9  }
0x5: {  	s28 =	simm.s32 $0x2;
	s29 =	simm.s32 $0x9400;
	s30 =	simm.s32 $0x3  }
0x6: {  	s31 =	simm.s32 $0x4;
	[smem:$0x7FF] =	sst s4;
	s8 =	smul.u32 $0x2800, s13  }
0x7: {  	s2 =	sand.u32 $0x1, s2;
	s5 =	sadd.s32 $0x12E00, s0;
	s6 =	sadd.s32 $0x2E00, s0  }
0x8: {  	s11 =	smul.u32 $0x50000, s13;
	s18 =	sshll.u32 s13, $0xB;
	s21 =	sshll.u32 s13, $0x6  }
0x9: {  	_ =	strace $0x8000004A;
	s7 =	smul.u32 $0x28000, s2;
	s9 =	ssub.s32 $0x2, s2  }
0xa: {  	s2 =	sshll.u32 s2, $0xF;
	s10 =	sshrl.u32 s9, $0x1;
	s12 =	sadd.s32 s8, s0  }
0xb: {  	s19 =	sshrl.u32 s11, $0x2;
	s0 =	sadd.s32 s7, s0;
	s10 =	ssub.s32 s9, s10  }
0xc: {  	s7 =	sor.u32 s2, s18;
	s20 =	sadd.s32 s19, s3;
	s22 =	sadd.s32 $0x3AE00, s12  }
0xd: {  	s9 =	sor.u32 $0x1C09, s21;
	s21 =	simm.s32 $0x1C00;
	s2 =	simm.s32 $0x6  }
0xe: {  	s18 =	simm.s32 $0x8;
	s19 =	simm.s32 $0x0;
	[dreg:$0x4] =	wrdreg s22  }
0xf: {  	s23 =	sor.u32 $0x80, s7;
	s24 =	sadd.s32 s6, s7;
	s25 =	sadd.s32 s1, s7  }
0x10: {  	s0 =	sadd.s32 $0x62E00, s0;
	s10 =	smax.u32 s10, $0x1;
	[dreg:$0x5] =	wrdreg s24  }
.Ltmp0:
0x11: {  	s15 =	sshrl.u32 s20, $0x3;
	[dreg:$0x6] =	wrdreg s25;
	(pc) =	sbr.rel .LBB2_1-.Ltmp0, $4  }
0x12: {  	s20 =	simm.s32 $0x50;
	s26 =	sadd.s32 s6, s23;
	[dreg:$0x9] =	wrdreg s10  }
0x13: {  	s11 =	sadd.s32 s1, s23;
	s23 =	simm.s32 $0x4400;
	[dreg:$0x7] =	wrdreg s26  }
0x14: {  	s0 =	sadd.s32 s8, s0;
	s25 =	simm.s32 $0x1;
	[dreg:$0x8] =	wrdreg s11  }
0x15: {  	[dreg:$0xa] =	wrdreg s0;
	s26 =	simm.s32 $0x6C00;
	s0 =	simm.s32 $0x5  }
.LBB2_4:
0x16: {  	_ =	swait.ge [sflag:s31], $0x2800  }
0x17: {  	[sflag:s31] =	ssyncset.done $0x0  }
0x18: {  	[sflag:s31] =	ssyncadd.s32 $0xFFFFD800  }
0x19: {  	[spmem:s3] =	stream.indirect.scatter.add.f32 [tilespmem:s29], [sflag:$0x8], $0x80, s11, s20, $0xb8;
	[tilespmem:$0x1FC00] =	vst v63  }
0x1a: {  	_ =	swait.ge [sflag:s0], $0x2800  }
0x1b: {  	[sflag:s0] =	ssyncset.done $0x0  }
0x1c: {  	[sflag:s0] =	ssyncadd.s32 $0xFFFFD800  }
0x1d: {  	_ =	swait.ge [sflag:s2], $0x2800  }
0x1e: {  	[sflag:s2] =	ssyncset.done $0x0  }
0x1f: {  	s8 =	simm.s32 $0x7;
	[sflag:s2] =	ssyncadd.s32 $0xFFFFD800  }
0x20: {  	_ =	swait.ge [sflag:s8], $0x2800  }
0x21: {  	[sflag:s8] =	ssyncset.done $0x0  }
0x22: {  	[sflag:s8] =	ssyncadd.s32 $0xFFFFD800  }
0x23: {  	_ =	swait.ge [sflag:s18], $0x2800  }
0x24: {  	[sflag:s18] =	ssyncset.done $0x0  }
0x25: {  	[sflag:s18] =	ssyncadd.s32 $0xFFFFD800  }
0x26: {  	[bflag:$0x0] =	sbarrier.arrive $0xFFFF  }
0x27: {  	s22 =	rddreg [dreg:$0xa]  }
0x28: {  	[hbm:s22], [sflag:s9] =	dma.local [spmem:s15], $0x2800  }
0x29: {  	_ =	swait.ge [sflag:s16], $0x2800  }
0x2a: {  	s19 =	sadd.s32 $0x1, s19;
	s24 =	rddreg [dreg:$0x9]  }
0x2b: {  	p0 =	sne.s32 s19, s24  }
.Ltmp1:
0x2c: {  	_ = 	snop;
	(pc) =	sbr.rel @!p0 .LBB2_5-.Ltmp1, $3  }
0x2d: {  	_ =	sdelay $0x1  }
0x2e: {  	[sflag:s16] =	ssyncset.done $0x0  }
0x2f: {  	[sflag:s16] =	ssyncadd.s32 $0xFFFFD800  }
.LBB2_1:
0x30: {  	s8 =	rddreg [dreg:$0x4]  }
0x31: {  	[spmem:s15], [sflag:s9] =	dma.local [hbm:s8], $0x2800  }
0x32: {  	_ =	swait.ge [sflag:s16], $0x2800  }
0x33: {  	[sflag:s16] =	ssyncset.done $0x0  }
0x34: {  	s11 =	rddreg [dreg:$0x5];
	[sflag:s16] =	ssyncadd.s32 $0xFFFFD800  }
0x35: {  	[tilespmem:s4], [sflag:$0x9] =	stream.linear.gather [hbm4b:s11+s4], $0x400, $0x38;
	[tilespmem:$0x1FC00] =	vst v63  }
0x36: {  	_ =	swait.ge [sflag:s16], $0x400  }
0x37: {  	[sflag:s16] =	ssyncset.done $0x0  }
0x38: {  	s10 =	simm.s32 $0xC00;
	s12 =	rddreg [dreg:$0x6];
	[sflag:s16] =	ssyncadd.s32 $0xFFFFFC00  }
0x39: {  	[tilespmem:s10], [sflag:$0x9] =	stream.linear.gather [hbm4b:s12+s4], $0x400, $0x38;
	[tilespmem:$0x1FC00] =	vst v63  }
0x3a: {  	_ =	swait.ge [sflag:s16], $0x400  }
0x3b: {  	[sflag:s16] =	ssyncset.done $0x0  }
0x3c: {  	s14 =	simm.s32 $0x400;
	s13 =	rddreg [dreg:$0x7];
	[sflag:s16] =	ssyncadd.s32 $0xFFFFFC00  }
0x3d: {  	[tilespmem:s14], [sflag:$0x9] =	stream.linear.gather [hbm4b:s13+s4], $0x400, $0x38;
	[tilespmem:$0x1FC00] =	vst v63  }
0x3e: {  	_ =	swait.ge [sflag:s16], $0x400  }
0x3f: {  	[sflag:s16] =	ssyncset.done $0x0  }
0x40: {  	s22 =	simm.s32 $0x1000;
	s17 =	rddreg [dreg:$0x8];
	[sflag:s16] =	ssyncadd.s32 $0xFFFFFC00  }
0x41: {  	[tilespmem:s22], [sflag:$0x9] =	stream.linear.gather [hbm4b:s17+s4], $0x400, $0x38;
	[tilespmem:$0x1FC00] =	vst v63  }
0x42: {  	_ =	swait.ge [sflag:s16], $0x400  }
0x43: {  	[sflag:s16] =	ssyncset.done $0x0  }
0x44: {  	[sflag:s16] =	ssyncadd.s32 $0xFFFFFC00  }
0x45: {  	s24 =	simm.s32 $0x80;
	[bflag:$0x0] =	sbarrier.arrive $0xFFFF  }
0x46: {  	[tilespmem:s21], [sflag:$0x1] =	stream.indirect.gather [hbm4b:s5+s20], $0x80, s4, s20, $0xb8;
	[tilespmem:$0x1FC00] =	vst v63  }
0x47: {  	s8 =	simm.s32 $0x0;
	s10 =	simm.s32 $0x0;
	s22 =	simm.s32 $0x0  }
0x48: {  	[tilespmem:s23], [sflag:$0x2] =	stream.indirect.gather [hbm4b:s5+s20], $0x80, s24, s20, $0xb8;
	[tilespmem:$0x1FC00] =	vst v63  }
.LBB2_2:
0x49: {  	s11 =	sand.u32 $0x4, s10;
	p0 =	sgt.u32 s22, $0x1B  }
0x4a: {  	p1 =	sne.s32 @!p0 s11, $0x0  }
0x4b: {  	s12 =	sshrl.u32 s22, $0x1;
	p0 =	por p1, p0  }
0x4c: {  	s13 =	sadd.s32 @!p0 $0x2, s12  }
0x4d: {  	s14 =	smul.u32 @!p0 $0xAB, s13  }
0x4e: {  	_ =	swait.ge [sflag:s25], $0x2800;
	s24 =	sshll.u32 s22, $0x9  }
0x4f: {  	s24 =	sand.u32 $0xC00, s24;
	s11 =	sshll.u32 s11, $0x7;
	s14 =	sshrl.u32 @!p0 s14, $0x9  }
0x50: {  	[sflag:s25] =	ssyncset.done $0x0;
	s11 =	sor.u32 s11, s24;
	s14 =	sand.u32 @!p0 $0x7F, s14  }
0x51: {  	[sflag:s25] =	ssyncadd.s32 $0xFFFFD800;
	s11 =	sadd.s32 $0xC00, s11;
	s14 =	smul.u32 @!p0 $0x3, s14  }
0x52: {  	[spmem:s3] =	stream.indirect.scatter.add.f32 [tilespmem:s21], [sflag:$0x5], $0x80, s11, s20, $0xb8;
	[tilespmem:$0x1FC00] =	vst v63  }
0x53: {  	s11 =	ssub.s32 @!p0 s13, s14;
	s14 =	sshll.u32 @!p0 s13, $0x7  }
0x54: {  	s11 =	sand.u32 @!p0 $0xFF, s11;
	s14 =	sadd.s32 @!p0 s7, s14  }
0x55: {  	s17 =	simm.s32 @!p0 $0x0;
	s11 =	sshll.u32 @!p0 s11, $0xA;
	s24 =	sadd.s32 @!p0 s6, s14  }
0x56: {  	[tilespmem:s11], [sflag:$0x9] =	stream.linear.gather @!p0 [hbm4b:s24+s17], $0x400, $0x38;
	[tilespmem:$0x1FC00] =	vst v63  }
0x57: {  	s13 =	sshll.u32 @!p0 s13, $0xA;
	s11 =	simm.s32 @!p0 $0x9  }
0x58: {  	s13 =	sand.u32 @!p0 $0xC00, s13;
	_ =	swait.ge @!p0 [sflag:s11], $0x400  }
0x59: {  	s13 =	sadd.s32 @!p0 $0xC00, s13;
	[sflag:s11] =	ssyncset.done @!p0 $0x0  }
0x5a: {  	s14 =	sadd.s32 @!p0 s1, s14;
	s24 =	smul.u32 $0xAB, s12;
	[sflag:s11] =	ssyncadd.s32 @!p0 $0xFFFFFC00  }
0x5b: {  	[tilespmem:s13], [sflag:$0x9] =	stream.linear.gather @!p0 [hbm4b:s14+s17], $0x400, $0x38;
	[tilespmem:$0x1FC00] =	vst v63  }
0x5c: {  	s14 =	sshrl.u32 s24, $0x9;
	_ =	swait.ge @!p0 [sflag:s11], $0x400  }
0x5d: {  	s13 =	sand.u32 $0x7F, s14;
	[sflag:s11] =	ssyncset.done @!p0 $0x0  }
0x5e: {  	s13 =	smul.u32 $0x3, s13;
	[sflag:s11] =	ssyncadd.s32 @!p0 $0xFFFFFC00;
	p0 =	seq.s32 s10, $0x0  }
0x5f: {  	s11 =	simm.s32 @!p0 $0x7  }
0x60: {  	s12 =	ssub.s32 s12, s13;
	s13 =	sand.u32 $0x800, s8;
	_ =	swait.ge @!p0 [sflag:s11], $0x2800  }
0x61: {  	s12 =	sand.u32 $0xFF, s12;
	s17 =	sor.u32 $0x400, s13;
	[sflag:s11] =	ssyncset.done @!p0 $0x0  }
0x62: {  	s12 =	sshll.u32 s12, $0xA;
	s14 =	sshrl.u32 s17, $0x2;
	s17 =	sand.u32 $0x3000, s8  }
0x63: {  	[sflag:s11] =	ssyncadd.s32 @!p0 $0xFFFFD800;
	s24 =	sor.u32 s14, s12;
	s11 =	sshrl.u32 s17, $0x2  }
0x64: {  	[tilespmem:s26], [sflag:$0x3] =	stream.indirect.gather [hbm4b:s5+s20], $0x80, s24, s20, $0xb8;
	[tilespmem:$0x1FC00] =	vst v63  }
0x65: {  	s11 =	sadd.s32 $0xC00, s11;
	s24 =	sshrl.u32 s13, $0x2;
	_ =	swait.ge [sflag:s28], $0x2800  }
0x66: {  	s17 =	sor.u32 s24, s11;
	[sflag:s28] =	ssyncset.done $0x0  }
0x67: {  	s17 =	sor.u32 $0x80, s17;
	[sflag:s28] =	ssyncadd.s32 $0xFFFFD800  }
0x68: {  	[spmem:s3] =	stream.indirect.scatter.add.f32 [tilespmem:s23], [sflag:$0x6], $0x80, s17, s20, $0xb8;
	[tilespmem:$0x1FC00] =	vst v63  }
0x69: {  	s17 =	simm.s32 @!p0 $0x8  }
0x6a: {  	s13 =	sor.u32 $0x600, s13;
	_ =	swait.ge @!p0 [sflag:s17], $0x2800  }
0x6b: {  	s13 =	sshrl.u32 s13, $0x2;
	[sflag:s17] =	ssyncset.done @!p0 $0x0  }
0x6c: {  	s12 =	sadd.s32 s13, s12;
	[sflag:s17] =	ssyncadd.s32 @!p0 $0xFFFFD800;
	p0 =	seq.s32 s10, $0x7C  }
0x6d: {  	[tilespmem:s29], [sflag:$0x4] =	stream.indirect.gather [hbm4b:s5+s20], $0x80, s12, s20, $0xb8;
	[tilespmem:$0x1FC00] =	vst v63  }
.Ltmp2:
0x6e: {  	_ = 	snop;
	(pc) =	sbr.rel @p0 .LBB2_4-.Ltmp2, $4  }
0x6f: {  	_ =	swait.ge [sflag:s30], $0x2800  }
0x70: {  	[sflag:s30] =	ssyncset.done $0x0  }
0x71: {  	s24 =	sadd.s32 s14, s11;
	s11 =	sadd.s32 s13, s11;
	[sflag:s30] =	ssyncadd.s32 $0xFFFFD800  }
0x72: {  	[spmem:s3] =	stream.indirect.scatter.add.f32 [tilespmem:s26], [sflag:$0x7], $0x80, s24, s20, $0xb8;
	[tilespmem:$0x1FC00] =	vst v63  }
0x73: {  	s12 =	sadd.s32 $0x4, s10  }
0x74: {  	s13 =	sshrl.u32 s12, $0x3  }
0x75: {  	s14 =	smul.u32 $0xAB, s13;
	_ =	sdelay $0x1  }
0x76: {  	s14 =	sshrl.u32 s14, $0x9  }
0x77: {  	s14 =	sand.u32 $0x7F, s14  }
0x78: {  	s14 =	smul.u32 $0x3, s14  }
0x79: {  	_ =	swait.ge [sflag:s0], $0x2800;
	s24 =	sadd.s32 $0x5, s10  }
0x7a: {  	s10 =	sshrl.u32 s24, $0x3;
	s13 =	ssub.s32 s13, s14;
	s14 =	sadd.s32 $0x800, s8  }
0x7b: {  	s24 =	smul.u32 $0xAB, s10;
	s13 =	sand.u32 $0xFF, s13;
	s17 =	sand.u32 $0x800, s14  }
0x7c: {  	[sflag:s0] =	ssyncset.done $0x0;
	s13 =	sshll.u32 s13, $0xA;
	s17 =	sshrl.u32 s17, $0x2  }
0x7d: {  	[sflag:s0] =	ssyncadd.s32 $0xFFFFD800;
	s13 =	sor.u32 s17, s13;
	s17 =	sshrl.u32 s24, $0x9  }
0x7e: {  	[tilespmem:s21], [sflag:$0x1] =	stream.indirect.gather [hbm4b:s5+s20], $0x80, s13, s20, $0xb8;
	[tilespmem:$0x1FC00] =	vst v63  }
0x7f: {  	s13 =	sand.u32 $0x7F, s17  }
0x80: {  	_ =	swait.ge [sflag:s31], $0x2800;
	s13 =	smul.u32 $0x3, s13  }
0x81: {  	s24 =	sadd.s32 $0xA00, s8;
	[sflag:s31] =	ssyncset.done $0x0  }
0x82: {  	s8 =	sand.u32 $0xA00, s24;
	[sflag:s31] =	ssyncadd.s32 $0xFFFFD800;
	s10 =	ssub.s32 s10, s13  }
0x83: {  	[spmem:s3] =	stream.indirect.scatter.add.f32 [tilespmem:s29], [sflag:$0x8], $0x80, s11, s20, $0xb8;
	[tilespmem:$0x1FC00] =	vst v63  }
.Ltmp3:
0x84: {  	s10 =	sand.u32 $0xFF, s10;
	_ =	swait.ge [sflag:s2], $0x2800;
	(pc) =	sbr.rel .LBB2_2-.Ltmp3, $4  }
0x85: {  	s8 =	sshrl.u32 s8, $0x2;
	s10 =	sshll.u32 s10, $0xA;
	[sflag:s2] =	ssyncset.done $0x0  }
0x86: {  	s8 =	sor.u32 s8, s10;
	[sflag:s2] =	ssyncadd.s32 $0xFFFFD800  }
0x87: {  	[tilespmem:s23], [sflag:$0x2] =	stream.indirect.gather [hbm4b:s5+s20], $0x80, s8, s20, $0xb8;
	[tilespmem:$0x1FC00] =	vst v63  }
0x88: {  	s22 =	sadd.s32 $0x1, s22;
	s10 =	smov.u32 s12;
	s8 =	smov.u32 s14  }
.LBB2_5:
0x89: {  	_ =	sfence.sel $0x180000  }
0x8a: {  	[bflag:$0x0] =	sbarrier.arrive $0xFFFF  }
0x8b: {  	_ =	strace $0x9000004A  }
0x8c: {  	s0 =	stileid.u32;
	[bflag:$0x2] =	sbarrier.arrive $0xFFFF  }
0x8d: {  	p0 =	sne.s32 s0, $0x0;
	s0 =	rddreg [dreg:$0x3]  }
0x8e: {  	s0 =	sadd.s32 @!p0 $0x100000, s0  }
0x8f: {  	[sflag:s0] =	ssyncadd.tile.s32 @!p0 $0x1;
	_ =	shalt  }
.Lfunc_end2:
_tile_overlayer_lowered:
.L_overlay_start_2:
0x90: {  	(tag) =	ssettag $0x2  }
0x91: {  	s0 =	rddreg [dreg:$0x0];
	s2 =	stileid.u32  }
0x92: {  	s1 =	rddreg [dreg:$0x1];
	p0 =	sne.s32 s2, $0x0  }
0x93: {  	s3 =	rddreg [dreg:$0x2];
	[bflag:$0x3] =	sbarrier.arrive $0xFFFF;
	s2 =	simm.s32 @!p0 $0x1C09  }
0x94: {  	[timem:s3], [sflag:s2] =	dma.local @!p0 [hbm:s0], s1  }
0x95: {  	s0 =	simm.s32 @!p0 $0x9  }
0x96: {  	_ =	swait.ge @!p0 [sflag:s0], s1  }
0x97: {  	s1 =	ssub.s32 @!p0 $0x0, s1;
	[sflag:s0] =	ssyncset.done @!p0 $0x0  }
0x98: {  	[sflag:s0] =	ssyncadd.s32 @!p0 s1  }
0x99: {  	[bflag:$0x3] =	sbarrier.arrive $0xFFFF  }
0x9a: {  	_ =	shalt  }

// kernel: kernel.14.cloned.1.call-start
scs
__scs_entry_jumppad:
0x0: {  	(pc) =	sbr.rel $0x88, $3  }
0x1: {  	(tag) =	ssettag $0x0;
	lr =	simm.s32 $0x1  }
0x2: {  	[smem:$0x3F9D] =	sst lr;
	_ =	strace $0xD0000000  }
0x3: {  	_ = 	snop  }
0x4: {  	_ = 	snop  }
0x5: {  	_ = 	snop  }
0x6: {  	_ = 	snop  }
0x7: {  	_ = 	snop  }
__scs_overlays_trampoline_lowered:
0x8: {  	[smem:$0x3FAC] =	sst s0  }
0x9: {  	[smem:$0x3FAD] =	sst s1  }
0xa: {  	[smem:$0x3FAE] =	sst s2  }
0xb: {  	[smem:$0x3FAF] =	sst s3  }
0xc: {  	[smem:$0x3FB0] =	sst s4  }
0xd: {  	[smem:$0x3FB1] =	sst s5  }
0xe: {  	[smem:$0x3FB2] =	sst s6  }
0xf: {  	[smem:$0x3FB3] =	sst s7  }
0x10: {  	[smem:$0x3FB4] =	sst s8  }
0x11: {  	[smem:$0x3FB5] =	sst s9;
	s0 =	simm.s32 @!p0 $0x0  }
0x12: {  	s1 =	sld [smem:$0x3F9B];
	s0 =	simm.s32 @p0 $0x1  }
0x13: {  	[smem:$0x3FB6] =	sst s0;
	s0 =	simm.s32 @!p1 $0x0  }
0x14: {  	s2 =	sld [smem:$0x3F9A];
	s0 =	simm.s32 @p1 $0x1  }
0x15: {  	[smem:$0x3FB7] =	sst s0;
	s0 =	simm.s32 @!p2 $0x0  }
0x16: {  	s3 =	sld [smem:$0x3FDB];
	s0 =	simm.s32 @p2 $0x1  }
0x17: {  	s4 =	simm.s32 $0x1BF5;
	[smem:$0x3FB9] =	sst s0  }
0x18: {  	s0 =	sld [smem:$0x3F9C];
	_ =	swait.ge [sflag:s4], $0x0  }
0x19: {  	s7 =	sld [smem:$0x3F9D]  }
0x1a: {  	s8 =	sadd.s32 $0xFFFFE003, lr  }
0x1b: {  	s9 =	sadd.s32 $0xFFFFFEF7, lr;
	s5 =	simm.s32 $0xFFFFFFFF;
	p2 =	slt.u32 s8, $0xFFFFF086  }
0x1c: {  	p1 =	slt.u32 s9, $0xF7A;
	s5 =	simm.s32 @!p2 $0x0  }
0x1d: {  	s5 =	simm.s32 @p1 $0x1;
	p0 =	seq.s32 s7, s2  }
0x1e: {  	s7 =	smul.u32 @!p0 $0xF7A, s2;
	p2 =	seq.s32 @!p0 s5, $0x0  }
0x1f: {  	s9 =	smul.u32 $0xF7A, s1;
	s8 =	simm.s32 @!p0 $0x1BF5;
	p2 =	por !p2, p0  }
0x20: {  	[sflag:s8] =	ssyncset.s32 @!p0 $0xFFFFF086;
	s6 =	sadd.s32 @!p0 s3, s7;
	s7 =	simm.s32 @!p0 $0x108  }
0x21: {  	s3 =	sadd.s32 s3, s9;
	s6 =	sadd.s32 @!p0 $0x88, s6;
	s7 =	simm.s32 @p2 $0x1082  }
0x22: {  	[simem:s7], [sflag:s8] =	dma.local @!p0 [hbm:s6], $0xF7A  }
0x23: {  	s9 =	sor.u32 $0xD0000000, s2;
	s6 =	simm.s32 $0x108;
	_ =	swait.ge @!p0 [sflag:s8], $0x0  }
0x24: {  	s3 =	sadd.s32 $0x88, s3;
	s6 =	simm.s32 @!p1 $0x1082;
	[sflag:s4] =	ssyncset.s32 $0xFFFFF086  }
0x25: {  	[simem:s6], [sflag:s4] =	dma.local [hbm:s3], $0xF7A  }
0x26: {  	[smem:$0x3F9D] =	sst s1;
	(tag) =	ssettag s2;
	_ =	strace s9  }
0x27: {  	s1 =	sld [smem:$0x3FAD]  }
0x28: {  	s2 =	sld [smem:$0x3FAE]  }
0x29: {  	s4 =	sld [smem:$0x3FB0]  }
0x2a: {  	p0 =	seq.s32 s5, $0x0;
	s5 =	sld [smem:$0x3FB1]  }
0x2b: {  	s6 =	sld [smem:$0x3FB2]  }
0x2c: {  	s7 =	sld [smem:$0x3FB3]  }
0x2d: {  	s3 =	simm.s32 $0x108;
	s8 =	sld [smem:$0x3FB4]  }
0x2e: {  	s3 =	simm.s32 @!p0 $0x1082;
	s9 =	sld [smem:$0x3FB5]  }
0x2f: {  	lr =	sadd.s32 s0, s3;
	s0 =	sld [smem:$0x3FAC]  }
0x30: {  	s3 =	sld [smem:$0x3FAF]  }
0x31: {  	[smem:$0x3FB8] =	sst s10  }
0x32: {  	s10 =	sld [smem:$0x3FB6];
	_ =	sdelay $0x3  }
0x33: {  	p0 =	seq.s32 s10, $0x1;
	s10 =	sld [smem:$0x3FB8];
	_ =	sdelay $0x3  }
0x34: {  	[smem:$0x3FB8] =	sst s10  }
0x35: {  	s10 =	sld [smem:$0x3FB7];
	_ =	sdelay $0x3  }
0x36: {  	p1 =	seq.s32 s10, $0x1;
	s10 =	sld [smem:$0x3FB8];
	_ =	sdelay $0x3  }
0x37: {  	[smem:$0x3FB8] =	sst s10  }
0x38: {  	s10 =	sld [smem:$0x3FB9]  }
0x39: {  	_ = 	snop;
	(pc) =	sbr.ind lr, $3  }
0x3a: {  	_ = 	snop  }
0x3b: {  	_ = 	snop  }
0x3c: {  	p2 =	seq.s32 s10, $0x1;
	s10 =	sld [smem:$0x3FB8]  }
0x3d: {  	_ =	shalt  }
0x3e: {  	_ =	shalt  }
0x3f: {  	_ =	shalt  }
0x40: {  	_ =	shalt  }
0x41: {  	_ =	shalt  }
0x42: {  	_ =	shalt  }
0x43: {  	_ =	shalt  }
0x44: {  	_ =	shalt  }
0x45: {  	_ =	shalt  }
0x46: {  	_ =	shalt  }
0x47: {  	_ =	shalt  }
0x48: {  	_ =	shalt  }
0x49: {  	_ =	shalt  }
0x4a: {  	_ =	shalt  }
0x4b: {  	_ =	shalt  }
0x4c: {  	_ =	shalt  }
0x4d: {  	_ =	shalt  }
0x4e: {  	_ =	shalt  }
0x4f: {  	_ =	shalt  }
0x50: {  	_ =	shalt  }
0x51: {  	_ =	shalt  }
0x52: {  	_ =	shalt  }
0x53: {  	_ =	shalt  }
0x54: {  	_ =	shalt  }
0x55: {  	_ =	shalt  }
0x56: {  	_ =	shalt  }
0x57: {  	_ =	shalt  }
0x58: {  	_ =	shalt  }
0x59: {  	_ =	shalt  }
0x5a: {  	_ =	shalt  }
0x5b: {  	_ =	shalt  }
0x5c: {  	_ =	shalt  }
0x5d: {  	_ =	shalt  }
0x5e: {  	_ =	shalt  }
0x5f: {  	_ =	shalt  }
0x60: {  	_ =	shalt  }
0x61: {  	_ =	shalt  }
0x62: {  	_ =	shalt  }
0x63: {  	_ =	shalt  }
0x64: {  	_ =	shalt  }
0x65: {  	_ =	shalt  }
0x66: {  	_ =	shalt  }
0x67: {  	_ =	shalt  }
0x68: {  	_ =	shalt  }
0x69: {  	_ =	shalt  }
0x6a: {  	_ =	shalt  }
0x6b: {  	_ =	shalt  }
0x6c: {  	_ =	shalt  }
0x6d: {  	_ =	shalt  }
0x6e: {  	_ =	shalt  }
0x6f: {  	_ =	shalt  }
0x70: {  	_ =	shalt  }
0x71: {  	_ =	shalt  }
0x72: {  	_ =	shalt  }
0x73: {  	_ =	shalt  }
0x74: {  	_ =	shalt  }
0x75: {  	_ =	shalt  }
0x76: {  	_ =	shalt  }
0x77: {  	_ =	shalt  }
0x78: {  	_ =	shalt  }
0x79: {  	_ =	shalt  }
0x7a: {  	_ =	shalt  }
0x7b: {  	_ =	shalt  }
0x7c: {  	_ =	shalt  }
0x7d: {  	_ =	shalt  }
0x7e: {  	_ =	shalt  }
0x7f: {  	_ =	shalt  }
0x80: {  	_ =	shalt  }
0x81: {  	_ =	shalt  }
0x82: {  	_ =	shalt  }
0x83: {  	_ =	shalt  }
0x84: {  	_ =	shalt  }
0x85: {  	_ =	shalt  }
0x86: {  	_ =	shalt  }
0x87: {  	_ =	shalt  }
.Lfunc_end0:
.L_simem_size_0:
called_computation.2_lowered:
.L_overlay_start_0:
0x88: {  	s2 =	sld [smem:$0x3FD9]  }
0x89: {  	s3 =	sld [smem:$0x3FFE];
	_ =	sdelay $0x1  }
0x8a: {  	s1 =	srdreg.scid  }
0x8b: {  	s0 =	sand.u32 $0x1, s1  }
0x8c: {  	s17 =	sshll.u32 s0, $0xA;
	s2 =	sadd.s32 s3, s2  }
0x8d: {  	s2 =	sadd.s32 s2, s17  }
0x8e: {  	[smem:$0x3FC4] =	sst s2  }
0x8f: {  	_ = 	snop  }
0x90: {  	s2 =	sld [smem:$0x3FD0];
	(tm) =	ssettm $0x1  }
0x91: {  	s18 =	sld [smem:$0x3FFB];
	_ =	sdelay $0x3  }
0x92: {  	_ =	strace s18  }
0x93: {  	s3 =	sld [smem:$0x3FFC];
	_ =	sdelay $0x3  }
0x94: {  	_ =	strace s3  }
0x95: {  	s3 =	sld [smem:$0x3FFD];
	_ =	sdelay $0x3  }
0x96: {  	_ =	strace s3  }
0x97: {  	_ =	strace $0x8FFFFFFF  }
0x98: {  	s19 =	sld [smem:$0x3FDB];
	_ =	sdelay $0x1  }
0x99: {  	s4 =	simm.s32 $_scs_section_size  }
0x9a: {  	s5 =	simm.s32 $_size__tile_overlayer_lowered;
	s6 =	simm.s32 $_tile_overlayer_lowered  }
0x9b: {  	s22 =	simm.s32 $0x1BFF;
	s21 =	sshll.u32 s6, $0x1;
	s3 =	sadd.s32 s4, s19  }
0x9c: {  	s7 =	simm.s32 $0x0;
	s20 =	sshll.u32 s5, $0x1;
	s5 =	sadd.s32 s21, s3  }
0x9d: {  	[timem:s7], [sflag:s22] =	dma.local [hbm:s5], s20  }
0x9e: {  	_ =	swait.ge [sflag:s22], s20  }
0x9f: {  	s4 =	ssub.s32 $0x0, s20;
	[sflag:s22] =	ssyncset.done $0x0  }
0xa0: {  	[sflag:s22] =	ssyncadd.s32 s4;
	_ =	sdelay $0x1  }
0xa1: {  	s23 =	simm.s32 $0x1B8B  }
0xa2: {  	_ =	swait.ge [sflag:s23], $0x1  }
0xa3: {  	[sflag:s23] =	ssyncset.done $0x0  }
0xa4: {  	s25 =	simm.s32 $0x1B8E;
	s24 =	sld [smem:$0x3FFE];
	[sflag:s23] =	ssyncadd.s32 $0xFFFFFFFF  }
0xa5: {  	s26 =	simm.s32 $execute0_lowered;
	[smem:$0x3FD2] =	sst s25  }
0xa6: {  	s5 =	sshll.u32 s26, $0x1;
	_ =	strace $0x8000004C;
	[dreg:$0x1] =	wrdreg $0xFFFFFFFF  }
0xa7: {  	s28 =	simm.s32 $_size_execute0_lowered;
	s3 =	sadd.s32 s3, s5;
	[dreg:$0x0] =	wrdreg $0x0  }
0xa8: {  	s5 =	sshll.u32 s28, $0x1;
	[dreg:$0x2] =	wrdreg s3  }
0xa9: {  	[dreg:$0x3] =	wrdreg s5  }
0xaa: {  	[dreg:$0x4] =	wrdreg $0xC0  }
0xab: {  	_ =	task [dreg:s7], $0x5FFFF  }
0xac: {  	[dreg:$0x1] =	wrdreg $0xFFFFFFFF  }
0xad: {  	[dreg:$0x0] =	wrdreg $0x60  }
0xae: {  	[dreg:$0x2] =	wrdreg s24  }
0xaf: {  	[dreg:$0x3] =	wrdreg s2  }
0xb0: {  	[dreg:$0x4] =	wrdreg $0xBC000  }
0xb1: {  	[dreg:$0x5] =	wrdreg $0x9  }
0xb2: {  	_ =	task.clear_ibuf [dreg:s7], $0x6FFFF;
	_ =	strace $0x9000004C  }
0xb3: {  	s29 =	simm.s32 $0x9;
	_ =	strace $0x8000004E  }
0xb4: {  	_ =	swait.ge [sflag:s29], $0x1  }
0xb5: {  	[sflag:s29] =	ssyncadd.s32 $0xFFFFFFFF  }
0xb6: {  	_ =	strace $0x9000004E  }
0xb7: {  	_ =	sfence  }
0xb8: {  	s30 =	sld [smem:$0x0];
	_ =	sdelay $0x2  }
0xb9: {  	s31 =	sshll.u32 s1, $0xD;
	s1 =	sshrl.u32 s1, $0x2  }
0xba: {  	s3 =	sand.u32 $0x4000, s31;
	s1 =	sadd.s32 s1, s30  }
0xbb: {  	s0 =	sor.u32 s3, s0;
	s1 =	sshll.u32 s1, $0x11  }
0xbc: {  	s0 =	sor.u32 s1, s0  }
0xbd: {  	s0 =	sadd.s32 $0x8F2B, s0  }
0xbe: {  	[sflag:s0] =	ssyncadd.remote.s32 $0x1  }
0xbf: {  	_ =	sfence.sel $0xFFFF  }
0xc0: {  	[dreg:$0x0] =	wrdreg $0xFFFFFFFF;
	(pc) =	sbr.abs _section_cstart, $3  }
0xc1: {  	[dreg:$0x1] =	wrdreg $0xFFFFFFFF  }
0xc2: {  	_ =	task.clear_ibuf [dreg:s7], $0x2FFFF;
	_ =	strace $0x9FFFFFFF  }
0xc3: {  	(tm) =	ssettm $0x7FFFFFFF  }
tec
execute0_lowered:
.L_overlay_start_1:
0x0: {  	(tag) =	ssettag $0x1  }
0x1: {  	s0 =	rddreg [dreg:$0x0]  }
0x2: {  	s1 =	rddreg [dreg:$0x1]  }
0x3: {  	s3 =	rddreg [dreg:$0x2];
	s4 =	simm.s32 $0x0  }
0x4: {  	s13 =	stileid.u32;
	s2 =	srdreg.scid;
	s16 =	simm.s32 $0x9  }
0x5: {  	s28 =	simm.s32 $0x2;
	s29 =	simm.s32 $0x9400;
	s30 =	simm.s32 $0x3  }
0x6: {  	s31 =	simm.s32 $0x4;
	[smem:$0x7FF] =	sst s4;
	s8 =	smul.u32 $0x2800, s13  }
0x7: {  	s2 =	sand.u32 $0x1, s2;
	s5 =	sadd.s32 $0x12E00, s0;
	s6 =	sadd.s32 $0x2E00, s0  }
0x8: {  	s11 =	smul.u32 $0x50000, s13;
	s18 =	sshll.u32 s13, $0xB;
	s21 =	sshll.u32 s13, $0x6  }
0x9: {  	_ =	strace $0x8000004D;
	s7 =	smul.u32 $0x28000, s2;
	s9 =	ssub.s32 $0x2, s2  }
0xa: {  	s2 =	sshll.u32 s2, $0xF;
	s10 =	sshrl.u32 s9, $0x1;
	s12 =	sadd.s32 s8, s0  }
0xb: {  	s19 =	sshrl.u32 s11, $0x2;
	s0 =	sadd.s32 s7, s0;
	s10 =	ssub.s32 s9, s10  }
0xc: {  	s7 =	sor.u32 s2, s18;
	s20 =	sadd.s32 s19, s3;
	s22 =	sadd.s32 $0x3AE00, s12  }
0xd: {  	s9 =	sor.u32 $0x1C09, s21;
	s21 =	simm.s32 $0x1C00;
	s2 =	simm.s32 $0x6  }
0xe: {  	s18 =	simm.s32 $0x8;
	s19 =	simm.s32 $0x0;
	[dreg:$0x4] =	wrdreg s22  }
0xf: {  	s23 =	sor.u32 $0x80, s7;
	s24 =	sadd.s32 s6, s7;
	s25 =	sadd.s32 s1, s7  }
0x10: {  	s0 =	sadd.s32 $0x62E00, s0;
	s10 =	smax.u32 s10, $0x1;
	[dreg:$0x5] =	wrdreg s24  }
.Ltmp0:
0x11: {  	s15 =	sshrl.u32 s20, $0x3;
	[dreg:$0x6] =	wrdreg s25;
	(pc) =	sbr.rel .LBB2_1-.Ltmp0, $4  }
0x12: {  	s20 =	simm.s32 $0x50;
	s26 =	sadd.s32 s6, s23;
	[dreg:$0x9] =	wrdreg s10  }
0x13: {  	s11 =	sadd.s32 s1, s23;
	s23 =	simm.s32 $0x4400;
	[dreg:$0x7] =	wrdreg s26  }
0x14: {  	s0 =	sadd.s32 s8, s0;
	s25 =	simm.s32 $0x1;
	[dreg:$0x8] =	wrdreg s11  }
0x15: {  	[dreg:$0xa] =	wrdreg s0;
	s26 =	simm.s32 $0x6C00;
	s0 =	simm.s32 $0x5  }
.LBB2_4:
0x16: {  	_ =	swait.ge [sflag:s31], $0x2800  }
0x17: {  	[sflag:s31] =	ssyncset.done $0x0  }
0x18: {  	[sflag:s31] =	ssyncadd.s32 $0xFFFFD800  }
0x19: {  	[spmem:s3] =	stream.indirect.scatter.add.f32 [tilespmem:s29], [sflag:$0x8], $0x80, s11, s20, $0xb8;
	[tilespmem:$0x1FC00] =	vst v63  }
0x1a: {  	_ =	swait.ge [sflag:s0], $0x2800  }
0x1b: {  	[sflag:s0] =	ssyncset.done $0x0  }
0x1c: {  	[sflag:s0] =	ssyncadd.s32 $0xFFFFD800  }
0x1d: {  	_ =	swait.ge [sflag:s2], $0x2800  }
0x1e: {  	[sflag:s2] =	ssyncset.done $0x0  }
0x1f: {  	s8 =	simm.s32 $0x7;
	[sflag:s2] =	ssyncadd.s32 $0xFFFFD800  }
0x20: {  	_ =	swait.ge [sflag:s8], $0x2800  }
0x21: {  	[sflag:s8] =	ssyncset.done $0x0  }
0x22: {  	[sflag:s8] =	ssyncadd.s32 $0xFFFFD800  }
0x23: {  	_ =	swait.ge [sflag:s18], $0x2800  }
0x24: {  	[sflag:s18] =	ssyncset.done $0x0  }
0x25: {  	[sflag:s18] =	ssyncadd.s32 $0xFFFFD800  }
0x26: {  	[bflag:$0x0] =	sbarrier.arrive $0xFFFF  }
0x27: {  	s22 =	rddreg [dreg:$0xa]  }
0x28: {  	[hbm:s22], [sflag:s9] =	dma.local [spmem:s15], $0x2800  }
0x29: {  	_ =	swait.ge [sflag:s16], $0x2800  }
0x2a: {  	s19 =	sadd.s32 $0x1, s19;
	s24 =	rddreg [dreg:$0x9]  }
0x2b: {  	p0 =	sne.s32 s19, s24  }
.Ltmp1:
0x2c: {  	_ = 	snop;
	(pc) =	sbr.rel @!p0 .LBB2_5-.Ltmp1, $3  }
0x2d: {  	_ =	sdelay $0x1  }
0x2e: {  	[sflag:s16] =	ssyncset.done $0x0  }
0x2f: {  	[sflag:s16] =	ssyncadd.s32 $0xFFFFD800  }
.LBB2_1:
0x30: {  	s8 =	rddreg [dreg:$0x4]  }
0x31: {  	[spmem:s15], [sflag:s9] =	dma.local [hbm:s8], $0x2800  }
0x32: {  	_ =	swait.ge [sflag:s16], $0x2800  }
0x33: {  	[sflag:s16] =	ssyncset.done $0x0  }
0x34: {  	s11 =	rddreg [dreg:$0x5];
	[sflag:s16] =	ssyncadd.s32 $0xFFFFD800  }
0x35: {  	[tilespmem:s4], [sflag:$0x9] =	stream.linear.gather [hbm4b:s11+s4], $0x400, $0x38;
	[tilespmem:$0x1FC00] =	vst v63  }
0x36: {  	_ =	swait.ge [sflag:s16], $0x400  }
0x37: {  	[sflag:s16] =	ssyncset.done $0x0  }
0x38: {  	s10 =	simm.s32 $0xC00;
	s12 =	rddreg [dreg:$0x6];
	[sflag:s16] =	ssyncadd.s32 $0xFFFFFC00  }
0x39: {  	[tilespmem:s10], [sflag:$0x9] =	stream.linear.gather [hbm4b:s12+s4], $0x400, $0x38;
	[tilespmem:$0x1FC00] =	vst v63  }
0x3a: {  	_ =	swait.ge [sflag:s16], $0x400  }
0x3b: {  	[sflag:s16] =	ssyncset.done $0x0  }
0x3c: {  	s14 =	simm.s32 $0x400;
	s13 =	rddreg [dreg:$0x7];
	[sflag:s16] =	ssyncadd.s32 $0xFFFFFC00  }
0x3d: {  	[tilespmem:s14], [sflag:$0x9] =	stream.linear.gather [hbm4b:s13+s4], $0x400, $0x38;
	[tilespmem:$0x1FC00] =	vst v63  }
0x3e: {  	_ =	swait.ge [sflag:s16], $0x400  }
0x3f: {  	[sflag:s16] =	ssyncset.done $0x0  }
0x40: {  	s22 =	simm.s32 $0x1000;
	s17 =	rddreg [dreg:$0x8];
	[sflag:s16] =	ssyncadd.s32 $0xFFFFFC00  }
0x41: {  	[tilespmem:s22], [sflag:$0x9] =	stream.linear.gather [hbm4b:s17+s4], $0x400, $0x38;
	[tilespmem:$0x1FC00] =	vst v63  }
0x42: {  	_ =	swait.ge [sflag:s16], $0x400  }
0x43: {  	[sflag:s16] =	ssyncset.done $0x0  }
0x44: {  	[sflag:s16] =	ssyncadd.s32 $0xFFFFFC00  }
0x45: {  	s24 =	simm.s32 $0x80;
	[bflag:$0x0] =	sbarrier.arrive $0xFFFF  }
0x46: {  	[tilespmem:s21], [sflag:$0x1] =	stream.indirect.gather [hbm4b:s5+s20], $0x80, s4, s20, $0xb8;
	[tilespmem:$0x1FC00] =	vst v63  }
0x47: {  	s8 =	simm.s32 $0x0;
	s10 =	simm.s32 $0x0;
	s22 =	simm.s32 $0x0  }
0x48: {  	[tilespmem:s23], [sflag:$0x2] =	stream.indirect.gather [hbm4b:s5+s20], $0x80, s24, s20, $0xb8;
	[tilespmem:$0x1FC00] =	vst v63  }
.LBB2_2:
0x49: {  	s11 =	sand.u32 $0x4, s10;
	p0 =	sgt.u32 s22, $0x1B  }
0x4a: {  	p1 =	sne.s32 @!p0 s11, $0x0  }
0x4b: {  	s12 =	sshrl.u32 s22, $0x1;
	p0 =	por p1, p0  }
0x4c: {  	s13 =	sadd.s32 @!p0 $0x2, s12  }
0x4d: {  	s14 =	smul.u32 @!p0 $0xAB, s13  }
0x4e: {  	_ =	swait.ge [sflag:s25], $0x2800;
	s24 =	sshll.u32 s22, $0x9  }
0x4f: {  	s24 =	sand.u32 $0xC00, s24;
	s11 =	sshll.u32 s11, $0x7;
	s14 =	sshrl.u32 @!p0 s14, $0x9  }
0x50: {  	[sflag:s25] =	ssyncset.done $0x0;
	s11 =	sor.u32 s11, s24;
	s14 =	sand.u32 @!p0 $0x7F, s14  }
0x51: {  	[sflag:s25] =	ssyncadd.s32 $0xFFFFD800;
	s11 =	sadd.s32 $0xC00, s11;
	s14 =	smul.u32 @!p0 $0x3, s14  }
0x52: {  	[spmem:s3] =	stream.indirect.scatter.add.f32 [tilespmem:s21], [sflag:$0x5], $0x80, s11, s20, $0xb8;
	[tilespmem:$0x1FC00] =	vst v63  }
0x53: {  	s11 =	ssub.s32 @!p0 s13, s14;
	s14 =	sshll.u32 @!p0 s13, $0x7  }
0x54: {  	s11 =	sand.u32 @!p0 $0xFF, s11;
	s14 =	sadd.s32 @!p0 s7, s14  }
0x55: {  	s17 =	simm.s32 @!p0 $0x0;
	s11 =	sshll.u32 @!p0 s11, $0xA;
	s24 =	sadd.s32 @!p0 s6, s14  }
0x56: {  	[tilespmem:s11], [sflag:$0x9] =	stream.linear.gather @!p0 [hbm4b:s24+s17], $0x400, $0x38;
	[tilespmem:$0x1FC00] =	vst v63  }
0x57: {  	s13 =	sshll.u32 @!p0 s13, $0xA;
	s11 =	simm.s32 @!p0 $0x9  }
0x58: {  	s13 =	sand.u32 @!p0 $0xC00, s13;
	_ =	swait.ge @!p0 [sflag:s11], $0x400  }
0x59: {  	s13 =	sadd.s32 @!p0 $0xC00, s13;
	[sflag:s11] =	ssyncset.done @!p0 $0x0  }
0x5a: {  	s14 =	sadd.s32 @!p0 s1, s14;
	s24 =	smul.u32 $0xAB, s12;
	[sflag:s11] =	ssyncadd.s32 @!p0 $0xFFFFFC00  }
0x5b: {  	[tilespmem:s13], [sflag:$0x9] =	stream.linear.gather @!p0 [hbm4b:s14+s17], $0x400, $0x38;
	[tilespmem:$0x1FC00] =	vst v63  }
0x5c: {  	s14 =	sshrl.u32 s24, $0x9;
	_ =	swait.ge @!p0 [sflag:s11], $0x400  }
0x5d: {  	s13 =	sand.u32 $0x7F, s14;
	[sflag:s11] =	ssyncset.done @!p0 $0x0  }
0x5e: {  	s13 =	smul.u32 $0x3, s13;
	[sflag:s11] =	ssyncadd.s32 @!p0 $0xFFFFFC00;
	p0 =	seq.s32 s10, $0x0  }
0x5f: {  	s11 =	simm.s32 @!p0 $0x7  }
0x60: {  	s12 =	ssub.s32 s12, s13;
	s13 =	sand.u32 $0x800, s8;
	_ =	swait.ge @!p0 [sflag:s11], $0x2800  }
0x61: {  	s12 =	sand.u32 $0xFF, s12;
	s17 =	sor.u32 $0x400, s13;
	[sflag:s11] =	ssyncset.done @!p0 $0x0  }
0x62: {  	s12 =	sshll.u32 s12, $0xA;
	s14 =	sshrl.u32 s17, $0x2;
	s17 =	sand.u32 $0x3000, s8  }
0x63: {  	[sflag:s11] =	ssyncadd.s32 @!p0 $0xFFFFD800;
	s24 =	sor.u32 s14, s12;
	s11 =	sshrl.u32 s17, $0x2  }
0x64: {  	[tilespmem:s26], [sflag:$0x3] =	stream.indirect.gather [hbm4b:s5+s20], $0x80, s24, s20, $0xb8;
	[tilespmem:$0x1FC00] =	vst v63  }
0x65: {  	s11 =	sadd.s32 $0xC00, s11;
	s24 =	sshrl.u32 s13, $0x2;
	_ =	swait.ge [sflag:s28], $0x2800  }
0x66: {  	s17 =	sor.u32 s24, s11;
	[sflag:s28] =	ssyncset.done $0x0  }
0x67: {  	s17 =	sor.u32 $0x80, s17;
	[sflag:s28] =	ssyncadd.s32 $0xFFFFD800  }
0x68: {  	[spmem:s3] =	stream.indirect.scatter.add.f32 [tilespmem:s23], [sflag:$0x6], $0x80, s17, s20, $0xb8;
	[tilespmem:$0x1FC00] =	vst v63  }
0x69: {  	s17 =	simm.s32 @!p0 $0x8  }
0x6a: {  	s13 =	sor.u32 $0x600, s13;
	_ =	swait.ge @!p0 [sflag:s17], $0x2800  }
0x6b: {  	s13 =	sshrl.u32 s13, $0x2;
	[sflag:s17] =	ssyncset.done @!p0 $0x0  }
0x6c: {  	s12 =	sadd.s32 s13, s12;
	[sflag:s17] =	ssyncadd.s32 @!p0 $0xFFFFD800;
	p0 =	seq.s32 s10, $0x7C  }
0x6d: {  	[tilespmem:s29], [sflag:$0x4] =	stream.indirect.gather [hbm4b:s5+s20], $0x80, s12, s20, $0xb8;
	[tilespmem:$0x1FC00] =	vst v63  }
.Ltmp2:
0x6e: {  	_ = 	snop;
	(pc) =	sbr.rel @p0 .LBB2_4-.Ltmp2, $4  }
0x6f: {  	_ =	swait.ge [sflag:s30], $0x2800  }
0x70: {  	[sflag:s30] =	ssyncset.done $0x0  }
0x71: {  	s24 =	sadd.s32 s14, s11;
	s11 =	sadd.s32 s13, s11;
	[sflag:s30] =	ssyncadd.s32 $0xFFFFD800  }
0x72: {  	[spmem:s3] =	stream.indirect.scatter.add.f32 [tilespmem:s26], [sflag:$0x7], $0x80, s24, s20, $0xb8;
	[tilespmem:$0x1FC00] =	vst v63  }
0x73: {  	s12 =	sadd.s32 $0x4, s10  }
0x74: {  	s13 =	sshrl.u32 s12, $0x3  }
0x75: {  	s14 =	smul.u32 $0xAB, s13;
	_ =	sdelay $0x1  }
0x76: {  	s14 =	sshrl.u32 s14, $0x9  }
0x77: {  	s14 =	sand.u32 $0x7F, s14  }
0x78: {  	s14 =	smul.u32 $0x3, s14  }
0x79: {  	_ =	swait.ge [sflag:s0], $0x2800;
	s24 =	sadd.s32 $0x5, s10  }
0x7a: {  	s10 =	sshrl.u32 s24, $0x3;
	s13 =	ssub.s32 s13, s14;
	s14 =	sadd.s32 $0x800, s8  }
0x7b: {  	s24 =	smul.u32 $0xAB, s10;
	s13 =	sand.u32 $0xFF, s13;
	s17 =	sand.u32 $0x800, s14  }
0x7c: {  	[sflag:s0] =	ssyncset.done $0x0;
	s13 =	sshll.u32 s13, $0xA;
	s17 =	sshrl.u32 s17, $0x2  }
0x7d: {  	[sflag:s0] =	ssyncadd.s32 $0xFFFFD800;
	s13 =	sor.u32 s17, s13;
	s17 =	sshrl.u32 s24, $0x9  }
0x7e: {  	[tilespmem:s21], [sflag:$0x1] =	stream.indirect.gather [hbm4b:s5+s20], $0x80, s13, s20, $0xb8;
	[tilespmem:$0x1FC00] =	vst v63  }
0x7f: {  	s13 =	sand.u32 $0x7F, s17  }
0x80: {  	_ =	swait.ge [sflag:s31], $0x2800;
	s13 =	smul.u32 $0x3, s13  }
0x81: {  	s24 =	sadd.s32 $0xA00, s8;
	[sflag:s31] =	ssyncset.done $0x0  }
0x82: {  	s8 =	sand.u32 $0xA00, s24;
	[sflag:s31] =	ssyncadd.s32 $0xFFFFD800;
	s10 =	ssub.s32 s10, s13  }
0x83: {  	[spmem:s3] =	stream.indirect.scatter.add.f32 [tilespmem:s29], [sflag:$0x8], $0x80, s11, s20, $0xb8;
	[tilespmem:$0x1FC00] =	vst v63  }
.Ltmp3:
0x84: {  	s10 =	sand.u32 $0xFF, s10;
	_ =	swait.ge [sflag:s2], $0x2800;
	(pc) =	sbr.rel .LBB2_2-.Ltmp3, $4  }
0x85: {  	s8 =	sshrl.u32 s8, $0x2;
	s10 =	sshll.u32 s10, $0xA;
	[sflag:s2] =	ssyncset.done $0x0  }
0x86: {  	s8 =	sor.u32 s8, s10;
	[sflag:s2] =	ssyncadd.s32 $0xFFFFD800  }
0x87: {  	[tilespmem:s23], [sflag:$0x2] =	stream.indirect.gather [hbm4b:s5+s20], $0x80, s8, s20, $0xb8;
	[tilespmem:$0x1FC00] =	vst v63  }
0x88: {  	s22 =	sadd.s32 $0x1, s22;
	s10 =	smov.u32 s12;
	s8 =	smov.u32 s14  }
.LBB2_5:
0x89: {  	_ =	sfence.sel $0x180000  }
0x8a: {  	[bflag:$0x0] =	sbarrier.arrive $0xFFFF  }
0x8b: {  	_ =	strace $0x9000004D  }
0x8c: {  	s0 =	stileid.u32;
	[bflag:$0x2] =	sbarrier.arrive $0xFFFF  }
0x8d: {  	p0 =	sne.s32 s0, $0x0;
	s0 =	rddreg [dreg:$0x3]  }
0x8e: {  	s0 =	sadd.s32 @!p0 $0x100000, s0  }
0x8f: {  	[sflag:s0] =	ssyncadd.tile.s32 @!p0 $0x1;
	_ =	shalt  }
.Lfunc_end2:
_tile_overlayer_lowered:
.L_overlay_start_2:
0x90: {  	(tag) =	ssettag $0x2  }
0x91: {  	s0 =	rddreg [dreg:$0x0];
	s2 =	stileid.u32  }
0x92: {  	s1 =	rddreg [dreg:$0x1];
	p0 =	sne.s32 s2, $0x0  }
0x93: {  	s3 =	rddreg [dreg:$0x2];
	[bflag:$0x3] =	sbarrier.arrive $0xFFFF;
	s2 =	simm.s32 @!p0 $0x1C09  }
0x94: {  	[timem:s3], [sflag:s2] =	dma.local @!p0 [hbm:s0], s1  }
0x95: {  	s0 =	simm.s32 @!p0 $0x9  }
0x96: {  	_ =	swait.ge @!p0 [sflag:s0], s1  }
0x97: {  	s1 =	ssub.s32 @!p0 $0x0, s1;
	[sflag:s0] =	ssyncset.done @!p0 $0x0  }
0x98: {  	[sflag:s0] =	ssyncadd.s32 @!p0 s1  }
0x99: {  	[bflag:$0x3] =	sbarrier.arrive $0xFFFF  }
0x9a: {  	_ =	shalt  }

// kernel: kernel.8.cloned.1.call-start
scs
__scs_entry_jumppad:
0x0: {  	(pc) =	sbr.rel $0x88, $3  }
0x1: {  	(tag) =	ssettag $0x0;
	lr =	simm.s32 $0x1  }
0x2: {  	[smem:$0x3F9D] =	sst lr;
	_ =	strace $0xD0000000  }
0x3: {  	_ = 	snop  }
0x4: {  	_ = 	snop  }
0x5: {  	_ = 	snop  }
0x6: {  	_ = 	snop  }
0x7: {  	_ = 	snop  }
__scs_overlays_trampoline_lowered:
0x8: {  	[smem:$0x3FAC] =	sst s0  }
0x9: {  	[smem:$0x3FAD] =	sst s1  }
0xa: {  	[smem:$0x3FAE] =	sst s2  }
0xb: {  	[smem:$0x3FAF] =	sst s3  }
0xc: {  	[smem:$0x3FB0] =	sst s4  }
0xd: {  	[smem:$0x3FB1] =	sst s5  }
0xe: {  	[smem:$0x3FB2] =	sst s6  }
0xf: {  	[smem:$0x3FB3] =	sst s7  }
0x10: {  	[smem:$0x3FB4] =	sst s8  }
0x11: {  	[smem:$0x3FB5] =	sst s9;
	s0 =	simm.s32 @!p0 $0x0  }
0x12: {  	s1 =	sld [smem:$0x3F9B];
	s0 =	simm.s32 @p0 $0x1  }
0x13: {  	[smem:$0x3FB6] =	sst s0;
	s0 =	simm.s32 @!p1 $0x0  }
0x14: {  	s2 =	sld [smem:$0x3F9A];
	s0 =	simm.s32 @p1 $0x1  }
0x15: {  	[smem:$0x3FB7] =	sst s0;
	s0 =	simm.s32 @!p2 $0x0  }
0x16: {  	s3 =	sld [smem:$0x3FDB];
	s0 =	simm.s32 @p2 $0x1  }
0x17: {  	s4 =	simm.s32 $0x1BF5;
	[smem:$0x3FB9] =	sst s0  }
0x18: {  	s0 =	sld [smem:$0x3F9C];
	_ =	swait.ge [sflag:s4], $0x0  }
0x19: {  	s7 =	sld [smem:$0x3F9D]  }
0x1a: {  	s8 =	sadd.s32 $0xFFFFE003, lr  }
0x1b: {  	s9 =	sadd.s32 $0xFFFFFEF7, lr;
	s5 =	simm.s32 $0xFFFFFFFF;
	p2 =	slt.u32 s8, $0xFFFFF086  }
0x1c: {  	p1 =	slt.u32 s9, $0xF7A;
	s5 =	simm.s32 @!p2 $0x0  }
0x1d: {  	s5 =	simm.s32 @p1 $0x1;
	p0 =	seq.s32 s7, s2  }
0x1e: {  	s7 =	smul.u32 @!p0 $0xF7A, s2;
	p2 =	seq.s32 @!p0 s5, $0x0  }
0x1f: {  	s9 =	smul.u32 $0xF7A, s1;
	s8 =	simm.s32 @!p0 $0x1BF5;
	p2 =	por !p2, p0  }
0x20: {  	[sflag:s8] =	ssyncset.s32 @!p0 $0xFFFFF086;
	s6 =	sadd.s32 @!p0 s3, s7;
	s7 =	simm.s32 @!p0 $0x108  }
0x21: {  	s3 =	sadd.s32 s3, s9;
	s6 =	sadd.s32 @!p0 $0x88, s6;
	s7 =	simm.s32 @p2 $0x1082  }
0x22: {  	[simem:s7], [sflag:s8] =	dma.local @!p0 [hbm:s6], $0xF7A  }
0x23: {  	s9 =	sor.u32 $0xD0000000, s2;
	s6 =	simm.s32 $0x108;
	_ =	swait.ge @!p0 [sflag:s8], $0x0  }
0x24: {  	s3 =	sadd.s32 $0x88, s3;
	s6 =	simm.s32 @!p1 $0x1082;
	[sflag:s4] =	ssyncset.s32 $0xFFFFF086  }
0x25: {  	[simem:s6], [sflag:s4] =	dma.local [hbm:s3], $0xF7A  }
0x26: {  	[smem:$0x3F9D] =	sst s1;
	(tag) =	ssettag s2;
	_ =	strace s9  }
0x27: {  	s1 =	sld [smem:$0x3FAD]  }
0x28: {  	s2 =	sld [smem:$0x3FAE]  }
0x29: {  	s4 =	sld [smem:$0x3FB0]  }
0x2a: {  	p0 =	seq.s32 s5, $0x0;
	s5 =	sld [smem:$0x3FB1]  }
0x2b: {  	s6 =	sld [smem:$0x3FB2]  }
0x2c: {  	s7 =	sld [smem:$0x3FB3]  }
0x2d: {  	s3 =	simm.s32 $0x108;
	s8 =	sld [smem:$0x3FB4]  }
0x2e: {  	s3 =	simm.s32 @!p0 $0x1082;
	s9 =	sld [smem:$0x3FB5]  }
0x2f: {  	lr =	sadd.s32 s0, s3;
	s0 =	sld [smem:$0x3FAC]  }
0x30: {  	s3 =	sld [smem:$0x3FAF]  }
0x31: {  	[smem:$0x3FB8] =	sst s10  }
0x32: {  	s10 =	sld [smem:$0x3FB6];
	_ =	sdelay $0x3  }
0x33: {  	p0 =	seq.s32 s10, $0x1;
	s10 =	sld [smem:$0x3FB8];
	_ =	sdelay $0x3  }
0x34: {  	[smem:$0x3FB8] =	sst s10  }
0x35: {  	s10 =	sld [smem:$0x3FB7];
	_ =	sdelay $0x3  }
0x36: {  	p1 =	seq.s32 s10, $0x1;
	s10 =	sld [smem:$0x3FB8];
	_ =	sdelay $0x3  }
0x37: {  	[smem:$0x3FB8] =	sst s10  }
0x38: {  	s10 =	sld [smem:$0x3FB9]  }
0x39: {  	_ = 	snop;
	(pc) =	sbr.ind lr, $3  }
0x3a: {  	_ = 	snop  }
0x3b: {  	_ = 	snop  }
0x3c: {  	p2 =	seq.s32 s10, $0x1;
	s10 =	sld [smem:$0x3FB8]  }
0x3d: {  	_ =	shalt  }
0x3e: {  	_ =	shalt  }
0x3f: {  	_ =	shalt  }
0x40: {  	_ =	shalt  }
0x41: {  	_ =	shalt  }
0x42: {  	_ =	shalt  }
0x43: {  	_ =	shalt  }
0x44: {  	_ =	shalt  }
0x45: {  	_ =	shalt  }
0x46: {  	_ =	shalt  }
0x47: {  	_ =	shalt  }
0x48: {  	_ =	shalt  }
0x49: {  	_ =	shalt  }
0x4a: {  	_ =	shalt  }
0x4b: {  	_ =	shalt  }
0x4c: {  	_ =	shalt  }
0x4d: {  	_ =	shalt  }
0x4e: {  	_ =	shalt  }
0x4f: {  	_ =	shalt  }
0x50: {  	_ =	shalt  }
0x51: {  	_ =	shalt  }
0x52: {  	_ =	shalt  }
0x53: {  	_ =	shalt  }
0x54: {  	_ =	shalt  }
0x55: {  	_ =	shalt  }
0x56: {  	_ =	shalt  }
0x57: {  	_ =	shalt  }
0x58: {  	_ =	shalt  }
0x59: {  	_ =	shalt  }
0x5a: {  	_ =	shalt  }
0x5b: {  	_ =	shalt  }
0x5c: {  	_ =	shalt  }
0x5d: {  	_ =	shalt  }
0x5e: {  	_ =	shalt  }
0x5f: {  	_ =	shalt  }
0x60: {  	_ =	shalt  }
0x61: {  	_ =	shalt  }
0x62: {  	_ =	shalt  }
0x63: {  	_ =	shalt  }
0x64: {  	_ =	shalt  }
0x65: {  	_ =	shalt  }
0x66: {  	_ =	shalt  }
0x67: {  	_ =	shalt  }
0x68: {  	_ =	shalt  }
0x69: {  	_ =	shalt  }
0x6a: {  	_ =	shalt  }
0x6b: {  	_ =	shalt  }
0x6c: {  	_ =	shalt  }
0x6d: {  	_ =	shalt  }
0x6e: {  	_ =	shalt  }
0x6f: {  	_ =	shalt  }
0x70: {  	_ =	shalt  }
0x71: {  	_ =	shalt  }
0x72: {  	_ =	shalt  }
0x73: {  	_ =	shalt  }
0x74: {  	_ =	shalt  }
0x75: {  	_ =	shalt  }
0x76: {  	_ =	shalt  }
0x77: {  	_ =	shalt  }
0x78: {  	_ =	shalt  }
0x79: {  	_ =	shalt  }
0x7a: {  	_ =	shalt  }
0x7b: {  	_ =	shalt  }
0x7c: {  	_ =	shalt  }
0x7d: {  	_ =	shalt  }
0x7e: {  	_ =	shalt  }
0x7f: {  	_ =	shalt  }
0x80: {  	_ =	shalt  }
0x81: {  	_ =	shalt  }
0x82: {  	_ =	shalt  }
0x83: {  	_ =	shalt  }
0x84: {  	_ =	shalt  }
0x85: {  	_ =	shalt  }
0x86: {  	_ =	shalt  }
0x87: {  	_ =	shalt  }
.Lfunc_end0:
.L_simem_size_0:
called_computation_lowered:
.L_overlay_start_0:
0x88: {  	s2 =	sld [smem:$0x3FD9]  }
0x89: {  	s3 =	sld [smem:$0x3FFE];
	_ =	sdelay $0x1  }
0x8a: {  	s1 =	srdreg.scid  }
0x8b: {  	s0 =	sand.u32 $0x1, s1  }
0x8c: {  	s17 =	sshll.u32 s0, $0xA;
	s2 =	sadd.s32 s3, s2  }
0x8d: {  	s2 =	sadd.s32 s2, s17  }
0x8e: {  	[smem:$0x3FC4] =	sst s2  }
0x8f: {  	_ = 	snop  }
0x90: {  	s2 =	sld [smem:$0x3FD0];
	(tm) =	ssettm $0x1  }
0x91: {  	s18 =	sld [smem:$0x3FFB];
	_ =	sdelay $0x3  }
0x92: {  	_ =	strace s18  }
0x93: {  	s3 =	sld [smem:$0x3FFC];
	_ =	sdelay $0x3  }
0x94: {  	_ =	strace s3  }
0x95: {  	s3 =	sld [smem:$0x3FFD];
	_ =	sdelay $0x3  }
0x96: {  	_ =	strace s3  }
0x97: {  	_ =	strace $0x8FFFFFFF  }
0x98: {  	s19 =	sld [smem:$0x3FDB];
	_ =	sdelay $0x1  }
0x99: {  	s4 =	simm.s32 $_scs_section_size  }
0x9a: {  	s5 =	simm.s32 $_size__tile_overlayer_lowered;
	s6 =	simm.s32 $_tile_overlayer_lowered  }
0x9b: {  	s22 =	simm.s32 $0x1BFF;
	s21 =	sshll.u32 s6, $0x1;
	s3 =	sadd.s32 s4, s19  }
0x9c: {  	s7 =	simm.s32 $0x0;
	s20 =	sshll.u32 s5, $0x1;
	s5 =	sadd.s32 s21, s3  }
0x9d: {  	[timem:s7], [sflag:s22] =	dma.local [hbm:s5], s20  }
0x9e: {  	_ =	swait.ge [sflag:s22], s20  }
0x9f: {  	s4 =	ssub.s32 $0x0, s20;
	[sflag:s22] =	ssyncset.done $0x0  }
0xa0: {  	[sflag:s22] =	ssyncadd.s32 s4;
	_ =	sdelay $0x1  }
0xa1: {  	s23 =	simm.s32 $0x1B8B  }
0xa2: {  	_ =	swait.ge [sflag:s23], $0x1  }
0xa3: {  	[sflag:s23] =	ssyncset.done $0x0  }
0xa4: {  	s25 =	simm.s32 $0x1B8E;
	s24 =	sld [smem:$0x3FFE];
	[sflag:s23] =	ssyncadd.s32 $0xFFFFFFFF  }
0xa5: {  	s26 =	simm.s32 $execute0_lowered;
	[smem:$0x3FD2] =	sst s25  }
0xa6: {  	s5 =	sshll.u32 s26, $0x1;
	_ =	strace $0x80000046;
	[dreg:$0x1] =	wrdreg $0xFFFFFFFF  }
0xa7: {  	s28 =	simm.s32 $_size_execute0_lowered;
	s3 =	sadd.s32 s3, s5;
	[dreg:$0x0] =	wrdreg $0x0  }
0xa8: {  	s5 =	sshll.u32 s28, $0x1;
	[dreg:$0x2] =	wrdreg s3  }
0xa9: {  	[dreg:$0x3] =	wrdreg s5  }
0xaa: {  	[dreg:$0x4] =	wrdreg $0xC0  }
0xab: {  	_ =	task [dreg:s7], $0x5FFFF  }
0xac: {  	[dreg:$0x1] =	wrdreg $0xFFFFFFFF  }
0xad: {  	[dreg:$0x0] =	wrdreg $0x60  }
0xae: {  	[dreg:$0x2] =	wrdreg s2  }
0xaf: {  	[dreg:$0x3] =	wrdreg s24  }
0xb0: {  	[dreg:$0x4] =	wrdreg $0x40800  }
0xb1: {  	[dreg:$0x5] =	wrdreg $0x9  }
0xb2: {  	_ =	task.clear_ibuf [dreg:s7], $0x6FFFF;
	_ =	strace $0x90000046  }
0xb3: {  	s29 =	simm.s32 $0x9;
	_ =	strace $0x80000048  }
0xb4: {  	_ =	swait.ge [sflag:s29], $0x1  }
0xb5: {  	[sflag:s29] =	ssyncadd.s32 $0xFFFFFFFF  }
0xb6: {  	_ =	strace $0x90000048  }
0xb7: {  	_ =	sfence  }
0xb8: {  	s30 =	sld [smem:$0x0];
	_ =	sdelay $0x2  }
0xb9: {  	s31 =	sshll.u32 s1, $0xD;
	s1 =	sshrl.u32 s1, $0x2  }
0xba: {  	s3 =	sand.u32 $0x4000, s31;
	s1 =	sadd.s32 s1, s30  }
0xbb: {  	s0 =	sor.u32 s3, s0;
	s1 =	sshll.u32 s1, $0x11  }
0xbc: {  	s0 =	sor.u32 s1, s0  }
0xbd: {  	s0 =	sadd.s32 $0x8F2B, s0  }
0xbe: {  	[sflag:s0] =	ssyncadd.remote.s32 $0x1  }
0xbf: {  	_ =	sfence.sel $0xFFFF  }
0xc0: {  	[dreg:$0x0] =	wrdreg $0xFFFFFFFF;
	(pc) =	sbr.abs _section_cstart, $3  }
0xc1: {  	[dreg:$0x1] =	wrdreg $0xFFFFFFFF  }
0xc2: {  	_ =	task.clear_ibuf [dreg:s7], $0x2FFFF;
	_ =	strace $0x9FFFFFFF  }
0xc3: {  	(tm) =	ssettm $0x7FFFFFFF  }
tec
execute0_lowered:
.L_overlay_start_1:
0x0: {  	(tag) =	ssettag $0x1  }
0x1: {  	s7 =	rddreg [dreg:$0x0]  }
0x2: {  	s5 =	rddreg [dreg:$0x1]  }
0x3: {  	s2 =	rddreg [dreg:$0x2]  }
0x4: {  	s0 =	stileid.u32;
	s1 =	rddreg [dreg:$0x3]  }
0x5: {  	s3 =	simm.s32 $0x0;
	s4 =	srdreg.scid;
	s15 =	simm.s32 $0x10  }
0x6: {  	s16 =	simm.s32 $0x0;
	s6 =	smul.u32 $0x280, s0;
	[smem:$0x7FF] =	sst s3  }
0x7: {  	s9 =	sand.u32 $0x1, s4;
	s4 =	sadd.s32 $0x1C00, s5;
	s30 =	sshll.u32 s0, $0x6  }
0x8: {  	s31 =	sshll.u32 s0, $0xB;
	s14 =	smul.u32 $0xA0, s0;
	_ =	strace $0x80000047  }
0x9: {  	s10 =	ssub.s32 $0x2, s9;
	s11 =	sshll.u32 s9, $0x4;
	s9 =	sshll.u32 s9, $0xF  }
0xa: {  	s7 =	sadd.s32 s7, s31;
	s8 =	sshrl.u32 s6, $0x3;
	s12 =	sshrl.u32 s10, $0x1  }
0xb: {  	s11 =	sadd.s32 s11, s5;
	s29 =	sadd.s32 s6, s2;
	s6 =	sor.u32 $0x1C01, s30  }
0xc: {  	s7 =	sadd.s32 s9, s7;
	s8 =	sadd.s32 s8, s5;
	s10 =	ssub.s32 s10, s12  }
0xd: {  	s13 =	sadd.s32 $0x2400, s11;
	s9 =	sshrl.u32 s29, $0x3;
	s11 =	simm.s32 $0x4000  }
0xe: {  	s12 =	simm.s32 $0x50;
	s5 =	sadd.s32 $0x1E00, s8;
	s8 =	smax.u32 s10, $0x1  }
0xf: {  	s10 =	simm.s32 $0x1;
	s13 =	sadd.s32 s14, s13;
	s14 =	simm.s32 $0x20  }
.LBB2_1:
0x10: {  	[spmem:s9], [sflag:s6] =	dma.local [hbm:s5], $0x50  }
0x11: {  	_ =	swait.ge [sflag:s10], $0x50  }
0x12: {  	[sflag:s10] =	ssyncset.done $0x0  }
0x13: {  	[sflag:s10] =	ssyncadd.s32 $0xFFFFFFB0  }
0x14: {  	[tilespmem:s11], [sflag:$0x1] =	stream.linear.gather [hbm4b:s4+s3], $0x80, $0x38;
	[tilespmem:$0x4300] =	vst v63  }
0x15: {  	_ =	swait.ge [sflag:s10], $0x80  }
0x16: {  	[sflag:s10] =	ssyncset.done $0x0  }
0x17: {  	[sflag:s10] =	ssyncadd.s32 $0xFFFFFF80  }
0x18: {  	[tilespmem:s3], [sflag:$0x1] =	stream.linear.gather [hbm4b:s7+s3], $0x4000, $0x38;
	[tilespmem:$0x4300] =	vst v63  }
0x19: {  	_ =	swait.ge [sflag:s10], $0x4000  }
0x1a: {  	[sflag:s10] =	ssyncset.done $0x0  }
0x1b: {  	[sflag:s10] =	ssyncadd.s32 $0xFFFFC000  }
0x1c: {  	s17 =	simm.s32 $0x0;
	[bflag:$0x0] =	sbarrier.arrive $0xFFFF  }
0x1d: {  	[spmem:s2] =	stream.indirect.scatter.add.f32 [tilespmem:s11], [sflag:$0x1], $0x1, s17, s12, $0xb8;
	[tilespmem:$0x4300] =	vst v63  }
0x1e: {  	_ =	swait.ge [sflag:s10], $0x50  }
0x1f: {  	s17 =	simm.s32 $0x200;
	[sflag:s10] =	ssyncset.done $0x0  }
.LBB2_2:
0x20: {  	s18 =	sshra.s32 s17, $0x2;
	[sflag:s10] =	ssyncadd.s32 $0xFFFFFFB0;
	p0 =	sne.s32 s17, $0xFE00  }
0x21: {  	[spmem:s2] =	stream.indirect.scatter.add.f32 [tilespmem:s11], [sflag:$0x1], $0x1, s18, s12, $0xb8;
	[tilespmem:$0x4300] =	vst v63  }
.Ltmp0:
0x22: {  	_ = 	snop;
	(pc) =	sbr.rel @p0 .LBB2_2-.Ltmp0, $4  }
0x23: {  	_ = 	snop  }
0x24: {  	s17 =	sadd.s32 $0x200, s17  }
0x25: {  	_ =	swait.ge [sflag:s10], $0x50  }
0x26: {  	[sflag:s10] =	ssyncset.done $0x0  }
0x27: {  	s16 =	sadd.s32 $0x1, s16  }
0x28: {  	[sflag:s10] =	ssyncadd.s32 $0xFFFFFFB0;
	p0 =	sne.s32 s16, s8  }
.Ltmp1:
0x29: {  	[bflag:$0x0] =	sbarrier.arrive $0xFFFF;
	(pc) =	sbr.rel @p0 .LBB2_1-.Ltmp1, $4  }
0x2a: {  	[hbm:s13@s14], [sflag:s6] =	dma.strided [spmem:s9@s15], $0x50, s10, $0x10   }
0x2b: {  	_ =	swait.ge [sflag:s10], $0x50  }
0x2c: {  	[sflag:s10] =	ssyncset.done $0x0  }
0x2d: {  	[sflag:s10] =	ssyncadd.s32 $0xFFFFFFB0  }
0x2e: {  	_ =	sfence.sel $0x180000  }
0x2f: {  	[bflag:$0x0] =	sbarrier.arrive $0xFFFF  }
0x30: {  	p0 =	sne.s32 s0, $0x0;
	_ =	strace $0x90000047  }
0x31: {  	s0 =	sadd.s32 @!p0 $0x100000, s1;
	[bflag:$0x2] =	sbarrier.arrive $0xFFFF  }
0x32: {  	[sflag:s0] =	ssyncadd.tile.s32 @!p0 $0x1;
	_ =	shalt  }
.Lfunc_end2:
_tile_overlayer_lowered:
.L_overlay_start_2:
0x33: {  	(tag) =	ssettag $0x2  }
0x34: {  	s0 =	rddreg [dreg:$0x0];
	s2 =	stileid.u32  }
0x35: {  	s1 =	rddreg [dreg:$0x1];
	p0 =	sne.s32 s2, $0x0  }
0x36: {  	s3 =	rddreg [dreg:$0x2];
	[bflag:$0x3] =	sbarrier.arrive $0xFFFF;
	s2 =	simm.s32 @!p0 $0x1C01  }
0x37: {  	[timem:s3], [sflag:s2] =	dma.local @!p0 [hbm:s0], s1  }
0x38: {  	s0 =	simm.s32 @!p0 $0x1  }
0x39: {  	_ =	swait.ge @!p0 [sflag:s0], s1  }
0x3a: {  	s1 =	ssub.s32 @!p0 $0x0, s1;
	[sflag:s0] =	ssyncset.done @!p0 $0x0  }
0x3b: {  	[sflag:s0] =	ssyncadd.s32 @!p0 s1  }
0x3c: {  	[bflag:$0x3] =	sbarrier.arrive $0xFFFF  }
0x3d: {  	_ =	shalt  }

</sc_bundles>
